<compile_context>
chip_gen: v7x
topology: tpu7x:2x2x1
jax: 0.10.2.dev20260603
libtpu: 0.0.44.dev20260713+nightly
codegen_flags: <defaults>
</compile_context>

<pallas_src>
import functools

import jax
import jax.numpy as jnp
from jax import lax
from jax.experimental import pallas as pl
from jax.experimental.pallas import tpu as pltpu
from jax.experimental.pallas import tpu_sc as plsc

C = 128
H = 8
DH = 16
N = 800
NWORK = 32
EB = 256
F32 = jnp.float32
BF16 = jnp.bfloat16


def _sel_dh_to_h():
    d = lax.broadcasted_iota(jnp.int32, (C, 16), 0)
    h = lax.broadcasted_iota(jnp.int32, (C, 16), 1)
    return jnp.where(d // DH == h, 1.0, 0.0).astype(F32)


def _sel_h_to_dh():
    h = lax.broadcasted_iota(jnp.int32, (16, C), 0)
    d = lax.broadcasted_iota(jnp.int32, (16, C), 1)
    return jnp.where((d // DH == h) & (h < H), 1.0, 0.0).astype(F32)


def _headmax_global(nodes, wq, wk):
    q = jnp.dot(nodes, wq[...], preferred_element_type=F32)
    k = jnp.dot(nodes, wk[...], preferred_element_type=F32)
    m16 = jnp.zeros((1, 16), F32)
    for h in range(H):
        qh = q[:, h * DH:(h + 1) * DH]
        kh = k[:, h * DH:(h + 1) * DH]
        at = lax.dot_general(kh, qh, (((1,), (1,)), ((), ())),
                             preferred_element_type=F32)
        mh = jnp.max(jnp.max(at, axis=1, keepdims=True), axis=0,
                     keepdims=True) * 0.25
        hh = lax.broadcasted_iota(jnp.int32, (1, 16), 1)
        oh = jnp.where(hh == h, 1.0, 0.0).astype(F32)
        m16 = m16 + mh * oh
    return m16


def _t1_body(n_rec, n_lig, wn, bn, wq, wk, we, be, w1e_s, b1_s, w1e_i, b1_i,
             nodes_o, m16_o, w1fs_o, b1fs_o, w1fi_o, b1fi_o):
    nr = jnp.dot(n_rec[...], wn[...], preferred_element_type=F32) + bn[...]
    nl = jnp.dot(n_lig[...], wn[...], preferred_element_type=F32) + bn[...]
    nodes = jnp.concatenate([nr, nl], axis=0)
    nodes_o[...] = nodes
    m16_o[...] = _headmax_global(nodes, wq, wk)
    w1fs_o[...] = jnp.dot(we[...], w1e_s[...], preferred_element_type=F32)
    b1fs_o[...] = jnp.dot(be[...], w1e_s[...], preferred_element_type=F32) + b1_s[...]
    w1fi_o[...] = jnp.dot(we[...], w1e_i[...], preferred_element_type=F32)
    b1fi_o[...] = jnp.dot(be[...], w1e_i[...], preferred_element_type=F32) + b1_i[...]


def _t1(n_rec, n_lig, p):
    args = (n_rec, n_lig, p['n_enc']['W'], p['n_enc']['b'][None, :],
            p['single']['Wq'], p['single']['Wk'],
            p['e_enc']['W'], p['e_enc']['b'][None, :],
            p['single']['edge']['W1'][:C], p['single']['edge']['b1'][None, :],
            p['inter']['edge']['W1'][:C], p['inter']['edge']['b1'][None, :])
    outs = [jax.ShapeDtypeStruct((N, C), F32), jax.ShapeDtypeStruct((1, 16), F32),
            jax.ShapeDtypeStruct((16, C), F32), jax.ShapeDtypeStruct((1, C), F32),
            jax.ShapeDtypeStruct((16, C), F32), jax.ShapeDtypeStruct((1, C), F32)]
    return pl.pallas_call(_t1_body, out_shape=outs)(*args)


def _nodeup_body(nodes, mw0, wna, wnb, bn1, wn2, bn2):
    mwp = mw0[...]
    aggu = mwp[:, :C]
    den16 = mwp[:, C:C + 16]
    r16 = _sel_h_to_dh()
    denr = jnp.dot(den16, r16, preferred_element_type=F32) + 1e-9
    agg = aggu / denr
    h1 = jnp.maximum(
        jnp.dot(nodes[...], wna[...], preferred_element_type=F32)
        + jnp.dot(agg, wnb[...], preferred_element_type=F32) + bn1[...], 0.0)
    return jnp.dot(h1, wn2[...], preferred_element_type=F32) + bn2[...]


def _node_mlp_args(nodes, mwp, pst):
    w1 = pst['node']['W1']
    return (nodes, mwp,
            w1[:C], w1[C:], pst['node']['b1'][None, :],
            pst['node']['W2'], pst['node']['b2'][None, :])


def _t2_body(nodes, mw0, wna, wnb, bn1, wn2, bn2,
             colsums, wg_n, wg_e, bg, wq, wk,
             ns_o, m16_o, gr_o, gl_o):
    ns = _nodeup_body(nodes, mw0, wna, wnb, bn1, wn2, bn2)
    ns_o[...] = ns
    m16_o[...] = _headmax_global(ns, wq, wk)
    nrm = jnp.mean(ns[0:400], axis=0, keepdims=True)
    nlm = jnp.mean(ns[400:800], axis=0, keepdims=True)
    erm = jnp.sum(colsums[0:200], axis=0) * (1.0 / 51200.0)
    elm = jnp.sum(colsums[200:400], axis=0) * (1.0 / 51200.0)
    gr_o[...] = (jnp.dot(nrm, wg_n[...], preferred_element_type=F32)
                 + jnp.dot(erm, wg_e[...], preferred_element_type=F32) + bg[...])
    gl_o[...] = (jnp.dot(nlm, wg_n[...], preferred_element_type=F32)
                 + jnp.dot(elm, wg_e[...], preferred_element_type=F32) + bg[...])


def _t2(nodes, mwp, colsums, p):
    pst = p['single']
    wg = pst['glob']['W']
    args = (*_node_mlp_args(nodes, mwp, pst), colsums,
            wg[:C], wg[C:], pst['glob']['b'][None, :],
            p['inter']['Wq'], p['inter']['Wk'])
    outs = [jax.ShapeDtypeStruct((N, C), F32), jax.ShapeDtypeStruct((1, 16), F32),
            jax.ShapeDtypeStruct((1, C), F32), jax.ShapeDtypeStruct((1, C), F32)]
    return pl.pallas_call(_t2_body, out_shape=outs)(*args)


def _t3_body(nodes, mw0, wna, wnb, bn1, wn2, bn2,
             colsums, wg_n, wg_e, bg, wq, wk,
             nodesd_o, m16_o, gi_o):
    ni = _nodeup_body(nodes, mw0, wna, wnb, bn1, wn2, bn2)
    nodesd = nodes[...] + ni
    nodesd_o[...] = nodesd
    m16_o[...] = _headmax_global(nodesd, wq, wk)
    nim = jnp.mean(ni, axis=0, keepdims=True)
    eim = jnp.sum(colsums[...], axis=0) * (1.0 / 51200.0)
    gi_o[...] = (jnp.dot(nim, wg_n[...], preferred_element_type=F32)
                 + jnp.dot(eim, wg_e[...], preferred_element_type=F32) + bg[...])


def _t3(nodes, mwp, colsums, p):
    pst = p['inter']
    wg = pst['glob']['W']
    args = (*_node_mlp_args(nodes, mwp, pst), colsums,
            wg[:C], wg[C:], pst['glob']['b'][None, :],
            p['dock']['Wq'], p['dock']['Wk'])
    outs = [jax.ShapeDtypeStruct((N, C), F32), jax.ShapeDtypeStruct((1, 16), F32),
            jax.ShapeDtypeStruct((1, C), F32)]
    return pl.pallas_call(_t3_body, out_shape=outs)(*args)


def _sigmoid(x):
    return 1.0 / (1.0 + jnp.exp(-x))


def _mlp_in(pm):
    return (pm['W1'], pm['b1'][None, :], pm['W2'], pm['b2'][None, :])


def _t4_body(nodes, mw0, mw1,
             wna, wnb, bn1, wn2, bn2, colsa, colsb, wg_n, wg_e, bg,
             rw1, rb1, rw2, rb2, tw1, tb1, tw2, tb2, cw1, cb1, cw2, cb2,
             wtr, btr, wro, bro, wco, bco, out_o):
    mwp = mw0[...] + mw1[...]
    aggu = mwp[:, :C]
    den16 = mwp[:, C:C + 16]
    r16 = _sel_h_to_dh()
    denr = jnp.dot(den16, r16, preferred_element_type=F32) + 1e-9
    agg = aggu / denr
    h1 = jnp.maximum(
        jnp.dot(nodes[...], wna[...], preferred_element_type=F32)
        + jnp.dot(agg, wnb[...], preferred_element_type=F32) + bn1[...], 0.0)
    nd = jnp.dot(h1, wn2[...], preferred_element_type=F32) + bn2[...]
    ndm = jnp.mean(nd, axis=0, keepdims=True)
    edm = ((jnp.sum(colsa[...], axis=0) + jnp.sum(colsb[...], axis=0))
           * (1.0 / 153600.0))
    gd = (jnp.dot(ndm, wg_n[...], preferred_element_type=F32)
          + jnp.dot(edm, wg_e[...], preferred_element_type=F32) + bg[...])

    def mlp(x, w1, b1, w2, b2):
        hh = jnp.maximum(jnp.dot(x, w1[...], preferred_element_type=F32) + b1[...], 0.0)
        return jnp.dot(hh, w2[...], preferred_element_type=F32) + b2[...]

    out_r = mlp(gd, rw1, rb1, rw2, rb2)
    out_t = mlp(gd + out_r, tw1, tb1, tw2, tb2)
    out_c = mlp(gd, cw1, cb1, cw2, cb2)
    t3 = _sigmoid(jnp.dot(out_t, wtr[...], preferred_element_type=F32) + btr[...]) * 2.0 - 1.0
    r3 = _sigmoid(jnp.dot(out_r, wro[...], preferred_element_type=F32) + bro[...]) * 0.2 - 0.1
    c1 = _sigmoid(jnp.dot(out_c, wco[...], preferred_element_type=F32) + bco[...])
    i = lax.broadcasted_iota(jnp.int32, (16, 16), 0)
    j = lax.broadcasted_iota(jnp.int32, (16, 16), 1)
    p_r = jnp.where((i == j) & (i < 3), 1.0, 0.0).astype(F32)
    p_t = jnp.where((j == i + 3) & (i < 3), 1.0, 0.0).astype(F32)
    p_c = jnp.where((i == 0) & (j == 6), 1.0, 0.0).astype(F32)
    out_o[...] = (jnp.dot(r3, p_r, preferred_element_type=F32)
                  + jnp.dot(t3, p_t, preferred_element_type=F32)
                  + jnp.dot(c1, p_c, preferred_element_type=F32))


def _pad16(w):
    return jnp.pad(w, ((0, 0), (0, 16 - w.shape[1])))


def _t4(nodes, mwps, colsa, colsb, p):
    pst = p['dock']
    w1 = pst['node']['W1']
    wg = pst['glob']['W']
    args = (nodes, mwps[0], mwps[1],
            w1[:C], w1[C:], pst['node']['b1'][None, :],
            pst['node']['W2'], pst['node']['b2'][None, :],
            colsa, colsb, wg[:C], wg[C:], pst['glob']['b'][None, :],
            *_mlp_in(p['out_r']), *_mlp_in(p['out_t']), *_mlp_in(p['out_c']),
            _pad16(p['traslator']['W']), _pad16(p['traslator']['b'][None, :]),
            _pad16(p['rotator']['W']), _pad16(p['rotator']['b'][None, :]),
            _pad16(p['confidence']['W']), _pad16(p['confidence']['b'][None, :]))
    out = pl.pallas_call(_t4_body, out_shape=[jax.ShapeDtypeStruct((1, 16), F32)])(*args)
    return out[0]


def _p4_body_mk(din, write_enew):
    def body(*refs):
        if write_enew:
            (eraw, gs, gr, rcol, m16, w1f, b1f, wsq, wrk, w2, b2,
             enew_o, agg_o, cols_o) = refs
        else:
            (eraw, gs, gr, rcol, m16, w1f, b1f, wsq, wrk, w2, b2,
             agg_o, cols_o) = refs
        x = jnp.dot(eraw[...], w1f[...], preferred_element_type=F32) + b1f[...]
        gsv = gs[...].astype(BF16)
        grv = gr[...].astype(BF16)
        ts = jnp.dot(gsv, wsq[...], preferred_element_type=F32)
        tr = jnp.dot(grv, wrk[...], preferred_element_type=F32)
        h1 = jnp.maximum(x + ts[:, :C] + tr[:, :C], 0.0)
        enew = jnp.dot(h1.astype(BF16), w2[...],
                       preferred_element_type=F32) + b2[...]
        l16 = jnp.dot(ts[:, C:] * tr[:, C:], _sel_dh_to_h(),
                      preferred_element_type=F32) * 0.25
        w16 = jnp.exp(l16 - m16[...])
        msgu = enew * jnp.dot(w16, _sel_h_to_dh(), preferred_element_type=F32)
        nn = lax.broadcasted_iota(jnp.int32, (EB, N), 1)
        onehot = jnp.where(rcol[...] == nn, 1.0, 0.0).astype(BF16)
        mw = jnp.concatenate([msgu, w16[:, :16]], axis=1).astype(BF16)
        contrib = lax.dot_general(onehot, mw, (((0,), (0,)), ((), ())),
                                  preferred_element_type=F32)

        @pl.when(pl.program_id(0) == 0)
        def _zero():
            agg_o[...] = jnp.zeros((N, 144), F32)

        agg_o[...] += contrib
        if write_enew:
            enew_o[...] = enew.astype(BF16)
        cols_o[...] = jnp.sum(enew, axis=0, keepdims=True)[None, :, :]
    return body


def _p4(eraw, gs, gr, rcol, m16, w1f, b1f, pst, write_enew):
    e = eraw.shape[0]
    din = eraw.shape[1]
    nb = e // EB
    w1 = pst['edge']['W1']
    wsq = jnp.concatenate([w1[C:2 * C], pst['Wq']], axis=1).astype(BF16)
    wrk = jnp.concatenate([w1[2 * C:], pst['Wk']], axis=1).astype(BF16)
    w2 = pst['edge']['W2'].astype(BF16)
    if din == C:
        eraw = eraw.astype(BF16)
        w1f = w1f.astype(BF16)
    full = lambda s: pl.BlockSpec(s, lambda i: tuple(0 for _ in s))
    in_specs = [pl.BlockSpec((EB, din), lambda i: (i, 0)),
                pl.BlockSpec((EB, C), lambda i: (i, 0)),
                pl.BlockSpec((EB, C), lambda i: (i, 0)),
                pl.BlockSpec((EB, 1), lambda i: (i, 0)),
                full((1, 16)),
                full((din, C)), full((1, C)), full((C, 256)), full((C, 256)),
                full((C, C)), full((1, C))]
    out_shapes = []
    out_specs = []
    if write_enew:
        out_shapes.append(jax.ShapeDtypeStruct((e, C), BF16))
        out_specs.append(pl.BlockSpec((EB, C), lambda i: (i, 0)))
    out_shapes += [jax.ShapeDtypeStruct((N, 144), F32),
                   jax.ShapeDtypeStruct((nb, 1, C), F32)]
    out_specs += [pl.BlockSpec((N, 144), lambda i: (0, 0)),
                  pl.BlockSpec((1, 1, C), lambda i: (i, 0, 0))]
    args = (eraw, gs, gr, rcol, m16, w1f, b1f, wsq, wrk,
            w2, pst['edge']['b2'][None, :])
    return pl.pallas_call(
        _p4_body_mk(din, write_enew), grid=(nb,),
        in_specs=in_specs, out_specs=out_specs, out_shape=out_shapes)(*args)


def _mesh():
    return plsc.VectorSubcoreMesh(core_axis_name="c", subcore_axis_name="s")


def _sc_gather(table, sidx, ridx):
    nch = sidx.shape[1]
    ch = sidx.shape[2]
    e = NWORK * nch * ch
    per = nch * ch
    dt = F32

    @functools.partial(
        pl.kernel, mesh=_mesh(),
        out_type=[jax.ShapeDtypeStruct((e, C), dt),
                  jax.ShapeDtypeStruct((e, C), dt)],
        scratch_types=[pltpu.VMEM((nch, ch), jnp.int32),
                       pltpu.VMEM((nch, ch), jnp.int32),
                       pltpu.VMEM((ch, C), dt),
                       pltpu.VMEM((ch, C), dt),
                       pltpu.VMEM((ch, C), dt),
                       pltpu.VMEM((ch, C), dt),
                       pltpu.SemaphoreType.DMA,
                       pltpu.SemaphoreType.DMA,
                       pltpu.SemaphoreType.DMA,
                       pltpu.SemaphoreType.DMA],
    )
    def k(table_h, sidx_h, ridx_h, gs_h, gr_h,
          sv, rv, bs0, br0, bs1, br1, ss0, sr0, ss1, sr1):
        wid = lax.axis_index("s") * 2 + lax.axis_index("c")
        base = wid * per
        pltpu.sync_copy(sidx_h.at[wid], sv)
        pltpu.sync_copy(ridx_h.at[wid], rv)

        def issue(kk, bs, br, sems, semr):
            pltpu.async_copy(table_h.at[sv.at[kk]], bs, sems)
            pltpu.async_copy(table_h.at[rv.at[kk]], br, semr)

        def drain(bs, br, sems, semr):
            pltpu.make_async_copy(table_h.at[pl.ds(0, ch)], bs, sems).wait()
            pltpu.make_async_copy(table_h.at[pl.ds(0, ch)], br, semr).wait()

        def flush(kk, bs, br):
            pltpu.sync_copy(bs, gs_h.at[pl.ds(base + kk * ch, ch)])
            pltpu.sync_copy(br, gr_h.at[pl.ds(base + kk * ch, ch)])

        issue(0, bs0, br0, ss0, sr0)

        def pair(i, carry):
            k0 = i * 2
            issue(k0 + 1, bs1, br1, ss1, sr1)
            drain(bs0, br0, ss0, sr0)
            flush(k0, bs0, br0)

            @pl.when(k0 + 2 < nch)
            def _next():
                issue(k0 + 2, bs0, br0, ss0, sr0)

            drain(bs1, br1, ss1, sr1)
            flush(k0 + 1, bs1, br1)
            return carry

        lax.fori_loop(0, nch // 2, pair, 0)

    return k(table, sidx, ridx)


def _tiles(idx, ch):
    return idx.astype(jnp.int32).reshape(NWORK, -1, ch)


def kernel(e_rec, s_rec, r_rec, n_rec, e_lig, s_lig, r_lig, n_lig,
           e_int, s_int, r_int, params):
    p = params

    s_s = jnp.concatenate([s_rec, s_lig + 400])
    r_s = jnp.concatenate([r_rec, r_lig + 400])
    sidx_s, ridx_s = _tiles(s_s, 64), _tiles(r_s, 64)
    sidx_i, ridx_i = _tiles(s_int, 32), _tiles(r_int, 32)
    rcol_s = r_s.astype(jnp.int32)[:, None]
    rcol_i = r_int.astype(jnp.int32)[:, None]

    nodes_s, m16_s, w1fs, b1fs, w1fi, b1fi = _t1(n_rec, n_lig, p)
    gs, gr = _sc_gather(nodes_s, sidx_s, ridx_s)
    eraw_s = jnp.concatenate([e_rec, e_lig], axis=0)
    enew_s, mwp, cols_s = _p4(eraw_s, gs, gr, rcol_s, m16_s, w1fs, b1fs,
                              p['single'], True)
    ns, m16_i, gr_g, gl_g = _t2(nodes_s, mwp, cols_s, p)

    gs, gr = _sc_gather(ns, sidx_i, ridx_i)
    enew_i, mwp, cols_i = _p4(e_int, gs, gr, rcol_i, m16_i, w1fi, b1fi,
                              p['inter'], True)
    nodes_d, m16_d, gi_g = _t3(ns, mwp, cols_i, p)

    w1d = p['dock']['edge']['W1'][:C]
    b1d = p['dock']['edge']['b1'][None, :]
    gsa, gra = _sc_gather(nodes_d, sidx_s, ridx_s)
    gsb, grb = _sc_gather(nodes_d, sidx_i, ridx_i)
    mwp_a, cols_a = _p4(enew_s, gsa, gra, rcol_s, m16_d, w1d, b1d,
                        p['dock'], False)
    mwp_b, cols_b = _p4(enew_i, gsb, grb, rcol_i, m16_d, w1d, b1d,
                        p['dock'], False)

    out16 = _t4(nodes_d, (mwp_a, mwp_b), cols_a, cols_b, p)
    return out16[0, :7]

# --- scband reference (transcript-rebuilt; emitter-appended) ---
"""Pipeline reference for scband-actor-50989851738472 (READ-ONLY COPY).

The authoritative reference and input builder live on the scoring server;
editing this copy changes nothing except your own understanding.
"""

import jax, jax.numpy as jnp
import numpy as np

C = 128
H = 8
D_NODE = 64
D_EDGE = 16


def _lin(x, p):
    return x @ p['W'] + p['b']


def _mlp(x, p):
    return jax.nn.relu(x @ p['W1'] + p['b1']) @ p['W2'] + p['b2']


def _stack(nodes, edges, senders, receivers, p):
    N = nodes.shape[0]
    E = edges.shape[0]
    dh = C // H
    e_in = jnp.concatenate([edges, nodes[senders], nodes[receivers]], axis=-1)
    e_new = _mlp(e_in, p['edge'])
    q = (nodes @ p['Wq'])[senders].reshape(E, H, dh)
    k = (nodes @ p['Wk'])[receivers].reshape(E, H, dh)
    logits = jnp.sum(q * k, axis=-1) / jnp.sqrt(float(dh))
    m = jax.ops.segment_max(logits, receivers, num_segments=N)
    w = jnp.exp(logits - m[receivers])
    denom = jax.ops.segment_sum(w, receivers, num_segments=N)
    alpha = w / (denom[receivers] + 1e-9)
    msg = (e_new.reshape(E, H, dh) * alpha[:, :, None]).reshape(E, C)
    agg = jax.ops.segment_sum(msg, receivers, num_segments=N)
    n_new = _mlp(jnp.concatenate([nodes, agg], axis=-1), p['node'])
    g_new = _lin(jnp.concatenate([n_new.mean(0), e_new.mean(0)], axis=-1), p['glob'])
    return n_new, e_new, g_new


def setup_inputs(seed: int = 0):
    key = jax.random.key(seed)
    ks = jax.random.split(key, 32)
    Nr, Nl, Er, El, Ei = 400, 400, 51200, 51200, 51200

    def glorot(k, shape):
        fan = shape[0] + shape[-1]
        return jax.random.normal(k, shape, jnp.float32) * jnp.sqrt(2.0 / fan)

    def mk_mlp(k, din):
        k1, k2 = jax.random.split(k)
        return {'W1': glorot(k1, (din, C)), 'b1': jnp.zeros(C), 'W2': glorot(k2, (C, C)), 'b2': jnp.zeros(C)}

    def mk_stack(k):
        k1, k2, k3, k4, k5 = jax.random.split(k, 5)
        return {'edge': mk_mlp(k1, 3 * C), 'node': mk_mlp(k2, 2 * C), 'Wq': glorot(k3, (C, C)), 'Wk': glorot(k4, (C, C)), 'glob': {'W': glorot(k5, (2 * C, C)), 'b': jnp.zeros(C)}}

    params = {
        'n_enc': {'W': glorot(ks[0], (D_NODE, C)), 'b': jnp.zeros(C)},
        'e_enc': {'W': glorot(ks[1], (D_EDGE, C)), 'b': jnp.zeros(C)},
        'single': mk_stack(ks[2]),
        'inter': mk_stack(ks[3]),
        'dock': mk_stack(ks[4]),
        'out_r': mk_mlp(ks[5], C),
        'out_t': mk_mlp(ks[6], C),
        'out_c': mk_mlp(ks[7], C),
        'traslator': {'W': glorot(ks[8], (C, 3)), 'b': jnp.zeros(3)},
        'rotator': {'W': glorot(ks[9], (C, 3)), 'b': jnp.zeros(3)},
        'confidence': {'W': glorot(ks[10], (C, 1)), 'b': jnp.zeros(1)},
    }
    inp = {
        'e_rec': jax.random.normal(ks[11], (Er, D_EDGE), jnp.float32),
        's_rec': jax.random.randint(ks[12], (Er,), 0, Nr),
        'r_rec': jax.random.randint(ks[13], (Er,), 0, Nr),
        'n_rec': jax.random.normal(ks[14], (Nr, D_NODE), jnp.float32),
        'e_lig': jax.random.normal(ks[15], (El, D_EDGE), jnp.float32),
        's_lig': jax.random.randint(ks[16], (El,), 0, Nl),
        'r_lig': jax.random.randint(ks[17], (El,), 0, Nl),
        'n_lig': jax.random.normal(ks[18], (Nl, D_NODE), jnp.float32),
        'e_int': jax.random.normal(ks[19], (Ei, D_EDGE), jnp.float32),
        's_int': jax.random.randint(ks[20], (Ei,), 0, Nr + Nl),
        'r_int': jax.random.randint(ks[21], (Ei,), 0, Nr + Nl),
        'params': params,
    }
    return inp


def reference(e_rec, s_rec, r_rec, n_rec, e_lig, s_lig, r_lig, n_lig, e_int, s_int, r_int, params):
    nr = _lin(n_rec, params['n_enc'])
    er = _lin(e_rec, params['e_enc'])
    nl = _lin(n_lig, params['n_enc'])
    el = _lin(e_lig, params['e_enc'])
    nr, er, gr = _stack(nr, er, s_rec, r_rec, params['single'])
    nl, el, gl = _stack(nl, el, s_lig, r_lig, params['single'])
    ni = jnp.concatenate([nr, nl], axis=0)
    ei = _lin(e_int, params['e_enc'])
    ni, ei, gi = _stack(ni, ei, s_int, r_int, params['inter'])
    all_nodes = jnp.concatenate([nr, nl], axis=0)
    all_edges = jnp.concatenate([er, el, ei], axis=0)
    all_s = jnp.concatenate([s_rec, s_lig + 400, s_int], axis=0)
    all_r = jnp.concatenate([r_rec, r_lig + 400, r_int], axis=0)
    nd, ed, gd = _stack(all_nodes + ni, all_edges, all_s, all_r, params['dock'])
    out_r = _mlp(gd, params['out_r'])
    out_t = _mlp(gd + out_r, params['out_t'])
    out_t = jax.nn.sigmoid(_lin(out_t, params['traslator'])) * 2 - 1
    out_r = jax.nn.sigmoid(_lin(out_r, params['rotator'])) * 0.2 - 0.1
    out_c = _mlp(gd, params['out_c'])
    out_c = jax.nn.sigmoid(_lin(out_c, params['confidence']))
    return jnp.squeeze(jnp.concatenate([out_r, out_t, out_c], axis=-1))

if __name__ == "__main__":
    import jax
    _d = setup_inputs()
    print(jax.jit(kernel)(*tuple(_d.values())))

</pallas_src>

<mosaic_0001>
#map = affine_map<(d0, d1) -> (0, 0)>
#map1 = affine_map<(d0, d1) -> (0, 0, 0)>
module attributes {stable_mosaic.version = 14 : i64} {
  func.func @k(%arg0: i32, %arg1: i32, %arg2: memref<800x128xf32, #tpu.memory_space<hbm>>, %arg3: memref<32x50x64xi32, #tpu.memory_space<hbm>>, %arg4: memref<32x50x64xi32, #tpu.memory_space<hbm>>, %arg5: memref<102400x128xf32, #tpu.memory_space<hbm>>, %arg6: memref<102400x128xf32, #tpu.memory_space<hbm>>, %arg7: memref<50x64xi32, #tpu.memory_space<vmem>>, %arg8: memref<50x64xi32, #tpu.memory_space<vmem>>, %arg9: memref<64x128xf32, #tpu.memory_space<vmem>>, %arg10: memref<64x128xf32, #tpu.memory_space<vmem>>, %arg11: memref<64x128xf32, #tpu.memory_space<vmem>>, %arg12: memref<64x128xf32, #tpu.memory_space<vmem>>, %arg13: memref<!tpu.dma_semaphore, #tpu.memory_space<semaphore_mem>>, %arg14: memref<!tpu.dma_semaphore, #tpu.memory_space<semaphore_mem>>, %arg15: memref<!tpu.dma_semaphore, #tpu.memory_space<semaphore_mem>>, %arg16: memref<!tpu.dma_semaphore, #tpu.memory_space<semaphore_mem>>) attributes {dimension_semantics = [#tpu.dimension_semantics<core_parallel>, #tpu.dimension_semantics<subcore_parallel>], iteration_bounds = array<i64: 2, 16>, scalar_prefetch = 0 : i64, scratch_operands = 10 : i64, tpu.core_type = #tpu.core_type<sc_vector_subcore>, window_params = [{transform_indices = #map}, {transform_indices = #map1}, {transform_indices = #map1}, {transform_indices = #map}, {transform_indices = #map}]} {
    %mul3A = arith.constant 2 : i32
    %mul3A_0 = arith.muli %arg1, %mul3A : i32
    %add3A = arith.addi %mul3A_0, %arg0 : i32
    %mul3A_1 = arith.constant 3200 : i32
    %mul3A_2 = arith.muli %add3A, %mul3A_1 : i32
    "tpu.region"() ({
      %run_scoped3A = tpu.sem_alloc : memref<!tpu.dma_semaphore, #tpu.memory_space<semaphore_mem>>
      %dma_start3A_21 = arith.constant 0 : i32
      %dma_start3A_22 = arith.constant 0 : i32
      %dma_start3A_23 = tpu.memref_slice %arg3[%add3A, %dma_start3A_21, %dma_start3A_22] : memref<32x50x64xi32, #tpu.memory_space<hbm>> -> memref<1x50x64xi32, #tpu.memory_space<hbm>>
      %dma_start3A_24 = tpu.memref_squeeze %dma_start3A_23 : memref<1x50x64xi32, #tpu.memory_space<hbm>> -> memref<50x64xi32, #tpu.memory_space<hbm>>
      %dma_start3A_25 = arith.constant 0 : i32
      %dma_start3A_26 = arith.constant 0 : i32
      %dma_start3A_27 = tpu.memref_slice %arg3[%add3A, %dma_start3A_25, %dma_start3A_26] : memref<32x50x64xi32, #tpu.memory_space<hbm>> -> memref<1x50x64xi32, #tpu.memory_space<hbm>>
      %dma_start3A_28 = tpu.memref_squeeze %dma_start3A_27 : memref<1x50x64xi32, #tpu.memory_space<hbm>> -> memref<50x64xi32, #tpu.memory_space<hbm>>
      tpu.enqueue_dma source(%dma_start3A_28 : memref<50x64xi32, #tpu.memory_space<hbm>>) target(%arg7 : memref<50x64xi32, #tpu.memory_space<vmem>>) target_semaphore(%run_scoped3A : memref<!tpu.dma_semaphore, #tpu.memory_space<semaphore_mem>>)
      %dma_wait3A = arith.constant 0 : i32
      %dma_wait3A_29 = arith.constant 0 : i32
      %dma_wait3A_30 = tpu.memref_slice %arg3[%add3A, %dma_wait3A, %dma_wait3A_29] : memref<32x50x64xi32, #tpu.memory_space<hbm>> -> memref<1x50x64xi32, #tpu.memory_space<hbm>>
      %dma_wait3A_31 = tpu.memref_squeeze %dma_wait3A_30 : memref<1x50x64xi32, #tpu.memory_space<hbm>> -> memref<50x64xi32, #tpu.memory_space<hbm>>
      %dma_wait3A_32 = arith.constant 0 : i32
      %dma_wait3A_33 = arith.constant 0 : i32
      %dma_wait3A_34 = tpu.memref_slice %arg3[%add3A, %dma_wait3A_32, %dma_wait3A_33] : memref<32x50x64xi32, #tpu.memory_space<hbm>> -> memref<1x50x64xi32, #tpu.memory_space<hbm>>
      %dma_wait3A_35 = tpu.memref_squeeze %dma_wait3A_34 : memref<1x50x64xi32, #tpu.memory_space<hbm>> -> memref<50x64xi32, #tpu.memory_space<hbm>>
      tpu.wait_dma2 semaphore(%run_scoped3A : memref<!tpu.dma_semaphore, #tpu.memory_space<semaphore_mem>>) src(%dma_wait3A_35 : memref<50x64xi32, #tpu.memory_space<hbm>>) dst(%arg7 : memref<50x64xi32, #tpu.memory_space<vmem>>)
      tpu.yield
    }) : () -> ()
    "tpu.region"() ({
      %run_scoped3A = tpu.sem_alloc : memref<!tpu.dma_semaphore, #tpu.memory_space<semaphore_mem>>
      %dma_start3A_21 = arith.constant 0 : i32
      %dma_start3A_22 = arith.constant 0 : i32
      %dma_start3A_23 = tpu.memref_slice %arg4[%add3A, %dma_start3A_21, %dma_start3A_22] : memref<32x50x64xi32, #tpu.memory_space<hbm>> -> memref<1x50x64xi32, #tpu.memory_space<hbm>>
      %dma_start3A_24 = tpu.memref_squeeze %dma_start3A_23 : memref<1x50x64xi32, #tpu.memory_space<hbm>> -> memref<50x64xi32, #tpu.memory_space<hbm>>
      %dma_start3A_25 = arith.constant 0 : i32
      %dma_start3A_26 = arith.constant 0 : i32
      %dma_start3A_27 = tpu.memref_slice %arg4[%add3A, %dma_start3A_25, %dma_start3A_26] : memref<32x50x64xi32, #tpu.memory_space<hbm>> -> memref<1x50x64xi32, #tpu.memory_space<hbm>>
      %dma_start3A_28 = tpu.memref_squeeze %dma_start3A_27 : memref<1x50x64xi32, #tpu.memory_space<hbm>> -> memref<50x64xi32, #tpu.memory_space<hbm>>
      tpu.enqueue_dma source(%dma_start3A_28 : memref<50x64xi32, #tpu.memory_space<hbm>>) target(%arg8 : memref<50x64xi32, #tpu.memory_space<vmem>>) target_semaphore(%run_scoped3A : memref<!tpu.dma_semaphore, #tpu.memory_space<semaphore_mem>>)
      %dma_wait3A = arith.constant 0 : i32
      %dma_wait3A_29 = arith.constant 0 : i32
      %dma_wait3A_30 = tpu.memref_slice %arg4[%add3A, %dma_wait3A, %dma_wait3A_29] : memref<32x50x64xi32, #tpu.memory_space<hbm>> -> memref<1x50x64xi32, #tpu.memory_space<hbm>>
      %dma_wait3A_31 = tpu.memref_squeeze %dma_wait3A_30 : memref<1x50x64xi32, #tpu.memory_space<hbm>> -> memref<50x64xi32, #tpu.memory_space<hbm>>
      %dma_wait3A_32 = arith.constant 0 : i32
      %dma_wait3A_33 = arith.constant 0 : i32
      %dma_wait3A_34 = tpu.memref_slice %arg4[%add3A, %dma_wait3A_32, %dma_wait3A_33] : memref<32x50x64xi32, #tpu.memory_space<hbm>> -> memref<1x50x64xi32, #tpu.memory_space<hbm>>
      %dma_wait3A_35 = tpu.memref_squeeze %dma_wait3A_34 : memref<1x50x64xi32, #tpu.memory_space<hbm>> -> memref<50x64xi32, #tpu.memory_space<hbm>>
      tpu.wait_dma2 semaphore(%run_scoped3A : memref<!tpu.dma_semaphore, #tpu.memory_space<semaphore_mem>>) src(%dma_wait3A_35 : memref<50x64xi32, #tpu.memory_space<hbm>>) dst(%arg8 : memref<50x64xi32, #tpu.memory_space<vmem>>)
      tpu.yield
    }) : () -> ()
    %dma_start3A = arith.constant 0 : i32
    %dma_start3A_3 = arith.constant 0 : i32
    %dma_start3A_4 = tpu.memref_slice %arg7[%dma_start3A, %dma_start3A_3] : memref<50x64xi32, #tpu.memory_space<vmem>> -> memref<1x64xi32, #tpu.memory_space<vmem>>
    %dma_start3A_5 = tpu.memref_squeeze %dma_start3A_4 : memref<1x64xi32, #tpu.memory_space<vmem>> -> memref<64xi32, #tpu.memory_space<vmem>>
    %dma_start3A_6 = arith.constant 0 : i32
    %dma_start3A_7 = arith.constant 0 : i32
    %dma_start3A_8 = tpu.memref_slice %arg2[%dma_start3A_6, %dma_start3A_7] : memref<800x128xf32, #tpu.memory_space<hbm>> -> memref<800x128xf32, #tpu.memory_space<hbm>>
    tpu.enqueue_indirect_dma source(%dma_start3A_8 : memref<800x128xf32, #tpu.memory_space<hbm>>) target(%arg9 : memref<64x128xf32, #tpu.memory_space<vmem>>) offsets(%dma_start3A_5 : memref<64xi32, #tpu.memory_space<vmem>>) semaphore(%arg13 : memref<!tpu.dma_semaphore, #tpu.memory_space<semaphore_mem>>)
    %dma_start3A_9 = arith.constant 0 : i32
    %dma_start3A_10 = arith.constant 0 : i32
    %dma_start3A_11 = tpu.memref_slice %arg8[%dma_start3A_9, %dma_start3A_10] : memref<50x64xi32, #tpu.memory_space<vmem>> -> memref<1x64xi32, #tpu.memory_space<vmem>>
    %dma_start3A_12 = tpu.memref_squeeze %dma_start3A_11 : memref<1x64xi32, #tpu.memory_space<vmem>> -> memref<64xi32, #tpu.memory_space<vmem>>
    %dma_start3A_13 = arith.constant 0 : i32
    %dma_start3A_14 = arith.constant 0 : i32
    %dma_start3A_15 = tpu.memref_slice %arg2[%dma_start3A_13, %dma_start3A_14] : memref<800x128xf32, #tpu.memory_space<hbm>> -> memref<800x128xf32, #tpu.memory_space<hbm>>
    tpu.enqueue_indirect_dma source(%dma_start3A_15 : memref<800x128xf32, #tpu.memory_space<hbm>>) target(%arg10 : memref<64x128xf32, #tpu.memory_space<vmem>>) offsets(%dma_start3A_12 : memref<64xi32, #tpu.memory_space<vmem>>) semaphore(%arg14 : memref<!tpu.dma_semaphore, #tpu.memory_space<semaphore_mem>>)
    %scan3A = arith.constant 0 : i32
    %scan3A_16 = arith.constant 0 : i32
    %scan3A_17 = arith.constant 25 : i32
    %scan3A_18 = arith.addi %scan3A_16, %scan3A_17 : i32
    %scan3A_19 = arith.constant 1 : i32
    scf.for %scan3A_21 = %scan3A_16 to %scan3A_18 step %scan3A_19  : i32 {
      %mul3A_22 = arith.constant 2 : i32
      %mul3A_23 = arith.muli %scan3A_21, %mul3A_22 : i32
      %add3A_24 = arith.constant 1 : i32
      %add3A_25 = arith.addi %mul3A_23, %add3A_24 : i32
      %dma_start3A_26 = arith.constant 0 : i32
      %dma_start3A_27 = tpu.memref_slice %arg7[%add3A_25, %dma_start3A_26] : memref<50x64xi32, #tpu.memory_space<vmem>> -> memref<1x64xi32, #tpu.memory_space<vmem>>
      %dma_start3A_28 = tpu.memref_squeeze %dma_start3A_27 : memref<1x64xi32, #tpu.memory_space<vmem>> -> memref<64xi32, #tpu.memory_space<vmem>>
      %dma_start3A_29 = arith.constant 0 : i32
      %dma_start3A_30 = arith.constant 0 : i32
      %dma_start3A_31 = tpu.memref_slice %arg2[%dma_start3A_29, %dma_start3A_30] : memref<800x128xf32, #tpu.memory_space<hbm>> -> memref<800x128xf32, #tpu.memory_space<hbm>>
      tpu.enqueue_indirect_dma source(%dma_start3A_31 : memref<800x128xf32, #tpu.memory_space<hbm>>) target(%arg11 : memref<64x128xf32, #tpu.memory_space<vmem>>) offsets(%dma_start3A_28 : memref<64xi32, #tpu.memory_space<vmem>>) semaphore(%arg15 : memref<!tpu.dma_semaphore, #tpu.memory_space<semaphore_mem>>)
      %dma_start3A_32 = arith.constant 0 : i32
      %dma_start3A_33 = tpu.memref_slice %arg8[%add3A_25, %dma_start3A_32] : memref<50x64xi32, #tpu.memory_space<vmem>> -> memref<1x64xi32, #tpu.memory_space<vmem>>
      %dma_start3A_34 = tpu.memref_squeeze %dma_start3A_33 : memref<1x64xi32, #tpu.memory_space<vmem>> -> memref<64xi32, #tpu.memory_space<vmem>>
      %dma_start3A_35 = arith.constant 0 : i32
      %dma_start3A_36 = arith.constant 0 : i32
      %dma_start3A_37 = tpu.memref_slice %arg2[%dma_start3A_35, %dma_start3A_36] : memref<800x128xf32, #tpu.memory_space<hbm>> -> memref<800x128xf32, #tpu.memory_space<hbm>>
      tpu.enqueue_indirect_dma source(%dma_start3A_37 : memref<800x128xf32, #tpu.memory_space<hbm>>) target(%arg12 : memref<64x128xf32, #tpu.memory_space<vmem>>) offsets(%dma_start3A_34 : memref<64xi32, #tpu.memory_space<vmem>>) semaphore(%arg16 : memref<!tpu.dma_semaphore, #tpu.memory_space<semaphore_mem>>)
      %dma_wait3A = arith.constant 0 : i32
      %dma_wait3A_38 = arith.constant 0 : i32
      %dma_wait3A_39 = tpu.memref_slice %arg2[%dma_wait3A, %dma_wait3A_38] : memref<800x128xf32, #tpu.memory_space<hbm>> -> memref<64x128xf32, #tpu.memory_space<hbm>>
      %dma_wait3A_40 = arith.constant 0 : i32
      %dma_wait3A_41 = arith.constant 0 : i32
      %dma_wait3A_42 = tpu.memref_slice %arg2[%dma_wait3A_40, %dma_wait3A_41] : memref<800x128xf32, #tpu.memory_space<hbm>> -> memref<64x128xf32, #tpu.memory_space<hbm>>
      tpu.wait_dma2 semaphore(%arg13 : memref<!tpu.dma_semaphore, #tpu.memory_space<semaphore_mem>>) src(%dma_wait3A_42 : memref<64x128xf32, #tpu.memory_space<hbm>>) dst(%arg9 : memref<64x128xf32, #tpu.memory_space<vmem>>)
      %dma_wait3A_43 = arith.constant 0 : i32
      %dma_wait3A_44 = arith.constant 0 : i32
      %dma_wait3A_45 = tpu.memref_slice %arg2[%dma_wait3A_43, %dma_wait3A_44] : memref<800x128xf32, #tpu.memory_space<hbm>> -> memref<64x128xf32, #tpu.memory_space<hbm>>
      %dma_wait3A_46 = arith.constant 0 : i32
      %dma_wait3A_47 = arith.constant 0 : i32
      %dma_wait3A_48 = tpu.memref_slice %arg2[%dma_wait3A_46, %dma_wait3A_47] : memref<800x128xf32, #tpu.memory_space<hbm>> -> memref<64x128xf32, #tpu.memory_space<hbm>>
      tpu.wait_dma2 semaphore(%arg14 : memref<!tpu.dma_semaphore, #tpu.memory_space<semaphore_mem>>) src(%dma_wait3A_48 : memref<64x128xf32, #tpu.memory_space<hbm>>) dst(%arg10 : memref<64x128xf32, #tpu.memory_space<vmem>>)
      %mul3A_49 = arith.constant 64 : i32
      %mul3A_50 = arith.muli %mul3A_23, %mul3A_49 : i32
      %add3A_51 = arith.addi %mul3A_2, %mul3A_50 : i32
      "tpu.region"() ({
        %run_scoped3A = tpu.sem_alloc : memref<!tpu.dma_semaphore, #tpu.memory_space<semaphore_mem>>
        %dma_start3A_79 = arith.constant 0 : i32
        %dma_start3A_80 = tpu.memref_slice %arg5[%add3A_51, %dma_start3A_79] : memref<102400x128xf32, #tpu.memory_space<hbm>> -> memref<64x128xf32, #tpu.memory_space<hbm>>
        %dma_start3A_81 = arith.constant 0 : i32
        %dma_start3A_82 = tpu.memref_slice %arg5[%add3A_51, %dma_start3A_81] : memref<102400x128xf32, #tpu.memory_space<hbm>> -> memref<64x128xf32, #tpu.memory_space<hbm>>
        tpu.enqueue_dma source(%arg9 : memref<64x128xf32, #tpu.memory_space<vmem>>) target(%dma_start3A_82 : memref<64x128xf32, #tpu.memory_space<hbm>>) target_semaphore(%run_scoped3A : memref<!tpu.dma_semaphore, #tpu.memory_space<semaphore_mem>>)
        %dma_wait3A_83 = arith.constant 0 : i32
        %dma_wait3A_84 = tpu.memref_slice %arg5[%add3A_51, %dma_wait3A_83] : memref<102400x128xf32, #tpu.memory_space<hbm>> -> memref<64x128xf32, #tpu.memory_space<hbm>>
        %dma_wait3A_85 = arith.constant 0 : i32
        %dma_wait3A_86 = tpu.memref_slice %arg5[%add3A_51, %dma_wait3A_85] : memref<102400x128xf32, #tpu.memory_space<hbm>> -> memref<64x128xf32, #tpu.memory_space<hbm>>
        tpu.wait_dma2 semaphore(%run_scoped3A : memref<!tpu.dma_semaphore, #tpu.memory_space<semaphore_mem>>) src(%arg9 : memref<64x128xf32, #tpu.memory_space<vmem>>) dst(%dma_wait3A_86 : memref<64x128xf32, #tpu.memory_space<hbm>>)
        tpu.yield
      }) : () -> ()
      %mul3A_52 = arith.constant 64 : i32
      %mul3A_53 = arith.muli %mul3A_23, %mul3A_52 : i32
      %add3A_54 = arith.addi %mul3A_2, %mul3A_53 : i32
      "tpu.region"() ({
        %run_scoped3A = tpu.sem_alloc : memref<!tpu.dma_semaphore, #tpu.memory_space<semaphore_mem>>
        %dma_start3A_79 = arith.constant 0 : i32
        %dma_start3A_80 = tpu.memref_slice %arg6[%add3A_54, %dma_start3A_79] : memref<102400x128xf32, #tpu.memory_space<hbm>> -> memref<64x128xf32, #tpu.memory_space<hbm>>
        %dma_start3A_81 = arith.constant 0 : i32
        %dma_start3A_82 = tpu.memref_slice %arg6[%add3A_54, %dma_start3A_81] : memref<102400x128xf32, #tpu.memory_space<hbm>> -> memref<64x128xf32, #tpu.memory_space<hbm>>
        tpu.enqueue_dma source(%arg10 : memref<64x128xf32, #tpu.memory_space<vmem>>) target(%dma_start3A_82 : memref<64x128xf32, #tpu.memory_space<hbm>>) target_semaphore(%run_scoped3A : memref<!tpu.dma_semaphore, #tpu.memory_space<semaphore_mem>>)
        %dma_wait3A_83 = arith.constant 0 : i32
        %dma_wait3A_84 = tpu.memref_slice %arg6[%add3A_54, %dma_wait3A_83] : memref<102400x128xf32, #tpu.memory_space<hbm>> -> memref<64x128xf32, #tpu.memory_space<hbm>>
        %dma_wait3A_85 = arith.constant 0 : i32
        %dma_wait3A_86 = tpu.memref_slice %arg6[%add3A_54, %dma_wait3A_85] : memref<102400x128xf32, #tpu.memory_space<hbm>> -> memref<64x128xf32, #tpu.memory_space<hbm>>
        tpu.wait_dma2 semaphore(%run_scoped3A : memref<!tpu.dma_semaphore, #tpu.memory_space<semaphore_mem>>) src(%arg10 : memref<64x128xf32, #tpu.memory_space<vmem>>) dst(%dma_wait3A_86 : memref<64x128xf32, #tpu.memory_space<hbm>>)
        tpu.yield
      }) : () -> ()
      %add3A_55 = arith.constant 2 : i32
      %add3A_56 = arith.addi %mul3A_23, %add3A_55 : i32
      %lt3A = arith.constant 50 : i32
      %lt3A_57 = arith.cmpi slt, %add3A_56, %lt3A : i32
      %convert_element_type3A = arith.extui %lt3A_57 : i1 to i32
      %cond3A = arith.constant 0 : i32
      %cond3A_58 = arith.cmpi ne, %convert_element_type3A, %cond3A : i32
      scf.if %cond3A_58 {
        %add3A_79 = arith.constant 2 : i32
        %add3A_80 = arith.addi %mul3A_23, %add3A_79 : i32
        %dma_start3A_81 = arith.constant 0 : i32
        %dma_start3A_82 = tpu.memref_slice %arg7[%add3A_80, %dma_start3A_81] : memref<50x64xi32, #tpu.memory_space<vmem>> -> memref<1x64xi32, #tpu.memory_space<vmem>>
        %dma_start3A_83 = tpu.memref_squeeze %dma_start3A_82 : memref<1x64xi32, #tpu.memory_space<vmem>> -> memref<64xi32, #tpu.memory_space<vmem>>
        %dma_start3A_84 = arith.constant 0 : i32
        %dma_start3A_85 = arith.constant 0 : i32
        %dma_start3A_86 = tpu.memref_slice %arg2[%dma_start3A_84, %dma_start3A_85] : memref<800x128xf32, #tpu.memory_space<hbm>> -> memref<800x128xf32, #tpu.memory_space<hbm>>
        tpu.enqueue_indirect_dma source(%dma_start3A_86 : memref<800x128xf32, #tpu.memory_space<hbm>>) target(%arg9 : memref<64x128xf32, #tpu.memory_space<vmem>>) offsets(%dma_start3A_83 : memref<64xi32, #tpu.memory_space<vmem>>) semaphore(%arg13 : memref<!tpu.dma_semaphore, #tpu.memory_space<semaphore_mem>>)
        %dma_start3A_87 = arith.constant 0 : i32
        %dma_start3A_88 = tpu.memref_slice %arg8[%add3A_80, %dma_start3A_87] : memref<50x64xi32, #tpu.memory_space<vmem>> -> memref<1x64xi32, #tpu.memory_space<vmem>>
        %dma_start3A_89 = tpu.memref_squeeze %dma_start3A_88 : memref<1x64xi32, #tpu.memory_space<vmem>> -> memref<64xi32, #tpu.memory_space<vmem>>
        %dma_start3A_90 = arith.constant 0 : i32
        %dma_start3A_91 = arith.constant 0 : i32
        %dma_start3A_92 = tpu.memref_slice %arg2[%dma_start3A_90, %dma_start3A_91] : memref<800x128xf32, #tpu.memory_space<hbm>> -> memref<800x128xf32, #tpu.memory_space<hbm>>
        tpu.enqueue_indirect_dma source(%dma_start3A_92 : memref<800x128xf32, #tpu.memory_space<hbm>>) target(%arg10 : memref<64x128xf32, #tpu.memory_space<vmem>>) offsets(%dma_start3A_89 : memref<64xi32, #tpu.memory_space<vmem>>) semaphore(%arg14 : memref<!tpu.dma_semaphore, #tpu.memory_space<semaphore_mem>>)
      } else {
      }
      %dma_wait3A_59 = arith.constant 0 : i32
      %dma_wait3A_60 = arith.constant 0 : i32
      %dma_wait3A_61 = tpu.memref_slice %arg2[%dma_wait3A_59, %dma_wait3A_60] : memref<800x128xf32, #tpu.memory_space<hbm>> -> memref<64x128xf32, #tpu.memory_space<hbm>>
      %dma_wait3A_62 = arith.constant 0 : i32
      %dma_wait3A_63 = arith.constant 0 : i32
      %dma_wait3A_64 = tpu.memref_slice %arg2[%dma_wait3A_62, %dma_wait3A_63] : memref<800x128xf32, #tpu.memory_space<hbm>> -> memref<64x128xf32, #tpu.memory_space<hbm>>
      tpu.wait_dma2 semaphore(%arg15 : memref<!tpu.dma_semaphore, #tpu.memory_space<semaphore_mem>>) src(%dma_wait3A_64 : memref<64x128xf32, #tpu.memory_space<hbm>>) dst(%arg11 : memref<64x128xf32, #tpu.memory_space<vmem>>)
      %dma_wait3A_65 = arith.constant 0 : i32
      %dma_wait3A_66 = arith.constant 0 : i32
      %dma_wait3A_67 = tpu.memref_slice %arg2[%dma_wait3A_65, %dma_wait3A_66] : memref<800x128xf32, #tpu.memory_space<hbm>> -> memref<64x128xf32, #tpu.memory_space<hbm>>
      %dma_wait3A_68 = arith.constant 0 : i32
      %dma_wait3A_69 = arith.constant 0 : i32
      %dma_wait3A_70 = tpu.memref_slice %arg2[%dma_wait3A_68, %dma_wait3A_69] : memref<800x128xf32, #tpu.memory_space<hbm>> -> memref<64x128xf32, #tpu.memory_space<hbm>>
      tpu.wait_dma2 semaphore(%arg16 : memref<!tpu.dma_semaphore, #tpu.memory_space<semaphore_mem>>) src(%dma_wait3A_70 : memref<64x128xf32, #tpu.memory_space<hbm>>) dst(%arg12 : memref<64x128xf32, #tpu.memory_space<vmem>>)
      %add3A_71 = arith.constant 1 : i32
      %add3A_72 = arith.addi %mul3A_23, %add3A_71 : i32
      %mul3A_73 = arith.constant 64 : i32
      %mul3A_74 = arith.muli %add3A_72, %mul3A_73 : i32
      %add3A_75 = arith.addi %mul3A_2, %mul3A_74 : i32
      "tpu.region"() ({
        %run_scoped3A = tpu.sem_alloc : memref<!tpu.dma_semaphore, #tpu.memory_space<semaphore_mem>>
        %dma_start3A_79 = arith.constant 0 : i32
        %dma_start3A_80 = tpu.memref_slice %arg5[%add3A_75, %dma_start3A_79] : memref<102400x128xf32, #tpu.memory_space<hbm>> -> memref<64x128xf32, #tpu.memory_space<hbm>>
        %dma_start3A_81 = arith.constant 0 : i32
        %dma_start3A_82 = tpu.memref_slice %arg5[%add3A_75, %dma_start3A_81] : memref<102400x128xf32, #tpu.memory_space<hbm>> -> memref<64x128xf32, #tpu.memory_space<hbm>>
        tpu.enqueue_dma source(%arg11 : memref<64x128xf32, #tpu.memory_space<vmem>>) target(%dma_start3A_82 : memref<64x128xf32, #tpu.memory_space<hbm>>) target_semaphore(%run_scoped3A : memref<!tpu.dma_semaphore, #tpu.memory_space<semaphore_mem>>)
        %dma_wait3A_83 = arith.constant 0 : i32
        %dma_wait3A_84 = tpu.memref_slice %arg5[%add3A_75, %dma_wait3A_83] : memref<102400x128xf32, #tpu.memory_space<hbm>> -> memref<64x128xf32, #tpu.memory_space<hbm>>
        %dma_wait3A_85 = arith.constant 0 : i32
        %dma_wait3A_86 = tpu.memref_slice %arg5[%add3A_75, %dma_wait3A_85] : memref<102400x128xf32, #tpu.memory_space<hbm>> -> memref<64x128xf32, #tpu.memory_space<hbm>>
        tpu.wait_dma2 semaphore(%run_scoped3A : memref<!tpu.dma_semaphore, #tpu.memory_space<semaphore_mem>>) src(%arg11 : memref<64x128xf32, #tpu.memory_space<vmem>>) dst(%dma_wait3A_86 : memref<64x128xf32, #tpu.memory_space<hbm>>)
        tpu.yield
      }) : () -> ()
      %mul3A_76 = arith.constant 64 : i32
      %mul3A_77 = arith.muli %add3A_72, %mul3A_76 : i32
      %add3A_78 = arith.addi %mul3A_2, %mul3A_77 : i32
      "tpu.region"() ({
        %run_scoped3A = tpu.sem_alloc : memref<!tpu.dma_semaphore, #tpu.memory_space<semaphore_mem>>
        %dma_start3A_79 = arith.constant 0 : i32
        %dma_start3A_80 = tpu.memref_slice %arg6[%add3A_78, %dma_start3A_79] : memref<102400x128xf32, #tpu.memory_space<hbm>> -> memref<64x128xf32, #tpu.memory_space<hbm>>
        %dma_start3A_81 = arith.constant 0 : i32
        %dma_start3A_82 = tpu.memref_slice %arg6[%add3A_78, %dma_start3A_81] : memref<102400x128xf32, #tpu.memory_space<hbm>> -> memref<64x128xf32, #tpu.memory_space<hbm>>
        tpu.enqueue_dma source(%arg12 : memref<64x128xf32, #tpu.memory_space<vmem>>) target(%dma_start3A_82 : memref<64x128xf32, #tpu.memory_space<hbm>>) target_semaphore(%run_scoped3A : memref<!tpu.dma_semaphore, #tpu.memory_space<semaphore_mem>>)
        %dma_wait3A_83 = arith.constant 0 : i32
        %dma_wait3A_84 = tpu.memref_slice %arg6[%add3A_78, %dma_wait3A_83] : memref<102400x128xf32, #tpu.memory_space<hbm>> -> memref<64x128xf32, #tpu.memory_space<hbm>>
        %dma_wait3A_85 = arith.constant 0 : i32
        %dma_wait3A_86 = tpu.memref_slice %arg6[%add3A_78, %dma_wait3A_85] : memref<102400x128xf32, #tpu.memory_space<hbm>> -> memref<64x128xf32, #tpu.memory_space<hbm>>
        tpu.wait_dma2 semaphore(%run_scoped3A : memref<!tpu.dma_semaphore, #tpu.memory_space<semaphore_mem>>) src(%arg12 : memref<64x128xf32, #tpu.memory_space<vmem>>) dst(%dma_wait3A_86 : memref<64x128xf32, #tpu.memory_space<hbm>>)
        tpu.yield
      }) : () -> ()
    }
    %scan3A_20 = arith.constant 25 : i32
    return
  }
}

#map = affine_map<(d0, d1) -> (0, 0)>
#map1 = affine_map<(d0, d1) -> (0, 0, 0)>
module attributes {stable_mosaic.version = 14 : i64} {
  func.func @k(%arg0: i32, %arg1: i32, %arg2: memref<800x128xf32, #tpu.memory_space<hbm>>, %arg3: memref<32x50x64xi32, #tpu.memory_space<hbm>>, %arg4: memref<32x50x64xi32, #tpu.memory_space<hbm>>, %arg5: memref<102400x128xf32, #tpu.memory_space<hbm>>, %arg6: memref<102400x128xf32, #tpu.memory_space<hbm>>, %arg7: memref<50x64xi32, #tpu.memory_space<vmem>>, %arg8: memref<50x64xi32, #tpu.memory_space<vmem>>, %arg9: memref<64x128xf32, #tpu.memory_space<vmem>>, %arg10: memref<64x128xf32, #tpu.memory_space<vmem>>, %arg11: memref<64x128xf32, #tpu.memory_space<vmem>>, %arg12: memref<64x128xf32, #tpu.memory_space<vmem>>, %arg13: memref<!tpu.dma_semaphore, #tpu.memory_space<semaphore_mem>>, %arg14: memref<!tpu.dma_semaphore, #tpu.memory_space<semaphore_mem>>, %arg15: memref<!tpu.dma_semaphore, #tpu.memory_space<semaphore_mem>>, %arg16: memref<!tpu.dma_semaphore, #tpu.memory_space<semaphore_mem>>) attributes {dimension_semantics = [#tpu.dimension_semantics<core_parallel>, #tpu.dimension_semantics<subcore_parallel>], iteration_bounds = array<i64: 2, 16>, scalar_prefetch = 0 : i64, scratch_operands = 10 : i64, tpu.core_type = #tpu.core_type<sc_vector_subcore>, window_params = [{transform_indices = #map}, {transform_indices = #map1}, {transform_indices = #map1}, {transform_indices = #map}, {transform_indices = #map}]} {
    %mul3A = arith.constant 2 : i32
    %mul3A_0 = arith.muli %arg1, %mul3A : i32
    %add3A = arith.addi %mul3A_0, %arg0 : i32
    %mul3A_1 = arith.constant 3200 : i32
    %mul3A_2 = arith.muli %add3A, %mul3A_1 : i32
    "tpu.region"() ({
      %run_scoped3A = tpu.sem_alloc : memref<!tpu.dma_semaphore, #tpu.memory_space<semaphore_mem>>
      %dma_start3A_21 = arith.constant 0 : i32
      %dma_start3A_22 = arith.constant 0 : i32
      %dma_start3A_23 = tpu.memref_slice %arg3[%add3A, %dma_start3A_21, %dma_start3A_22] : memref<32x50x64xi32, #tpu.memory_space<hbm>> -> memref<1x50x64xi32, #tpu.memory_space<hbm>>
      %dma_start3A_24 = tpu.memref_squeeze %dma_start3A_23 : memref<1x50x64xi32, #tpu.memory_space<hbm>> -> memref<50x64xi32, #tpu.memory_space<hbm>>
      %dma_start3A_25 = arith.constant 0 : i32
      %dma_start3A_26 = arith.constant 0 : i32
      %dma_start3A_27 = tpu.memref_slice %arg3[%add3A, %dma_start3A_25, %dma_start3A_26] : memref<32x50x64xi32, #tpu.memory_space<hbm>> -> memref<1x50x64xi32, #tpu.memory_space<hbm>>
      %dma_start3A_28 = tpu.memref_squeeze %dma_start3A_27 : memref<1x50x64xi32, #tpu.memory_space<hbm>> -> memref<50x64xi32, #tpu.memory_space<hbm>>
      tpu.enqueue_dma source(%dma_start3A_28 : memref<50x64xi32, #tpu.memory_space<hbm>>) target(%arg7 : memref<50x64xi32, #tpu.memory_space<vmem>>) target_semaphore(%run_scoped3A : memref<!tpu.dma_semaphore, #tpu.memory_space<semaphore_mem>>)
      %dma_wait3A = arith.constant 0 : i32
      %dma_wait3A_29 = arith.constant 0 : i32
      %dma_wait3A_30 = tpu.memref_slice %arg3[%add3A, %dma_wait3A, %dma_wait3A_29] : memref<32x50x64xi32, #tpu.memory_space<hbm>> -> memref<1x50x64xi32, #tpu.memory_space<hbm>>
      %dma_wait3A_31 = tpu.memref_squeeze %dma_wait3A_30 : memref<1x50x64xi32, #tpu.memory_space<hbm>> -> memref<50x64xi32, #tpu.memory_space<hbm>>
      %dma_wait3A_32 = arith.constant 0 : i32
      %dma_wait3A_33 = arith.constant 0 : i32
      %dma_wait3A_34 = tpu.memref_slice %arg3[%add3A, %dma_wait3A_32, %dma_wait3A_33] : memref<32x50x64xi32, #tpu.memory_space<hbm>> -> memref<1x50x64xi32, #tpu.memory_space<hbm>>
      %dma_wait3A_35 = tpu.memref_squeeze %dma_wait3A_34 : memref<1x50x64xi32, #tpu.memory_space<hbm>> -> memref<50x64xi32, #tpu.memory_space<hbm>>
      tpu.wait_dma2 semaphore(%run_scoped3A : memref<!tpu.dma_semaphore, #tpu.memory_space<semaphore_mem>>) src(%dma_wait3A_35 : memref<50x64xi32, #tpu.memory_space<hbm>>) dst(%arg7 : memref<50x64xi32, #tpu.memory_space<vmem>>)
      tpu.yield
    }) : () -> ()
    "tpu.region"() ({
      %run_scoped3A = tpu.sem_alloc : memref<!tpu.dma_semaphore, #tpu.memory_space<semaphore_mem>>
      %dma_start3A_21 = arith.constant 0 : i32
      %dma_start3A_22 = arith.constant 0 : i32
      %dma_start3A_23 = tpu.memref_slice %arg4[%add3A, %dma_start3A_21, %dma_start3A_22] : memref<32x50x64xi32, #tpu.memory_space<hbm>> -> memref<1x50x64xi32, #tpu.memory_space<hbm>>
      %dma_start3A_24 = tpu.memref_squeeze %dma_start3A_23 : memref<1x50x64xi32, #tpu.memory_space<hbm>> -> memref<50x64xi32, #tpu.memory_space<hbm>>
      %dma_start3A_25 = arith.constant 0 : i32
      %dma_start3A_26 = arith.constant 0 : i32
      %dma_start3A_27 = tpu.memref_slice %arg4[%add3A, %dma_start3A_25, %dma_start3A_26] : memref<32x50x64xi32, #tpu.memory_space<hbm>> -> memref<1x50x64xi32, #tpu.memory_space<hbm>>
      %dma_start3A_28 = tpu.memref_squeeze %dma_start3A_27 : memref<1x50x64xi32, #tpu.memory_space<hbm>> -> memref<50x64xi32, #tpu.memory_space<hbm>>
      tpu.enqueue_dma source(%dma_start3A_28 : memref<50x64xi32, #tpu.memory_space<hbm>>) target(%arg8 : memref<50x64xi32, #tpu.memory_space<vmem>>) target_semaphore(%run_scoped3A : memref<!tpu.dma_semaphore, #tpu.memory_space<semaphore_mem>>)
      %dma_wait3A = arith.constant 0 : i32
      %dma_wait3A_29 = arith.constant 0 : i32
      %dma_wait3A_30 = tpu.memref_slice %arg4[%add3A, %dma_wait3A, %dma_wait3A_29] : memref<32x50x64xi32, #tpu.memory_space<hbm>> -> memref<1x50x64xi32, #tpu.memory_space<hbm>>
      %dma_wait3A_31 = tpu.memref_squeeze %dma_wait3A_30 : memref<1x50x64xi32, #tpu.memory_space<hbm>> -> memref<50x64xi32, #tpu.memory_space<hbm>>
      %dma_wait3A_32 = arith.constant 0 : i32
      %dma_wait3A_33 = arith.constant 0 : i32
      %dma_wait3A_34 = tpu.memref_slice %arg4[%add3A, %dma_wait3A_32, %dma_wait3A_33] : memref<32x50x64xi32, #tpu.memory_space<hbm>> -> memref<1x50x64xi32, #tpu.memory_space<hbm>>
      %dma_wait3A_35 = tpu.memref_squeeze %dma_wait3A_34 : memref<1x50x64xi32, #tpu.memory_space<hbm>> -> memref<50x64xi32, #tpu.memory_space<hbm>>
      tpu.wait_dma2 semaphore(%run_scoped3A : memref<!tpu.dma_semaphore, #tpu.memory_space<semaphore_mem>>) src(%dma_wait3A_35 : memref<50x64xi32, #tpu.memory_space<hbm>>) dst(%arg8 : memref<50x64xi32, #tpu.memory_space<vmem>>)
      tpu.yield
    }) : () -> ()
    %dma_start3A = arith.constant 0 : i32
    %dma_start3A_3 = arith.constant 0 : i32
    %dma_start3A_4 = tpu.memref_slice %arg7[%dma_start3A, %dma_start3A_3] : memref<50x64xi32, #tpu.memory_space<vmem>> -> memref<1x64xi32, #tpu.memory_space<vmem>>
    %dma_start3A_5 = tpu.memref_squeeze %dma_start3A_4 : memref<1x64xi32, #tpu.memory_space<vmem>> -> memref<64xi32, #tpu.memory_space<vmem>>
    %dma_start3A_6 = arith.constant 0 : i32
    %dma_start3A_7 = arith.constant 0 : i32
    %dma_start3A_8 = tpu.memref_slice %arg2[%dma_start3A_6, %dma_start3A_7] : memref<800x128xf32, #tpu.memory_space<hbm>> -> memref<800x128xf32, #tpu.memory_space<hbm>>
    tpu.enqueue_indirect_dma source(%dma_start3A_8 : memref<800x128xf32, #tpu.memory_space<hbm>>) target(%arg9 : memref<64x128xf32, #tpu.memory_space<vmem>>) offsets(%dma_start3A_5 : memref<64xi32, #tpu.memory_space<vmem>>) semaphore(%arg13 : memref<!tpu.dma_semaphore, #tpu.memory_space<semaphore_mem>>)
    %dma_start3A_9 = arith.constant 0 : i32
    %dma_start3A_10 = arith.constant 0 : i32
    %dma_start3A_11 = tpu.memref_slice %arg8[%dma_start3A_9, %dma_start3A_10] : memref<50x64xi32, #tpu.memory_space<vmem>> -> memref<1x64xi32, #tpu.memory_space<vmem>>
    %dma_start3A_12 = tpu.memref_squeeze %dma_start3A_11 : memref<1x64xi32, #tpu.memory_space<vmem>> -> memref<64xi32, #tpu.memory_space<vmem>>
    %dma_start3A_13 = arith.constant 0 : i32
    %dma_start3A_14 = arith.constant 0 : i32
    %dma_start3A_15 = tpu.memref_slice %arg2[%dma_start3A_13, %dma_start3A_14] : memref<800x128xf32, #tpu.memory_space<hbm>> -> memref<800x128xf32, #tpu.memory_space<hbm>>
    tpu.enqueue_indirect_dma source(%dma_start3A_15 : memref<800x128xf32, #tpu.memory_space<hbm>>) target(%arg10 : memref<64x128xf32, #tpu.memory_space<vmem>>) offsets(%dma_start3A_12 : memref<64xi32, #tpu.memory_space<vmem>>) semaphore(%arg14 : memref<!tpu.dma_semaphore, #tpu.memory_space<semaphore_mem>>)
    %scan3A = arith.constant 0 : i32
    %scan3A_16 = arith.constant 0 : i32
    %scan3A_17 = arith.constant 25 : i32
    %scan3A_18 = arith.addi %scan3A_16, %scan3A_17 : i32
    %scan3A_19 = arith.constant 1 : i32
    scf.for %scan3A_21 = %scan3A_16 to %scan3A_18 step %scan3A_19  : i32 {
      %mul3A_22 = arith.constant 2 : i32
      %mul3A_23 = arith.muli %scan3A_21, %mul3A_22 : i32
      %add3A_24 = arith.constant 1 : i32
      %add3A_25 = arith.addi %mul3A_23, %add3A_24 : i32
      %dma_start3A_26 = arith.constant 0 : i32
      %dma_start3A_27 = tpu.memref_slice %arg7[%add3A_25, %dma_start3A_26] : memref<50x64xi32, #tpu.memory_space<vmem>> -> memref<1x64xi32, #tpu.memory_space<vmem>>
      %dma_start3A_28 = tpu.memref_squeeze %dma_start3A_27 : memref<1x64xi32, #tpu.memory_space<vmem>> -> memref<64xi32, #tpu.memory_space<vmem>>
      %dma_start3A_29 = arith.constant 0 : i32
      %dma_start3A_30 = arith.constant 0 : i32
      %dma_start3A_31 = tpu.memref_slice %arg2[%dma_start3A_29, %dma_start3A_30] : memref<800x128xf32, #tpu.memory_space<hbm>> -> memref<800x128xf32, #tpu.memory_space<hbm>>
      tpu.enqueue_indirect_dma source(%dma_start3A_31 : memref<800x128xf32, #tpu.memory_space<hbm>>) target(%arg11 : memref<64x128xf32, #tpu.memory_space<vmem>>) offsets(%dma_start3A_28 : memref<64xi32, #tpu.memory_space<vmem>>) semaphore(%arg15 : memref<!tpu.dma_semaphore, #tpu.memory_space<semaphore_mem>>)
      %dma_start3A_32 = arith.constant 0 : i32
      %dma_start3A_33 = tpu.memref_slice %arg8[%add3A_25, %dma_start3A_32] : memref<50x64xi32, #tpu.memory_space<vmem>> -> memref<1x64xi32, #tpu.memory_space<vmem>>
      %dma_start3A_34 = tpu.memref_squeeze %dma_start3A_33 : memref<1x64xi32, #tpu.memory_space<vmem>> -> memref<64xi32, #tpu.memory_space<vmem>>
      %dma_start3A_35 = arith.constant 0 : i32
      %dma_start3A_36 = arith.constant 0 : i32
      %dma_start3A_37 = tpu.memref_slice %arg2[%dma_start3A_35, %dma_start3A_36] : memref<800x128xf32, #tpu.memory_space<hbm>> -> memref<800x128xf32, #tpu.memory_space<hbm>>
      tpu.enqueue_indirect_dma source(%dma_start3A_37 : memref<800x128xf32, #tpu.memory_space<hbm>>) target(%arg12 : memref<64x128xf32, #tpu.memory_space<vmem>>) offsets(%dma_start3A_34 : memref<64xi32, #tpu.memory_space<vmem>>) semaphore(%arg16 : memref<!tpu.dma_semaphore, #tpu.memory_space<semaphore_mem>>)
      %dma_wait3A = arith.constant 0 : i32
      %dma_wait3A_38 = arith.constant 0 : i32
      %dma_wait3A_39 = tpu.memref_slice %arg2[%dma_wait3A, %dma_wait3A_38] : memref<800x128xf32, #tpu.memory_space<hbm>> -> memref<64x128xf32, #tpu.memory_space<hbm>>
      %dma_wait3A_40 = arith.constant 0 : i32
      %dma_wait3A_41 = arith.constant 0 : i32
      %dma_wait3A_42 = tpu.memref_slice %arg2[%dma_wait3A_40, %dma_wait3A_41] : memref<800x128xf32, #tpu.memory_space<hbm>> -> memref<64x128xf32, #tpu.memory_space<hbm>>
      tpu.wait_dma2 semaphore(%arg13 : memref<!tpu.dma_semaphore, #tpu.memory_space<semaphore_mem>>) src(%dma_wait3A_42 : memref<64x128xf32, #tpu.memory_space<hbm>>) dst(%arg9 : memref<64x128xf32, #tpu.memory_space<vmem>>)
      %dma_wait3A_43 = arith.constant 0 : i32
      %dma_wait3A_44 = arith.constant 0 : i32
      %dma_wait3A_45 = tpu.memref_slice %arg2[%dma_wait3A_43, %dma_wait3A_44] : memref<800x128xf32, #tpu.memory_space<hbm>> -> memref<64x128xf32, #tpu.memory_space<hbm>>
      %dma_wait3A_46 = arith.constant 0 : i32
      %dma_wait3A_47 = arith.constant 0 : i32
      %dma_wait3A_48 = tpu.memref_slice %arg2[%dma_wait3A_46, %dma_wait3A_47] : memref<800x128xf32, #tpu.memory_space<hbm>> -> memref<64x128xf32, #tpu.memory_space<hbm>>
      tpu.wait_dma2 semaphore(%arg14 : memref<!tpu.dma_semaphore, #tpu.memory_space<semaphore_mem>>) src(%dma_wait3A_48 : memref<64x128xf32, #tpu.memory_space<hbm>>) dst(%arg10 : memref<64x128xf32, #tpu.memory_space<vmem>>)
      %mul3A_49 = arith.constant 64 : i32
      %mul3A_50 = arith.muli %mul3A_23, %mul3A_49 : i32
      %add3A_51 = arith.addi %mul3A_2, %mul3A_50 : i32
      "tpu.region"() ({
        %run_scoped3A = tpu.sem_alloc : memref<!tpu.dma_semaphore, #tpu.memory_space<semaphore_mem>>
        %dma_start3A_79 = arith.constant 0 : i32
        %dma_start3A_80 = tpu.memref_slice %arg5[%add3A_51, %dma_start3A_79] : memref<102400x128xf32, #tpu.memory_space<hbm>> -> memref<64x128xf32, #tpu.memory_space<hbm>>
        %dma_start3A_81 = arith.constant 0 : i32
        %dma_start3A_82 = tpu.memref_slice %arg5[%add3A_51, %dma_start3A_81] : memref<102400x128xf32, #tpu.memory_space<hbm>> -> memref<64x128xf32, #tpu.memory_space<hbm>>
        tpu.enqueue_dma source(%arg9 : memref<64x128xf32, #tpu.memory_space<vmem>>) target(%dma_start3A_82 : memref<64x128xf32, #tpu.memory_space<hbm>>) target_semaphore(%run_scoped3A : memref<!tpu.dma_semaphore, #tpu.memory_space<semaphore_mem>>)
        %dma_wait3A_83 = arith.constant 0 : i32
        %dma_wait3A_84 = tpu.memref_slice %arg5[%add3A_51, %dma_wait3A_83] : memref<102400x128xf32, #tpu.memory_space<hbm>> -> memref<64x128xf32, #tpu.memory_space<hbm>>
        %dma_wait3A_85 = arith.constant 0 : i32
        %dma_wait3A_86 = tpu.memref_slice %arg5[%add3A_51, %dma_wait3A_85] : memref<102400x128xf32, #tpu.memory_space<hbm>> -> memref<64x128xf32, #tpu.memory_space<hbm>>
        tpu.wait_dma2 semaphore(%run_scoped3A : memref<!tpu.dma_semaphore, #tpu.memory_space<semaphore_mem>>) src(%arg9 : memref<64x128xf32, #tpu.memory_space<vmem>>) dst(%dma_wait3A_86 : memref<64x128xf32, #tpu.memory_space<hbm>>)
        tpu.yield
      }) : () -> ()
      %mul3A_52 = arith.constant 64 : i32
      %mul3A_53 = arith.muli %mul3A_23, %mul3A_52 : i32
      %add3A_54 = arith.addi %mul3A_2, %mul3A_53 : i32
      "tpu.region"() ({
        %run_scoped3A = tpu.sem_alloc : memref<!tpu.dma_semaphore, #tpu.memory_space<semaphore_mem>>
        %dma_start3A_79 = arith.constant 0 : i32
        %dma_start3A_80 = tpu.memref_slice %arg6[%add3A_54, %dma_start3A_79] : memref<102400x128xf32, #tpu.memory_space<hbm>> -> memref<64x128xf32, #tpu.memory_space<hbm>>
        %dma_start3A_81 = arith.constant 0 : i32
        %dma_start3A_82 = tpu.memref_slice %arg6[%add3A_54, %dma_start3A_81] : memref<102400x128xf32, #tpu.memory_space<hbm>> -> memref<64x128xf32, #tpu.memory_space<hbm>>
        tpu.enqueue_dma source(%arg10 : memref<64x128xf32, #tpu.memory_space<vmem>>) target(%dma_start3A_82 : memref<64x128xf32, #tpu.memory_space<hbm>>) target_semaphore(%run_scoped3A : memref<!tpu.dma_semaphore, #tpu.memory_space<semaphore_mem>>)
        %dma_wait3A_83 = arith.constant 0 : i32
        %dma_wait3A_84 = tpu.memref_slice %arg6[%add3A_54, %dma_wait3A_83] : memref<102400x128xf32, #tpu.memory_space<hbm>> -> memref<64x128xf32, #tpu.memory_space<hbm>>
        %dma_wait3A_85 = arith.constant 0 : i32
        %dma_wait3A_86 = tpu.memref_slice %arg6[%add3A_54, %dma_wait3A_85] : memref<102400x128xf32, #tpu.memory_space<hbm>> -> memref<64x128xf32, #tpu.memory_space<hbm>>
        tpu.wait_dma2 semaphore(%run_scoped3A : memref<!tpu.dma_semaphore, #tpu.memory_space<semaphore_mem>>) src(%arg10 : memref<64x128xf32, #tpu.memory_space<vmem>>) dst(%dma_wait3A_86 : memref<64x128xf32, #tpu.memory_space<hbm>>)
        tpu.yield
      }) : () -> ()
      %add3A_55 = arith.constant 2 : i32
      %add3A_56 = arith.addi %mul3A_23, %add3A_55 : i32
      %lt3A = arith.constant 50 : i32
      %lt3A_57 = arith.cmpi slt, %add3A_56, %lt3A : i32
      %convert_element_type3A = arith.extui %lt3A_57 : i1 to i32
      %cond3A = arith.constant 0 : i32
      %cond3A_58 = arith.cmpi ne, %convert_element_type3A, %cond3A : i32
      scf.if %cond3A_58 {
        %add3A_79 = arith.constant 2 : i32
        %add3A_80 = arith.addi %mul3A_23, %add3A_79 : i32
        %dma_start3A_81 = arith.constant 0 : i32
        %dma_start3A_82 = tpu.memref_slice %arg7[%add3A_80, %dma_start3A_81] : memref<50x64xi32, #tpu.memory_space<vmem>> -> memref<1x64xi32, #tpu.memory_space<vmem>>
        %dma_start3A_83 = tpu.memref_squeeze %dma_start3A_82 : memref<1x64xi32, #tpu.memory_space<vmem>> -> memref<64xi32, #tpu.memory_space<vmem>>
        %dma_start3A_84 = arith.constant 0 : i32
        %dma_start3A_85 = arith.constant 0 : i32
        %dma_start3A_86 = tpu.memref_slice %arg2[%dma_start3A_84, %dma_start3A_85] : memref<800x128xf32, #tpu.memory_space<hbm>> -> memref<800x128xf32, #tpu.memory_space<hbm>>
        tpu.enqueue_indirect_dma source(%dma_start3A_86 : memref<800x128xf32, #tpu.memory_space<hbm>>) target(%arg9 : memref<64x128xf32, #tpu.memory_space<vmem>>) offsets(%dma_start3A_83 : memref<64xi32, #tpu.memory_space<vmem>>) semaphore(%arg13 : memref<!tpu.dma_semaphore, #tpu.memory_space<semaphore_mem>>)
        %dma_start3A_87 = arith.constant 0 : i32
        %dma_start3A_88 = tpu.memref_slice %arg8[%add3A_80, %dma_start3A_87] : memref<50x64xi32, #tpu.memory_space<vmem>> -> memref<1x64xi32, #tpu.memory_space<vmem>>
        %dma_start3A_89 = tpu.memref_squeeze %dma_start3A_88 : memref<1x64xi32, #tpu.memory_space<vmem>> -> memref<64xi32, #tpu.memory_space<vmem>>
        %dma_start3A_90 = arith.constant 0 : i32
        %dma_start3A_91 = arith.constant 0 : i32
        %dma_start3A_92 = tpu.memref_slice %arg2[%dma_start3A_90, %dma_start3A_91] : memref<800x128xf32, #tpu.memory_space<hbm>> -> memref<800x128xf32, #tpu.memory_space<hbm>>
        tpu.enqueue_indirect_dma source(%dma_start3A_92 : memref<800x128xf32, #tpu.memory_space<hbm>>) target(%arg10 : memref<64x128xf32, #tpu.memory_space<vmem>>) offsets(%dma_start3A_89 : memref<64xi32, #tpu.memory_space<vmem>>) semaphore(%arg14 : memref<!tpu.dma_semaphore, #tpu.memory_space<semaphore_mem>>)
      } else {
      }
      %dma_wait3A_59 = arith.constant 0 : i32
      %dma_wait3A_60 = arith.constant 0 : i32
      %dma_wait3A_61 = tpu.memref_slice %arg2[%dma_wait3A_59, %dma_wait3A_60] : memref<800x128xf32, #tpu.memory_space<hbm>> -> memref<64x128xf32, #tpu.memory_space<hbm>>
      %dma_wait3A_62 = arith.constant 0 : i32
      %dma_wait3A_63 = arith.constant 0 : i32
      %dma_wait3A_64 = tpu.memref_slice %arg2[%dma_wait3A_62, %dma_wait3A_63] : memref<800x128xf32, #tpu.memory_space<hbm>> -> memref<64x128xf32, #tpu.memory_space<hbm>>
      tpu.wait_dma2 semaphore(%arg15 : memref<!tpu.dma_semaphore, #tpu.memory_space<semaphore_mem>>) src(%dma_wait3A_64 : memref<64x128xf32, #tpu.memory_space<hbm>>) dst(%arg11 : memref<64x128xf32, #tpu.memory_space<vmem>>)
      %dma_wait3A_65 = arith.constant 0 : i32
      %dma_wait3A_66 = arith.constant 0 : i32
      %dma_wait3A_67 = tpu.memref_slice %arg2[%dma_wait3A_65, %dma_wait3A_66] : memref<800x128xf32, #tpu.memory_space<hbm>> -> memref<64x128xf32, #tpu.memory_space<hbm>>
      %dma_wait3A_68 = arith.constant 0 : i32
      %dma_wait3A_69 = arith.constant 0 : i32
      %dma_wait3A_70 = tpu.memref_slice %arg2[%dma_wait3A_68, %dma_wait3A_69] : memref<800x128xf32, #tpu.memory_space<hbm>> -> memref<64x128xf32, #tpu.memory_space<hbm>>
      tpu.wait_dma2 semaphore(%arg16 : memref<!tpu.dma_semaphore, #tpu.memory_space<semaphore_mem>>) src(%dma_wait3A_70 : memref<64x128xf32, #tpu.memory_space<hbm>>) dst(%arg12 : memref<64x128xf32, #tpu.memory_space<vmem>>)
      %add3A_71 = arith.constant 1 : i32
      %add3A_72 = arith.addi %mul3A_23, %add3A_71 : i32
      %mul3A_73 = arith.constant 64 : i32
      %mul3A_74 = arith.muli %add3A_72, %mul3A_73 : i32
      %add3A_75 = arith.addi %mul3A_2, %mul3A_74 : i32
      "tpu.region"() ({
        %run_scoped3A = tpu.sem_alloc : memref<!tpu.dma_semaphore, #tpu.memory_space<semaphore_mem>>
        %dma_start3A_79 = arith.constant 0 : i32
        %dma_start3A_80 = tpu.memref_slice %arg5[%add3A_75, %dma_start3A_79] : memref<102400x128xf32, #tpu.memory_space<hbm>> -> memref<64x128xf32, #tpu.memory_space<hbm>>
        %dma_start3A_81 = arith.constant 0 : i32
        %dma_start3A_82 = tpu.memref_slice %arg5[%add3A_75, %dma_start3A_81] : memref<102400x128xf32, #tpu.memory_space<hbm>> -> memref<64x128xf32, #tpu.memory_space<hbm>>
        tpu.enqueue_dma source(%arg11 : memref<64x128xf32, #tpu.memory_space<vmem>>) target(%dma_start3A_82 : memref<64x128xf32, #tpu.memory_space<hbm>>) target_semaphore(%run_scoped3A : memref<!tpu.dma_semaphore, #tpu.memory_space<semaphore_mem>>)
        %dma_wait3A_83 = arith.constant 0 : i32
        %dma_wait3A_84 = tpu.memref_slice %arg5[%add3A_75, %dma_wait3A_83] : memref<102400x128xf32, #tpu.memory_space<hbm>> -> memref<64x128xf32, #tpu.memory_space<hbm>>
        %dma_wait3A_85 = arith.constant 0 : i32
        %dma_wait3A_86 = tpu.memref_slice %arg5[%add3A_75, %dma_wait3A_85] : memref<102400x128xf32, #tpu.memory_space<hbm>> -> memref<64x128xf32, #tpu.memory_space<hbm>>
        tpu.wait_dma2 semaphore(%run_scoped3A : memref<!tpu.dma_semaphore, #tpu.memory_space<semaphore_mem>>) src(%arg11 : memref<64x128xf32, #tpu.memory_space<vmem>>) dst(%dma_wait3A_86 : memref<64x128xf32, #tpu.memory_space<hbm>>)
        tpu.yield
      }) : () -> ()
      %mul3A_76 = arith.constant 64 : i32
      %mul3A_77 = arith.muli %add3A_72, %mul3A_76 : i32
      %add3A_78 = arith.addi %mul3A_2, %mul3A_77 : i32
      "tpu.region"() ({
        %run_scoped3A = tpu.sem_alloc : memref<!tpu.dma_semaphore, #tpu.memory_space<semaphore_mem>>
        %dma_start3A_79 = arith.constant 0 : i32
        %dma_start3A_80 = tpu.memref_slice %arg6[%add3A_78, %dma_start3A_79] : memref<102400x128xf32, #tpu.memory_space<hbm>> -> memref<64x128xf32, #tpu.memory_space<hbm>>
        %dma_start3A_81 = arith.constant 0 : i32
        %dma_start3A_82 = tpu.memref_slice %arg6[%add3A_78, %dma_start3A_81] : memref<102400x128xf32, #tpu.memory_space<hbm>> -> memref<64x128xf32, #tpu.memory_space<hbm>>
        tpu.enqueue_dma source(%arg12 : memref<64x128xf32, #tpu.memory_space<vmem>>) target(%dma_start3A_82 : memref<64x128xf32, #tpu.memory_space<hbm>>) target_semaphore(%run_scoped3A : memref<!tpu.dma_semaphore, #tpu.memory_space<semaphore_mem>>)
        %dma_wait3A_83 = arith.constant 0 : i32
        %dma_wait3A_84 = tpu.memref_slice %arg6[%add3A_78, %dma_wait3A_83] : memref<102400x128xf32, #tpu.memory_space<hbm>> -> memref<64x128xf32, #tpu.memory_space<hbm>>
        %dma_wait3A_85 = arith.constant 0 : i32
        %dma_wait3A_86 = tpu.memref_slice %arg6[%add3A_78, %dma_wait3A_85] : memref<102400x128xf32, #tpu.memory_space<hbm>> -> memref<64x128xf32, #tpu.memory_space<hbm>>
        tpu.wait_dma2 semaphore(%run_scoped3A : memref<!tpu.dma_semaphore, #tpu.memory_space<semaphore_mem>>) src(%arg12 : memref<64x128xf32, #tpu.memory_space<vmem>>) dst(%dma_wait3A_86 : memref<64x128xf32, #tpu.memory_space<hbm>>)
        tpu.yield
      }) : () -> ()
    }
    %scan3A_20 = arith.constant 25 : i32
    return
  }
}

#map = affine_map<(d0, d1) -> (0, 0)>
#map1 = affine_map<(d0, d1) -> (0, 0, 0)>
module attributes {stable_mosaic.version = 14 : i64} {
  func.func @k(%arg0: i32, %arg1: i32, %arg2: memref<800x128xf32, #tpu.memory_space<hbm>>, %arg3: memref<32x50x32xi32, #tpu.memory_space<hbm>>, %arg4: memref<32x50x32xi32, #tpu.memory_space<hbm>>, %arg5: memref<51200x128xf32, #tpu.memory_space<hbm>>, %arg6: memref<51200x128xf32, #tpu.memory_space<hbm>>, %arg7: memref<50x32xi32, #tpu.memory_space<vmem>>, %arg8: memref<50x32xi32, #tpu.memory_space<vmem>>, %arg9: memref<32x128xf32, #tpu.memory_space<vmem>>, %arg10: memref<32x128xf32, #tpu.memory_space<vmem>>, %arg11: memref<32x128xf32, #tpu.memory_space<vmem>>, %arg12: memref<32x128xf32, #tpu.memory_space<vmem>>, %arg13: memref<!tpu.dma_semaphore, #tpu.memory_space<semaphore_mem>>, %arg14: memref<!tpu.dma_semaphore, #tpu.memory_space<semaphore_mem>>, %arg15: memref<!tpu.dma_semaphore, #tpu.memory_space<semaphore_mem>>, %arg16: memref<!tpu.dma_semaphore, #tpu.memory_space<semaphore_mem>>) attributes {dimension_semantics = [#tpu.dimension_semantics<core_parallel>, #tpu.dimension_semantics<subcore_parallel>], iteration_bounds = array<i64: 2, 16>, scalar_prefetch = 0 : i64, scratch_operands = 10 : i64, tpu.core_type = #tpu.core_type<sc_vector_subcore>, window_params = [{transform_indices = #map}, {transform_indices = #map1}, {transform_indices = #map1}, {transform_indices = #map}, {transform_indices = #map}]} {
    %mul3A = arith.constant 2 : i32
    %mul3A_0 = arith.muli %arg1, %mul3A : i32
    %add3A = arith.addi %mul3A_0, %arg0 : i32
    %mul3A_1 = arith.constant 1600 : i32
    %mul3A_2 = arith.muli %add3A, %mul3A_1 : i32
    "tpu.region"() ({
      %run_scoped3A = tpu.sem_alloc : memref<!tpu.dma_semaphore, #tpu.memory_space<semaphore_mem>>
      %dma_start3A_21 = arith.constant 0 : i32
      %dma_start3A_22 = arith.constant 0 : i32
      %dma_start3A_23 = tpu.memref_slice %arg3[%add3A, %dma_start3A_21, %dma_start3A_22] : memref<32x50x32xi32, #tpu.memory_space<hbm>> -> memref<1x50x32xi32, #tpu.memory_space<hbm>>
      %dma_start3A_24 = tpu.memref_squeeze %dma_start3A_23 : memref<1x50x32xi32, #tpu.memory_space<hbm>> -> memref<50x32xi32, #tpu.memory_space<hbm>>
      %dma_start3A_25 = arith.constant 0 : i32
      %dma_start3A_26 = arith.constant 0 : i32
      %dma_start3A_27 = tpu.memref_slice %arg3[%add3A, %dma_start3A_25, %dma_start3A_26] : memref<32x50x32xi32, #tpu.memory_space<hbm>> -> memref<1x50x32xi32, #tpu.memory_space<hbm>>
      %dma_start3A_28 = tpu.memref_squeeze %dma_start3A_27 : memref<1x50x32xi32, #tpu.memory_space<hbm>> -> memref<50x32xi32, #tpu.memory_space<hbm>>
      tpu.enqueue_dma source(%dma_start3A_28 : memref<50x32xi32, #tpu.memory_space<hbm>>) target(%arg7 : memref<50x32xi32, #tpu.memory_space<vmem>>) target_semaphore(%run_scoped3A : memref<!tpu.dma_semaphore, #tpu.memory_space<semaphore_mem>>)
      %dma_wait3A = arith.constant 0 : i32
      %dma_wait3A_29 = arith.constant 0 : i32
      %dma_wait3A_30 = tpu.memref_slice %arg3[%add3A, %dma_wait3A, %dma_wait3A_29] : memref<32x50x32xi32, #tpu.memory_space<hbm>> -> memref<1x50x32xi32, #tpu.memory_space<hbm>>
      %dma_wait3A_31 = tpu.memref_squeeze %dma_wait3A_30 : memref<1x50x32xi32, #tpu.memory_space<hbm>> -> memref<50x32xi32, #tpu.memory_space<hbm>>
      %dma_wait3A_32 = arith.constant 0 : i32
      %dma_wait3A_33 = arith.constant 0 : i32
      %dma_wait3A_34 = tpu.memref_slice %arg3[%add3A, %dma_wait3A_32, %dma_wait3A_33] : memref<32x50x32xi32, #tpu.memory_space<hbm>> -> memref<1x50x32xi32, #tpu.memory_space<hbm>>
      %dma_wait3A_35 = tpu.memref_squeeze %dma_wait3A_34 : memref<1x50x32xi32, #tpu.memory_space<hbm>> -> memref<50x32xi32, #tpu.memory_space<hbm>>
      tpu.wait_dma2 semaphore(%run_scoped3A : memref<!tpu.dma_semaphore, #tpu.memory_space<semaphore_mem>>) src(%dma_wait3A_35 : memref<50x32xi32, #tpu.memory_space<hbm>>) dst(%arg7 : memref<50x32xi32, #tpu.memory_space<vmem>>)
      tpu.yield
    }) : () -> ()
    "tpu.region"() ({
      %run_scoped3A = tpu.sem_alloc : memref<!tpu.dma_semaphore, #tpu.memory_space<semaphore_mem>>
      %dma_start3A_21 = arith.constant 0 : i32
      %dma_start3A_22 = arith.constant 0 : i32
      %dma_start3A_23 = tpu.memref_slice %arg4[%add3A, %dma_start3A_21, %dma_start3A_22] : memref<32x50x32xi32, #tpu.memory_space<hbm>> -> memref<1x50x32xi32, #tpu.memory_space<hbm>>
      %dma_start3A_24 = tpu.memref_squeeze %dma_start3A_23 : memref<1x50x32xi32, #tpu.memory_space<hbm>> -> memref<50x32xi32, #tpu.memory_space<hbm>>
      %dma_start3A_25 = arith.constant 0 : i32
      %dma_start3A_26 = arith.constant 0 : i32
      %dma_start3A_27 = tpu.memref_slice %arg4[%add3A, %dma_start3A_25, %dma_start3A_26] : memref<32x50x32xi32, #tpu.memory_space<hbm>> -> memref<1x50x32xi32, #tpu.memory_space<hbm>>
      %dma_start3A_28 = tpu.memref_squeeze %dma_start3A_27 : memref<1x50x32xi32, #tpu.memory_space<hbm>> -> memref<50x32xi32, #tpu.memory_space<hbm>>
      tpu.enqueue_dma source(%dma_start3A_28 : memref<50x32xi32, #tpu.memory_space<hbm>>) target(%arg8 : memref<50x32xi32, #tpu.memory_space<vmem>>) target_semaphore(%run_scoped3A : memref<!tpu.dma_semaphore, #tpu.memory_space<semaphore_mem>>)
      %dma_wait3A = arith.constant 0 : i32
      %dma_wait3A_29 = arith.constant 0 : i32
      %dma_wait3A_30 = tpu.memref_slice %arg4[%add3A, %dma_wait3A, %dma_wait3A_29] : memref<32x50x32xi32, #tpu.memory_space<hbm>> -> memref<1x50x32xi32, #tpu.memory_space<hbm>>
      %dma_wait3A_31 = tpu.memref_squeeze %dma_wait3A_30 : memref<1x50x32xi32, #tpu.memory_space<hbm>> -> memref<50x32xi32, #tpu.memory_space<hbm>>
      %dma_wait3A_32 = arith.constant 0 : i32
      %dma_wait3A_33 = arith.constant 0 : i32
      %dma_wait3A_34 = tpu.memref_slice %arg4[%add3A, %dma_wait3A_32, %dma_wait3A_33] : memref<32x50x32xi32, #tpu.memory_space<hbm>> -> memref<1x50x32xi32, #tpu.memory_space<hbm>>
      %dma_wait3A_35 = tpu.memref_squeeze %dma_wait3A_34 : memref<1x50x32xi32, #tpu.memory_space<hbm>> -> memref<50x32xi32, #tpu.memory_space<hbm>>
      tpu.wait_dma2 semaphore(%run_scoped3A : memref<!tpu.dma_semaphore, #tpu.memory_space<semaphore_mem>>) src(%dma_wait3A_35 : memref<50x32xi32, #tpu.memory_space<hbm>>) dst(%arg8 : memref<50x32xi32, #tpu.memory_space<vmem>>)
      tpu.yield
    }) : () -> ()
    %dma_start3A = arith.constant 0 : i32
    %dma_start3A_3 = arith.constant 0 : i32
    %dma_start3A_4 = tpu.memref_slice %arg7[%dma_start3A, %dma_start3A_3] : memref<50x32xi32, #tpu.memory_space<vmem>> -> memref<1x32xi32, #tpu.memory_space<vmem>>
    %dma_start3A_5 = tpu.memref_squeeze %dma_start3A_4 : memref<1x32xi32, #tpu.memory_space<vmem>> -> memref<32xi32, #tpu.memory_space<vmem>>
    %dma_start3A_6 = arith.constant 0 : i32
    %dma_start3A_7 = arith.constant 0 : i32
    %dma_start3A_8 = tpu.memref_slice %arg2[%dma_start3A_6, %dma_start3A_7] : memref<800x128xf32, #tpu.memory_space<hbm>> -> memref<800x128xf32, #tpu.memory_space<hbm>>
    tpu.enqueue_indirect_dma source(%dma_start3A_8 : memref<800x128xf32, #tpu.memory_space<hbm>>) target(%arg9 : memref<32x128xf32, #tpu.memory_space<vmem>>) offsets(%dma_start3A_5 : memref<32xi32, #tpu.memory_space<vmem>>) semaphore(%arg13 : memref<!tpu.dma_semaphore, #tpu.memory_space<semaphore_mem>>)
    %dma_start3A_9 = arith.constant 0 : i32
    %dma_start3A_10 = arith.constant 0 : i32
    %dma_start3A_11 = tpu.memref_slice %arg8[%dma_start3A_9, %dma_start3A_10] : memref<50x32xi32, #tpu.memory_space<vmem>> -> memref<1x32xi32, #tpu.memory_space<vmem>>
    %dma_start3A_12 = tpu.memref_squeeze %dma_start3A_11 : memref<1x32xi32, #tpu.memory_space<vmem>> -> memref<32xi32, #tpu.memory_space<vmem>>
    %dma_start3A_13 = arith.constant 0 : i32
    %dma_start3A_14 = arith.constant 0 : i32
    %dma_start3A_15 = tpu.memref_slice %arg2[%dma_start3A_13, %dma_start3A_14] : memref<800x128xf32, #tpu.memory_space<hbm>> -> memref<800x128xf32, #tpu.memory_space<hbm>>
    tpu.enqueue_indirect_dma source(%dma_start3A_15 : memref<800x128xf32, #tpu.memory_space<hbm>>) target(%arg10 : memref<32x128xf32, #tpu.memory_space<vmem>>) offsets(%dma_start3A_12 : memref<32xi32, #tpu.memory_space<vmem>>) semaphore(%arg14 : memref<!tpu.dma_semaphore, #tpu.memory_space<semaphore_mem>>)
    %scan3A = arith.constant 0 : i32
    %scan3A_16 = arith.constant 0 : i32
    %scan3A_17 = arith.constant 25 : i32
    %scan3A_18 = arith.addi %scan3A_16, %scan3A_17 : i32
    %scan3A_19 = arith.constant 1 : i32
    scf.for %scan3A_21 = %scan3A_16 to %scan3A_18 step %scan3A_19  : i32 {
      %mul3A_22 = arith.constant 2 : i32
      %mul3A_23 = arith.muli %scan3A_21, %mul3A_22 : i32
      %add3A_24 = arith.constant 1 : i32
      %add3A_25 = arith.addi %mul3A_23, %add3A_24 : i32
      %dma_start3A_26 = arith.constant 0 : i32
      %dma_start3A_27 = tpu.memref_slice %arg7[%add3A_25, %dma_start3A_26] : memref<50x32xi32, #tpu.memory_space<vmem>> -> memref<1x32xi32, #tpu.memory_space<vmem>>
      %dma_start3A_28 = tpu.memref_squeeze %dma_start3A_27 : memref<1x32xi32, #tpu.memory_space<vmem>> -> memref<32xi32, #tpu.memory_space<vmem>>
      %dma_start3A_29 = arith.constant 0 : i32
      %dma_start3A_30 = arith.constant 0 : i32
      %dma_start3A_31 = tpu.memref_slice %arg2[%dma_start3A_29, %dma_start3A_30] : memref<800x128xf32, #tpu.memory_space<hbm>> -> memref<800x128xf32, #tpu.memory_space<hbm>>
      tpu.enqueue_indirect_dma source(%dma_start3A_31 : memref<800x128xf32, #tpu.memory_space<hbm>>) target(%arg11 : memref<32x128xf32, #tpu.memory_space<vmem>>) offsets(%dma_start3A_28 : memref<32xi32, #tpu.memory_space<vmem>>) semaphore(%arg15 : memref<!tpu.dma_semaphore, #tpu.memory_space<semaphore_mem>>)
      %dma_start3A_32 = arith.constant 0 : i32
      %dma_start3A_33 = tpu.memref_slice %arg8[%add3A_25, %dma_start3A_32] : memref<50x32xi32, #tpu.memory_space<vmem>> -> memref<1x32xi32, #tpu.memory_space<vmem>>
      %dma_start3A_34 = tpu.memref_squeeze %dma_start3A_33 : memref<1x32xi32, #tpu.memory_space<vmem>> -> memref<32xi32, #tpu.memory_space<vmem>>
      %dma_start3A_35 = arith.constant 0 : i32
      %dma_start3A_36 = arith.constant 0 : i32
      %dma_start3A_37 = tpu.memref_slice %arg2[%dma_start3A_35, %dma_start3A_36] : memref<800x128xf32, #tpu.memory_space<hbm>> -> memref<800x128xf32, #tpu.memory_space<hbm>>
      tpu.enqueue_indirect_dma source(%dma_start3A_37 : memref<800x128xf32, #tpu.memory_space<hbm>>) target(%arg12 : memref<32x128xf32, #tpu.memory_space<vmem>>) offsets(%dma_start3A_34 : memref<32xi32, #tpu.memory_space<vmem>>) semaphore(%arg16 : memref<!tpu.dma_semaphore, #tpu.memory_space<semaphore_mem>>)
      %dma_wait3A = arith.constant 0 : i32
      %dma_wait3A_38 = arith.constant 0 : i32
      %dma_wait3A_39 = tpu.memref_slice %arg2[%dma_wait3A, %dma_wait3A_38] : memref<800x128xf32, #tpu.memory_space<hbm>> -> memref<32x128xf32, #tpu.memory_space<hbm>>
      %dma_wait3A_40 = arith.constant 0 : i32
      %dma_wait3A_41 = arith.constant 0 : i32
      %dma_wait3A_42 = tpu.memref_slice %arg2[%dma_wait3A_40, %dma_wait3A_41] : memref<800x128xf32, #tpu.memory_space<hbm>> -> memref<32x128xf32, #tpu.memory_space<hbm>>
      tpu.wait_dma2 semaphore(%arg13 : memref<!tpu.dma_semaphore, #tpu.memory_space<semaphore_mem>>) src(%dma_wait3A_42 : memref<32x128xf32, #tpu.memory_space<hbm>>) dst(%arg9 : memref<32x128xf32, #tpu.memory_space<vmem>>)
      %dma_wait3A_43 = arith.constant 0 : i32
      %dma_wait3A_44 = arith.constant 0 : i32
      %dma_wait3A_45 = tpu.memref_slice %arg2[%dma_wait3A_43, %dma_wait3A_44] : memref<800x128xf32, #tpu.memory_space<hbm>> -> memref<32x128xf32, #tpu.memory_space<hbm>>
      %dma_wait3A_46 = arith.constant 0 : i32
      %dma_wait3A_47 = arith.constant 0 : i32
      %dma_wait3A_48 = tpu.memref_slice %arg2[%dma_wait3A_46, %dma_wait3A_47] : memref<800x128xf32, #tpu.memory_space<hbm>> -> memref<32x128xf32, #tpu.memory_space<hbm>>
      tpu.wait_dma2 semaphore(%arg14 : memref<!tpu.dma_semaphore, #tpu.memory_space<semaphore_mem>>) src(%dma_wait3A_48 : memref<32x128xf32, #tpu.memory_space<hbm>>) dst(%arg10 : memref<32x128xf32, #tpu.memory_space<vmem>>)
      %mul3A_49 = arith.constant 32 : i32
      %mul3A_50 = arith.muli %mul3A_23, %mul3A_49 : i32
      %add3A_51 = arith.addi %mul3A_2, %mul3A_50 : i32
      "tpu.region"() ({
        %run_scoped3A = tpu.sem_alloc : memref<!tpu.dma_semaphore, #tpu.memory_space<semaphore_mem>>
        %dma_start3A_79 = arith.constant 0 : i32
        %dma_start3A_80 = tpu.memref_slice %arg5[%add3A_51, %dma_start3A_79] : memref<51200x128xf32, #tpu.memory_space<hbm>> -> memref<32x128xf32, #tpu.memory_space<hbm>>
        %dma_start3A_81 = arith.constant 0 : i32
        %dma_start3A_82 = tpu.memref_slice %arg5[%add3A_51, %dma_start3A_81] : memref<51200x128xf32, #tpu.memory_space<hbm>> -> memref<32x128xf32, #tpu.memory_space<hbm>>
        tpu.enqueue_dma source(%arg9 : memref<32x128xf32, #tpu.memory_space<vmem>>) target(%dma_start3A_82 : memref<32x128xf32, #tpu.memory_space<hbm>>) target_semaphore(%run_scoped3A : memref<!tpu.dma_semaphore, #tpu.memory_space<semaphore_mem>>)
        %dma_wait3A_83 = arith.constant 0 : i32
        %dma_wait3A_84 = tpu.memref_slice %arg5[%add3A_51, %dma_wait3A_83] : memref<51200x128xf32, #tpu.memory_space<hbm>> -> memref<32x128xf32, #tpu.memory_space<hbm>>
        %dma_wait3A_85 = arith.constant 0 : i32
        %dma_wait3A_86 = tpu.memref_slice %arg5[%add3A_51, %dma_wait3A_85] : memref<51200x128xf32, #tpu.memory_space<hbm>> -> memref<32x128xf32, #tpu.memory_space<hbm>>
        tpu.wait_dma2 semaphore(%run_scoped3A : memref<!tpu.dma_semaphore, #tpu.memory_space<semaphore_mem>>) src(%arg9 : memref<32x128xf32, #tpu.memory_space<vmem>>) dst(%dma_wait3A_86 : memref<32x128xf32, #tpu.memory_space<hbm>>)
        tpu.yield
      }) : () -> ()
      %mul3A_52 = arith.constant 32 : i32
      %mul3A_53 = arith.muli %mul3A_23, %mul3A_52 : i32
      %add3A_54 = arith.addi %mul3A_2, %mul3A_53 : i32
      "tpu.region"() ({
        %run_scoped3A = tpu.sem_alloc : memref<!tpu.dma_semaphore, #tpu.memory_space<semaphore_mem>>
        %dma_start3A_79 = arith.constant 0 : i32
        %dma_start3A_80 = tpu.memref_slice %arg6[%add3A_54, %dma_start3A_79] : memref<51200x128xf32, #tpu.memory_space<hbm>> -> memref<32x128xf32, #tpu.memory_space<hbm>>
        %dma_start3A_81 = arith.constant 0 : i32
        %dma_start3A_82 = tpu.memref_slice %arg6[%add3A_54, %dma_start3A_81] : memref<51200x128xf32, #tpu.memory_space<hbm>> -> memref<32x128xf32, #tpu.memory_space<hbm>>
        tpu.enqueue_dma source(%arg10 : memref<32x128xf32, #tpu.memory_space<vmem>>) target(%dma_start3A_82 : memref<32x128xf32, #tpu.memory_space<hbm>>) target_semaphore(%run_scoped3A : memref<!tpu.dma_semaphore, #tpu.memory_space<semaphore_mem>>)
        %dma_wait3A_83 = arith.constant 0 : i32
        %dma_wait3A_84 = tpu.memref_slice %arg6[%add3A_54, %dma_wait3A_83] : memref<51200x128xf32, #tpu.memory_space<hbm>> -> memref<32x128xf32, #tpu.memory_space<hbm>>
        %dma_wait3A_85 = arith.constant 0 : i32
        %dma_wait3A_86 = tpu.memref_slice %arg6[%add3A_54, %dma_wait3A_85] : memref<51200x128xf32, #tpu.memory_space<hbm>> -> memref<32x128xf32, #tpu.memory_space<hbm>>
        tpu.wait_dma2 semaphore(%run_scoped3A : memref<!tpu.dma_semaphore, #tpu.memory_space<semaphore_mem>>) src(%arg10 : memref<32x128xf32, #tpu.memory_space<vmem>>) dst(%dma_wait3A_86 : memref<32x128xf32, #tpu.memory_space<hbm>>)
        tpu.yield
      }) : () -> ()
      %add3A_55 = arith.constant 2 : i32
      %add3A_56 = arith.addi %mul3A_23, %add3A_55 : i32
      %lt3A = arith.constant 50 : i32
      %lt3A_57 = arith.cmpi slt, %add3A_56, %lt3A : i32
      %convert_element_type3A = arith.extui %lt3A_57 : i1 to i32
      %cond3A = arith.constant 0 : i32
      %cond3A_58 = arith.cmpi ne, %convert_element_type3A, %cond3A : i32
      scf.if %cond3A_58 {
        %add3A_79 = arith.constant 2 : i32
        %add3A_80 = arith.addi %mul3A_23, %add3A_79 : i32
        %dma_start3A_81 = arith.constant 0 : i32
        %dma_start3A_82 = tpu.memref_slice %arg7[%add3A_80, %dma_start3A_81] : memref<50x32xi32, #tpu.memory_space<vmem>> -> memref<1x32xi32, #tpu.memory_space<vmem>>
        %dma_start3A_83 = tpu.memref_squeeze %dma_start3A_82 : memref<1x32xi32, #tpu.memory_space<vmem>> -> memref<32xi32, #tpu.memory_space<vmem>>
        %dma_start3A_84 = arith.constant 0 : i32
        %dma_start3A_85 = arith.constant 0 : i32
        %dma_start3A_86 = tpu.memref_slice %arg2[%dma_start3A_84, %dma_start3A_85] : memref<800x128xf32, #tpu.memory_space<hbm>> -> memref<800x128xf32, #tpu.memory_space<hbm>>
        tpu.enqueue_indirect_dma source(%dma_start3A_86 : memref<800x128xf32, #tpu.memory_space<hbm>>) target(%arg9 : memref<32x128xf32, #tpu.memory_space<vmem>>) offsets(%dma_start3A_83 : memref<32xi32, #tpu.memory_space<vmem>>) semaphore(%arg13 : memref<!tpu.dma_semaphore, #tpu.memory_space<semaphore_mem>>)
        %dma_start3A_87 = arith.constant 0 : i32
        %dma_start3A_88 = tpu.memref_slice %arg8[%add3A_80, %dma_start3A_87] : memref<50x32xi32, #tpu.memory_space<vmem>> -> memref<1x32xi32, #tpu.memory_space<vmem>>
        %dma_start3A_89 = tpu.memref_squeeze %dma_start3A_88 : memref<1x32xi32, #tpu.memory_space<vmem>> -> memref<32xi32, #tpu.memory_space<vmem>>
        %dma_start3A_90 = arith.constant 0 : i32
        %dma_start3A_91 = arith.constant 0 : i32
        %dma_start3A_92 = tpu.memref_slice %arg2[%dma_start3A_90, %dma_start3A_91] : memref<800x128xf32, #tpu.memory_space<hbm>> -> memref<800x128xf32, #tpu.memory_space<hbm>>
        tpu.enqueue_indirect_dma source(%dma_start3A_92 : memref<800x128xf32, #tpu.memory_space<hbm>>) target(%arg10 : memref<32x128xf32, #tpu.memory_space<vmem>>) offsets(%dma_start3A_89 : memref<32xi32, #tpu.memory_space<vmem>>) semaphore(%arg14 : memref<!tpu.dma_semaphore, #tpu.memory_space<semaphore_mem>>)
      } else {
      }
      %dma_wait3A_59 = arith.constant 0 : i32
      %dma_wait3A_60 = arith.constant 0 : i32
      %dma_wait3A_61 = tpu.memref_slice %arg2[%dma_wait3A_59, %dma_wait3A_60] : memref<800x128xf32, #tpu.memory_space<hbm>> -> memref<32x128xf32, #tpu.memory_space<hbm>>
      %dma_wait3A_62 = arith.constant 0 : i32
      %dma_wait3A_63 = arith.constant 0 : i32
      %dma_wait3A_64 = tpu.memref_slice %arg2[%dma_wait3A_62, %dma_wait3A_63] : memref<800x128xf32, #tpu.memory_space<hbm>> -> memref<32x128xf32, #tpu.memory_space<hbm>>
      tpu.wait_dma2 semaphore(%arg15 : memref<!tpu.dma_semaphore, #tpu.memory_space<semaphore_mem>>) src(%dma_wait3A_64 : memref<32x128xf32, #tpu.memory_space<hbm>>) dst(%arg11 : memref<32x128xf32, #tpu.memory_space<vmem>>)
      %dma_wait3A_65 = arith.constant 0 : i32
      %dma_wait3A_66 = arith.constant 0 : i32
      %dma_wait3A_67 = tpu.memref_slice %arg2[%dma_wait3A_65, %dma_wait3A_66] : memref<800x128xf32, #tpu.memory_space<hbm>> -> memref<32x128xf32, #tpu.memory_space<hbm>>
      %dma_wait3A_68 = arith.constant 0 : i32
      %dma_wait3A_69 = arith.constant 0 : i32
      %dma_wait3A_70 = tpu.memref_slice %arg2[%dma_wait3A_68, %dma_wait3A_69] : memref<800x128xf32, #tpu.memory_space<hbm>> -> memref<32x128xf32, #tpu.memory_space<hbm>>
      tpu.wait_dma2 semaphore(%arg16 : memref<!tpu.dma_semaphore, #tpu.memory_space<semaphore_mem>>) src(%dma_wait3A_70 : memref<32x128xf32, #tpu.memory_space<hbm>>) dst(%arg12 : memref<32x128xf32, #tpu.memory_space<vmem>>)
      %add3A_71 = arith.constant 1 : i32
      %add3A_72 = arith.addi %mul3A_23, %add3A_71 : i32
      %mul3A_73 = arith.constant 32 : i32
      %mul3A_74 = arith.muli %add3A_72, %mul3A_73 : i32
      %add3A_75 = arith.addi %mul3A_2, %mul3A_74 : i32
      "tpu.region"() ({
        %run_scoped3A = tpu.sem_alloc : memref<!tpu.dma_semaphore, #tpu.memory_space<semaphore_mem>>
        %dma_start3A_79 = arith.constant 0 : i32
        %dma_start3A_80 = tpu.memref_slice %arg5[%add3A_75, %dma_start3A_79] : memref<51200x128xf32, #tpu.memory_space<hbm>> -> memref<32x128xf32, #tpu.memory_space<hbm>>
        %dma_start3A_81 = arith.constant 0 : i32
        %dma_start3A_82 = tpu.memref_slice %arg5[%add3A_75, %dma_start3A_81] : memref<51200x128xf32, #tpu.memory_space<hbm>> -> memref<32x128xf32, #tpu.memory_space<hbm>>
        tpu.enqueue_dma source(%arg11 : memref<32x128xf32, #tpu.memory_space<vmem>>) target(%dma_start3A_82 : memref<32x128xf32, #tpu.memory_space<hbm>>) target_semaphore(%run_scoped3A : memref<!tpu.dma_semaphore, #tpu.memory_space<semaphore_mem>>)
        %dma_wait3A_83 = arith.constant 0 : i32
        %dma_wait3A_84 = tpu.memref_slice %arg5[%add3A_75, %dma_wait3A_83] : memref<51200x128xf32, #tpu.memory_space<hbm>> -> memref<32x128xf32, #tpu.memory_space<hbm>>
        %dma_wait3A_85 = arith.constant 0 : i32
        %dma_wait3A_86 = tpu.memref_slice %arg5[%add3A_75, %dma_wait3A_85] : memref<51200x128xf32, #tpu.memory_space<hbm>> -> memref<32x128xf32, #tpu.memory_space<hbm>>
        tpu.wait_dma2 semaphore(%run_scoped3A : memref<!tpu.dma_semaphore, #tpu.memory_space<semaphore_mem>>) src(%arg11 : memref<32x128xf32, #tpu.memory_space<vmem>>) dst(%dma_wait3A_86 : memref<32x128xf32, #tpu.memory_space<hbm>>)
        tpu.yield
      }) : () -> ()
      %mul3A_76 = arith.constant 32 : i32
      %mul3A_77 = arith.muli %add3A_72, %mul3A_76 : i32
      %add3A_78 = arith.addi %mul3A_2, %mul3A_77 : i32
      "tpu.region"() ({
        %run_scoped3A = tpu.sem_alloc : memref<!tpu.dma_semaphore, #tpu.memory_space<semaphore_mem>>
        %dma_start3A_79 = arith.constant 0 : i32
        %dma_start3A_80 = tpu.memref_slice %arg6[%add3A_78, %dma_start3A_79] : memref<51200x128xf32, #tpu.memory_space<hbm>> -> memref<32x128xf32, #tpu.memory_space<hbm>>
        %dma_start3A_81 = arith.constant 0 : i32
        %dma_start3A_82 = tpu.memref_slice %arg6[%add3A_78, %dma_start3A_81] : memref<51200x128xf32, #tpu.memory_space<hbm>> -> memref<32x128xf32, #tpu.memory_space<hbm>>
        tpu.enqueue_dma source(%arg12 : memref<32x128xf32, #tpu.memory_space<vmem>>) target(%dma_start3A_82 : memref<32x128xf32, #tpu.memory_space<hbm>>) target_semaphore(%run_scoped3A : memref<!tpu.dma_semaphore, #tpu.memory_space<semaphore_mem>>)
        %dma_wait3A_83 = arith.constant 0 : i32
        %dma_wait3A_84 = tpu.memref_slice %arg6[%add3A_78, %dma_wait3A_83] : memref<51200x128xf32, #tpu.memory_space<hbm>> -> memref<32x128xf32, #tpu.memory_space<hbm>>
        %dma_wait3A_85 = arith.constant 0 : i32
        %dma_wait3A_86 = tpu.memref_slice %arg6[%add3A_78, %dma_wait3A_85] : memref<51200x128xf32, #tpu.memory_space<hbm>> -> memref<32x128xf32, #tpu.memory_space<hbm>>
        tpu.wait_dma2 semaphore(%run_scoped3A : memref<!tpu.dma_semaphore, #tpu.memory_space<semaphore_mem>>) src(%arg12 : memref<32x128xf32, #tpu.memory_space<vmem>>) dst(%dma_wait3A_86 : memref<32x128xf32, #tpu.memory_space<hbm>>)
        tpu.yield
      }) : () -> ()
    }
    %scan3A_20 = arith.constant 25 : i32
    return
  }
}

#map = affine_map<(d0, d1) -> (0, 0)>
#map1 = affine_map<(d0, d1) -> (0, 0, 0)>
module attributes {stable_mosaic.version = 14 : i64} {
  func.func @k(%arg0: i32, %arg1: i32, %arg2: memref<800x128xf32, #tpu.memory_space<hbm>>, %arg3: memref<32x50x32xi32, #tpu.memory_space<hbm>>, %arg4: memref<32x50x32xi32, #tpu.memory_space<hbm>>, %arg5: memref<51200x128xf32, #tpu.memory_space<hbm>>, %arg6: memref<51200x128xf32, #tpu.memory_space<hbm>>, %arg7: memref<50x32xi32, #tpu.memory_space<vmem>>, %arg8: memref<50x32xi32, #tpu.memory_space<vmem>>, %arg9: memref<32x128xf32, #tpu.memory_space<vmem>>, %arg10: memref<32x128xf32, #tpu.memory_space<vmem>>, %arg11: memref<32x128xf32, #tpu.memory_space<vmem>>, %arg12: memref<32x128xf32, #tpu.memory_space<vmem>>, %arg13: memref<!tpu.dma_semaphore, #tpu.memory_space<semaphore_mem>>, %arg14: memref<!tpu.dma_semaphore, #tpu.memory_space<semaphore_mem>>, %arg15: memref<!tpu.dma_semaphore, #tpu.memory_space<semaphore_mem>>, %arg16: memref<!tpu.dma_semaphore, #tpu.memory_space<semaphore_mem>>) attributes {dimension_semantics = [#tpu.dimension_semantics<core_parallel>, #tpu.dimension_semantics<subcore_parallel>], iteration_bounds = array<i64: 2, 16>, scalar_prefetch = 0 : i64, scratch_operands = 10 : i64, tpu.core_type = #tpu.core_type<sc_vector_subcore>, window_params = [{transform_indices = #map}, {transform_indices = #map1}, {transform_indices = #map1}, {transform_indices = #map}, {transform_indices = #map}]} {
    %mul3A = arith.constant 2 : i32
    %mul3A_0 = arith.muli %arg1, %mul3A : i32
    %add3A = arith.addi %mul3A_0, %arg0 : i32
    %mul3A_1 = arith.constant 1600 : i32
    %mul3A_2 = arith.muli %add3A, %mul3A_1 : i32
    "tpu.region"() ({
      %run_scoped3A = tpu.sem_alloc : memref<!tpu.dma_semaphore, #tpu.memory_space<semaphore_mem>>
      %dma_start3A_21 = arith.constant 0 : i32
      %dma_start3A_22 = arith.constant 0 : i32
      %dma_start3A_23 = tpu.memref_slice %arg3[%add3A, %dma_start3A_21, %dma_start3A_22] : memref<32x50x32xi32, #tpu.memory_space<hbm>> -> memref<1x50x32xi32, #tpu.memory_space<hbm>>
      %dma_start3A_24 = tpu.memref_squeeze %dma_start3A_23 : memref<1x50x32xi32, #tpu.memory_space<hbm>> -> memref<50x32xi32, #tpu.memory_space<hbm>>
      %dma_start3A_25 = arith.constant 0 : i32
      %dma_start3A_26 = arith.constant 0 : i32
      %dma_start3A_27 = tpu.memref_slice %arg3[%add3A, %dma_start3A_25, %dma_start3A_26] : memref<32x50x32xi32, #tpu.memory_space<hbm>> -> memref<1x50x32xi32, #tpu.memory_space<hbm>>
      %dma_start3A_28 = tpu.memref_squeeze %dma_start3A_27 : memref<1x50x32xi32, #tpu.memory_space<hbm>> -> memref<50x32xi32, #tpu.memory_space<hbm>>
      tpu.enqueue_dma source(%dma_start3A_28 : memref<50x32xi32, #tpu.memory_space<hbm>>) target(%arg7 : memref<50x32xi32, #tpu.memory_space<vmem>>) target_semaphore(%run_scoped3A : memref<!tpu.dma_semaphore, #tpu.memory_space<semaphore_mem>>)
      %dma_wait3A = arith.constant 0 : i32
      %dma_wait3A_29 = arith.constant 0 : i32
      %dma_wait3A_30 = tpu.memref_slice %arg3[%add3A, %dma_wait3A, %dma_wait3A_29] : memref<32x50x32xi32, #tpu.memory_space<hbm>> -> memref<1x50x32xi32, #tpu.memory_space<hbm>>
      %dma_wait3A_31 = tpu.memref_squeeze %dma_wait3A_30 : memref<1x50x32xi32, #tpu.memory_space<hbm>> -> memref<50x32xi32, #tpu.memory_space<hbm>>
      %dma_wait3A_32 = arith.constant 0 : i32
      %dma_wait3A_33 = arith.constant 0 : i32
      %dma_wait3A_34 = tpu.memref_slice %arg3[%add3A, %dma_wait3A_32, %dma_wait3A_33] : memref<32x50x32xi32, #tpu.memory_space<hbm>> -> memref<1x50x32xi32, #tpu.memory_space<hbm>>
      %dma_wait3A_35 = tpu.memref_squeeze %dma_wait3A_34 : memref<1x50x32xi32, #tpu.memory_space<hbm>> -> memref<50x32xi32, #tpu.memory_space<hbm>>
      tpu.wait_dma2 semaphore(%run_scoped3A : memref<!tpu.dma_semaphore, #tpu.memory_space<semaphore_mem>>) src(%dma_wait3A_35 : memref<50x32xi32, #tpu.memory_space<hbm>>) dst(%arg7 : memref<50x32xi32, #tpu.memory_space<vmem>>)
      tpu.yield
    }) : () -> ()
    "tpu.region"() ({
      %run_scoped3A = tpu.sem_alloc : memref<!tpu.dma_semaphore, #tpu.memory_space<semaphore_mem>>
      %dma_start3A_21 = arith.constant 0 : i32
      %dma_start3A_22 = arith.constant 0 : i32
      %dma_start3A_23 = tpu.memref_slice %arg4[%add3A, %dma_start3A_21, %dma_start3A_22] : memref<32x50x32xi32, #tpu.memory_space<hbm>> -> memref<1x50x32xi32, #tpu.memory_space<hbm>>
      %dma_start3A_24 = tpu.memref_squeeze %dma_start3A_23 : memref<1x50x32xi32, #tpu.memory_space<hbm>> -> memref<50x32xi32, #tpu.memory_space<hbm>>
      %dma_start3A_25 = arith.constant 0 : i32
      %dma_start3A_26 = arith.constant 0 : i32
      %dma_start3A_27 = tpu.memref_slice %arg4[%add3A, %dma_start3A_25, %dma_start3A_26] : memref<32x50x32xi32, #tpu.memory_space<hbm>> -> memref<1x50x32xi32, #tpu.memory_space<hbm>>
      %dma_start3A_28 = tpu.memref_squeeze %dma_start3A_27 : memref<1x50x32xi32, #tpu.memory_space<hbm>> -> memref<50x32xi32, #tpu.memory_space<hbm>>
      tpu.enqueue_dma source(%dma_start3A_28 : memref<50x32xi32, #tpu.memory_space<hbm>>) target(%arg8 : memref<50x32xi32, #tpu.memory_space<vmem>>) target_semaphore(%run_scoped3A : memref<!tpu.dma_semaphore, #tpu.memory_space<semaphore_mem>>)
      %dma_wait3A = arith.constant 0 : i32
      %dma_wait3A_29 = arith.constant 0 : i32
      %dma_wait3A_30 = tpu.memref_slice %arg4[%add3A, %dma_wait3A, %dma_wait3A_29] : memref<32x50x32xi32, #tpu.memory_space<hbm>> -> memref<1x50x32xi32, #tpu.memory_space<hbm>>
      %dma_wait3A_31 = tpu.memref_squeeze %dma_wait3A_30 : memref<1x50x32xi32, #tpu.memory_space<hbm>> -> memref<50x32xi32, #tpu.memory_space<hbm>>
      %dma_wait3A_32 = arith.constant 0 : i32
      %dma_wait3A_33 = arith.constant 0 : i32
      %dma_wait3A_34 = tpu.memref_slice %arg4[%add3A, %dma_wait3A_32, %dma_wait3A_33] : memref<32x50x32xi32, #tpu.memory_space<hbm>> -> memref<1x50x32xi32, #tpu.memory_space<hbm>>
      %dma_wait3A_35 = tpu.memref_squeeze %dma_wait3A_34 : memref<1x50x32xi32, #tpu.memory_space<hbm>> -> memref<50x32xi32, #tpu.memory_space<hbm>>
      tpu.wait_dma2 semaphore(%run_scoped3A : memref<!tpu.dma_semaphore, #tpu.memory_space<semaphore_mem>>) src(%dma_wait3A_35 : memref<50x32xi32, #tpu.memory_space<hbm>>) dst(%arg8 : memref<50x32xi32, #tpu.memory_space<vmem>>)
      tpu.yield
    }) : () -> ()
    %dma_start3A = arith.constant 0 : i32
    %dma_start3A_3 = arith.constant 0 : i32
    %dma_start3A_4 = tpu.memref_slice %arg7[%dma_start3A, %dma_start3A_3] : memref<50x32xi32, #tpu.memory_space<vmem>> -> memref<1x32xi32, #tpu.memory_space<vmem>>
    %dma_start3A_5 = tpu.memref_squeeze %dma_start3A_4 : memref<1x32xi32, #tpu.memory_space<vmem>> -> memref<32xi32, #tpu.memory_space<vmem>>
    %dma_start3A_6 = arith.constant 0 : i32
    %dma_start3A_7 = arith.constant 0 : i32
    %dma_start3A_8 = tpu.memref_slice %arg2[%dma_start3A_6, %dma_start3A_7] : memref<800x128xf32, #tpu.memory_space<hbm>> -> memref<800x128xf32, #tpu.memory_space<hbm>>
    tpu.enqueue_indirect_dma source(%dma_start3A_8 : memref<800x128xf32, #tpu.memory_space<hbm>>) target(%arg9 : memref<32x128xf32, #tpu.memory_space<vmem>>) offsets(%dma_start3A_5 : memref<32xi32, #tpu.memory_space<vmem>>) semaphore(%arg13 : memref<!tpu.dma_semaphore, #tpu.memory_space<semaphore_mem>>)
    %dma_start3A_9 = arith.constant 0 : i32
    %dma_start3A_10 = arith.constant 0 : i32
    %dma_start3A_11 = tpu.memref_slice %arg8[%dma_start3A_9, %dma_start3A_10] : memref<50x32xi32, #tpu.memory_space<vmem>> -> memref<1x32xi32, #tpu.memory_space<vmem>>
    %dma_start3A_12 = tpu.memref_squeeze %dma_start3A_11 : memref<1x32xi32, #tpu.memory_space<vmem>> -> memref<32xi32, #tpu.memory_space<vmem>>
    %dma_start3A_13 = arith.constant 0 : i32
    %dma_start3A_14 = arith.constant 0 : i32
    %dma_start3A_15 = tpu.memref_slice %arg2[%dma_start3A_13, %dma_start3A_14] : memref<800x128xf32, #tpu.memory_space<hbm>> -> memref<800x128xf32, #tpu.memory_space<hbm>>
    tpu.enqueue_indirect_dma source(%dma_start3A_15 : memref<800x128xf32, #tpu.memory_space<hbm>>) target(%arg10 : memref<32x128xf32, #tpu.memory_space<vmem>>) offsets(%dma_start3A_12 : memref<32xi32, #tpu.memory_space<vmem>>) semaphore(%arg14 : memref<!tpu.dma_semaphore, #tpu.memory_space<semaphore_mem>>)
    %scan3A = arith.constant 0 : i32
    %scan3A_16 = arith.constant 0 : i32
    %scan3A_17 = arith.constant 25 : i32
    %scan3A_18 = arith.addi %scan3A_16, %scan3A_17 : i32
    %scan3A_19 = arith.constant 1 : i32
    scf.for %scan3A_21 = %scan3A_16 to %scan3A_18 step %scan3A_19  : i32 {
      %mul3A_22 = arith.constant 2 : i32
      %mul3A_23 = arith.muli %scan3A_21, %mul3A_22 : i32
      %add3A_24 = arith.constant 1 : i32
      %add3A_25 = arith.addi %mul3A_23, %add3A_24 : i32
      %dma_start3A_26 = arith.constant 0 : i32
      %dma_start3A_27 = tpu.memref_slice %arg7[%add3A_25, %dma_start3A_26] : memref<50x32xi32, #tpu.memory_space<vmem>> -> memref<1x32xi32, #tpu.memory_space<vmem>>
      %dma_start3A_28 = tpu.memref_squeeze %dma_start3A_27 : memref<1x32xi32, #tpu.memory_space<vmem>> -> memref<32xi32, #tpu.memory_space<vmem>>
      %dma_start3A_29 = arith.constant 0 : i32
      %dma_start3A_30 = arith.constant 0 : i32
      %dma_start3A_31 = tpu.memref_slice %arg2[%dma_start3A_29, %dma_start3A_30] : memref<800x128xf32, #tpu.memory_space<hbm>> -> memref<800x128xf32, #tpu.memory_space<hbm>>
      tpu.enqueue_indirect_dma source(%dma_start3A_31 : memref<800x128xf32, #tpu.memory_space<hbm>>) target(%arg11 : memref<32x128xf32, #tpu.memory_space<vmem>>) offsets(%dma_start3A_28 : memref<32xi32, #tpu.memory_space<vmem>>) semaphore(%arg15 : memref<!tpu.dma_semaphore, #tpu.memory_space<semaphore_mem>>)
      %dma_start3A_32 = arith.constant 0 : i32
      %dma_start3A_33 = tpu.memref_slice %arg8[%add3A_25, %dma_start3A_32] : memref<50x32xi32, #tpu.memory_space<vmem>> -> memref<1x32xi32, #tpu.memory_space<vmem>>
      %dma_start3A_34 = tpu.memref_squeeze %dma_start3A_33 : memref<1x32xi32, #tpu.memory_space<vmem>> -> memref<32xi32, #tpu.memory_space<vmem>>
      %dma_start3A_35 = arith.constant 0 : i32
      %dma_start3A_36 = arith.constant 0 : i32
      %dma_start3A_37 = tpu.memref_slice %arg2[%dma_start3A_35, %dma_start3A_36] : memref<800x128xf32, #tpu.memory_space<hbm>> -> memref<800x128xf32, #tpu.memory_space<hbm>>
      tpu.enqueue_indirect_dma source(%dma_start3A_37 : memref<800x128xf32, #tpu.memory_space<hbm>>) target(%arg12 : memref<32x128xf32, #tpu.memory_space<vmem>>) offsets(%dma_start3A_34 : memref<32xi32, #tpu.memory_space<vmem>>) semaphore(%arg16 : memref<!tpu.dma_semaphore, #tpu.memory_space<semaphore_mem>>)
      %dma_wait3A = arith.constant 0 : i32
      %dma_wait3A_38 = arith.constant 0 : i32
      %dma_wait3A_39 = tpu.memref_slice %arg2[%dma_wait3A, %dma_wait3A_38] : memref<800x128xf32, #tpu.memory_space<hbm>> -> memref<32x128xf32, #tpu.memory_space<hbm>>
      %dma_wait3A_40 = arith.constant 0 : i32
      %dma_wait3A_41 = arith.constant 0 : i32
      %dma_wait3A_42 = tpu.memref_slice %arg2[%dma_wait3A_40, %dma_wait3A_41] : memref<800x128xf32, #tpu.memory_space<hbm>> -> memref<32x128xf32, #tpu.memory_space<hbm>>
      tpu.wait_dma2 semaphore(%arg13 : memref<!tpu.dma_semaphore, #tpu.memory_space<semaphore_mem>>) src(%dma_wait3A_42 : memref<32x128xf32, #tpu.memory_space<hbm>>) dst(%arg9 : memref<32x128xf32, #tpu.memory_space<vmem>>)
      %dma_wait3A_43 = arith.constant 0 : i32
      %dma_wait3A_44 = arith.constant 0 : i32
      %dma_wait3A_45 = tpu.memref_slice %arg2[%dma_wait3A_43, %dma_wait3A_44] : memref<800x128xf32, #tpu.memory_space<hbm>> -> memref<32x128xf32, #tpu.memory_space<hbm>>
      %dma_wait3A_46 = arith.constant 0 : i32
      %dma_wait3A_47 = arith.constant 0 : i32
      %dma_wait3A_48 = tpu.memref_slice %arg2[%dma_wait3A_46, %dma_wait3A_47] : memref<800x128xf32, #tpu.memory_space<hbm>> -> memref<32x128xf32, #tpu.memory_space<hbm>>
      tpu.wait_dma2 semaphore(%arg14 : memref<!tpu.dma_semaphore, #tpu.memory_space<semaphore_mem>>) src(%dma_wait3A_48 : memref<32x128xf32, #tpu.memory_space<hbm>>) dst(%arg10 : memref<32x128xf32, #tpu.memory_space<vmem>>)
      %mul3A_49 = arith.constant 32 : i32
      %mul3A_50 = arith.muli %mul3A_23, %mul3A_49 : i32
      %add3A_51 = arith.addi %mul3A_2, %mul3A_50 : i32
      "tpu.region"() ({
        %run_scoped3A = tpu.sem_alloc : memref<!tpu.dma_semaphore, #tpu.memory_space<semaphore_mem>>
        %dma_start3A_79 = arith.constant 0 : i32
        %dma_start3A_80 = tpu.memref_slice %arg5[%add3A_51, %dma_start3A_79] : memref<51200x128xf32, #tpu.memory_space<hbm>> -> memref<32x128xf32, #tpu.memory_space<hbm>>
        %dma_start3A_81 = arith.constant 0 : i32
        %dma_start3A_82 = tpu.memref_slice %arg5[%add3A_51, %dma_start3A_81] : memref<51200x128xf32, #tpu.memory_space<hbm>> -> memref<32x128xf32, #tpu.memory_space<hbm>>
        tpu.enqueue_dma source(%arg9 : memref<32x128xf32, #tpu.memory_space<vmem>>) target(%dma_start3A_82 : memref<32x128xf32, #tpu.memory_space<hbm>>) target_semaphore(%run_scoped3A : memref<!tpu.dma_semaphore, #tpu.memory_space<semaphore_mem>>)
        %dma_wait3A_83 = arith.constant 0 : i32
        %dma_wait3A_84 = tpu.memref_slice %arg5[%add3A_51, %dma_wait3A_83] : memref<51200x128xf32, #tpu.memory_space<hbm>> -> memref<32x128xf32, #tpu.memory_space<hbm>>
        %dma_wait3A_85 = arith.constant 0 : i32
        %dma_wait3A_86 = tpu.memref_slice %arg5[%add3A_51, %dma_wait3A_85] : memref<51200x128xf32, #tpu.memory_space<hbm>> -> memref<32x128xf32, #tpu.memory_space<hbm>>
        tpu.wait_dma2 semaphore(%run_scoped3A : memref<!tpu.dma_semaphore, #tpu.memory_space<semaphore_mem>>) src(%arg9 : memref<32x128xf32, #tpu.memory_space<vmem>>) dst(%dma_wait3A_86 : memref<32x128xf32, #tpu.memory_space<hbm>>)
        tpu.yield
      }) : () -> ()
      %mul3A_52 = arith.constant 32 : i32
      %mul3A_53 = arith.muli %mul3A_23, %mul3A_52 : i32
      %add3A_54 = arith.addi %mul3A_2, %mul3A_53 : i32
      "tpu.region"() ({
        %run_scoped3A = tpu.sem_alloc : memref<!tpu.dma_semaphore, #tpu.memory_space<semaphore_mem>>
        %dma_start3A_79 = arith.constant 0 : i32
        %dma_start3A_80 = tpu.memref_slice %arg6[%add3A_54, %dma_start3A_79] : memref<51200x128xf32, #tpu.memory_space<hbm>> -> memref<32x128xf32, #tpu.memory_space<hbm>>
        %dma_start3A_81 = arith.constant 0 : i32
        %dma_start3A_82 = tpu.memref_slice %arg6[%add3A_54, %dma_start3A_81] : memref<51200x128xf32, #tpu.memory_space<hbm>> -> memref<32x128xf32, #tpu.memory_space<hbm>>
        tpu.enqueue_dma source(%arg10 : memref<32x128xf32, #tpu.memory_space<vmem>>) target(%dma_start3A_82 : memref<32x128xf32, #tpu.memory_space<hbm>>) target_semaphore(%run_scoped3A : memref<!tpu.dma_semaphore, #tpu.memory_space<semaphore_mem>>)
        %dma_wait3A_83 = arith.constant 0 : i32
        %dma_wait3A_84 = tpu.memref_slice %arg6[%add3A_54, %dma_wait3A_83] : memref<51200x128xf32, #tpu.memory_space<hbm>> -> memref<32x128xf32, #tpu.memory_space<hbm>>
        %dma_wait3A_85 = arith.constant 0 : i32
        %dma_wait3A_86 = tpu.memref_slice %arg6[%add3A_54, %dma_wait3A_85] : memref<51200x128xf32, #tpu.memory_space<hbm>> -> memref<32x128xf32, #tpu.memory_space<hbm>>
        tpu.wait_dma2 semaphore(%run_scoped3A : memref<!tpu.dma_semaphore, #tpu.memory_space<semaphore_mem>>) src(%arg10 : memref<32x128xf32, #tpu.memory_space<vmem>>) dst(%dma_wait3A_86 : memref<32x128xf32, #tpu.memory_space<hbm>>)
        tpu.yield
      }) : () -> ()
      %add3A_55 = arith.constant 2 : i32
      %add3A_56 = arith.addi %mul3A_23, %add3A_55 : i32
      %lt3A = arith.constant 50 : i32
      %lt3A_57 = arith.cmpi slt, %add3A_56, %lt3A : i32
      %convert_element_type3A = arith.extui %lt3A_57 : i1 to i32
      %cond3A = arith.constant 0 : i32
      %cond3A_58 = arith.cmpi ne, %convert_element_type3A, %cond3A : i32
      scf.if %cond3A_58 {
        %add3A_79 = arith.constant 2 : i32
        %add3A_80 = arith.addi %mul3A_23, %add3A_79 : i32
        %dma_start3A_81 = arith.constant 0 : i32
        %dma_start3A_82 = tpu.memref_slice %arg7[%add3A_80, %dma_start3A_81] : memref<50x32xi32, #tpu.memory_space<vmem>> -> memref<1x32xi32, #tpu.memory_space<vmem>>
        %dma_start3A_83 = tpu.memref_squeeze %dma_start3A_82 : memref<1x32xi32, #tpu.memory_space<vmem>> -> memref<32xi32, #tpu.memory_space<vmem>>
        %dma_start3A_84 = arith.constant 0 : i32
        %dma_start3A_85 = arith.constant 0 : i32
        %dma_start3A_86 = tpu.memref_slice %arg2[%dma_start3A_84, %dma_start3A_85] : memref<800x128xf32, #tpu.memory_space<hbm>> -> memref<800x128xf32, #tpu.memory_space<hbm>>
        tpu.enqueue_indirect_dma source(%dma_start3A_86 : memref<800x128xf32, #tpu.memory_space<hbm>>) target(%arg9 : memref<32x128xf32, #tpu.memory_space<vmem>>) offsets(%dma_start3A_83 : memref<32xi32, #tpu.memory_space<vmem>>) semaphore(%arg13 : memref<!tpu.dma_semaphore, #tpu.memory_space<semaphore_mem>>)
        %dma_start3A_87 = arith.constant 0 : i32
        %dma_start3A_88 = tpu.memref_slice %arg8[%add3A_80, %dma_start3A_87] : memref<50x32xi32, #tpu.memory_space<vmem>> -> memref<1x32xi32, #tpu.memory_space<vmem>>
        %dma_start3A_89 = tpu.memref_squeeze %dma_start3A_88 : memref<1x32xi32, #tpu.memory_space<vmem>> -> memref<32xi32, #tpu.memory_space<vmem>>
        %dma_start3A_90 = arith.constant 0 : i32
        %dma_start3A_91 = arith.constant 0 : i32
        %dma_start3A_92 = tpu.memref_slice %arg2[%dma_start3A_90, %dma_start3A_91] : memref<800x128xf32, #tpu.memory_space<hbm>> -> memref<800x128xf32, #tpu.memory_space<hbm>>
        tpu.enqueue_indirect_dma source(%dma_start3A_92 : memref<800x128xf32, #tpu.memory_space<hbm>>) target(%arg10 : memref<32x128xf32, #tpu.memory_space<vmem>>) offsets(%dma_start3A_89 : memref<32xi32, #tpu.memory_space<vmem>>) semaphore(%arg14 : memref<!tpu.dma_semaphore, #tpu.memory_space<semaphore_mem>>)
      } else {
      }
      %dma_wait3A_59 = arith.constant 0 : i32
      %dma_wait3A_60 = arith.constant 0 : i32
      %dma_wait3A_61 = tpu.memref_slice %arg2[%dma_wait3A_59, %dma_wait3A_60] : memref<800x128xf32, #tpu.memory_space<hbm>> -> memref<32x128xf32, #tpu.memory_space<hbm>>
      %dma_wait3A_62 = arith.constant 0 : i32
      %dma_wait3A_63 = arith.constant 0 : i32
      %dma_wait3A_64 = tpu.memref_slice %arg2[%dma_wait3A_62, %dma_wait3A_63] : memref<800x128xf32, #tpu.memory_space<hbm>> -> memref<32x128xf32, #tpu.memory_space<hbm>>
      tpu.wait_dma2 semaphore(%arg15 : memref<!tpu.dma_semaphore, #tpu.memory_space<semaphore_mem>>) src(%dma_wait3A_64 : memref<32x128xf32, #tpu.memory_space<hbm>>) dst(%arg11 : memref<32x128xf32, #tpu.memory_space<vmem>>)
      %dma_wait3A_65 = arith.constant 0 : i32
      %dma_wait3A_66 = arith.constant 0 : i32
      %dma_wait3A_67 = tpu.memref_slice %arg2[%dma_wait3A_65, %dma_wait3A_66] : memref<800x128xf32, #tpu.memory_space<hbm>> -> memref<32x128xf32, #tpu.memory_space<hbm>>
      %dma_wait3A_68 = arith.constant 0 : i32
      %dma_wait3A_69 = arith.constant 0 : i32
      %dma_wait3A_70 = tpu.memref_slice %arg2[%dma_wait3A_68, %dma_wait3A_69] : memref<800x128xf32, #tpu.memory_space<hbm>> -> memref<32x128xf32, #tpu.memory_space<hbm>>
      tpu.wait_dma2 semaphore(%arg16 : memref<!tpu.dma_semaphore, #tpu.memory_space<semaphore_mem>>) src(%dma_wait3A_70 : memref<32x128xf32, #tpu.memory_space<hbm>>) dst(%arg12 : memref<32x128xf32, #tpu.memory_space<vmem>>)
      %add3A_71 = arith.constant 1 : i32
      %add3A_72 = arith.addi %mul3A_23, %add3A_71 : i32
      %mul3A_73 = arith.constant 32 : i32
      %mul3A_74 = arith.muli %add3A_72, %mul3A_73 : i32
      %add3A_75 = arith.addi %mul3A_2, %mul3A_74 : i32
      "tpu.region"() ({
        %run_scoped3A = tpu.sem_alloc : memref<!tpu.dma_semaphore, #tpu.memory_space<semaphore_mem>>
        %dma_start3A_79 = arith.constant 0 : i32
        %dma_start3A_80 = tpu.memref_slice %arg5[%add3A_75, %dma_start3A_79] : memref<51200x128xf32, #tpu.memory_space<hbm>> -> memref<32x128xf32, #tpu.memory_space<hbm>>
        %dma_start3A_81 = arith.constant 0 : i32
        %dma_start3A_82 = tpu.memref_slice %arg5[%add3A_75, %dma_start3A_81] : memref<51200x128xf32, #tpu.memory_space<hbm>> -> memref<32x128xf32, #tpu.memory_space<hbm>>
        tpu.enqueue_dma source(%arg11 : memref<32x128xf32, #tpu.memory_space<vmem>>) target(%dma_start3A_82 : memref<32x128xf32, #tpu.memory_space<hbm>>) target_semaphore(%run_scoped3A : memref<!tpu.dma_semaphore, #tpu.memory_space<semaphore_mem>>)
        %dma_wait3A_83 = arith.constant 0 : i32
        %dma_wait3A_84 = tpu.memref_slice %arg5[%add3A_75, %dma_wait3A_83] : memref<51200x128xf32, #tpu.memory_space<hbm>> -> memref<32x128xf32, #tpu.memory_space<hbm>>
        %dma_wait3A_85 = arith.constant 0 : i32
        %dma_wait3A_86 = tpu.memref_slice %arg5[%add3A_75, %dma_wait3A_85] : memref<51200x128xf32, #tpu.memory_space<hbm>> -> memref<32x128xf32, #tpu.memory_space<hbm>>
        tpu.wait_dma2 semaphore(%run_scoped3A : memref<!tpu.dma_semaphore, #tpu.memory_space<semaphore_mem>>) src(%arg11 : memref<32x128xf32, #tpu.memory_space<vmem>>) dst(%dma_wait3A_86 : memref<32x128xf32, #tpu.memory_space<hbm>>)
        tpu.yield
      }) : () -> ()
      %mul3A_76 = arith.constant 32 : i32
      %mul3A_77 = arith.muli %add3A_72, %mul3A_76 : i32
      %add3A_78 = arith.addi %mul3A_2, %mul3A_77 : i32
      "tpu.region"() ({
        %run_scoped3A = tpu.sem_alloc : memref<!tpu.dma_semaphore, #tpu.memory_space<semaphore_mem>>
        %dma_start3A_79 = arith.constant 0 : i32
        %dma_start3A_80 = tpu.memref_slice %arg6[%add3A_78, %dma_start3A_79] : memref<51200x128xf32, #tpu.memory_space<hbm>> -> memref<32x128xf32, #tpu.memory_space<hbm>>
        %dma_start3A_81 = arith.constant 0 : i32
        %dma_start3A_82 = tpu.memref_slice %arg6[%add3A_78, %dma_start3A_81] : memref<51200x128xf32, #tpu.memory_space<hbm>> -> memref<32x128xf32, #tpu.memory_space<hbm>>
        tpu.enqueue_dma source(%arg12 : memref<32x128xf32, #tpu.memory_space<vmem>>) target(%dma_start3A_82 : memref<32x128xf32, #tpu.memory_space<hbm>>) target_semaphore(%run_scoped3A : memref<!tpu.dma_semaphore, #tpu.memory_space<semaphore_mem>>)
        %dma_wait3A_83 = arith.constant 0 : i32
        %dma_wait3A_84 = tpu.memref_slice %arg6[%add3A_78, %dma_wait3A_83] : memref<51200x128xf32, #tpu.memory_space<hbm>> -> memref<32x128xf32, #tpu.memory_space<hbm>>
        %dma_wait3A_85 = arith.constant 0 : i32
        %dma_wait3A_86 = tpu.memref_slice %arg6[%add3A_78, %dma_wait3A_85] : memref<51200x128xf32, #tpu.memory_space<hbm>> -> memref<32x128xf32, #tpu.memory_space<hbm>>
        tpu.wait_dma2 semaphore(%run_scoped3A : memref<!tpu.dma_semaphore, #tpu.memory_space<semaphore_mem>>) src(%arg12 : memref<32x128xf32, #tpu.memory_space<vmem>>) dst(%dma_wait3A_86 : memref<32x128xf32, #tpu.memory_space<hbm>>)
        tpu.yield
      }) : () -> ()
    }
    %scan3A_20 = arith.constant 25 : i32
    return
  }
}

module attributes {stable_mosaic.version = 14 : i64} {
  func.func @_t1_body(%arg0: memref<400x64xf32, #tpu.memory_space<vmem>>, %arg1: memref<400x64xf32, #tpu.memory_space<vmem>>, %arg2: memref<64x128xf32, #tpu.memory_space<vmem>>, %arg3: memref<1x128xf32, #tpu.memory_space<vmem>>, %arg4: memref<128x128xf32, #tpu.memory_space<vmem>>, %arg5: memref<128x128xf32, #tpu.memory_space<vmem>>, %arg6: memref<16x128xf32, #tpu.memory_space<vmem>>, %arg7: memref<1x128xf32, #tpu.memory_space<vmem>>, %arg8: memref<128x128xf32, #tpu.memory_space<vmem>>, %arg9: memref<1x128xf32, #tpu.memory_space<vmem>>, %arg10: memref<128x128xf32, #tpu.memory_space<vmem>>, %arg11: memref<1x128xf32, #tpu.memory_space<vmem>>, %arg12: memref<800x128xf32, #tpu.memory_space<vmem>>, %arg13: memref<1x16xf32, #tpu.memory_space<vmem>>, %arg14: memref<16x128xf32, #tpu.memory_space<vmem>>, %arg15: memref<1x128xf32, #tpu.memory_space<vmem>>, %arg16: memref<16x128xf32, #tpu.memory_space<vmem>>, %arg17: memref<1x128xf32, #tpu.memory_space<vmem>>) attributes {dimension_semantics = [], scalar_prefetch = 0 : i64, scratch_operands = 0 : i64, tpu.core_type = #tpu.core_type<tc>} {
    %get3A = arith.constant 0 : index
    %get3A_0 = arith.constant 0 : index
    %get3A_1 = vector.load %arg0[%get3A, %get3A_0] : memref<400x64xf32, #tpu.memory_space<vmem>>, vector<400x64xf32>
    %get3A_2 = arith.constant 0 : index
    %get3A_3 = arith.constant 0 : index
    %get3A_4 = vector.load %arg2[%get3A_2, %get3A_3] : memref<64x128xf32, #tpu.memory_space<vmem>>, vector<64x128xf32>
    %dot_general3A = arith.constant dense<0.000000e+00> : vector<400x128xf32>
    %dot_general3A_5 = tpu.matmul %get3A_1, %get3A_4, %dot_general3A {dimension_numbers = #tpu.dot_dimension_numbers<[1], [0], [0], [1], [0, 0, 1, 1], [], []>, transpose_lhs_hint = false} : vector<400x64xf32>, vector<64x128xf32>, vector<400x128xf32> -> vector<400x128xf32>
    %get3A_6 = arith.constant 0 : index
    %get3A_7 = arith.constant 0 : index
    %get3A_8 = vector.load %arg3[%get3A_6, %get3A_7] : memref<1x128xf32, #tpu.memory_space<vmem>>, vector<1x128xf32>
    %add3A = vector.broadcast %get3A_8 : vector<1x128xf32> to vector<400x128xf32>
    %add3A_9 = arith.addf %dot_general3A_5, %add3A : vector<400x128xf32>
    %get3A_10 = arith.constant 0 : index
    %get3A_11 = arith.constant 0 : index
    %get3A_12 = vector.load %arg1[%get3A_10, %get3A_11] : memref<400x64xf32, #tpu.memory_space<vmem>>, vector<400x64xf32>
    %get3A_13 = arith.constant 0 : index
    %get3A_14 = arith.constant 0 : index
    %get3A_15 = vector.load %arg2[%get3A_13, %get3A_14] : memref<64x128xf32, #tpu.memory_space<vmem>>, vector<64x128xf32>
    %dot_general3A_16 = arith.constant dense<0.000000e+00> : vector<400x128xf32>
    %dot_general3A_17 = tpu.matmul %get3A_12, %get3A_15, %dot_general3A_16 {dimension_numbers = #tpu.dot_dimension_numbers<[1], [0], [0], [1], [0, 0, 1, 1], [], []>, transpose_lhs_hint = false} : vector<400x64xf32>, vector<64x128xf32>, vector<400x128xf32> -> vector<400x128xf32>
    %get3A_18 = arith.constant 0 : index
    %get3A_19 = arith.constant 0 : index
    %get3A_20 = vector.load %arg3[%get3A_18, %get3A_19] : memref<1x128xf32, #tpu.memory_space<vmem>>, vector<1x128xf32>
    %add3A_21 = vector.broadcast %get3A_20 : vector<1x128xf32> to vector<400x128xf32>
    %add3A_22 = arith.addf %dot_general3A_17, %add3A_21 : vector<400x128xf32>
    %concatenate3A = tpu.concatenate %add3A_9, %add3A_22 in 0 : vector<400x128xf32>, vector<400x128xf32> -> vector<800x128xf32>
    %swap3A = arith.constant 0 : index
    %swap3A_23 = arith.constant 0 : index
    %swap3A_24 = vector.load %arg12[%swap3A, %swap3A_23] : memref<800x128xf32, #tpu.memory_space<vmem>>, vector<800x128xf32>
    tpu.vector_store %arg12[%swap3A, %swap3A_23], %concatenate3A {strides = array<i32>} : memref<800x128xf32, #tpu.memory_space<vmem>>, vector<800x128xf32>,
    %get3A_25 = arith.constant 0 : index
    %get3A_26 = arith.constant 0 : index
    %get3A_27 = vector.load %arg4[%get3A_25, %get3A_26] : memref<128x128xf32, #tpu.memory_space<vmem>>, vector<128x128xf32>
    %dot_general3A_28 = arith.constant dense<0.000000e+00> : vector<800x128xf32>
    %dot_general3A_29 = tpu.matmul %concatenate3A, %get3A_27, %dot_general3A_28 {dimension_numbers = #tpu.dot_dimension_numbers<[1], [0], [0], [1], [0, 0, 1, 1], [], []>, transpose_lhs_hint = false} : vector<800x128xf32>, vector<128x128xf32>, vector<800x128xf32> -> vector<800x128xf32>
    %get3A_30 = arith.constant 0 : index
    %get3A_31 = arith.constant 0 : index
    %get3A_32 = vector.load %arg5[%get3A_30, %get3A_31] : memref<128x128xf32, #tpu.memory_space<vmem>>, vector<128x128xf32>
    %dot_general3A_33 = arith.constant dense<0.000000e+00> : vector<800x128xf32>
    %dot_general3A_34 = tpu.matmul %concatenate3A, %get3A_32, %dot_general3A_33 {dimension_numbers = #tpu.dot_dimension_numbers<[1], [0], [0], [1], [0, 0, 1, 1], [], []>, transpose_lhs_hint = false} : vector<800x128xf32>, vector<128x128xf32>, vector<800x128xf32> -> vector<800x128xf32>
    %broadcast_in_dim3A = arith.constant 0.000000e+00 : f32
    %broadcast_in_dim3A_35 = vector.broadcast %broadcast_in_dim3A : f32 to vector<1x16xf32>
    %slice3A = vector.extract_strided_slice %dot_general3A_29 {offsets = [0, 0], sizes = [800, 16], strides = [1, 1]} : vector<800x128xf32> to vector<800x16xf32>
    %slice3A_36 = vector.extract_strided_slice %dot_general3A_34 {offsets = [0, 0], sizes = [800, 16], strides = [1, 1]} : vector<800x128xf32> to vector<800x16xf32>
    %dot_general3A_37 = arith.constant dense<0.000000e+00> : vector<800x800xf32>
    %dot_general3A_38 = tpu.matmul %slice3A_36, %slice3A, %dot_general3A_37 {dimension_numbers = #tpu.dot_dimension_numbers<[1], [1], [0], [0], [0, 0, 1, 0], [], []>, transpose_lhs_hint = false} : vector<800x16xf32>, vector<800x16xf32>, vector<800x800xf32> -> vector<800x800xf32>
    %reduce_max3A = arith.constant dense<0xFF800000> : vector<800xf32>
    %reduce_max3A_39 = vector.multi_reduction <maximumf>, %dot_general3A_38, %reduce_max3A [1] : vector<800x800xf32> to vector<800xf32>
    %broadcast_in_dim3A_40 = vector.shape_cast %reduce_max3A_39 : vector<800xf32> to vector<800x1xf32>
    %reduce_max3A_41 = arith.constant dense<0xFF800000> : vector<1xf32>
    %reduce_max3A_42 = vector.multi_reduction <maximumf>, %broadcast_in_dim3A_40, %reduce_max3A_41 [0] : vector<800x1xf32> to vector<1xf32>
    %broadcast_in_dim3A_43 = vector.shape_cast %reduce_max3A_42 : vector<1xf32> to vector<1x1xf32>
    %mul3A = arith.constant 2.500000e-01 : f32
    %mul3A_44 = vector.broadcast %mul3A : f32 to vector<1x1xf32>
    %mul3A_45 = arith.mulf %broadcast_in_dim3A_43, %mul3A_44 : vector<1x1xf32>
    %iota3A = tpu.iota {dimensions = array<i32: 1>} : vector<1x16xi32>
    %eq3A = arith.constant 0 : i32
    %eq3A_46 = vector.broadcast %eq3A : i32 to vector<1x16xi32>
    %eq3A_47 = arith.cmpi eq, %iota3A, %eq3A_46 : vector<1x16xi32>
    %jit3A = arith.constant 1.000000e+00 : f32
    %jit3A_48 = arith.constant 0.000000e+00 : f32
    %broadcast_in_dim3A_49 = vector.broadcast %jit3A : f32 to vector<1x16xf32>
    %broadcast_in_dim3A_50 = vector.broadcast %jit3A_48 : f32 to vector<1x16xf32>
    %select_n3A = arith.select %eq3A_47, %broadcast_in_dim3A_49, %broadcast_in_dim3A_50 : vector<1x16xi1>, vector<1x16xf32>
    %mul3A_51 = vector.broadcast %mul3A_45 : vector<1x1xf32> to vector<1x16xf32>
    %mul3A_52 = arith.mulf %mul3A_51, %select_n3A : vector<1x16xf32>
    %add3A_53 = arith.addf %broadcast_in_dim3A_35, %mul3A_52 : vector<1x16xf32>
    %slice3A_54 = vector.extract_strided_slice %dot_general3A_29 {offsets = [0, 16], sizes = [800, 16], strides = [1, 1]} : vector<800x128xf32> to vector<800x16xf32>
    %slice3A_55 = vector.extract_strided_slice %dot_general3A_34 {offsets = [0, 16], sizes = [800, 16], strides = [1, 1]} : vector<800x128xf32> to vector<800x16xf32>
    %dot_general3A_56 = arith.constant dense<0.000000e+00> : vector<800x800xf32>
    %dot_general3A_57 = tpu.matmul %slice3A_55, %slice3A_54, %dot_general3A_56 {dimension_numbers = #tpu.dot_dimension_numbers<[1], [1], [0], [0], [0, 0, 1, 0], [], []>, transpose_lhs_hint = false} : vector<800x16xf32>, vector<800x16xf32>, vector<800x800xf32> -> vector<800x800xf32>
    %reduce_max3A_58 = arith.constant dense<0xFF800000> : vector<800xf32>
    %reduce_max3A_59 = vector.multi_reduction <maximumf>, %dot_general3A_57, %reduce_max3A_58 [1] : vector<800x800xf32> to vector<800xf32>
    %broadcast_in_dim3A_60 = vector.shape_cast %reduce_max3A_59 : vector<800xf32> to vector<800x1xf32>
    %reduce_max3A_61 = arith.constant dense<0xFF800000> : vector<1xf32>
    %reduce_max3A_62 = vector.multi_reduction <maximumf>, %broadcast_in_dim3A_60, %reduce_max3A_61 [0] : vector<800x1xf32> to vector<1xf32>
    %broadcast_in_dim3A_63 = vector.shape_cast %reduce_max3A_62 : vector<1xf32> to vector<1x1xf32>
    %mul3A_64 = arith.constant 2.500000e-01 : f32
    %mul3A_65 = vector.broadcast %mul3A_64 : f32 to vector<1x1xf32>
    %mul3A_66 = arith.mulf %broadcast_in_dim3A_63, %mul3A_65 : vector<1x1xf32>
    %iota3A_67 = tpu.iota {dimensions = array<i32: 1>} : vector<1x16xi32>
    %eq3A_68 = arith.constant 1 : i32
    %eq3A_69 = vector.broadcast %eq3A_68 : i32 to vector<1x16xi32>
    %eq3A_70 = arith.cmpi eq, %iota3A_67, %eq3A_69 : vector<1x16xi32>
    %jit3A_71 = arith.constant 1.000000e+00 : f32
    %jit3A_72 = arith.constant 0.000000e+00 : f32
    %broadcast_in_dim3A_73 = vector.broadcast %jit3A_71 : f32 to vector<1x16xf32>
    %broadcast_in_dim3A_74 = vector.broadcast %jit3A_72 : f32 to vector<1x16xf32>
    %select_n3A_75 = arith.select %eq3A_70, %broadcast_in_dim3A_73, %broadcast_in_dim3A_74 : vector<1x16xi1>, vector<1x16xf32>
    %mul3A_76 = vector.broadcast %mul3A_66 : vector<1x1xf32> to vector<1x16xf32>
    %mul3A_77 = arith.mulf %mul3A_76, %select_n3A_75 : vector<1x16xf32>
    %add3A_78 = arith.addf %add3A_53, %mul3A_77 : vector<1x16xf32>
    %slice3A_79 = vector.extract_strided_slice %dot_general3A_29 {offsets = [0, 32], sizes = [800, 16], strides = [1, 1]} : vector<800x128xf32> to vector<800x16xf32>
    %slice3A_80 = vector.extract_strided_slice %dot_general3A_34 {offsets = [0, 32], sizes = [800, 16], strides = [1, 1]} : vector<800x128xf32> to vector<800x16xf32>
    %dot_general3A_81 = arith.constant dense<0.000000e+00> : vector<800x800xf32>
    %dot_general3A_82 = tpu.matmul %slice3A_80, %slice3A_79, %dot_general3A_81 {dimension_numbers = #tpu.dot_dimension_numbers<[1], [1], [0], [0], [0, 0, 1, 0], [], []>, transpose_lhs_hint = false} : vector<800x16xf32>, vector<800x16xf32>, vector<800x800xf32> -> vector<800x800xf32>
    %reduce_max3A_83 = arith.constant dense<0xFF800000> : vector<800xf32>
    %reduce_max3A_84 = vector.multi_reduction <maximumf>, %dot_general3A_82, %reduce_max3A_83 [1] : vector<800x800xf32> to vector<800xf32>
    %broadcast_in_dim3A_85 = vector.shape_cast %reduce_max3A_84 : vector<800xf32> to vector<800x1xf32>
    %reduce_max3A_86 = arith.constant dense<0xFF800000> : vector<1xf32>
    %reduce_max3A_87 = vector.multi_reduction <maximumf>, %broadcast_in_dim3A_85, %reduce_max3A_86 [0] : vector<800x1xf32> to vector<1xf32>
    %broadcast_in_dim3A_88 = vector.shape_cast %reduce_max3A_87 : vector<1xf32> to vector<1x1xf32>
    %mul3A_89 = arith.constant 2.500000e-01 : f32
    %mul3A_90 = vector.broadcast %mul3A_89 : f32 to vector<1x1xf32>
    %mul3A_91 = arith.mulf %broadcast_in_dim3A_88, %mul3A_90 : vector<1x1xf32>
    %iota3A_92 = tpu.iota {dimensions = array<i32: 1>} : vector<1x16xi32>
    %eq3A_93 = arith.constant 2 : i32
    %eq3A_94 = vector.broadcast %eq3A_93 : i32 to vector<1x16xi32>
    %eq3A_95 = arith.cmpi eq, %iota3A_92, %eq3A_94 : vector<1x16xi32>
    %jit3A_96 = arith.constant 1.000000e+00 : f32
    %jit3A_97 = arith.constant 0.000000e+00 : f32
    %broadcast_in_dim3A_98 = vector.broadcast %jit3A_96 : f32 to vector<1x16xf32>
    %broadcast_in_dim3A_99 = vector.broadcast %jit3A_97 : f32 to vector<1x16xf32>
    %select_n3A_100 = arith.select %eq3A_95, %broadcast_in_dim3A_98, %broadcast_in_dim3A_99 : vector<1x16xi1>, vector<1x16xf32>
    %mul3A_101 = vector.broadcast %mul3A_91 : vector<1x1xf32> to vector<1x16xf32>
    %mul3A_102 = arith.mulf %mul3A_101, %select_n3A_100 : vector<1x16xf32>
    %add3A_103 = arith.addf %add3A_78, %mul3A_102 : vector<1x16xf32>
    %slice3A_104 = vector.extract_strided_slice %dot_general3A_29 {offsets = [0, 48], sizes = [800, 16], strides = [1, 1]} : vector<800x128xf32> to vector<800x16xf32>
    %slice3A_105 = vector.extract_strided_slice %dot_general3A_34 {offsets = [0, 48], sizes = [800, 16], strides = [1, 1]} : vector<800x128xf32> to vector<800x16xf32>
    %dot_general3A_106 = arith.constant dense<0.000000e+00> : vector<800x800xf32>
    %dot_general3A_107 = tpu.matmul %slice3A_105, %slice3A_104, %dot_general3A_106 {dimension_numbers = #tpu.dot_dimension_numbers<[1], [1], [0], [0], [0, 0, 1, 0], [], []>, transpose_lhs_hint = false} : vector<800x16xf32>, vector<800x16xf32>, vector<800x800xf32> -> vector<800x800xf32>
    %reduce_max3A_108 = arith.constant dense<0xFF800000> : vector<800xf32>
    %reduce_max3A_109 = vector.multi_reduction <maximumf>, %dot_general3A_107, %reduce_max3A_108 [1] : vector<800x800xf32> to vector<800xf32>
    %broadcast_in_dim3A_110 = vector.shape_cast %reduce_max3A_109 : vector<800xf32> to vector<800x1xf32>
    %reduce_max3A_111 = arith.constant dense<0xFF800000> : vector<1xf32>
    %reduce_max3A_112 = vector.multi_reduction <maximumf>, %broadcast_in_dim3A_110, %reduce_max3A_111 [0] : vector<800x1xf32> to vector<1xf32>
    %broadcast_in_dim3A_113 = vector.shape_cast %reduce_max3A_112 : vector<1xf32> to vector<1x1xf32>
    %mul3A_114 = arith.constant 2.500000e-01 : f32
    %mul3A_115 = vector.broadcast %mul3A_114 : f32 to vector<1x1xf32>
    %mul3A_116 = arith.mulf %broadcast_in_dim3A_113, %mul3A_115 : vector<1x1xf32>
    %iota3A_117 = tpu.iota {dimensions = array<i32: 1>} : vector<1x16xi32>
    %eq3A_118 = arith.constant 3 : i32
    %eq3A_119 = vector.broadcast %eq3A_118 : i32 to vector<1x16xi32>
    %eq3A_120 = arith.cmpi eq, %iota3A_117, %eq3A_119 : vector<1x16xi32>
    %jit3A_121 = arith.constant 1.000000e+00 : f32
    %jit3A_122 = arith.constant 0.000000e+00 : f32
    %broadcast_in_dim3A_123 = vector.broadcast %jit3A_121 : f32 to vector<1x16xf32>
    %broadcast_in_dim3A_124 = vector.broadcast %jit3A_122 : f32 to vector<1x16xf32>
    %select_n3A_125 = arith.select %eq3A_120, %broadcast_in_dim3A_123, %broadcast_in_dim3A_124 : vector<1x16xi1>, vector<1x16xf32>
    %mul3A_126 = vector.broadcast %mul3A_116 : vector<1x1xf32> to vector<1x16xf32>
    %mul3A_127 = arith.mulf %mul3A_126, %select_n3A_125 : vector<1x16xf32>
    %add3A_128 = arith.addf %add3A_103, %mul3A_127 : vector<1x16xf32>
    %slice3A_129 = vector.extract_strided_slice %dot_general3A_29 {offsets = [0, 64], sizes = [800, 16], strides = [1, 1]} : vector<800x128xf32> to vector<800x16xf32>
    %slice3A_130 = vector.extract_strided_slice %dot_general3A_34 {offsets = [0, 64], sizes = [800, 16], strides = [1, 1]} : vector<800x128xf32> to vector<800x16xf32>
    %dot_general3A_131 = arith.constant dense<0.000000e+00> : vector<800x800xf32>
    %dot_general3A_132 = tpu.matmul %slice3A_130, %slice3A_129, %dot_general3A_131 {dimension_numbers = #tpu.dot_dimension_numbers<[1], [1], [0], [0], [0, 0, 1, 0], [], []>, transpose_lhs_hint = false} : vector<800x16xf32>, vector<800x16xf32>, vector<800x800xf32> -> vector<800x800xf32>
    %reduce_max3A_133 = arith.constant dense<0xFF800000> : vector<800xf32>
    %reduce_max3A_134 = vector.multi_reduction <maximumf>, %dot_general3A_132, %reduce_max3A_133 [1] : vector<800x800xf32> to vector<800xf32>
    %broadcast_in_dim3A_135 = vector.shape_cast %reduce_max3A_134 : vector<800xf32> to vector<800x1xf32>
    %reduce_max3A_136 = arith.constant dense<0xFF800000> : vector<1xf32>
    %reduce_max3A_137 = vector.multi_reduction <maximumf>, %broadcast_in_dim3A_135, %reduce_max3A_136 [0] : vector<800x1xf32> to vector<1xf32>
    %broadcast_in_dim3A_138 = vector.shape_cast %reduce_max3A_137 : vector<1xf32> to vector<1x1xf32>
    %mul3A_139 = arith.constant 2.500000e-01 : f32
    %mul3A_140 = vector.broadcast %mul3A_139 : f32 to vector<1x1xf32>
    %mul3A_141 = arith.mulf %broadcast_in_dim3A_138, %mul3A_140 : vector<1x1xf32>
    %iota3A_142 = tpu.iota {dimensions = array<i32: 1>} : vector<1x16xi32>
    %eq3A_143 = arith.constant 4 : i32
    %eq3A_144 = vector.broadcast %eq3A_143 : i32 to vector<1x16xi32>
    %eq3A_145 = arith.cmpi eq, %iota3A_142, %eq3A_144 : vector<1x16xi32>
    %jit3A_146 = arith.constant 1.000000e+00 : f32
    %jit3A_147 = arith.constant 0.000000e+00 : f32
    %broadcast_in_dim3A_148 = vector.broadcast %jit3A_146 : f32 to vector<1x16xf32>
    %broadcast_in_dim3A_149 = vector.broadcast %jit3A_147 : f32 to vector<1x16xf32>
    %select_n3A_150 = arith.select %eq3A_145, %broadcast_in_dim3A_148, %broadcast_in_dim3A_149 : vector<1x16xi1>, vector<1x16xf32>
    %mul3A_151 = vector.broadcast %mul3A_141 : vector<1x1xf32> to vector<1x16xf32>
    %mul3A_152 = arith.mulf %mul3A_151, %select_n3A_150 : vector<1x16xf32>
    %add3A_153 = arith.addf %add3A_128, %mul3A_152 : vector<1x16xf32>
    %slice3A_154 = vector.extract_strided_slice %dot_general3A_29 {offsets = [0, 80], sizes = [800, 16], strides = [1, 1]} : vector<800x128xf32> to vector<800x16xf32>
    %slice3A_155 = vector.extract_strided_slice %dot_general3A_34 {offsets = [0, 80], sizes = [800, 16], strides = [1, 1]} : vector<800x128xf32> to vector<800x16xf32>
    %dot_general3A_156 = arith.constant dense<0.000000e+00> : vector<800x800xf32>
    %dot_general3A_157 = tpu.matmul %slice3A_155, %slice3A_154, %dot_general3A_156 {dimension_numbers = #tpu.dot_dimension_numbers<[1], [1], [0], [0], [0, 0, 1, 0], [], []>, transpose_lhs_hint = false} : vector<800x16xf32>, vector<800x16xf32>, vector<800x800xf32> -> vector<800x800xf32>
    %reduce_max3A_158 = arith.constant dense<0xFF800000> : vector<800xf32>
    %reduce_max3A_159 = vector.multi_reduction <maximumf>, %dot_general3A_157, %reduce_max3A_158 [1] : vector<800x800xf32> to vector<800xf32>
    %broadcast_in_dim3A_160 = vector.shape_cast %reduce_max3A_159 : vector<800xf32> to vector<800x1xf32>
    %reduce_max3A_161 = arith.constant dense<0xFF800000> : vector<1xf32>
    %reduce_max3A_162 = vector.multi_reduction <maximumf>, %broadcast_in_dim3A_160, %reduce_max3A_161 [0] : vector<800x1xf32> to vector<1xf32>
    %broadcast_in_dim3A_163 = vector.shape_cast %reduce_max3A_162 : vector<1xf32> to vector<1x1xf32>
    %mul3A_164 = arith.constant 2.500000e-01 : f32
    %mul3A_165 = vector.broadcast %mul3A_164 : f32 to vector<1x1xf32>
    %mul3A_166 = arith.mulf %broadcast_in_dim3A_163, %mul3A_165 : vector<1x1xf32>
    %iota3A_167 = tpu.iota {dimensions = array<i32: 1>} : vector<1x16xi32>
    %eq3A_168 = arith.constant 5 : i32
    %eq3A_169 = vector.broadcast %eq3A_168 : i32 to vector<1x16xi32>
    %eq3A_170 = arith.cmpi eq, %iota3A_167, %eq3A_169 : vector<1x16xi32>
    %jit3A_171 = arith.constant 1.000000e+00 : f32
    %jit3A_172 = arith.constant 0.000000e+00 : f32
    %broadcast_in_dim3A_173 = vector.broadcast %jit3A_171 : f32 to vector<1x16xf32>
    %broadcast_in_dim3A_174 = vector.broadcast %jit3A_172 : f32 to vector<1x16xf32>
    %select_n3A_175 = arith.select %eq3A_170, %broadcast_in_dim3A_173, %broadcast_in_dim3A_174 : vector<1x16xi1>, vector<1x16xf32>
    %mul3A_176 = vector.broadcast %mul3A_166 : vector<1x1xf32> to vector<1x16xf32>
    %mul3A_177 = arith.mulf %mul3A_176, %select_n3A_175 : vector<1x16xf32>
    %add3A_178 = arith.addf %add3A_153, %mul3A_177 : vector<1x16xf32>
    %slice3A_179 = vector.extract_strided_slice %dot_general3A_29 {offsets = [0, 96], sizes = [800, 16], strides = [1, 1]} : vector<800x128xf32> to vector<800x16xf32>
    %slice3A_180 = vector.extract_strided_slice %dot_general3A_34 {offsets = [0, 96], sizes = [800, 16], strides = [1, 1]} : vector<800x128xf32> to vector<800x16xf32>
    %dot_general3A_181 = arith.constant dense<0.000000e+00> : vector<800x800xf32>
    %dot_general3A_182 = tpu.matmul %slice3A_180, %slice3A_179, %dot_general3A_181 {dimension_numbers = #tpu.dot_dimension_numbers<[1], [1], [0], [0], [0, 0, 1, 0], [], []>, transpose_lhs_hint = false} : vector<800x16xf32>, vector<800x16xf32>, vector<800x800xf32> -> vector<800x800xf32>
    %reduce_max3A_183 = arith.constant dense<0xFF800000> : vector<800xf32>
    %reduce_max3A_184 = vector.multi_reduction <maximumf>, %dot_general3A_182, %reduce_max3A_183 [1] : vector<800x800xf32> to vector<800xf32>
    %broadcast_in_dim3A_185 = vector.shape_cast %reduce_max3A_184 : vector<800xf32> to vector<800x1xf32>
    %reduce_max3A_186 = arith.constant dense<0xFF800000> : vector<1xf32>
    %reduce_max3A_187 = vector.multi_reduction <maximumf>, %broadcast_in_dim3A_185, %reduce_max3A_186 [0] : vector<800x1xf32> to vector<1xf32>
    %broadcast_in_dim3A_188 = vector.shape_cast %reduce_max3A_187 : vector<1xf32> to vector<1x1xf32>
    %mul3A_189 = arith.constant 2.500000e-01 : f32
    %mul3A_190 = vector.broadcast %mul3A_189 : f32 to vector<1x1xf32>
    %mul3A_191 = arith.mulf %broadcast_in_dim3A_188, %mul3A_190 : vector<1x1xf32>
    %iota3A_192 = tpu.iota {dimensions = array<i32: 1>} : vector<1x16xi32>
    %eq3A_193 = arith.constant 6 : i32
    %eq3A_194 = vector.broadcast %eq3A_193 : i32 to vector<1x16xi32>
    %eq3A_195 = arith.cmpi eq, %iota3A_192, %eq3A_194 : vector<1x16xi32>
    %jit3A_196 = arith.constant 1.000000e+00 : f32
    %jit3A_197 = arith.constant 0.000000e+00 : f32
    %broadcast_in_dim3A_198 = vector.broadcast %jit3A_196 : f32 to vector<1x16xf32>
    %broadcast_in_dim3A_199 = vector.broadcast %jit3A_197 : f32 to vector<1x16xf32>
    %select_n3A_200 = arith.select %eq3A_195, %broadcast_in_dim3A_198, %broadcast_in_dim3A_199 : vector<1x16xi1>, vector<1x16xf32>
    %mul3A_201 = vector.broadcast %mul3A_191 : vector<1x1xf32> to vector<1x16xf32>
    %mul3A_202 = arith.mulf %mul3A_201, %select_n3A_200 : vector<1x16xf32>
    %add3A_203 = arith.addf %add3A_178, %mul3A_202 : vector<1x16xf32>
    %slice3A_204 = vector.extract_strided_slice %dot_general3A_29 {offsets = [0, 112], sizes = [800, 16], strides = [1, 1]} : vector<800x128xf32> to vector<800x16xf32>
    %slice3A_205 = vector.extract_strided_slice %dot_general3A_34 {offsets = [0, 112], sizes = [800, 16], strides = [1, 1]} : vector<800x128xf32> to vector<800x16xf32>
    %dot_general3A_206 = arith.constant dense<0.000000e+00> : vector<800x800xf32>
    %dot_general3A_207 = tpu.matmul %slice3A_205, %slice3A_204, %dot_general3A_206 {dimension_numbers = #tpu.dot_dimension_numbers<[1], [1], [0], [0], [0, 0, 1, 0], [], []>, transpose_lhs_hint = false} : vector<800x16xf32>, vector<800x16xf32>, vector<800x800xf32> -> vector<800x800xf32>
    %reduce_max3A_208 = arith.constant dense<0xFF800000> : vector<800xf32>
    %reduce_max3A_209 = vector.multi_reduction <maximumf>, %dot_general3A_207, %reduce_max3A_208 [1] : vector<800x800xf32> to vector<800xf32>
    %broadcast_in_dim3A_210 = vector.shape_cast %reduce_max3A_209 : vector<800xf32> to vector<800x1xf32>
    %reduce_max3A_211 = arith.constant dense<0xFF800000> : vector<1xf32>
    %reduce_max3A_212 = vector.multi_reduction <maximumf>, %broadcast_in_dim3A_210, %reduce_max3A_211 [0] : vector<800x1xf32> to vector<1xf32>
    %broadcast_in_dim3A_213 = vector.shape_cast %reduce_max3A_212 : vector<1xf32> to vector<1x1xf32>
    %mul3A_214 = arith.constant 2.500000e-01 : f32
    %mul3A_215 = vector.broadcast %mul3A_214 : f32 to vector<1x1xf32>
    %mul3A_216 = arith.mulf %broadcast_in_dim3A_213, %mul3A_215 : vector<1x1xf32>
    %iota3A_217 = tpu.iota {dimensions = array<i32: 1>} : vector<1x16xi32>
    %eq3A_218 = arith.constant 7 : i32
    %eq3A_219 = vector.broadcast %eq3A_218 : i32 to vector<1x16xi32>
    %eq3A_220 = arith.cmpi eq, %iota3A_217, %eq3A_219 : vector<1x16xi32>
    %jit3A_221 = arith.constant 1.000000e+00 : f32
    %jit3A_222 = arith.constant 0.000000e+00 : f32
    %broadcast_in_dim3A_223 = vector.broadcast %jit3A_221 : f32 to vector<1x16xf32>
    %broadcast_in_dim3A_224 = vector.broadcast %jit3A_222 : f32 to vector<1x16xf32>
    %select_n3A_225 = arith.select %eq3A_220, %broadcast_in_dim3A_223, %broadcast_in_dim3A_224 : vector<1x16xi1>, vector<1x16xf32>
    %mul3A_226 = vector.broadcast %mul3A_216 : vector<1x1xf32> to vector<1x16xf32>
    %mul3A_227 = arith.mulf %mul3A_226, %select_n3A_225 : vector<1x16xf32>
    %add3A_228 = arith.addf %add3A_203, %mul3A_227 : vector<1x16xf32>
    %swap3A_229 = arith.constant 0 : index
    %swap3A_230 = arith.constant 0 : index
    %swap3A_231 = vector.load %arg13[%swap3A_229, %swap3A_230] : memref<1x16xf32, #tpu.memory_space<vmem>>, vector<1x16xf32>
    tpu.vector_store %arg13[%swap3A_229, %swap3A_230], %add3A_228 {strides = array<i32>} : memref<1x16xf32, #tpu.memory_space<vmem>>, vector<1x16xf32>,
    %get3A_232 = arith.constant 0 : index
    %get3A_233 = arith.constant 0 : index
    %get3A_234 = vector.load %arg6[%get3A_232, %get3A_233] : memref<16x128xf32, #tpu.memory_space<vmem>>, vector<16x128xf32>
    %get3A_235 = arith.constant 0 : index
    %get3A_236 = arith.constant 0 : index
    %get3A_237 = vector.load %arg8[%get3A_235, %get3A_236] : memref<128x128xf32, #tpu.memory_space<vmem>>, vector<128x128xf32>
    %dot_general3A_238 = arith.constant dense<0.000000e+00> : vector<16x128xf32>
    %dot_general3A_239 = tpu.matmul %get3A_234, %get3A_237, %dot_general3A_238 {dimension_numbers = #tpu.dot_dimension_numbers<[1], [0], [0], [1], [0, 0, 1, 1], [], []>, transpose_lhs_hint = false} : vector<16x128xf32>, vector<128x128xf32>, vector<16x128xf32> -> vector<16x128xf32>
    %swap3A_240 = arith.constant 0 : index
    %swap3A_241 = arith.constant 0 : index
    %swap3A_242 = vector.load %arg14[%swap3A_240, %swap3A_241] : memref<16x128xf32, #tpu.memory_space<vmem>>, vector<16x128xf32>
    tpu.vector_store %arg14[%swap3A_240, %swap3A_241], %dot_general3A_239 {strides = array<i32>} : memref<16x128xf32, #tpu.memory_space<vmem>>, vector<16x128xf32>,
    %get3A_243 = arith.constant 0 : index
    %get3A_244 = arith.constant 0 : index
    %get3A_245 = vector.load %arg7[%get3A_243, %get3A_244] : memref<1x128xf32, #tpu.memory_space<vmem>>, vector<1x128xf32>
    %get3A_246 = arith.constant 0 : index
    %get3A_247 = arith.constant 0 : index
    %get3A_248 = vector.load %arg8[%get3A_246, %get3A_247] : memref<128x128xf32, #tpu.memory_space<vmem>>, vector<128x128xf32>
    %dot_general3A_249 = arith.constant dense<0.000000e+00> : vector<1x128xf32>
    %dot_general3A_250 = tpu.matmul %get3A_245, %get3A_248, %dot_general3A_249 {dimension_numbers = #tpu.dot_dimension_numbers<[1], [0], [0], [1], [0, 0, 1, 1], [], []>, transpose_lhs_hint = false} : vector<1x128xf32>, vector<128x128xf32>, vector<1x128xf32> -> vector<1x128xf32>
    %get3A_251 = arith.constant 0 : index
    %get3A_252 = arith.constant 0 : index
    %get3A_253 = vector.load %arg9[%get3A_251, %get3A_252] : memref<1x128xf32, #tpu.memory_space<vmem>>, vector<1x128xf32>
    %add3A_254 = arith.addf %dot_general3A_250, %get3A_253 : vector<1x128xf32>
    %swap3A_255 = arith.constant 0 : index
    %swap3A_256 = arith.constant 0 : index
    %swap3A_257 = vector.load %arg15[%swap3A_255, %swap3A_256] : memref<1x128xf32, #tpu.memory_space<vmem>>, vector<1x128xf32>
    tpu.vector_store %arg15[%swap3A_255, %swap3A_256], %add3A_254 {strides = array<i32>} : memref<1x128xf32, #tpu.memory_space<vmem>>, vector<1x128xf32>,
    %get3A_258 = arith.constant 0 : index
    %get3A_259 = arith.constant 0 : index
    %get3A_260 = vector.load %arg6[%get3A_258, %get3A_259] : memref<16x128xf32, #tpu.memory_space<vmem>>, vector<16x128xf32>
    %get3A_261 = arith.constant 0 : index
    %get3A_262 = arith.constant 0 : index
    %get3A_263 = vector.load %arg10[%get3A_261, %get3A_262] : memref<128x128xf32, #tpu.memory_space<vmem>>, vector<128x128xf32>
    %dot_general3A_264 = arith.constant dense<0.000000e+00> : vector<16x128xf32>
    %dot_general3A_265 = tpu.matmul %get3A_260, %get3A_263, %dot_general3A_264 {dimension_numbers = #tpu.dot_dimension_numbers<[1], [0], [0], [1], [0, 0, 1, 1], [], []>, transpose_lhs_hint = false} : vector<16x128xf32>, vector<128x128xf32>, vector<16x128xf32> -> vector<16x128xf32>
    %swap3A_266 = arith.constant 0 : index
    %swap3A_267 = arith.constant 0 : index
    %swap3A_268 = vector.load %arg16[%swap3A_266, %swap3A_267] : memref<16x128xf32, #tpu.memory_space<vmem>>, vector<16x128xf32>
    tpu.vector_store %arg16[%swap3A_266, %swap3A_267], %dot_general3A_265 {strides = array<i32>} : memref<16x128xf32, #tpu.memory_space<vmem>>, vector<16x128xf32>,
    %get3A_269 = arith.constant 0 : index
    %get3A_270 = arith.constant 0 : index
    %get3A_271 = vector.load %arg7[%get3A_269, %get3A_270] : memref<1x128xf32, #tpu.memory_space<vmem>>, vector<1x128xf32>
    %get3A_272 = arith.constant 0 : index
    %get3A_273 = arith.constant 0 : index
    %get3A_274 = vector.load %arg10[%get3A_272, %get3A_273] : memref<128x128xf32, #tpu.memory_space<vmem>>, vector<128x128xf32>
    %dot_general3A_275 = arith.constant dense<0.000000e+00> : vector<1x128xf32>
    %dot_general3A_276 = tpu.matmul %get3A_271, %get3A_274, %dot_general3A_275 {dimension_numbers = #tpu.dot_dimension_numbers<[1], [0], [0], [1], [0, 0, 1, 1], [], []>, transpose_lhs_hint = false} : vector<1x128xf32>, vector<128x128xf32>, vector<1x128xf32> -> vector<1x128xf32>
    %get3A_277 = arith.constant 0 : index
    %get3A_278 = arith.constant 0 : index
    %get3A_279 = vector.load %arg11[%get3A_277, %get3A_278] : memref<1x128xf32, #tpu.memory_space<vmem>>, vector<1x128xf32>
    %add3A_280 = arith.addf %dot_general3A_276, %get3A_279 : vector<1x128xf32>
    %swap3A_281 = arith.constant 0 : index
    %swap3A_282 = arith.constant 0 : index
    %swap3A_283 = vector.load %arg17[%swap3A_281, %swap3A_282] : memref<1x128xf32, #tpu.memory_space<vmem>>, vector<1x128xf32>
    tpu.vector_store %arg17[%swap3A_281, %swap3A_282], %add3A_280 {strides = array<i32>} : memref<1x128xf32, #tpu.memory_space<vmem>>, vector<1x128xf32>,
    return
  }
}

module attributes {stable_mosaic.version = 14 : i64} {
  func.func @body(%arg0: i32, %arg1: memref<256x16xf32, #tpu.memory_space<vmem>>, %arg2: memref<256x128xf32, #tpu.memory_space<vmem>>, %arg3: memref<256x128xf32, #tpu.memory_space<vmem>>, %arg4: memref<256x1xi32, #tpu.memory_space<vmem>>, %arg5: memref<1x16xf32, #tpu.memory_space<vmem>>, %arg6: memref<16x128xf32, #tpu.memory_space<vmem>>, %arg7: memref<1x128xf32, #tpu.memory_space<vmem>>, %arg8: memref<128x256xbf16, #tpu.memory_space<vmem>>, %arg9: memref<128x256xbf16, #tpu.memory_space<vmem>>, %arg10: memref<128x128xbf16, #tpu.memory_space<vmem>>, %arg11: memref<1x128xf32, #tpu.memory_space<vmem>>, %arg12: memref<256x128xbf16, #tpu.memory_space<vmem>>, %arg13: memref<800x144xf32, #tpu.memory_space<vmem>>, %arg14: memref<1x1x128xf32, #tpu.memory_space<vmem>>) attributes {dimension_semantics = [#tpu.dimension_semantics<arbitrary>], iteration_bounds = array<i64: 400>, scalar_prefetch = 0 : i64, scratch_operands = 0 : i64, tpu.core_type = #tpu.core_type<tc>, window_params = [{transform_indices = @transform_0, window_bounds = array<i64: 256, 16>}, {transform_indices = @transform_1, window_bounds = array<i64: 256, 128>}, {transform_indices = @transform_2, window_bounds = array<i64: 256, 128>}, {transform_indices = @transform_3, window_bounds = array<i64: 256, 1>}, {pipeline_mode = #tpu.pipeline_mode<synchronous>, transform_indices = @transform_4, window_bounds = array<i64: 1, 16>}, {pipeline_mode = #tpu.pipeline_mode<synchronous>, transform_indices = @transform_5, window_bounds = array<i64: 16, 128>}, {pipeline_mode = #tpu.pipeline_mode<synchronous>, transform_indices = @transform_6, window_bounds = array<i64: 1, 128>}, {pipeline_mode = #tpu.pipeline_mode<synchronous>, transform_indices = @transform_7, window_bounds = array<i64: 128, 256>}, {pipeline_mode = #tpu.pipeline_mode<synchronous>, transform_indices = @transform_8, window_bounds = array<i64: 128, 256>}, {pipeline_mode = #tpu.pipeline_mode<synchronous>, transform_indices = @transform_9, window_bounds = array<i64: 128, 128>}, {pipeline_mode = #tpu.pipeline_mode<synchronous>, transform_indices = @transform_10, window_bounds = array<i64: 1, 128>}, {transform_indices = @transform_11, window_bounds = array<i64: 256, 128>}, {pipeline_mode = #tpu.pipeline_mode<synchronous>, transform_indices = @transform_12, window_bounds = array<i64: 800, 144>}, {transform_indices = @transform_13, window_bounds = array<i64: 1, 1, 128>}]} {
    %get3A = arith.constant 0 : index
    %get3A_0 = arith.constant 0 : index
    %get3A_1 = vector.load %arg1[%get3A, %get3A_0] : memref<256x16xf32, #tpu.memory_space<vmem>>, vector<256x16xf32>
    %get3A_2 = arith.constant 0 : index
    %get3A_3 = arith.constant 0 : index
    %get3A_4 = vector.load %arg6[%get3A_2, %get3A_3] : memref<16x128xf32, #tpu.memory_space<vmem>>, vector<16x128xf32>
    %dot_general3A = arith.constant dense<0.000000e+00> : vector<256x128xf32>
    %dot_general3A_5 = tpu.matmul %get3A_1, %get3A_4, %dot_general3A {dimension_numbers = #tpu.dot_dimension_numbers<[1], [0], [0], [1], [0, 0, 1, 1], [], []>, transpose_lhs_hint = false} : vector<256x16xf32>, vector<16x128xf32>, vector<256x128xf32> -> vector<256x128xf32>
    %get3A_6 = arith.constant 0 : index
    %get3A_7 = arith.constant 0 : index
    %get3A_8 = vector.load %arg7[%get3A_6, %get3A_7] : memref<1x128xf32, #tpu.memory_space<vmem>>, vector<1x128xf32>
    %add3A = vector.broadcast %get3A_8 : vector<1x128xf32> to vector<256x128xf32>
    %add3A_9 = arith.addf %dot_general3A_5, %add3A : vector<256x128xf32>
    %get3A_10 = arith.constant 0 : index
    %get3A_11 = arith.constant 0 : index
    %get3A_12 = vector.load %arg2[%get3A_10, %get3A_11] : memref<256x128xf32, #tpu.memory_space<vmem>>, vector<256x128xf32>
    %convert_element_type3A = arith.truncf %get3A_12 : vector<256x128xf32> to vector<256x128xbf16>
    %get3A_13 = arith.constant 0 : index
    %get3A_14 = arith.constant 0 : index
    %get3A_15 = vector.load %arg3[%get3A_13, %get3A_14] : memref<256x128xf32, #tpu.memory_space<vmem>>, vector<256x128xf32>
    %convert_element_type3A_16 = arith.truncf %get3A_15 : vector<256x128xf32> to vector<256x128xbf16>
    %get3A_17 = arith.constant 0 : index
    %get3A_18 = arith.constant 0 : index
    %get3A_19 = vector.load %arg8[%get3A_17, %get3A_18] : memref<128x256xbf16, #tpu.memory_space<vmem>>, vector<128x256xbf16>
    %dot_general3A_20 = arith.constant dense<0.000000e+00> : vector<256x256xf32>
    %dot_general3A_21 = tpu.matmul %convert_element_type3A, %get3A_19, %dot_general3A_20 {dimension_numbers = #tpu.dot_dimension_numbers<[1], [0], [0], [1], [0, 0, 1, 1], [], []>, transpose_lhs_hint = false} : vector<256x128xbf16>, vector<128x256xbf16>, vector<256x256xf32> -> vector<256x256xf32>
    %get3A_22 = arith.constant 0 : index
    %get3A_23 = arith.constant 0 : index
    %get3A_24 = vector.load %arg9[%get3A_22, %get3A_23] : memref<128x256xbf16, #tpu.memory_space<vmem>>, vector<128x256xbf16>
    %dot_general3A_25 = arith.constant dense<0.000000e+00> : vector<256x256xf32>
    %dot_general3A_26 = tpu.matmul %convert_element_type3A_16, %get3A_24, %dot_general3A_25 {dimension_numbers = #tpu.dot_dimension_numbers<[1], [0], [0], [1], [0, 0, 1, 1], [], []>, transpose_lhs_hint = false} : vector<256x128xbf16>, vector<128x256xbf16>, vector<256x256xf32> -> vector<256x256xf32>
    %slice3A = vector.extract_strided_slice %dot_general3A_21 {offsets = [0, 0], sizes = [256, 128], strides = [1, 1]} : vector<256x256xf32> to vector<256x128xf32>
    %add3A_27 = arith.addf %add3A_9, %slice3A : vector<256x128xf32>
    %slice3A_28 = vector.extract_strided_slice %dot_general3A_26 {offsets = [0, 0], sizes = [256, 128], strides = [1, 1]} : vector<256x256xf32> to vector<256x128xf32>
    %add3A_29 = arith.addf %add3A_27, %slice3A_28 : vector<256x128xf32>
    %max3A = arith.constant 0.000000e+00 : f32
    %max3A_30 = vector.broadcast %max3A : f32 to vector<256x128xf32>
    %max3A_31 = arith.maximumf %add3A_29, %max3A_30 : vector<256x128xf32>
    %convert_element_type3A_32 = arith.truncf %max3A_31 : vector<256x128xf32> to vector<256x128xbf16>
    %get3A_33 = arith.constant 0 : index
    %get3A_34 = arith.constant 0 : index
    %get3A_35 = vector.load %arg10[%get3A_33, %get3A_34] : memref<128x128xbf16, #tpu.memory_space<vmem>>, vector<128x128xbf16>
    %dot_general3A_36 = arith.constant dense<0.000000e+00> : vector<256x128xf32>
    %dot_general3A_37 = tpu.matmul %convert_element_type3A_32, %get3A_35, %dot_general3A_36 {dimension_numbers = #tpu.dot_dimension_numbers<[1], [0], [0], [1], [0, 0, 1, 1], [], []>, transpose_lhs_hint = false} : vector<256x128xbf16>, vector<128x128xbf16>, vector<256x128xf32> -> vector<256x128xf32>
    %get3A_38 = arith.constant 0 : index
    %get3A_39 = arith.constant 0 : index
    %get3A_40 = vector.load %arg11[%get3A_38, %get3A_39] : memref<1x128xf32, #tpu.memory_space<vmem>>, vector<1x128xf32>
    %add3A_41 = vector.broadcast %get3A_40 : vector<1x128xf32> to vector<256x128xf32>
    %add3A_42 = arith.addf %dot_general3A_37, %add3A_41 : vector<256x128xf32>
    %slice3A_43 = vector.extract_strided_slice %dot_general3A_21 {offsets = [0, 128], sizes = [256, 128], strides = [1, 1]} : vector<256x256xf32> to vector<256x128xf32>
    %slice3A_44 = vector.extract_strided_slice %dot_general3A_26 {offsets = [0, 128], sizes = [256, 128], strides = [1, 1]} : vector<256x256xf32> to vector<256x128xf32>
    %mul3A = arith.mulf %slice3A_43, %slice3A_44 : vector<256x128xf32>
    %iota3A = tpu.iota {dimensions = array<i32: 0>} : vector<128x16xi32>
    %iota3A_45 = tpu.iota {dimensions = array<i32: 1>} : vector<128x16xi32>
    %jit3A = arith.constant 16 : i32
    %div3A = vector.broadcast %jit3A : i32 to vector<128x16xi32>
    %div3A_46 = arith.divsi %iota3A, %div3A : vector<128x16xi32>
    %sign3A = arith.constant 0 : i32
    %sign3A_47 = vector.broadcast %sign3A : i32 to vector<128x16xi32>
    %sign3A_48 = arith.cmpi sgt, %iota3A, %sign3A_47 : vector<128x16xi32>
    %sign3A_49 = arith.extui %sign3A_48 : vector<128x16xi1> to vector<128x16xi32>
    %sign3A_50 = arith.constant 0 : i32
    %sign3A_51 = vector.broadcast %sign3A_50 : i32 to vector<128x16xi32>
    %sign3A_52 = arith.cmpi slt, %iota3A, %sign3A_51 : vector<128x16xi32>
    %sign3A_53 = arith.extui %sign3A_52 : vector<128x16xi1> to vector<128x16xi32>
    %sign3A_54 = arith.subi %sign3A_49, %sign3A_53 : vector<128x16xi32>
    %sign3A_55 = arith.constant 0 : i32
    %sign3A_56 = arith.cmpi sgt, %jit3A, %sign3A_55 : i32
    %sign3A_57 = arith.extui %sign3A_56 : i1 to i32
    %sign3A_58 = arith.constant 0 : i32
    %sign3A_59 = arith.cmpi slt, %jit3A, %sign3A_58 : i32
    %sign3A_60 = arith.extui %sign3A_59 : i1 to i32
    %sign3A_61 = arith.subi %sign3A_57, %sign3A_60 : i32
    %ne3A = vector.broadcast %sign3A_61 : i32 to vector<128x16xi32>
    %ne3A_62 = arith.cmpi ne, %sign3A_54, %ne3A : vector<128x16xi32>
    %rem3A = vector.broadcast %jit3A : i32 to vector<128x16xi32>
    %rem3A_63 = arith.remsi %iota3A, %rem3A : vector<128x16xi32>
    %ne3A_64 = arith.constant 0 : i32
    %ne3A_65 = vector.broadcast %ne3A_64 : i32 to vector<128x16xi32>
    %ne3A_66 = arith.cmpi ne, %rem3A_63, %ne3A_65 : vector<128x16xi32>
    %and3A = arith.andi %ne3A_62, %ne3A_66 : vector<128x16xi1>
    %sub3A = arith.constant 1 : i32
    %sub3A_67 = vector.broadcast %sub3A : i32 to vector<128x16xi32>
    %sub3A_68 = arith.subi %div3A_46, %sub3A_67 : vector<128x16xi32>
    %select_n3A = arith.select %and3A, %sub3A_68, %div3A_46 : vector<128x16xi1>, vector<128x16xi32>
    %eq3A = arith.cmpi eq, %select_n3A, %iota3A_45 : vector<128x16xi32>
    %jit3A_69 = arith.constant 1.000000e+00 : f32
    %jit3A_70 = arith.constant 0.000000e+00 : f32
    %broadcast_in_dim3A = vector.broadcast %jit3A_69 : f32 to vector<128x16xf32>
    %broadcast_in_dim3A_71 = vector.broadcast %jit3A_70 : f32 to vector<128x16xf32>
    %select_n3A_72 = arith.select %eq3A, %broadcast_in_dim3A, %broadcast_in_dim3A_71 : vector<128x16xi1>, vector<128x16xf32>
    %dot_general3A_73 = arith.constant dense<0.000000e+00> : vector<256x16xf32>
    %dot_general3A_74 = tpu.matmul %mul3A, %select_n3A_72, %dot_general3A_73 {dimension_numbers = #tpu.dot_dimension_numbers<[1], [0], [0], [1], [0, 0, 1, 1], [], []>, transpose_lhs_hint = false} : vector<256x128xf32>, vector<128x16xf32>, vector<256x16xf32> -> vector<256x16xf32>
    %mul3A_75 = arith.constant 2.500000e-01 : f32
    %mul3A_76 = vector.broadcast %mul3A_75 : f32 to vector<256x16xf32>
    %mul3A_77 = arith.mulf %dot_general3A_74, %mul3A_76 : vector<256x16xf32>
    %get3A_78 = arith.constant 0 : index
    %get3A_79 = arith.constant 0 : index
    %get3A_80 = vector.load %arg5[%get3A_78, %get3A_79] : memref<1x16xf32, #tpu.memory_space<vmem>>, vector<1x16xf32>
    %sub3A_81 = vector.broadcast %get3A_80 : vector<1x16xf32> to vector<256x16xf32>
    %sub3A_82 = arith.subf %mul3A_77, %sub3A_81 : vector<256x16xf32>
    %exp3A = math.exp %sub3A_82 : vector<256x16xf32>
    %iota3A_83 = tpu.iota {dimensions = array<i32: 0>} : vector<16x128xi32>
    %iota3A_84 = tpu.iota {dimensions = array<i32: 1>} : vector<16x128xi32>
    %jit3A_85 = arith.constant 16 : i32
    %div3A_86 = vector.broadcast %jit3A_85 : i32 to vector<16x128xi32>
    %div3A_87 = arith.divsi %iota3A_84, %div3A_86 : vector<16x128xi32>
    %sign3A_88 = arith.constant 0 : i32
    %sign3A_89 = vector.broadcast %sign3A_88 : i32 to vector<16x128xi32>
    %sign3A_90 = arith.cmpi sgt, %iota3A_84, %sign3A_89 : vector<16x128xi32>
    %sign3A_91 = arith.extui %sign3A_90 : vector<16x128xi1> to vector<16x128xi32>
    %sign3A_92 = arith.constant 0 : i32
    %sign3A_93 = vector.broadcast %sign3A_92 : i32 to vector<16x128xi32>
    %sign3A_94 = arith.cmpi slt, %iota3A_84, %sign3A_93 : vector<16x128xi32>
    %sign3A_95 = arith.extui %sign3A_94 : vector<16x128xi1> to vector<16x128xi32>
    %sign3A_96 = arith.subi %sign3A_91, %sign3A_95 : vector<16x128xi32>
    %sign3A_97 = arith.constant 0 : i32
    %sign3A_98 = arith.cmpi sgt, %jit3A_85, %sign3A_97 : i32
    %sign3A_99 = arith.extui %sign3A_98 : i1 to i32
    %sign3A_100 = arith.constant 0 : i32
    %sign3A_101 = arith.cmpi slt, %jit3A_85, %sign3A_100 : i32
    %sign3A_102 = arith.extui %sign3A_101 : i1 to i32
    %sign3A_103 = arith.subi %sign3A_99, %sign3A_102 : i32
    %ne3A_104 = vector.broadcast %sign3A_103 : i32 to vector<16x128xi32>
    %ne3A_105 = arith.cmpi ne, %sign3A_96, %ne3A_104 : vector<16x128xi32>
    %rem3A_106 = vector.broadcast %jit3A_85 : i32 to vector<16x128xi32>
    %rem3A_107 = arith.remsi %iota3A_84, %rem3A_106 : vector<16x128xi32>
    %ne3A_108 = arith.constant 0 : i32
    %ne3A_109 = vector.broadcast %ne3A_108 : i32 to vector<16x128xi32>
    %ne3A_110 = arith.cmpi ne, %rem3A_107, %ne3A_109 : vector<16x128xi32>
    %and3A_111 = arith.andi %ne3A_105, %ne3A_110 : vector<16x128xi1>
    %sub3A_112 = arith.constant 1 : i32
    %sub3A_113 = vector.broadcast %sub3A_112 : i32 to vector<16x128xi32>
    %sub3A_114 = arith.subi %div3A_87, %sub3A_113 : vector<16x128xi32>
    %select_n3A_115 = arith.select %and3A_111, %sub3A_114, %div3A_87 : vector<16x128xi1>, vector<16x128xi32>
    %eq3A_116 = arith.cmpi eq, %select_n3A_115, %iota3A_83 : vector<16x128xi32>
    %lt3A = arith.constant 8 : i32
    %lt3A_117 = vector.broadcast %lt3A : i32 to vector<16x128xi32>
    %lt3A_118 = arith.cmpi slt, %iota3A_83, %lt3A_117 : vector<16x128xi32>
    %and3A_119 = arith.andi %eq3A_116, %lt3A_118 : vector<16x128xi1>
    %jit3A_120 = arith.constant 1.000000e+00 : f32
    %jit3A_121 = arith.constant 0.000000e+00 : f32
    %broadcast_in_dim3A_122 = vector.broadcast %jit3A_120 : f32 to vector<16x128xf32>
    %broadcast_in_dim3A_123 = vector.broadcast %jit3A_121 : f32 to vector<16x128xf32>
    %select_n3A_124 = arith.select %and3A_119, %broadcast_in_dim3A_122, %broadcast_in_dim3A_123 : vector<16x128xi1>, vector<16x128xf32>
    %dot_general3A_125 = arith.constant dense<0.000000e+00> : vector<256x128xf32>
    %dot_general3A_126 = tpu.matmul %exp3A, %select_n3A_124, %dot_general3A_125 {dimension_numbers = #tpu.dot_dimension_numbers<[1], [0], [0], [1], [0, 0, 1, 1], [], []>, transpose_lhs_hint = false} : vector<256x16xf32>, vector<16x128xf32>, vector<256x128xf32> -> vector<256x128xf32>
    %mul3A_127 = arith.mulf %add3A_42, %dot_general3A_126 : vector<256x128xf32>
    %iota3A_128 = tpu.iota {dimensions = array<i32: 1>} : vector<256x800xi32>
    %get3A_129 = arith.constant 0 : index
    %get3A_130 = arith.constant 0 : index
    %get3A_131 = vector.load %arg4[%get3A_129, %get3A_130] : memref<256x1xi32, #tpu.memory_space<vmem>>, vector<256x1xi32>
    %eq3A_132 = vector.broadcast %get3A_131 : vector<256x1xi32> to vector<256x800xi32>
    %eq3A_133 = arith.cmpi eq, %eq3A_132, %iota3A_128 : vector<256x800xi32>
    %jit3A_134 = arith.constant 1.000000e+00 : f32
    %jit3A_135 = arith.constant 0.000000e+00 : f32
    %broadcast_in_dim3A_136 = vector.broadcast %jit3A_134 : f32 to vector<256x800xf32>
    %broadcast_in_dim3A_137 = vector.broadcast %jit3A_135 : f32 to vector<256x800xf32>
    %select_n3A_138 = arith.select %eq3A_133, %broadcast_in_dim3A_136, %broadcast_in_dim3A_137 : vector<256x800xi1>, vector<256x800xf32>
    %convert_element_type3A_139 = arith.truncf %select_n3A_138 : vector<256x800xf32> to vector<256x800xbf16>
    %concatenate3A = tpu.concatenate %mul3A_127, %exp3A in 1 : vector<256x128xf32>, vector<256x16xf32> -> vector<256x144xf32>
    %convert_element_type3A_140 = arith.truncf %concatenate3A : vector<256x144xf32> to vector<256x144xbf16>
    %dot_general3A_141 = arith.constant dense<0.000000e+00> : vector<800x144xf32>
    %dot_general3A_142 = tpu.matmul %convert_element_type3A_139, %convert_element_type3A_140, %dot_general3A_141 {dimension_numbers = #tpu.dot_dimension_numbers<[0], [0], [1], [1], [0, 1, 1, 1], [], []>, transpose_lhs_hint = false} : vector<256x800xbf16>, vector<256x144xbf16>, vector<800x144xf32> -> vector<800x144xf32>
    %eq3A_143 = arith.constant 0 : i32
    %eq3A_144 = arith.cmpi eq, %arg0, %eq3A_143 : i32
    %convert_element_type3A_145 = arith.extui %eq3A_144 : i1 to i32
    %cond3A = arith.constant 0 : i32
    %cond3A_146 = arith.cmpi ne, %convert_element_type3A_145, %cond3A : i32
    scf.if %cond3A_146 {
      %broadcast_in_dim3A_164 = arith.constant 0.000000e+00 : f32
      %broadcast_in_dim3A_165 = vector.broadcast %broadcast_in_dim3A_164 : f32 to vector<800x144xf32>
      %swap3A_166 = arith.constant 0 : index
      %swap3A_167 = arith.constant 0 : index
      %swap3A_168 = vector.load %arg13[%swap3A_166, %swap3A_167] : memref<800x144xf32, #tpu.memory_space<vmem>>, vector<800x144xf32>
      tpu.vector_store %arg13[%swap3A_166, %swap3A_167], %broadcast_in_dim3A_165 {strides = array<i32>} : memref<800x144xf32, #tpu.memory_space<vmem>>, vector<800x144xf32>,
    } else {
    }
    %get3A_147 = arith.constant 0 : index
    %get3A_148 = arith.constant 0 : index
    %get3A_149 = vector.load %arg13[%get3A_147, %get3A_148] : memref<800x144xf32, #tpu.memory_space<vmem>>, vector<800x144xf32>
    %add3A_150 = arith.addf %get3A_149, %dot_general3A_142 : vector<800x144xf32>
    %swap3A = arith.constant 0 : index
    %swap3A_151 = arith.constant 0 : index
    %swap3A_152 = vector.load %arg13[%swap3A, %swap3A_151] : memref<800x144xf32, #tpu.memory_space<vmem>>, vector<800x144xf32>
    tpu.vector_store %arg13[%swap3A, %swap3A_151], %add3A_150 {strides = array<i32>} : memref<800x144xf32, #tpu.memory_space<vmem>>, vector<800x144xf32>,
    %convert_element_type3A_153 = arith.truncf %add3A_42 : vector<256x128xf32> to vector<256x128xbf16>
    %swap3A_154 = arith.constant 0 : index
    %swap3A_155 = arith.constant 0 : index
    %swap3A_156 = vector.load %arg12[%swap3A_154, %swap3A_155] : memref<256x128xbf16, #tpu.memory_space<vmem>>, vector<256x128xbf16>
    tpu.vector_store %arg12[%swap3A_154, %swap3A_155], %convert_element_type3A_153 {strides = array<i32>} : memref<256x128xbf16, #tpu.memory_space<vmem>>, vector<256x128xbf16>,
    %reduce_sum3A = arith.constant dense<0.000000e+00> : vector<128xf32>
    %reduce_sum3A_157 = vector.multi_reduction <add>, %add3A_42, %reduce_sum3A [0] : vector<256x128xf32> to vector<128xf32>
    %broadcast_in_dim3A_158 = vector.shape_cast %reduce_sum3A_157 : vector<128xf32> to vector<1x128xf32>
    %broadcast_in_dim3A_159 = vector.shape_cast %broadcast_in_dim3A_158 : vector<1x128xf32> to vector<1x1x128xf32>
    %swap3A_160 = arith.constant 0 : index
    %swap3A_161 = arith.constant 0 : index
    %swap3A_162 = arith.constant 0 : index
    %swap3A_163 = vector.load %arg14[%swap3A_160, %swap3A_161, %swap3A_162] : memref<1x1x128xf32, #tpu.memory_space<vmem>>, vector<1x1x128xf32>
    tpu.vector_store %arg14[%swap3A_160, %swap3A_161, %swap3A_162], %broadcast_in_dim3A_159 {strides = array<i32>} : memref<1x1x128xf32, #tpu.memory_space<vmem>>, vector<1x1x128xf32>,
    return
  }
  func.func @transform_0(%arg0: i32) -> (i32, i32) {
    %c0_i32 = arith.constant 0 : i32
    %c0_i32_0 = arith.constant 0 : i32
    return %arg0, %c0_i32 : i32, i32
  }
  func.func @transform_1(%arg0: i32) -> (i32, i32) {
    %c0_i32 = arith.constant 0 : i32
    %c0_i32_0 = arith.constant 0 : i32
    return %arg0, %c0_i32 : i32, i32
  }
  func.func @transform_2(%arg0: i32) -> (i32, i32) {
    %c0_i32 = arith.constant 0 : i32
    %c0_i32_0 = arith.constant 0 : i32
    return %arg0, %c0_i32 : i32, i32
  }
  func.func @transform_3(%arg0: i32) -> (i32, i32) {
    %c0_i32 = arith.constant 0 : i32
    %c0_i32_0 = arith.constant 0 : i32
    return %arg0, %c0_i32 : i32, i32
  }
  func.func @transform_4(%arg0: i32) -> (i32, i32) {
    %c0_i32 = arith.constant 0 : i32
    %c0_i32_0 = arith.constant 0 : i32
    %c0_i32_1 = arith.constant 0 : i32
    return %c0_i32, %c0_i32_0 : i32, i32
  }
  func.func @transform_5(%arg0: i32) -> (i32, i32) {
    %c0_i32 = arith.constant 0 : i32
    %c0_i32_0 = arith.constant 0 : i32
    %c0_i32_1 = arith.constant 0 : i32
    return %c0_i32, %c0_i32_0 : i32, i32
  }
  func.func @transform_6(%arg0: i32) -> (i32, i32) {
    %c0_i32 = arith.constant 0 : i32
    %c0_i32_0 = arith.constant 0 : i32
    %c0_i32_1 = arith.constant 0 : i32
    return %c0_i32, %c0_i32_0 : i32, i32
  }
  func.func @transform_7(%arg0: i32) -> (i32, i32) {
    %c0_i32 = arith.constant 0 : i32
    %c0_i32_0 = arith.constant 0 : i32
    %c0_i32_1 = arith.constant 0 : i32
    return %c0_i32, %c0_i32_0 : i32, i32
  }
  func.func @transform_8(%arg0: i32) -> (i32, i32) {
    %c0_i32 = arith.constant 0 : i32
    %c0_i32_0 = arith.constant 0 : i32
    %c0_i32_1 = arith.constant 0 : i32
    return %c0_i32, %c0_i32_0 : i32, i32
  }
  func.func @transform_9(%arg0: i32) -> (i32, i32) {
    %c0_i32 = arith.constant 0 : i32
    %c0_i32_0 = arith.constant 0 : i32
    %c0_i32_1 = arith.constant 0 : i32
    return %c0_i32, %c0_i32_0 : i32, i32
  }
  func.func @transform_10(%arg0: i32) -> (i32, i32) {
    %c0_i32 = arith.constant 0 : i32
    %c0_i32_0 = arith.constant 0 : i32
    %c0_i32_1 = arith.constant 0 : i32
    return %c0_i32, %c0_i32_0 : i32, i32
  }
  func.func @transform_11(%arg0: i32) -> (i32, i32) {
    %c0_i32 = arith.constant 0 : i32
    %c0_i32_0 = arith.constant 0 : i32
    return %arg0, %c0_i32 : i32, i32
  }
  func.func @transform_12(%arg0: i32) -> (i32, i32) {
    %c0_i32 = arith.constant 0 : i32
    %c0_i32_0 = arith.constant 0 : i32
    %c0_i32_1 = arith.constant 0 : i32
    return %c0_i32, %c0_i32_0 : i32, i32
  }
  func.func @transform_13(%arg0: i32) -> (i32, i32, i32) {
    %c0_i32 = arith.constant 0 : i32
    %c0_i32_0 = arith.constant 0 : i32
    %c0_i32_1 = arith.constant 0 : i32
    return %arg0, %c0_i32, %c0_i32_0 : i32, i32, i32
  }
}

module attributes {stable_mosaic.version = 14 : i64} {
  func.func @_t2_body(%arg0: memref<800x128xf32, #tpu.memory_space<vmem>>, %arg1: memref<800x144xf32, #tpu.memory_space<vmem>>, %arg2: memref<128x128xf32, #tpu.memory_space<vmem>>, %arg3: memref<128x128xf32, #tpu.memory_space<vmem>>, %arg4: memref<1x128xf32, #tpu.memory_space<vmem>>, %arg5: memref<128x128xf32, #tpu.memory_space<vmem>>, %arg6: memref<1x128xf32, #tpu.memory_space<vmem>>, %arg7: memref<400x1x128xf32, #tpu.memory_space<vmem>>, %arg8: memref<128x128xf32, #tpu.memory_space<vmem>>, %arg9: memref<128x128xf32, #tpu.memory_space<vmem>>, %arg10: memref<1x128xf32, #tpu.memory_space<vmem>>, %arg11: memref<128x128xf32, #tpu.memory_space<vmem>>, %arg12: memref<128x128xf32, #tpu.memory_space<vmem>>, %arg13: memref<800x128xf32, #tpu.memory_space<vmem>>, %arg14: memref<1x16xf32, #tpu.memory_space<vmem>>, %arg15: memref<1x128xf32, #tpu.memory_space<vmem>>, %arg16: memref<1x128xf32, #tpu.memory_space<vmem>>) attributes {dimension_semantics = [], scalar_prefetch = 0 : i64, scratch_operands = 0 : i64, tpu.core_type = #tpu.core_type<tc>} {
    %get3A = arith.constant 0 : index
    %get3A_0 = arith.constant 0 : index
    %get3A_1 = vector.load %arg1[%get3A, %get3A_0] : memref<800x144xf32, #tpu.memory_space<vmem>>, vector<800x144xf32>
    %slice3A = vector.extract_strided_slice %get3A_1 {offsets = [0, 0], sizes = [800, 128], strides = [1, 1]} : vector<800x144xf32> to vector<800x128xf32>
    %slice3A_2 = vector.extract_strided_slice %get3A_1 {offsets = [0, 128], sizes = [800, 16], strides = [1, 1]} : vector<800x144xf32> to vector<800x16xf32>
    %iota3A = tpu.iota {dimensions = array<i32: 0>} : vector<16x128xi32>
    %iota3A_3 = tpu.iota {dimensions = array<i32: 1>} : vector<16x128xi32>
    %jit3A = arith.constant 16 : i32
    %div3A = vector.broadcast %jit3A : i32 to vector<16x128xi32>
    %div3A_4 = arith.divsi %iota3A_3, %div3A : vector<16x128xi32>
    %sign3A = arith.constant 0 : i32
    %sign3A_5 = vector.broadcast %sign3A : i32 to vector<16x128xi32>
    %sign3A_6 = arith.cmpi sgt, %iota3A_3, %sign3A_5 : vector<16x128xi32>
    %sign3A_7 = arith.extui %sign3A_6 : vector<16x128xi1> to vector<16x128xi32>
    %sign3A_8 = arith.constant 0 : i32
    %sign3A_9 = vector.broadcast %sign3A_8 : i32 to vector<16x128xi32>
    %sign3A_10 = arith.cmpi slt, %iota3A_3, %sign3A_9 : vector<16x128xi32>
    %sign3A_11 = arith.extui %sign3A_10 : vector<16x128xi1> to vector<16x128xi32>
    %sign3A_12 = arith.subi %sign3A_7, %sign3A_11 : vector<16x128xi32>
    %sign3A_13 = arith.constant 0 : i32
    %sign3A_14 = arith.cmpi sgt, %jit3A, %sign3A_13 : i32
    %sign3A_15 = arith.extui %sign3A_14 : i1 to i32
    %sign3A_16 = arith.constant 0 : i32
    %sign3A_17 = arith.cmpi slt, %jit3A, %sign3A_16 : i32
    %sign3A_18 = arith.extui %sign3A_17 : i1 to i32
    %sign3A_19 = arith.subi %sign3A_15, %sign3A_18 : i32
    %ne3A = vector.broadcast %sign3A_19 : i32 to vector<16x128xi32>
    %ne3A_20 = arith.cmpi ne, %sign3A_12, %ne3A : vector<16x128xi32>
    %rem3A = vector.broadcast %jit3A : i32 to vector<16x128xi32>
    %rem3A_21 = arith.remsi %iota3A_3, %rem3A : vector<16x128xi32>
    %ne3A_22 = arith.constant 0 : i32
    %ne3A_23 = vector.broadcast %ne3A_22 : i32 to vector<16x128xi32>
    %ne3A_24 = arith.cmpi ne, %rem3A_21, %ne3A_23 : vector<16x128xi32>
    %and3A = arith.andi %ne3A_20, %ne3A_24 : vector<16x128xi1>
    %sub3A = arith.constant 1 : i32
    %sub3A_25 = vector.broadcast %sub3A : i32 to vector<16x128xi32>
    %sub3A_26 = arith.subi %div3A_4, %sub3A_25 : vector<16x128xi32>
    %select_n3A = arith.select %and3A, %sub3A_26, %div3A_4 : vector<16x128xi1>, vector<16x128xi32>
    %eq3A = arith.cmpi eq, %select_n3A, %iota3A : vector<16x128xi32>
    %lt3A = arith.constant 8 : i32
    %lt3A_27 = vector.broadcast %lt3A : i32 to vector<16x128xi32>
    %lt3A_28 = arith.cmpi slt, %iota3A, %lt3A_27 : vector<16x128xi32>
    %and3A_29 = arith.andi %eq3A, %lt3A_28 : vector<16x128xi1>
    %jit3A_30 = arith.constant 1.000000e+00 : f32
    %jit3A_31 = arith.constant 0.000000e+00 : f32
    %broadcast_in_dim3A = vector.broadcast %jit3A_30 : f32 to vector<16x128xf32>
    %broadcast_in_dim3A_32 = vector.broadcast %jit3A_31 : f32 to vector<16x128xf32>
    %select_n3A_33 = arith.select %and3A_29, %broadcast_in_dim3A, %broadcast_in_dim3A_32 : vector<16x128xi1>, vector<16x128xf32>
    %dot_general3A = arith.constant dense<0.000000e+00> : vector<800x128xf32>
    %dot_general3A_34 = tpu.matmul %slice3A_2, %select_n3A_33, %dot_general3A {dimension_numbers = #tpu.dot_dimension_numbers<[1], [0], [0], [1], [0, 0, 1, 1], [], []>, transpose_lhs_hint = false} : vector<800x16xf32>, vector<16x128xf32>, vector<800x128xf32> -> vector<800x128xf32>
    %add3A = arith.constant 9.99999971E-10 : f32
    %add3A_35 = vector.broadcast %add3A : f32 to vector<800x128xf32>
    %add3A_36 = arith.addf %dot_general3A_34, %add3A_35 : vector<800x128xf32>
    %div3A_37 = arith.divf %slice3A, %add3A_36 : vector<800x128xf32>
    %get3A_38 = arith.constant 0 : index
    %get3A_39 = arith.constant 0 : index
    %get3A_40 = vector.load %arg0[%get3A_38, %get3A_39] : memref<800x128xf32, #tpu.memory_space<vmem>>, vector<800x128xf32>
    %get3A_41 = arith.constant 0 : index
    %get3A_42 = arith.constant 0 : index
    %get3A_43 = vector.load %arg2[%get3A_41, %get3A_42] : memref<128x128xf32, #tpu.memory_space<vmem>>, vector<128x128xf32>
    %dot_general3A_44 = arith.constant dense<0.000000e+00> : vector<800x128xf32>
    %dot_general3A_45 = tpu.matmul %get3A_40, %get3A_43, %dot_general3A_44 {dimension_numbers = #tpu.dot_dimension_numbers<[1], [0], [0], [1], [0, 0, 1, 1], [], []>, transpose_lhs_hint = false} : vector<800x128xf32>, vector<128x128xf32>, vector<800x128xf32> -> vector<800x128xf32>
    %get3A_46 = arith.constant 0 : index
    %get3A_47 = arith.constant 0 : index
    %get3A_48 = vector.load %arg3[%get3A_46, %get3A_47] : memref<128x128xf32, #tpu.memory_space<vmem>>, vector<128x128xf32>
    %dot_general3A_49 = arith.constant dense<0.000000e+00> : vector<800x128xf32>
    %dot_general3A_50 = tpu.matmul %div3A_37, %get3A_48, %dot_general3A_49 {dimension_numbers = #tpu.dot_dimension_numbers<[1], [0], [0], [1], [0, 0, 1, 1], [], []>, transpose_lhs_hint = false} : vector<800x128xf32>, vector<128x128xf32>, vector<800x128xf32> -> vector<800x128xf32>
    %add3A_51 = arith.addf %dot_general3A_45, %dot_general3A_50 : vector<800x128xf32>
    %get3A_52 = arith.constant 0 : index
    %get3A_53 = arith.constant 0 : index
    %get3A_54 = vector.load %arg4[%get3A_52, %get3A_53] : memref<1x128xf32, #tpu.memory_space<vmem>>, vector<1x128xf32>
    %add3A_55 = vector.broadcast %get3A_54 : vector<1x128xf32> to vector<800x128xf32>
    %add3A_56 = arith.addf %add3A_51, %add3A_55 : vector<800x128xf32>
    %max3A = arith.constant 0.000000e+00 : f32
    %max3A_57 = vector.broadcast %max3A : f32 to vector<800x128xf32>
    %max3A_58 = arith.maximumf %add3A_56, %max3A_57 : vector<800x128xf32>
    %get3A_59 = arith.constant 0 : index
    %get3A_60 = arith.constant 0 : index
    %get3A_61 = vector.load %arg5[%get3A_59, %get3A_60] : memref<128x128xf32, #tpu.memory_space<vmem>>, vector<128x128xf32>
    %dot_general3A_62 = arith.constant dense<0.000000e+00> : vector<800x128xf32>
    %dot_general3A_63 = tpu.matmul %max3A_58, %get3A_61, %dot_general3A_62 {dimension_numbers = #tpu.dot_dimension_numbers<[1], [0], [0], [1], [0, 0, 1, 1], [], []>, transpose_lhs_hint = false} : vector<800x128xf32>, vector<128x128xf32>, vector<800x128xf32> -> vector<800x128xf32>
    %get3A_64 = arith.constant 0 : index
    %get3A_65 = arith.constant 0 : index
    %get3A_66 = vector.load %arg6[%get3A_64, %get3A_65] : memref<1x128xf32, #tpu.memory_space<vmem>>, vector<1x128xf32>
    %add3A_67 = vector.broadcast %get3A_66 : vector<1x128xf32> to vector<800x128xf32>
    %add3A_68 = arith.addf %dot_general3A_63, %add3A_67 : vector<800x128xf32>
    %swap3A = arith.constant 0 : index
    %swap3A_69 = arith.constant 0 : index
    %swap3A_70 = vector.load %arg13[%swap3A, %swap3A_69] : memref<800x128xf32, #tpu.memory_space<vmem>>, vector<800x128xf32>
    tpu.vector_store %arg13[%swap3A, %swap3A_69], %add3A_68 {strides = array<i32>} : memref<800x128xf32, #tpu.memory_space<vmem>>, vector<800x128xf32>,
    %get3A_71 = arith.constant 0 : index
    %get3A_72 = arith.constant 0 : index
    %get3A_73 = vector.load %arg11[%get3A_71, %get3A_72] : memref<128x128xf32, #tpu.memory_space<vmem>>, vector<128x128xf32>
    %dot_general3A_74 = arith.constant dense<0.000000e+00> : vector<800x128xf32>
    %dot_general3A_75 = tpu.matmul %add3A_68, %get3A_73, %dot_general3A_74 {dimension_numbers = #tpu.dot_dimension_numbers<[1], [0], [0], [1], [0, 0, 1, 1], [], []>, transpose_lhs_hint = false} : vector<800x128xf32>, vector<128x128xf32>, vector<800x128xf32> -> vector<800x128xf32>
    %get3A_76 = arith.constant 0 : index
    %get3A_77 = arith.constant 0 : index
    %get3A_78 = vector.load %arg12[%get3A_76, %get3A_77] : memref<128x128xf32, #tpu.memory_space<vmem>>, vector<128x128xf32>
    %dot_general3A_79 = arith.constant dense<0.000000e+00> : vector<800x128xf32>
    %dot_general3A_80 = tpu.matmul %add3A_68, %get3A_78, %dot_general3A_79 {dimension_numbers = #tpu.dot_dimension_numbers<[1], [0], [0], [1], [0, 0, 1, 1], [], []>, transpose_lhs_hint = false} : vector<800x128xf32>, vector<128x128xf32>, vector<800x128xf32> -> vector<800x128xf32>
    %broadcast_in_dim3A_81 = arith.constant 0.000000e+00 : f32
    %broadcast_in_dim3A_82 = vector.broadcast %broadcast_in_dim3A_81 : f32 to vector<1x16xf32>
    %slice3A_83 = vector.extract_strided_slice %dot_general3A_75 {offsets = [0, 0], sizes = [800, 16], strides = [1, 1]} : vector<800x128xf32> to vector<800x16xf32>
    %slice3A_84 = vector.extract_strided_slice %dot_general3A_80 {offsets = [0, 0], sizes = [800, 16], strides = [1, 1]} : vector<800x128xf32> to vector<800x16xf32>
    %dot_general3A_85 = arith.constant dense<0.000000e+00> : vector<800x800xf32>
    %dot_general3A_86 = tpu.matmul %slice3A_84, %slice3A_83, %dot_general3A_85 {dimension_numbers = #tpu.dot_dimension_numbers<[1], [1], [0], [0], [0, 0, 1, 0], [], []>, transpose_lhs_hint = false} : vector<800x16xf32>, vector<800x16xf32>, vector<800x800xf32> -> vector<800x800xf32>
    %reduce_max3A = arith.constant dense<0xFF800000> : vector<800xf32>
    %reduce_max3A_87 = vector.multi_reduction <maximumf>, %dot_general3A_86, %reduce_max3A [1] : vector<800x800xf32> to vector<800xf32>
    %broadcast_in_dim3A_88 = vector.shape_cast %reduce_max3A_87 : vector<800xf32> to vector<800x1xf32>
    %reduce_max3A_89 = arith.constant dense<0xFF800000> : vector<1xf32>
    %reduce_max3A_90 = vector.multi_reduction <maximumf>, %broadcast_in_dim3A_88, %reduce_max3A_89 [0] : vector<800x1xf32> to vector<1xf32>
    %broadcast_in_dim3A_91 = vector.shape_cast %reduce_max3A_90 : vector<1xf32> to vector<1x1xf32>
    %mul3A = arith.constant 2.500000e-01 : f32
    %mul3A_92 = vector.broadcast %mul3A : f32 to vector<1x1xf32>
    %mul3A_93 = arith.mulf %broadcast_in_dim3A_91, %mul3A_92 : vector<1x1xf32>
    %iota3A_94 = tpu.iota {dimensions = array<i32: 1>} : vector<1x16xi32>
    %eq3A_95 = arith.constant 0 : i32
    %eq3A_96 = vector.broadcast %eq3A_95 : i32 to vector<1x16xi32>
    %eq3A_97 = arith.cmpi eq, %iota3A_94, %eq3A_96 : vector<1x16xi32>
    %jit3A_98 = arith.constant 1.000000e+00 : f32
    %jit3A_99 = arith.constant 0.000000e+00 : f32
    %broadcast_in_dim3A_100 = vector.broadcast %jit3A_98 : f32 to vector<1x16xf32>
    %broadcast_in_dim3A_101 = vector.broadcast %jit3A_99 : f32 to vector<1x16xf32>
    %select_n3A_102 = arith.select %eq3A_97, %broadcast_in_dim3A_100, %broadcast_in_dim3A_101 : vector<1x16xi1>, vector<1x16xf32>
    %mul3A_103 = vector.broadcast %mul3A_93 : vector<1x1xf32> to vector<1x16xf32>
    %mul3A_104 = arith.mulf %mul3A_103, %select_n3A_102 : vector<1x16xf32>
    %add3A_105 = arith.addf %broadcast_in_dim3A_82, %mul3A_104 : vector<1x16xf32>
    %slice3A_106 = vector.extract_strided_slice %dot_general3A_75 {offsets = [0, 16], sizes = [800, 16], strides = [1, 1]} : vector<800x128xf32> to vector<800x16xf32>
    %slice3A_107 = vector.extract_strided_slice %dot_general3A_80 {offsets = [0, 16], sizes = [800, 16], strides = [1, 1]} : vector<800x128xf32> to vector<800x16xf32>
    %dot_general3A_108 = arith.constant dense<0.000000e+00> : vector<800x800xf32>
    %dot_general3A_109 = tpu.matmul %slice3A_107, %slice3A_106, %dot_general3A_108 {dimension_numbers = #tpu.dot_dimension_numbers<[1], [1], [0], [0], [0, 0, 1, 0], [], []>, transpose_lhs_hint = false} : vector<800x16xf32>, vector<800x16xf32>, vector<800x800xf32> -> vector<800x800xf32>
    %reduce_max3A_110 = arith.constant dense<0xFF800000> : vector<800xf32>
    %reduce_max3A_111 = vector.multi_reduction <maximumf>, %dot_general3A_109, %reduce_max3A_110 [1] : vector<800x800xf32> to vector<800xf32>
    %broadcast_in_dim3A_112 = vector.shape_cast %reduce_max3A_111 : vector<800xf32> to vector<800x1xf32>
    %reduce_max3A_113 = arith.constant dense<0xFF800000> : vector<1xf32>
    %reduce_max3A_114 = vector.multi_reduction <maximumf>, %broadcast_in_dim3A_112, %reduce_max3A_113 [0] : vector<800x1xf32> to vector<1xf32>
    %broadcast_in_dim3A_115 = vector.shape_cast %reduce_max3A_114 : vector<1xf32> to vector<1x1xf32>
    %mul3A_116 = arith.constant 2.500000e-01 : f32
    %mul3A_117 = vector.broadcast %mul3A_116 : f32 to vector<1x1xf32>
    %mul3A_118 = arith.mulf %broadcast_in_dim3A_115, %mul3A_117 : vector<1x1xf32>
    %iota3A_119 = tpu.iota {dimensions = array<i32: 1>} : vector<1x16xi32>
    %eq3A_120 = arith.constant 1 : i32
    %eq3A_121 = vector.broadcast %eq3A_120 : i32 to vector<1x16xi32>
    %eq3A_122 = arith.cmpi eq, %iota3A_119, %eq3A_121 : vector<1x16xi32>
    %jit3A_123 = arith.constant 1.000000e+00 : f32
    %jit3A_124 = arith.constant 0.000000e+00 : f32
    %broadcast_in_dim3A_125 = vector.broadcast %jit3A_123 : f32 to vector<1x16xf32>
    %broadcast_in_dim3A_126 = vector.broadcast %jit3A_124 : f32 to vector<1x16xf32>
    %select_n3A_127 = arith.select %eq3A_122, %broadcast_in_dim3A_125, %broadcast_in_dim3A_126 : vector<1x16xi1>, vector<1x16xf32>
    %mul3A_128 = vector.broadcast %mul3A_118 : vector<1x1xf32> to vector<1x16xf32>
    %mul3A_129 = arith.mulf %mul3A_128, %select_n3A_127 : vector<1x16xf32>
    %add3A_130 = arith.addf %add3A_105, %mul3A_129 : vector<1x16xf32>
    %slice3A_131 = vector.extract_strided_slice %dot_general3A_75 {offsets = [0, 32], sizes = [800, 16], strides = [1, 1]} : vector<800x128xf32> to vector<800x16xf32>
    %slice3A_132 = vector.extract_strided_slice %dot_general3A_80 {offsets = [0, 32], sizes = [800, 16], strides = [1, 1]} : vector<800x128xf32> to vector<800x16xf32>
    %dot_general3A_133 = arith.constant dense<0.000000e+00> : vector<800x800xf32>
    %dot_general3A_134 = tpu.matmul %slice3A_132, %slice3A_131, %dot_general3A_133 {dimension_numbers = #tpu.dot_dimension_numbers<[1], [1], [0], [0], [0, 0, 1, 0], [], []>, transpose_lhs_hint = false} : vector<800x16xf32>, vector<800x16xf32>, vector<800x800xf32> -> vector<800x800xf32>
    %reduce_max3A_135 = arith.constant dense<0xFF800000> : vector<800xf32>
    %reduce_max3A_136 = vector.multi_reduction <maximumf>, %dot_general3A_134, %reduce_max3A_135 [1] : vector<800x800xf32> to vector<800xf32>
    %broadcast_in_dim3A_137 = vector.shape_cast %reduce_max3A_136 : vector<800xf32> to vector<800x1xf32>
    %reduce_max3A_138 = arith.constant dense<0xFF800000> : vector<1xf32>
    %reduce_max3A_139 = vector.multi_reduction <maximumf>, %broadcast_in_dim3A_137, %reduce_max3A_138 [0] : vector<800x1xf32> to vector<1xf32>
    %broadcast_in_dim3A_140 = vector.shape_cast %reduce_max3A_139 : vector<1xf32> to vector<1x1xf32>
    %mul3A_141 = arith.constant 2.500000e-01 : f32
    %mul3A_142 = vector.broadcast %mul3A_141 : f32 to vector<1x1xf32>
    %mul3A_143 = arith.mulf %broadcast_in_dim3A_140, %mul3A_142 : vector<1x1xf32>
    %iota3A_144 = tpu.iota {dimensions = array<i32: 1>} : vector<1x16xi32>
    %eq3A_145 = arith.constant 2 : i32
    %eq3A_146 = vector.broadcast %eq3A_145 : i32 to vector<1x16xi32>
    %eq3A_147 = arith.cmpi eq, %iota3A_144, %eq3A_146 : vector<1x16xi32>
    %jit3A_148 = arith.constant 1.000000e+00 : f32
    %jit3A_149 = arith.constant 0.000000e+00 : f32
    %broadcast_in_dim3A_150 = vector.broadcast %jit3A_148 : f32 to vector<1x16xf32>
    %broadcast_in_dim3A_151 = vector.broadcast %jit3A_149 : f32 to vector<1x16xf32>
    %select_n3A_152 = arith.select %eq3A_147, %broadcast_in_dim3A_150, %broadcast_in_dim3A_151 : vector<1x16xi1>, vector<1x16xf32>
    %mul3A_153 = vector.broadcast %mul3A_143 : vector<1x1xf32> to vector<1x16xf32>
    %mul3A_154 = arith.mulf %mul3A_153, %select_n3A_152 : vector<1x16xf32>
    %add3A_155 = arith.addf %add3A_130, %mul3A_154 : vector<1x16xf32>
    %slice3A_156 = vector.extract_strided_slice %dot_general3A_75 {offsets = [0, 48], sizes = [800, 16], strides = [1, 1]} : vector<800x128xf32> to vector<800x16xf32>
    %slice3A_157 = vector.extract_strided_slice %dot_general3A_80 {offsets = [0, 48], sizes = [800, 16], strides = [1, 1]} : vector<800x128xf32> to vector<800x16xf32>
    %dot_general3A_158 = arith.constant dense<0.000000e+00> : vector<800x800xf32>
    %dot_general3A_159 = tpu.matmul %slice3A_157, %slice3A_156, %dot_general3A_158 {dimension_numbers = #tpu.dot_dimension_numbers<[1], [1], [0], [0], [0, 0, 1, 0], [], []>, transpose_lhs_hint = false} : vector<800x16xf32>, vector<800x16xf32>, vector<800x800xf32> -> vector<800x800xf32>
    %reduce_max3A_160 = arith.constant dense<0xFF800000> : vector<800xf32>
    %reduce_max3A_161 = vector.multi_reduction <maximumf>, %dot_general3A_159, %reduce_max3A_160 [1] : vector<800x800xf32> to vector<800xf32>
    %broadcast_in_dim3A_162 = vector.shape_cast %reduce_max3A_161 : vector<800xf32> to vector<800x1xf32>
    %reduce_max3A_163 = arith.constant dense<0xFF800000> : vector<1xf32>
    %reduce_max3A_164 = vector.multi_reduction <maximumf>, %broadcast_in_dim3A_162, %reduce_max3A_163 [0] : vector<800x1xf32> to vector<1xf32>
    %broadcast_in_dim3A_165 = vector.shape_cast %reduce_max3A_164 : vector<1xf32> to vector<1x1xf32>
    %mul3A_166 = arith.constant 2.500000e-01 : f32
    %mul3A_167 = vector.broadcast %mul3A_166 : f32 to vector<1x1xf32>
    %mul3A_168 = arith.mulf %broadcast_in_dim3A_165, %mul3A_167 : vector<1x1xf32>
    %iota3A_169 = tpu.iota {dimensions = array<i32: 1>} : vector<1x16xi32>
    %eq3A_170 = arith.constant 3 : i32
    %eq3A_171 = vector.broadcast %eq3A_170 : i32 to vector<1x16xi32>
    %eq3A_172 = arith.cmpi eq, %iota3A_169, %eq3A_171 : vector<1x16xi32>
    %jit3A_173 = arith.constant 1.000000e+00 : f32
    %jit3A_174 = arith.constant 0.000000e+00 : f32
    %broadcast_in_dim3A_175 = vector.broadcast %jit3A_173 : f32 to vector<1x16xf32>
    %broadcast_in_dim3A_176 = vector.broadcast %jit3A_174 : f32 to vector<1x16xf32>
    %select_n3A_177 = arith.select %eq3A_172, %broadcast_in_dim3A_175, %broadcast_in_dim3A_176 : vector<1x16xi1>, vector<1x16xf32>
    %mul3A_178 = vector.broadcast %mul3A_168 : vector<1x1xf32> to vector<1x16xf32>
    %mul3A_179 = arith.mulf %mul3A_178, %select_n3A_177 : vector<1x16xf32>
    %add3A_180 = arith.addf %add3A_155, %mul3A_179 : vector<1x16xf32>
    %slice3A_181 = vector.extract_strided_slice %dot_general3A_75 {offsets = [0, 64], sizes = [800, 16], strides = [1, 1]} : vector<800x128xf32> to vector<800x16xf32>
    %slice3A_182 = vector.extract_strided_slice %dot_general3A_80 {offsets = [0, 64], sizes = [800, 16], strides = [1, 1]} : vector<800x128xf32> to vector<800x16xf32>
    %dot_general3A_183 = arith.constant dense<0.000000e+00> : vector<800x800xf32>
    %dot_general3A_184 = tpu.matmul %slice3A_182, %slice3A_181, %dot_general3A_183 {dimension_numbers = #tpu.dot_dimension_numbers<[1], [1], [0], [0], [0, 0, 1, 0], [], []>, transpose_lhs_hint = false} : vector<800x16xf32>, vector<800x16xf32>, vector<800x800xf32> -> vector<800x800xf32>
    %reduce_max3A_185 = arith.constant dense<0xFF800000> : vector<800xf32>
    %reduce_max3A_186 = vector.multi_reduction <maximumf>, %dot_general3A_184, %reduce_max3A_185 [1] : vector<800x800xf32> to vector<800xf32>
    %broadcast_in_dim3A_187 = vector.shape_cast %reduce_max3A_186 : vector<800xf32> to vector<800x1xf32>
    %reduce_max3A_188 = arith.constant dense<0xFF800000> : vector<1xf32>
    %reduce_max3A_189 = vector.multi_reduction <maximumf>, %broadcast_in_dim3A_187, %reduce_max3A_188 [0] : vector<800x1xf32> to vector<1xf32>
    %broadcast_in_dim3A_190 = vector.shape_cast %reduce_max3A_189 : vector<1xf32> to vector<1x1xf32>
    %mul3A_191 = arith.constant 2.500000e-01 : f32
    %mul3A_192 = vector.broadcast %mul3A_191 : f32 to vector<1x1xf32>
    %mul3A_193 = arith.mulf %broadcast_in_dim3A_190, %mul3A_192 : vector<1x1xf32>
    %iota3A_194 = tpu.iota {dimensions = array<i32: 1>} : vector<1x16xi32>
    %eq3A_195 = arith.constant 4 : i32
    %eq3A_196 = vector.broadcast %eq3A_195 : i32 to vector<1x16xi32>
    %eq3A_197 = arith.cmpi eq, %iota3A_194, %eq3A_196 : vector<1x16xi32>
    %jit3A_198 = arith.constant 1.000000e+00 : f32
    %jit3A_199 = arith.constant 0.000000e+00 : f32
    %broadcast_in_dim3A_200 = vector.broadcast %jit3A_198 : f32 to vector<1x16xf32>
    %broadcast_in_dim3A_201 = vector.broadcast %jit3A_199 : f32 to vector<1x16xf32>
    %select_n3A_202 = arith.select %eq3A_197, %broadcast_in_dim3A_200, %broadcast_in_dim3A_201 : vector<1x16xi1>, vector<1x16xf32>
    %mul3A_203 = vector.broadcast %mul3A_193 : vector<1x1xf32> to vector<1x16xf32>
    %mul3A_204 = arith.mulf %mul3A_203, %select_n3A_202 : vector<1x16xf32>
    %add3A_205 = arith.addf %add3A_180, %mul3A_204 : vector<1x16xf32>
    %slice3A_206 = vector.extract_strided_slice %dot_general3A_75 {offsets = [0, 80], sizes = [800, 16], strides = [1, 1]} : vector<800x128xf32> to vector<800x16xf32>
    %slice3A_207 = vector.extract_strided_slice %dot_general3A_80 {offsets = [0, 80], sizes = [800, 16], strides = [1, 1]} : vector<800x128xf32> to vector<800x16xf32>
    %dot_general3A_208 = arith.constant dense<0.000000e+00> : vector<800x800xf32>
    %dot_general3A_209 = tpu.matmul %slice3A_207, %slice3A_206, %dot_general3A_208 {dimension_numbers = #tpu.dot_dimension_numbers<[1], [1], [0], [0], [0, 0, 1, 0], [], []>, transpose_lhs_hint = false} : vector<800x16xf32>, vector<800x16xf32>, vector<800x800xf32> -> vector<800x800xf32>
    %reduce_max3A_210 = arith.constant dense<0xFF800000> : vector<800xf32>
    %reduce_max3A_211 = vector.multi_reduction <maximumf>, %dot_general3A_209, %reduce_max3A_210 [1] : vector<800x800xf32> to vector<800xf32>
    %broadcast_in_dim3A_212 = vector.shape_cast %reduce_max3A_211 : vector<800xf32> to vector<800x1xf32>
    %reduce_max3A_213 = arith.constant dense<0xFF800000> : vector<1xf32>
    %reduce_max3A_214 = vector.multi_reduction <maximumf>, %broadcast_in_dim3A_212, %reduce_max3A_213 [0] : vector<800x1xf32> to vector<1xf32>
    %broadcast_in_dim3A_215 = vector.shape_cast %reduce_max3A_214 : vector<1xf32> to vector<1x1xf32>
    %mul3A_216 = arith.constant 2.500000e-01 : f32
    %mul3A_217 = vector.broadcast %mul3A_216 : f32 to vector<1x1xf32>
    %mul3A_218 = arith.mulf %broadcast_in_dim3A_215, %mul3A_217 : vector<1x1xf32>
    %iota3A_219 = tpu.iota {dimensions = array<i32: 1>} : vector<1x16xi32>
    %eq3A_220 = arith.constant 5 : i32
    %eq3A_221 = vector.broadcast %eq3A_220 : i32 to vector<1x16xi32>
    %eq3A_222 = arith.cmpi eq, %iota3A_219, %eq3A_221 : vector<1x16xi32>
    %jit3A_223 = arith.constant 1.000000e+00 : f32
    %jit3A_224 = arith.constant 0.000000e+00 : f32
    %broadcast_in_dim3A_225 = vector.broadcast %jit3A_223 : f32 to vector<1x16xf32>
    %broadcast_in_dim3A_226 = vector.broadcast %jit3A_224 : f32 to vector<1x16xf32>
    %select_n3A_227 = arith.select %eq3A_222, %broadcast_in_dim3A_225, %broadcast_in_dim3A_226 : vector<1x16xi1>, vector<1x16xf32>
    %mul3A_228 = vector.broadcast %mul3A_218 : vector<1x1xf32> to vector<1x16xf32>
    %mul3A_229 = arith.mulf %mul3A_228, %select_n3A_227 : vector<1x16xf32>
    %add3A_230 = arith.addf %add3A_205, %mul3A_229 : vector<1x16xf32>
    %slice3A_231 = vector.extract_strided_slice %dot_general3A_75 {offsets = [0, 96], sizes = [800, 16], strides = [1, 1]} : vector<800x128xf32> to vector<800x16xf32>
    %slice3A_232 = vector.extract_strided_slice %dot_general3A_80 {offsets = [0, 96], sizes = [800, 16], strides = [1, 1]} : vector<800x128xf32> to vector<800x16xf32>
    %dot_general3A_233 = arith.constant dense<0.000000e+00> : vector<800x800xf32>
    %dot_general3A_234 = tpu.matmul %slice3A_232, %slice3A_231, %dot_general3A_233 {dimension_numbers = #tpu.dot_dimension_numbers<[1], [1], [0], [0], [0, 0, 1, 0], [], []>, transpose_lhs_hint = false} : vector<800x16xf32>, vector<800x16xf32>, vector<800x800xf32> -> vector<800x800xf32>
    %reduce_max3A_235 = arith.constant dense<0xFF800000> : vector<800xf32>
    %reduce_max3A_236 = vector.multi_reduction <maximumf>, %dot_general3A_234, %reduce_max3A_235 [1] : vector<800x800xf32> to vector<800xf32>
    %broadcast_in_dim3A_237 = vector.shape_cast %reduce_max3A_236 : vector<800xf32> to vector<800x1xf32>
    %reduce_max3A_238 = arith.constant dense<0xFF800000> : vector<1xf32>
    %reduce_max3A_239 = vector.multi_reduction <maximumf>, %broadcast_in_dim3A_237, %reduce_max3A_238 [0] : vector<800x1xf32> to vector<1xf32>
    %broadcast_in_dim3A_240 = vector.shape_cast %reduce_max3A_239 : vector<1xf32> to vector<1x1xf32>
    %mul3A_241 = arith.constant 2.500000e-01 : f32
    %mul3A_242 = vector.broadcast %mul3A_241 : f32 to vector<1x1xf32>
    %mul3A_243 = arith.mulf %broadcast_in_dim3A_240, %mul3A_242 : vector<1x1xf32>
    %iota3A_244 = tpu.iota {dimensions = array<i32: 1>} : vector<1x16xi32>
    %eq3A_245 = arith.constant 6 : i32
    %eq3A_246 = vector.broadcast %eq3A_245 : i32 to vector<1x16xi32>
    %eq3A_247 = arith.cmpi eq, %iota3A_244, %eq3A_246 : vector<1x16xi32>
    %jit3A_248 = arith.constant 1.000000e+00 : f32
    %jit3A_249 = arith.constant 0.000000e+00 : f32
    %broadcast_in_dim3A_250 = vector.broadcast %jit3A_248 : f32 to vector<1x16xf32>
    %broadcast_in_dim3A_251 = vector.broadcast %jit3A_249 : f32 to vector<1x16xf32>
    %select_n3A_252 = arith.select %eq3A_247, %broadcast_in_dim3A_250, %broadcast_in_dim3A_251 : vector<1x16xi1>, vector<1x16xf32>
    %mul3A_253 = vector.broadcast %mul3A_243 : vector<1x1xf32> to vector<1x16xf32>
    %mul3A_254 = arith.mulf %mul3A_253, %select_n3A_252 : vector<1x16xf32>
    %add3A_255 = arith.addf %add3A_230, %mul3A_254 : vector<1x16xf32>
    %slice3A_256 = vector.extract_strided_slice %dot_general3A_75 {offsets = [0, 112], sizes = [800, 16], strides = [1, 1]} : vector<800x128xf32> to vector<800x16xf32>
    %slice3A_257 = vector.extract_strided_slice %dot_general3A_80 {offsets = [0, 112], sizes = [800, 16], strides = [1, 1]} : vector<800x128xf32> to vector<800x16xf32>
    %dot_general3A_258 = arith.constant dense<0.000000e+00> : vector<800x800xf32>
    %dot_general3A_259 = tpu.matmul %slice3A_257, %slice3A_256, %dot_general3A_258 {dimension_numbers = #tpu.dot_dimension_numbers<[1], [1], [0], [0], [0, 0, 1, 0], [], []>, transpose_lhs_hint = false} : vector<800x16xf32>, vector<800x16xf32>, vector<800x800xf32> -> vector<800x800xf32>
    %reduce_max3A_260 = arith.constant dense<0xFF800000> : vector<800xf32>
    %reduce_max3A_261 = vector.multi_reduction <maximumf>, %dot_general3A_259, %reduce_max3A_260 [1] : vector<800x800xf32> to vector<800xf32>
    %broadcast_in_dim3A_262 = vector.shape_cast %reduce_max3A_261 : vector<800xf32> to vector<800x1xf32>
    %reduce_max3A_263 = arith.constant dense<0xFF800000> : vector<1xf32>
    %reduce_max3A_264 = vector.multi_reduction <maximumf>, %broadcast_in_dim3A_262, %reduce_max3A_263 [0] : vector<800x1xf32> to vector<1xf32>
    %broadcast_in_dim3A_265 = vector.shape_cast %reduce_max3A_264 : vector<1xf32> to vector<1x1xf32>
    %mul3A_266 = arith.constant 2.500000e-01 : f32
    %mul3A_267 = vector.broadcast %mul3A_266 : f32 to vector<1x1xf32>
    %mul3A_268 = arith.mulf %broadcast_in_dim3A_265, %mul3A_267 : vector<1x1xf32>
    %iota3A_269 = tpu.iota {dimensions = array<i32: 1>} : vector<1x16xi32>
    %eq3A_270 = arith.constant 7 : i32
    %eq3A_271 = vector.broadcast %eq3A_270 : i32 to vector<1x16xi32>
    %eq3A_272 = arith.cmpi eq, %iota3A_269, %eq3A_271 : vector<1x16xi32>
    %jit3A_273 = arith.constant 1.000000e+00 : f32
    %jit3A_274 = arith.constant 0.000000e+00 : f32
    %broadcast_in_dim3A_275 = vector.broadcast %jit3A_273 : f32 to vector<1x16xf32>
    %broadcast_in_dim3A_276 = vector.broadcast %jit3A_274 : f32 to vector<1x16xf32>
    %select_n3A_277 = arith.select %eq3A_272, %broadcast_in_dim3A_275, %broadcast_in_dim3A_276 : vector<1x16xi1>, vector<1x16xf32>
    %mul3A_278 = vector.broadcast %mul3A_268 : vector<1x1xf32> to vector<1x16xf32>
    %mul3A_279 = arith.mulf %mul3A_278, %select_n3A_277 : vector<1x16xf32>
    %add3A_280 = arith.addf %add3A_255, %mul3A_279 : vector<1x16xf32>
    %swap3A_281 = arith.constant 0 : index
    %swap3A_282 = arith.constant 0 : index
    %swap3A_283 = vector.load %arg14[%swap3A_281, %swap3A_282] : memref<1x16xf32, #tpu.memory_space<vmem>>, vector<1x16xf32>
    tpu.vector_store %arg14[%swap3A_281, %swap3A_282], %add3A_280 {strides = array<i32>} : memref<1x16xf32, #tpu.memory_space<vmem>>, vector<1x16xf32>,
    %slice3A_284 = vector.extract_strided_slice %add3A_68 {offsets = [0, 0], sizes = [400, 128], strides = [1, 1]} : vector<800x128xf32> to vector<400x128xf32>
    %reduce_sum3A = arith.constant dense<0.000000e+00> : vector<128xf32>
    %reduce_sum3A_285 = vector.multi_reduction <add>, %slice3A_284, %reduce_sum3A [0] : vector<400x128xf32> to vector<128xf32>
    %broadcast_in_dim3A_286 = vector.shape_cast %reduce_sum3A_285 : vector<128xf32> to vector<1x128xf32>
    %div3A_287 = arith.constant 4.000000e+02 : f32
    %div3A_288 = vector.broadcast %div3A_287 : f32 to vector<1x128xf32>
    %div3A_289 = arith.divf %broadcast_in_dim3A_286, %div3A_288 : vector<1x128xf32>
    %slice3A_290 = vector.extract_strided_slice %add3A_68 {offsets = [400, 0], sizes = [400, 128], strides = [1, 1]} : vector<800x128xf32> to vector<400x128xf32>
    %reduce_sum3A_291 = arith.constant dense<0.000000e+00> : vector<128xf32>
    %reduce_sum3A_292 = vector.multi_reduction <add>, %slice3A_290, %reduce_sum3A_291 [0] : vector<400x128xf32> to vector<128xf32>
    %broadcast_in_dim3A_293 = vector.shape_cast %reduce_sum3A_292 : vector<128xf32> to vector<1x128xf32>
    %div3A_294 = arith.constant 4.000000e+02 : f32
    %div3A_295 = vector.broadcast %div3A_294 : f32 to vector<1x128xf32>
    %div3A_296 = arith.divf %broadcast_in_dim3A_293, %div3A_295 : vector<1x128xf32>
    %get3A_297 = arith.constant 0 : index
    %get3A_298 = arith.constant 0 : index
    %get3A_299 = arith.constant 0 : index
    %get3A_300 = vector.load %arg7[%get3A_297, %get3A_298, %get3A_299] : memref<400x1x128xf32, #tpu.memory_space<vmem>>, vector<200x1x128xf32>
    %reduce_sum3A_301 = arith.constant dense<0.000000e+00> : vector<1x128xf32>
    %reduce_sum3A_302 = vector.multi_reduction <add>, %get3A_300, %reduce_sum3A_301 [0] : vector<200x1x128xf32> to vector<1x128xf32>
    %mul3A_303 = arith.constant 1.95312496E-5 : f32
    %mul3A_304 = vector.broadcast %mul3A_303 : f32 to vector<1x128xf32>
    %mul3A_305 = arith.mulf %reduce_sum3A_302, %mul3A_304 : vector<1x128xf32>
    %get3A_306 = arith.constant 200 : index
    %get3A_307 = arith.constant 0 : index
    %get3A_308 = arith.constant 0 : index
    %get3A_309 = vector.load %arg7[%get3A_306, %get3A_307, %get3A_308] : memref<400x1x128xf32, #tpu.memory_space<vmem>>, vector<200x1x128xf32>
    %reduce_sum3A_310 = arith.constant dense<0.000000e+00> : vector<1x128xf32>
    %reduce_sum3A_311 = vector.multi_reduction <add>, %get3A_309, %reduce_sum3A_310 [0] : vector<200x1x128xf32> to vector<1x128xf32>
    %mul3A_312 = arith.constant 1.95312496E-5 : f32
    %mul3A_313 = vector.broadcast %mul3A_312 : f32 to vector<1x128xf32>
    %mul3A_314 = arith.mulf %reduce_sum3A_311, %mul3A_313 : vector<1x128xf32>
    %get3A_315 = arith.constant 0 : index
    %get3A_316 = arith.constant 0 : index
    %get3A_317 = vector.load %arg8[%get3A_315, %get3A_316] : memref<128x128xf32, #tpu.memory_space<vmem>>, vector<128x128xf32>
    %dot_general3A_318 = arith.constant dense<0.000000e+00> : vector<1x128xf32>
    %dot_general3A_319 = tpu.matmul %div3A_289, %get3A_317, %dot_general3A_318 {dimension_numbers = #tpu.dot_dimension_numbers<[1], [0], [0], [1], [0, 0, 1, 1], [], []>, transpose_lhs_hint = false} : vector<1x128xf32>, vector<128x128xf32>, vector<1x128xf32> -> vector<1x128xf32>
    %get3A_320 = arith.constant 0 : index
    %get3A_321 = arith.constant 0 : index
    %get3A_322 = vector.load %arg9[%get3A_320, %get3A_321] : memref<128x128xf32, #tpu.memory_space<vmem>>, vector<128x128xf32>
    %dot_general3A_323 = arith.constant dense<0.000000e+00> : vector<1x128xf32>
    %dot_general3A_324 = tpu.matmul %mul3A_305, %get3A_322, %dot_general3A_323 {dimension_numbers = #tpu.dot_dimension_numbers<[1], [0], [0], [1], [0, 0, 1, 1], [], []>, transpose_lhs_hint = false} : vector<1x128xf32>, vector<128x128xf32>, vector<1x128xf32> -> vector<1x128xf32>
    %add3A_325 = arith.addf %dot_general3A_319, %dot_general3A_324 : vector<1x128xf32>
    %get3A_326 = arith.constant 0 : index
    %get3A_327 = arith.constant 0 : index
    %get3A_328 = vector.load %arg10[%get3A_326, %get3A_327] : memref<1x128xf32, #tpu.memory_space<vmem>>, vector<1x128xf32>
    %add3A_329 = arith.addf %add3A_325, %get3A_328 : vector<1x128xf32>
    %swap3A_330 = arith.constant 0 : index
    %swap3A_331 = arith.constant 0 : index
    %swap3A_332 = vector.load %arg15[%swap3A_330, %swap3A_331] : memref<1x128xf32, #tpu.memory_space<vmem>>, vector<1x128xf32>
    tpu.vector_store %arg15[%swap3A_330, %swap3A_331], %add3A_329 {strides = array<i32>} : memref<1x128xf32, #tpu.memory_space<vmem>>, vector<1x128xf32>,
    %get3A_333 = arith.constant 0 : index
    %get3A_334 = arith.constant 0 : index
    %get3A_335 = vector.load %arg8[%get3A_333, %get3A_334] : memref<128x128xf32, #tpu.memory_space<vmem>>, vector<128x128xf32>
    %dot_general3A_336 = arith.constant dense<0.000000e+00> : vector<1x128xf32>
    %dot_general3A_337 = tpu.matmul %div3A_296, %get3A_335, %dot_general3A_336 {dimension_numbers = #tpu.dot_dimension_numbers<[1], [0], [0], [1], [0, 0, 1, 1], [], []>, transpose_lhs_hint = false} : vector<1x128xf32>, vector<128x128xf32>, vector<1x128xf32> -> vector<1x128xf32>
    %get3A_338 = arith.constant 0 : index
    %get3A_339 = arith.constant 0 : index
    %get3A_340 = vector.load %arg9[%get3A_338, %get3A_339] : memref<128x128xf32, #tpu.memory_space<vmem>>, vector<128x128xf32>
    %dot_general3A_341 = arith.constant dense<0.000000e+00> : vector<1x128xf32>
    %dot_general3A_342 = tpu.matmul %mul3A_314, %get3A_340, %dot_general3A_341 {dimension_numbers = #tpu.dot_dimension_numbers<[1], [0], [0], [1], [0, 0, 1, 1], [], []>, transpose_lhs_hint = false} : vector<1x128xf32>, vector<128x128xf32>, vector<1x128xf32> -> vector<1x128xf32>
    %add3A_343 = arith.addf %dot_general3A_337, %dot_general3A_342 : vector<1x128xf32>
    %get3A_344 = arith.constant 0 : index
    %get3A_345 = arith.constant 0 : index
    %get3A_346 = vector.load %arg10[%get3A_344, %get3A_345] : memref<1x128xf32, #tpu.memory_space<vmem>>, vector<1x128xf32>
    %add3A_347 = arith.addf %add3A_343, %get3A_346 : vector<1x128xf32>
    %swap3A_348 = arith.constant 0 : index
    %swap3A_349 = arith.constant 0 : index
    %swap3A_350 = vector.load %arg16[%swap3A_348, %swap3A_349] : memref<1x128xf32, #tpu.memory_space<vmem>>, vector<1x128xf32>
    tpu.vector_store %arg16[%swap3A_348, %swap3A_349], %add3A_347 {strides = array<i32>} : memref<1x128xf32, #tpu.memory_space<vmem>>, vector<1x128xf32>,
    return
  }
}

module attributes {stable_mosaic.version = 14 : i64} {
  func.func @body(%arg0: i32, %arg1: memref<256x16xf32, #tpu.memory_space<vmem>>, %arg2: memref<256x128xf32, #tpu.memory_space<vmem>>, %arg3: memref<256x128xf32, #tpu.memory_space<vmem>>, %arg4: memref<256x1xi32, #tpu.memory_space<vmem>>, %arg5: memref<1x16xf32, #tpu.memory_space<vmem>>, %arg6: memref<16x128xf32, #tpu.memory_space<vmem>>, %arg7: memref<1x128xf32, #tpu.memory_space<vmem>>, %arg8: memref<128x256xbf16, #tpu.memory_space<vmem>>, %arg9: memref<128x256xbf16, #tpu.memory_space<vmem>>, %arg10: memref<128x128xbf16, #tpu.memory_space<vmem>>, %arg11: memref<1x128xf32, #tpu.memory_space<vmem>>, %arg12: memref<256x128xbf16, #tpu.memory_space<vmem>>, %arg13: memref<800x144xf32, #tpu.memory_space<vmem>>, %arg14: memref<1x1x128xf32, #tpu.memory_space<vmem>>) attributes {dimension_semantics = [#tpu.dimension_semantics<arbitrary>], iteration_bounds = array<i64: 200>, scalar_prefetch = 0 : i64, scratch_operands = 0 : i64, tpu.core_type = #tpu.core_type<tc>, window_params = [{transform_indices = @transform_0, window_bounds = array<i64: 256, 16>}, {transform_indices = @transform_1, window_bounds = array<i64: 256, 128>}, {transform_indices = @transform_2, window_bounds = array<i64: 256, 128>}, {transform_indices = @transform_3, window_bounds = array<i64: 256, 1>}, {pipeline_mode = #tpu.pipeline_mode<synchronous>, transform_indices = @transform_4, window_bounds = array<i64: 1, 16>}, {pipeline_mode = #tpu.pipeline_mode<synchronous>, transform_indices = @transform_5, window_bounds = array<i64: 16, 128>}, {pipeline_mode = #tpu.pipeline_mode<synchronous>, transform_indices = @transform_6, window_bounds = array<i64: 1, 128>}, {pipeline_mode = #tpu.pipeline_mode<synchronous>, transform_indices = @transform_7, window_bounds = array<i64: 128, 256>}, {pipeline_mode = #tpu.pipeline_mode<synchronous>, transform_indices = @transform_8, window_bounds = array<i64: 128, 256>}, {pipeline_mode = #tpu.pipeline_mode<synchronous>, transform_indices = @transform_9, window_bounds = array<i64: 128, 128>}, {pipeline_mode = #tpu.pipeline_mode<synchronous>, transform_indices = @transform_10, window_bounds = array<i64: 1, 128>}, {transform_indices = @transform_11, window_bounds = array<i64: 256, 128>}, {pipeline_mode = #tpu.pipeline_mode<synchronous>, transform_indices = @transform_12, window_bounds = array<i64: 800, 144>}, {transform_indices = @transform_13, window_bounds = array<i64: 1, 1, 128>}]} {
    %get3A = arith.constant 0 : index
    %get3A_0 = arith.constant 0 : index
    %get3A_1 = vector.load %arg1[%get3A, %get3A_0] : memref<256x16xf32, #tpu.memory_space<vmem>>, vector<256x16xf32>
    %get3A_2 = arith.constant 0 : index
    %get3A_3 = arith.constant 0 : index
    %get3A_4 = vector.load %arg6[%get3A_2, %get3A_3] : memref<16x128xf32, #tpu.memory_space<vmem>>, vector<16x128xf32>
    %dot_general3A = arith.constant dense<0.000000e+00> : vector<256x128xf32>
    %dot_general3A_5 = tpu.matmul %get3A_1, %get3A_4, %dot_general3A {dimension_numbers = #tpu.dot_dimension_numbers<[1], [0], [0], [1], [0, 0, 1, 1], [], []>, transpose_lhs_hint = false} : vector<256x16xf32>, vector<16x128xf32>, vector<256x128xf32> -> vector<256x128xf32>
    %get3A_6 = arith.constant 0 : index
    %get3A_7 = arith.constant 0 : index
    %get3A_8 = vector.load %arg7[%get3A_6, %get3A_7] : memref<1x128xf32, #tpu.memory_space<vmem>>, vector<1x128xf32>
    %add3A = vector.broadcast %get3A_8 : vector<1x128xf32> to vector<256x128xf32>
    %add3A_9 = arith.addf %dot_general3A_5, %add3A : vector<256x128xf32>
    %get3A_10 = arith.constant 0 : index
    %get3A_11 = arith.constant 0 : index
    %get3A_12 = vector.load %arg2[%get3A_10, %get3A_11] : memref<256x128xf32, #tpu.memory_space<vmem>>, vector<256x128xf32>
    %convert_element_type3A = arith.truncf %get3A_12 : vector<256x128xf32> to vector<256x128xbf16>
    %get3A_13 = arith.constant 0 : index
    %get3A_14 = arith.constant 0 : index
    %get3A_15 = vector.load %arg3[%get3A_13, %get3A_14] : memref<256x128xf32, #tpu.memory_space<vmem>>, vector<256x128xf32>
    %convert_element_type3A_16 = arith.truncf %get3A_15 : vector<256x128xf32> to vector<256x128xbf16>
    %get3A_17 = arith.constant 0 : index
    %get3A_18 = arith.constant 0 : index
    %get3A_19 = vector.load %arg8[%get3A_17, %get3A_18] : memref<128x256xbf16, #tpu.memory_space<vmem>>, vector<128x256xbf16>
    %dot_general3A_20 = arith.constant dense<0.000000e+00> : vector<256x256xf32>
    %dot_general3A_21 = tpu.matmul %convert_element_type3A, %get3A_19, %dot_general3A_20 {dimension_numbers = #tpu.dot_dimension_numbers<[1], [0], [0], [1], [0, 0, 1, 1], [], []>, transpose_lhs_hint = false} : vector<256x128xbf16>, vector<128x256xbf16>, vector<256x256xf32> -> vector<256x256xf32>
    %get3A_22 = arith.constant 0 : index
    %get3A_23 = arith.constant 0 : index
    %get3A_24 = vector.load %arg9[%get3A_22, %get3A_23] : memref<128x256xbf16, #tpu.memory_space<vmem>>, vector<128x256xbf16>
    %dot_general3A_25 = arith.constant dense<0.000000e+00> : vector<256x256xf32>
    %dot_general3A_26 = tpu.matmul %convert_element_type3A_16, %get3A_24, %dot_general3A_25 {dimension_numbers = #tpu.dot_dimension_numbers<[1], [0], [0], [1], [0, 0, 1, 1], [], []>, transpose_lhs_hint = false} : vector<256x128xbf16>, vector<128x256xbf16>, vector<256x256xf32> -> vector<256x256xf32>
    %slice3A = vector.extract_strided_slice %dot_general3A_21 {offsets = [0, 0], sizes = [256, 128], strides = [1, 1]} : vector<256x256xf32> to vector<256x128xf32>
    %add3A_27 = arith.addf %add3A_9, %slice3A : vector<256x128xf32>
    %slice3A_28 = vector.extract_strided_slice %dot_general3A_26 {offsets = [0, 0], sizes = [256, 128], strides = [1, 1]} : vector<256x256xf32> to vector<256x128xf32>
    %add3A_29 = arith.addf %add3A_27, %slice3A_28 : vector<256x128xf32>
    %max3A = arith.constant 0.000000e+00 : f32
    %max3A_30 = vector.broadcast %max3A : f32 to vector<256x128xf32>
    %max3A_31 = arith.maximumf %add3A_29, %max3A_30 : vector<256x128xf32>
    %convert_element_type3A_32 = arith.truncf %max3A_31 : vector<256x128xf32> to vector<256x128xbf16>
    %get3A_33 = arith.constant 0 : index
    %get3A_34 = arith.constant 0 : index
    %get3A_35 = vector.load %arg10[%get3A_33, %get3A_34] : memref<128x128xbf16, #tpu.memory_space<vmem>>, vector<128x128xbf16>
    %dot_general3A_36 = arith.constant dense<0.000000e+00> : vector<256x128xf32>
    %dot_general3A_37 = tpu.matmul %convert_element_type3A_32, %get3A_35, %dot_general3A_36 {dimension_numbers = #tpu.dot_dimension_numbers<[1], [0], [0], [1], [0, 0, 1, 1], [], []>, transpose_lhs_hint = false} : vector<256x128xbf16>, vector<128x128xbf16>, vector<256x128xf32> -> vector<256x128xf32>
    %get3A_38 = arith.constant 0 : index
    %get3A_39 = arith.constant 0 : index
    %get3A_40 = vector.load %arg11[%get3A_38, %get3A_39] : memref<1x128xf32, #tpu.memory_space<vmem>>, vector<1x128xf32>
    %add3A_41 = vector.broadcast %get3A_40 : vector<1x128xf32> to vector<256x128xf32>
    %add3A_42 = arith.addf %dot_general3A_37, %add3A_41 : vector<256x128xf32>
    %slice3A_43 = vector.extract_strided_slice %dot_general3A_21 {offsets = [0, 128], sizes = [256, 128], strides = [1, 1]} : vector<256x256xf32> to vector<256x128xf32>
    %slice3A_44 = vector.extract_strided_slice %dot_general3A_26 {offsets = [0, 128], sizes = [256, 128], strides = [1, 1]} : vector<256x256xf32> to vector<256x128xf32>
    %mul3A = arith.mulf %slice3A_43, %slice3A_44 : vector<256x128xf32>
    %iota3A = tpu.iota {dimensions = array<i32: 0>} : vector<128x16xi32>
    %iota3A_45 = tpu.iota {dimensions = array<i32: 1>} : vector<128x16xi32>
    %jit3A = arith.constant 16 : i32
    %div3A = vector.broadcast %jit3A : i32 to vector<128x16xi32>
    %div3A_46 = arith.divsi %iota3A, %div3A : vector<128x16xi32>
    %sign3A = arith.constant 0 : i32
    %sign3A_47 = vector.broadcast %sign3A : i32 to vector<128x16xi32>
    %sign3A_48 = arith.cmpi sgt, %iota3A, %sign3A_47 : vector<128x16xi32>
    %sign3A_49 = arith.extui %sign3A_48 : vector<128x16xi1> to vector<128x16xi32>
    %sign3A_50 = arith.constant 0 : i32
    %sign3A_51 = vector.broadcast %sign3A_50 : i32 to vector<128x16xi32>
    %sign3A_52 = arith.cmpi slt, %iota3A, %sign3A_51 : vector<128x16xi32>
    %sign3A_53 = arith.extui %sign3A_52 : vector<128x16xi1> to vector<128x16xi32>
    %sign3A_54 = arith.subi %sign3A_49, %sign3A_53 : vector<128x16xi32>
    %sign3A_55 = arith.constant 0 : i32
    %sign3A_56 = arith.cmpi sgt, %jit3A, %sign3A_55 : i32
    %sign3A_57 = arith.extui %sign3A_56 : i1 to i32
    %sign3A_58 = arith.constant 0 : i32
    %sign3A_59 = arith.cmpi slt, %jit3A, %sign3A_58 : i32
    %sign3A_60 = arith.extui %sign3A_59 : i1 to i32
    %sign3A_61 = arith.subi %sign3A_57, %sign3A_60 : i32
    %ne3A = vector.broadcast %sign3A_61 : i32 to vector<128x16xi32>
    %ne3A_62 = arith.cmpi ne, %sign3A_54, %ne3A : vector<128x16xi32>
    %rem3A = vector.broadcast %jit3A : i32 to vector<128x16xi32>
    %rem3A_63 = arith.remsi %iota3A, %rem3A : vector<128x16xi32>
    %ne3A_64 = arith.constant 0 : i32
    %ne3A_65 = vector.broadcast %ne3A_64 : i32 to vector<128x16xi32>
    %ne3A_66 = arith.cmpi ne, %rem3A_63, %ne3A_65 : vector<128x16xi32>
    %and3A = arith.andi %ne3A_62, %ne3A_66 : vector<128x16xi1>
    %sub3A = arith.constant 1 : i32
    %sub3A_67 = vector.broadcast %sub3A : i32 to vector<128x16xi32>
    %sub3A_68 = arith.subi %div3A_46, %sub3A_67 : vector<128x16xi32>
    %select_n3A = arith.select %and3A, %sub3A_68, %div3A_46 : vector<128x16xi1>, vector<128x16xi32>
    %eq3A = arith.cmpi eq, %select_n3A, %iota3A_45 : vector<128x16xi32>
    %jit3A_69 = arith.constant 1.000000e+00 : f32
    %jit3A_70 = arith.constant 0.000000e+00 : f32
    %broadcast_in_dim3A = vector.broadcast %jit3A_69 : f32 to vector<128x16xf32>
    %broadcast_in_dim3A_71 = vector.broadcast %jit3A_70 : f32 to vector<128x16xf32>
    %select_n3A_72 = arith.select %eq3A, %broadcast_in_dim3A, %broadcast_in_dim3A_71 : vector<128x16xi1>, vector<128x16xf32>
    %dot_general3A_73 = arith.constant dense<0.000000e+00> : vector<256x16xf32>
    %dot_general3A_74 = tpu.matmul %mul3A, %select_n3A_72, %dot_general3A_73 {dimension_numbers = #tpu.dot_dimension_numbers<[1], [0], [0], [1], [0, 0, 1, 1], [], []>, transpose_lhs_hint = false} : vector<256x128xf32>, vector<128x16xf32>, vector<256x16xf32> -> vector<256x16xf32>
    %mul3A_75 = arith.constant 2.500000e-01 : f32
    %mul3A_76 = vector.broadcast %mul3A_75 : f32 to vector<256x16xf32>
    %mul3A_77 = arith.mulf %dot_general3A_74, %mul3A_76 : vector<256x16xf32>
    %get3A_78 = arith.constant 0 : index
    %get3A_79 = arith.constant 0 : index
    %get3A_80 = vector.load %arg5[%get3A_78, %get3A_79] : memref<1x16xf32, #tpu.memory_space<vmem>>, vector<1x16xf32>
    %sub3A_81 = vector.broadcast %get3A_80 : vector<1x16xf32> to vector<256x16xf32>
    %sub3A_82 = arith.subf %mul3A_77, %sub3A_81 : vector<256x16xf32>
    %exp3A = math.exp %sub3A_82 : vector<256x16xf32>
    %iota3A_83 = tpu.iota {dimensions = array<i32: 0>} : vector<16x128xi32>
    %iota3A_84 = tpu.iota {dimensions = array<i32: 1>} : vector<16x128xi32>
    %jit3A_85 = arith.constant 16 : i32
    %div3A_86 = vector.broadcast %jit3A_85 : i32 to vector<16x128xi32>
    %div3A_87 = arith.divsi %iota3A_84, %div3A_86 : vector<16x128xi32>
    %sign3A_88 = arith.constant 0 : i32
    %sign3A_89 = vector.broadcast %sign3A_88 : i32 to vector<16x128xi32>
    %sign3A_90 = arith.cmpi sgt, %iota3A_84, %sign3A_89 : vector<16x128xi32>
    %sign3A_91 = arith.extui %sign3A_90 : vector<16x128xi1> to vector<16x128xi32>
    %sign3A_92 = arith.constant 0 : i32
    %sign3A_93 = vector.broadcast %sign3A_92 : i32 to vector<16x128xi32>
    %sign3A_94 = arith.cmpi slt, %iota3A_84, %sign3A_93 : vector<16x128xi32>
    %sign3A_95 = arith.extui %sign3A_94 : vector<16x128xi1> to vector<16x128xi32>
    %sign3A_96 = arith.subi %sign3A_91, %sign3A_95 : vector<16x128xi32>
    %sign3A_97 = arith.constant 0 : i32
    %sign3A_98 = arith.cmpi sgt, %jit3A_85, %sign3A_97 : i32
    %sign3A_99 = arith.extui %sign3A_98 : i1 to i32
    %sign3A_100 = arith.constant 0 : i32
    %sign3A_101 = arith.cmpi slt, %jit3A_85, %sign3A_100 : i32
    %sign3A_102 = arith.extui %sign3A_101 : i1 to i32
    %sign3A_103 = arith.subi %sign3A_99, %sign3A_102 : i32
    %ne3A_104 = vector.broadcast %sign3A_103 : i32 to vector<16x128xi32>
    %ne3A_105 = arith.cmpi ne, %sign3A_96, %ne3A_104 : vector<16x128xi32>
    %rem3A_106 = vector.broadcast %jit3A_85 : i32 to vector<16x128xi32>
    %rem3A_107 = arith.remsi %iota3A_84, %rem3A_106 : vector<16x128xi32>
    %ne3A_108 = arith.constant 0 : i32
    %ne3A_109 = vector.broadcast %ne3A_108 : i32 to vector<16x128xi32>
    %ne3A_110 = arith.cmpi ne, %rem3A_107, %ne3A_109 : vector<16x128xi32>
    %and3A_111 = arith.andi %ne3A_105, %ne3A_110 : vector<16x128xi1>
    %sub3A_112 = arith.constant 1 : i32
    %sub3A_113 = vector.broadcast %sub3A_112 : i32 to vector<16x128xi32>
    %sub3A_114 = arith.subi %div3A_87, %sub3A_113 : vector<16x128xi32>
    %select_n3A_115 = arith.select %and3A_111, %sub3A_114, %div3A_87 : vector<16x128xi1>, vector<16x128xi32>
    %eq3A_116 = arith.cmpi eq, %select_n3A_115, %iota3A_83 : vector<16x128xi32>
    %lt3A = arith.constant 8 : i32
    %lt3A_117 = vector.broadcast %lt3A : i32 to vector<16x128xi32>
    %lt3A_118 = arith.cmpi slt, %iota3A_83, %lt3A_117 : vector<16x128xi32>
    %and3A_119 = arith.andi %eq3A_116, %lt3A_118 : vector<16x128xi1>
    %jit3A_120 = arith.constant 1.000000e+00 : f32
    %jit3A_121 = arith.constant 0.000000e+00 : f32
    %broadcast_in_dim3A_122 = vector.broadcast %jit3A_120 : f32 to vector<16x128xf32>
    %broadcast_in_dim3A_123 = vector.broadcast %jit3A_121 : f32 to vector<16x128xf32>
    %select_n3A_124 = arith.select %and3A_119, %broadcast_in_dim3A_122, %broadcast_in_dim3A_123 : vector<16x128xi1>, vector<16x128xf32>
    %dot_general3A_125 = arith.constant dense<0.000000e+00> : vector<256x128xf32>
    %dot_general3A_126 = tpu.matmul %exp3A, %select_n3A_124, %dot_general3A_125 {dimension_numbers = #tpu.dot_dimension_numbers<[1], [0], [0], [1], [0, 0, 1, 1], [], []>, transpose_lhs_hint = false} : vector<256x16xf32>, vector<16x128xf32>, vector<256x128xf32> -> vector<256x128xf32>
    %mul3A_127 = arith.mulf %add3A_42, %dot_general3A_126 : vector<256x128xf32>
    %iota3A_128 = tpu.iota {dimensions = array<i32: 1>} : vector<256x800xi32>
    %get3A_129 = arith.constant 0 : index
    %get3A_130 = arith.constant 0 : index
    %get3A_131 = vector.load %arg4[%get3A_129, %get3A_130] : memref<256x1xi32, #tpu.memory_space<vmem>>, vector<256x1xi32>
    %eq3A_132 = vector.broadcast %get3A_131 : vector<256x1xi32> to vector<256x800xi32>
    %eq3A_133 = arith.cmpi eq, %eq3A_132, %iota3A_128 : vector<256x800xi32>
    %jit3A_134 = arith.constant 1.000000e+00 : f32
    %jit3A_135 = arith.constant 0.000000e+00 : f32
    %broadcast_in_dim3A_136 = vector.broadcast %jit3A_134 : f32 to vector<256x800xf32>
    %broadcast_in_dim3A_137 = vector.broadcast %jit3A_135 : f32 to vector<256x800xf32>
    %select_n3A_138 = arith.select %eq3A_133, %broadcast_in_dim3A_136, %broadcast_in_dim3A_137 : vector<256x800xi1>, vector<256x800xf32>
    %convert_element_type3A_139 = arith.truncf %select_n3A_138 : vector<256x800xf32> to vector<256x800xbf16>
    %concatenate3A = tpu.concatenate %mul3A_127, %exp3A in 1 : vector<256x128xf32>, vector<256x16xf32> -> vector<256x144xf32>
    %convert_element_type3A_140 = arith.truncf %concatenate3A : vector<256x144xf32> to vector<256x144xbf16>
    %dot_general3A_141 = arith.constant dense<0.000000e+00> : vector<800x144xf32>
    %dot_general3A_142 = tpu.matmul %convert_element_type3A_139, %convert_element_type3A_140, %dot_general3A_141 {dimension_numbers = #tpu.dot_dimension_numbers<[0], [0], [1], [1], [0, 1, 1, 1], [], []>, transpose_lhs_hint = false} : vector<256x800xbf16>, vector<256x144xbf16>, vector<800x144xf32> -> vector<800x144xf32>
    %eq3A_143 = arith.constant 0 : i32
    %eq3A_144 = arith.cmpi eq, %arg0, %eq3A_143 : i32
    %convert_element_type3A_145 = arith.extui %eq3A_144 : i1 to i32
    %cond3A = arith.constant 0 : i32
    %cond3A_146 = arith.cmpi ne, %convert_element_type3A_145, %cond3A : i32
    scf.if %cond3A_146 {
      %broadcast_in_dim3A_164 = arith.constant 0.000000e+00 : f32
      %broadcast_in_dim3A_165 = vector.broadcast %broadcast_in_dim3A_164 : f32 to vector<800x144xf32>
      %swap3A_166 = arith.constant 0 : index
      %swap3A_167 = arith.constant 0 : index
      %swap3A_168 = vector.load %arg13[%swap3A_166, %swap3A_167] : memref<800x144xf32, #tpu.memory_space<vmem>>, vector<800x144xf32>
      tpu.vector_store %arg13[%swap3A_166, %swap3A_167], %broadcast_in_dim3A_165 {strides = array<i32>} : memref<800x144xf32, #tpu.memory_space<vmem>>, vector<800x144xf32>,
    } else {
    }
    %get3A_147 = arith.constant 0 : index
    %get3A_148 = arith.constant 0 : index
    %get3A_149 = vector.load %arg13[%get3A_147, %get3A_148] : memref<800x144xf32, #tpu.memory_space<vmem>>, vector<800x144xf32>
    %add3A_150 = arith.addf %get3A_149, %dot_general3A_142 : vector<800x144xf32>
    %swap3A = arith.constant 0 : index
    %swap3A_151 = arith.constant 0 : index
    %swap3A_152 = vector.load %arg13[%swap3A, %swap3A_151] : memref<800x144xf32, #tpu.memory_space<vmem>>, vector<800x144xf32>
    tpu.vector_store %arg13[%swap3A, %swap3A_151], %add3A_150 {strides = array<i32>} : memref<800x144xf32, #tpu.memory_space<vmem>>, vector<800x144xf32>,
    %convert_element_type3A_153 = arith.truncf %add3A_42 : vector<256x128xf32> to vector<256x128xbf16>
    %swap3A_154 = arith.constant 0 : index
    %swap3A_155 = arith.constant 0 : index
    %swap3A_156 = vector.load %arg12[%swap3A_154, %swap3A_155] : memref<256x128xbf16, #tpu.memory_space<vmem>>, vector<256x128xbf16>
    tpu.vector_store %arg12[%swap3A_154, %swap3A_155], %convert_element_type3A_153 {strides = array<i32>} : memref<256x128xbf16, #tpu.memory_space<vmem>>, vector<256x128xbf16>,
    %reduce_sum3A = arith.constant dense<0.000000e+00> : vector<128xf32>
    %reduce_sum3A_157 = vector.multi_reduction <add>, %add3A_42, %reduce_sum3A [0] : vector<256x128xf32> to vector<128xf32>
    %broadcast_in_dim3A_158 = vector.shape_cast %reduce_sum3A_157 : vector<128xf32> to vector<1x128xf32>
    %broadcast_in_dim3A_159 = vector.shape_cast %broadcast_in_dim3A_158 : vector<1x128xf32> to vector<1x1x128xf32>
    %swap3A_160 = arith.constant 0 : index
    %swap3A_161 = arith.constant 0 : index
    %swap3A_162 = arith.constant 0 : index
    %swap3A_163 = vector.load %arg14[%swap3A_160, %swap3A_161, %swap3A_162] : memref<1x1x128xf32, #tpu.memory_space<vmem>>, vector<1x1x128xf32>
    tpu.vector_store %arg14[%swap3A_160, %swap3A_161, %swap3A_162], %broadcast_in_dim3A_159 {strides = array<i32>} : memref<1x1x128xf32, #tpu.memory_space<vmem>>, vector<1x1x128xf32>,
    return
  }
  func.func @transform_0(%arg0: i32) -> (i32, i32) {
    %c0_i32 = arith.constant 0 : i32
    %c0_i32_0 = arith.constant 0 : i32
    return %arg0, %c0_i32 : i32, i32
  }
  func.func @transform_1(%arg0: i32) -> (i32, i32) {
    %c0_i32 = arith.constant 0 : i32
    %c0_i32_0 = arith.constant 0 : i32
    return %arg0, %c0_i32 : i32, i32
  }
  func.func @transform_2(%arg0: i32) -> (i32, i32) {
    %c0_i32 = arith.constant 0 : i32
    %c0_i32_0 = arith.constant 0 : i32
    return %arg0, %c0_i32 : i32, i32
  }
  func.func @transform_3(%arg0: i32) -> (i32, i32) {
    %c0_i32 = arith.constant 0 : i32
    %c0_i32_0 = arith.constant 0 : i32
    return %arg0, %c0_i32 : i32, i32
  }
  func.func @transform_4(%arg0: i32) -> (i32, i32) {
    %c0_i32 = arith.constant 0 : i32
    %c0_i32_0 = arith.constant 0 : i32
    %c0_i32_1 = arith.constant 0 : i32
    return %c0_i32, %c0_i32_0 : i32, i32
  }
  func.func @transform_5(%arg0: i32) -> (i32, i32) {
    %c0_i32 = arith.constant 0 : i32
    %c0_i32_0 = arith.constant 0 : i32
    %c0_i32_1 = arith.constant 0 : i32
    return %c0_i32, %c0_i32_0 : i32, i32
  }
  func.func @transform_6(%arg0: i32) -> (i32, i32) {
    %c0_i32 = arith.constant 0 : i32
    %c0_i32_0 = arith.constant 0 : i32
    %c0_i32_1 = arith.constant 0 : i32
    return %c0_i32, %c0_i32_0 : i32, i32
  }
  func.func @transform_7(%arg0: i32) -> (i32, i32) {
    %c0_i32 = arith.constant 0 : i32
    %c0_i32_0 = arith.constant 0 : i32
    %c0_i32_1 = arith.constant 0 : i32
    return %c0_i32, %c0_i32_0 : i32, i32
  }
  func.func @transform_8(%arg0: i32) -> (i32, i32) {
    %c0_i32 = arith.constant 0 : i32
    %c0_i32_0 = arith.constant 0 : i32
    %c0_i32_1 = arith.constant 0 : i32
    return %c0_i32, %c0_i32_0 : i32, i32
  }
  func.func @transform_9(%arg0: i32) -> (i32, i32) {
    %c0_i32 = arith.constant 0 : i32
    %c0_i32_0 = arith.constant 0 : i32
    %c0_i32_1 = arith.constant 0 : i32
    return %c0_i32, %c0_i32_0 : i32, i32
  }
  func.func @transform_10(%arg0: i32) -> (i32, i32) {
    %c0_i32 = arith.constant 0 : i32
    %c0_i32_0 = arith.constant 0 : i32
    %c0_i32_1 = arith.constant 0 : i32
    return %c0_i32, %c0_i32_0 : i32, i32
  }
  func.func @transform_11(%arg0: i32) -> (i32, i32) {
    %c0_i32 = arith.constant 0 : i32
    %c0_i32_0 = arith.constant 0 : i32
    return %arg0, %c0_i32 : i32, i32
  }
  func.func @transform_12(%arg0: i32) -> (i32, i32) {
    %c0_i32 = arith.constant 0 : i32
    %c0_i32_0 = arith.constant 0 : i32
    %c0_i32_1 = arith.constant 0 : i32
    return %c0_i32, %c0_i32_0 : i32, i32
  }
  func.func @transform_13(%arg0: i32) -> (i32, i32, i32) {
    %c0_i32 = arith.constant 0 : i32
    %c0_i32_0 = arith.constant 0 : i32
    %c0_i32_1 = arith.constant 0 : i32
    return %arg0, %c0_i32, %c0_i32_0 : i32, i32, i32
  }
}

module attributes {stable_mosaic.version = 14 : i64} {
  func.func @_t3_body(%arg0: memref<800x128xf32, #tpu.memory_space<vmem>>, %arg1: memref<800x144xf32, #tpu.memory_space<vmem>>, %arg2: memref<128x128xf32, #tpu.memory_space<vmem>>, %arg3: memref<128x128xf32, #tpu.memory_space<vmem>>, %arg4: memref<1x128xf32, #tpu.memory_space<vmem>>, %arg5: memref<128x128xf32, #tpu.memory_space<vmem>>, %arg6: memref<1x128xf32, #tpu.memory_space<vmem>>, %arg7: memref<200x1x128xf32, #tpu.memory_space<vmem>>, %arg8: memref<128x128xf32, #tpu.memory_space<vmem>>, %arg9: memref<128x128xf32, #tpu.memory_space<vmem>>, %arg10: memref<1x128xf32, #tpu.memory_space<vmem>>, %arg11: memref<128x128xf32, #tpu.memory_space<vmem>>, %arg12: memref<128x128xf32, #tpu.memory_space<vmem>>, %arg13: memref<800x128xf32, #tpu.memory_space<vmem>>, %arg14: memref<1x16xf32, #tpu.memory_space<vmem>>, %arg15: memref<1x128xf32, #tpu.memory_space<vmem>>) attributes {dimension_semantics = [], scalar_prefetch = 0 : i64, scratch_operands = 0 : i64, tpu.core_type = #tpu.core_type<tc>} {
    %get3A = arith.constant 0 : index
    %get3A_0 = arith.constant 0 : index
    %get3A_1 = vector.load %arg1[%get3A, %get3A_0] : memref<800x144xf32, #tpu.memory_space<vmem>>, vector<800x144xf32>
    %slice3A = vector.extract_strided_slice %get3A_1 {offsets = [0, 0], sizes = [800, 128], strides = [1, 1]} : vector<800x144xf32> to vector<800x128xf32>
    %slice3A_2 = vector.extract_strided_slice %get3A_1 {offsets = [0, 128], sizes = [800, 16], strides = [1, 1]} : vector<800x144xf32> to vector<800x16xf32>
    %iota3A = tpu.iota {dimensions = array<i32: 0>} : vector<16x128xi32>
    %iota3A_3 = tpu.iota {dimensions = array<i32: 1>} : vector<16x128xi32>
    %jit3A = arith.constant 16 : i32
    %div3A = vector.broadcast %jit3A : i32 to vector<16x128xi32>
    %div3A_4 = arith.divsi %iota3A_3, %div3A : vector<16x128xi32>
    %sign3A = arith.constant 0 : i32
    %sign3A_5 = vector.broadcast %sign3A : i32 to vector<16x128xi32>
    %sign3A_6 = arith.cmpi sgt, %iota3A_3, %sign3A_5 : vector<16x128xi32>
    %sign3A_7 = arith.extui %sign3A_6 : vector<16x128xi1> to vector<16x128xi32>
    %sign3A_8 = arith.constant 0 : i32
    %sign3A_9 = vector.broadcast %sign3A_8 : i32 to vector<16x128xi32>
    %sign3A_10 = arith.cmpi slt, %iota3A_3, %sign3A_9 : vector<16x128xi32>
    %sign3A_11 = arith.extui %sign3A_10 : vector<16x128xi1> to vector<16x128xi32>
    %sign3A_12 = arith.subi %sign3A_7, %sign3A_11 : vector<16x128xi32>
    %sign3A_13 = arith.constant 0 : i32
    %sign3A_14 = arith.cmpi sgt, %jit3A, %sign3A_13 : i32
    %sign3A_15 = arith.extui %sign3A_14 : i1 to i32
    %sign3A_16 = arith.constant 0 : i32
    %sign3A_17 = arith.cmpi slt, %jit3A, %sign3A_16 : i32
    %sign3A_18 = arith.extui %sign3A_17 : i1 to i32
    %sign3A_19 = arith.subi %sign3A_15, %sign3A_18 : i32
    %ne3A = vector.broadcast %sign3A_19 : i32 to vector<16x128xi32>
    %ne3A_20 = arith.cmpi ne, %sign3A_12, %ne3A : vector<16x128xi32>
    %rem3A = vector.broadcast %jit3A : i32 to vector<16x128xi32>
    %rem3A_21 = arith.remsi %iota3A_3, %rem3A : vector<16x128xi32>
    %ne3A_22 = arith.constant 0 : i32
    %ne3A_23 = vector.broadcast %ne3A_22 : i32 to vector<16x128xi32>
    %ne3A_24 = arith.cmpi ne, %rem3A_21, %ne3A_23 : vector<16x128xi32>
    %and3A = arith.andi %ne3A_20, %ne3A_24 : vector<16x128xi1>
    %sub3A = arith.constant 1 : i32
    %sub3A_25 = vector.broadcast %sub3A : i32 to vector<16x128xi32>
    %sub3A_26 = arith.subi %div3A_4, %sub3A_25 : vector<16x128xi32>
    %select_n3A = arith.select %and3A, %sub3A_26, %div3A_4 : vector<16x128xi1>, vector<16x128xi32>
    %eq3A = arith.cmpi eq, %select_n3A, %iota3A : vector<16x128xi32>
    %lt3A = arith.constant 8 : i32
    %lt3A_27 = vector.broadcast %lt3A : i32 to vector<16x128xi32>
    %lt3A_28 = arith.cmpi slt, %iota3A, %lt3A_27 : vector<16x128xi32>
    %and3A_29 = arith.andi %eq3A, %lt3A_28 : vector<16x128xi1>
    %jit3A_30 = arith.constant 1.000000e+00 : f32
    %jit3A_31 = arith.constant 0.000000e+00 : f32
    %broadcast_in_dim3A = vector.broadcast %jit3A_30 : f32 to vector<16x128xf32>
    %broadcast_in_dim3A_32 = vector.broadcast %jit3A_31 : f32 to vector<16x128xf32>
    %select_n3A_33 = arith.select %and3A_29, %broadcast_in_dim3A, %broadcast_in_dim3A_32 : vector<16x128xi1>, vector<16x128xf32>
    %dot_general3A = arith.constant dense<0.000000e+00> : vector<800x128xf32>
    %dot_general3A_34 = tpu.matmul %slice3A_2, %select_n3A_33, %dot_general3A {dimension_numbers = #tpu.dot_dimension_numbers<[1], [0], [0], [1], [0, 0, 1, 1], [], []>, transpose_lhs_hint = false} : vector<800x16xf32>, vector<16x128xf32>, vector<800x128xf32> -> vector<800x128xf32>
    %add3A = arith.constant 9.99999971E-10 : f32
    %add3A_35 = vector.broadcast %add3A : f32 to vector<800x128xf32>
    %add3A_36 = arith.addf %dot_general3A_34, %add3A_35 : vector<800x128xf32>
    %div3A_37 = arith.divf %slice3A, %add3A_36 : vector<800x128xf32>
    %get3A_38 = arith.constant 0 : index
    %get3A_39 = arith.constant 0 : index
    %get3A_40 = vector.load %arg0[%get3A_38, %get3A_39] : memref<800x128xf32, #tpu.memory_space<vmem>>, vector<800x128xf32>
    %get3A_41 = arith.constant 0 : index
    %get3A_42 = arith.constant 0 : index
    %get3A_43 = vector.load %arg2[%get3A_41, %get3A_42] : memref<128x128xf32, #tpu.memory_space<vmem>>, vector<128x128xf32>
    %dot_general3A_44 = arith.constant dense<0.000000e+00> : vector<800x128xf32>
    %dot_general3A_45 = tpu.matmul %get3A_40, %get3A_43, %dot_general3A_44 {dimension_numbers = #tpu.dot_dimension_numbers<[1], [0], [0], [1], [0, 0, 1, 1], [], []>, transpose_lhs_hint = false} : vector<800x128xf32>, vector<128x128xf32>, vector<800x128xf32> -> vector<800x128xf32>
    %get3A_46 = arith.constant 0 : index
    %get3A_47 = arith.constant 0 : index
    %get3A_48 = vector.load %arg3[%get3A_46, %get3A_47] : memref<128x128xf32, #tpu.memory_space<vmem>>, vector<128x128xf32>
    %dot_general3A_49 = arith.constant dense<0.000000e+00> : vector<800x128xf32>
    %dot_general3A_50 = tpu.matmul %div3A_37, %get3A_48, %dot_general3A_49 {dimension_numbers = #tpu.dot_dimension_numbers<[1], [0], [0], [1], [0, 0, 1, 1], [], []>, transpose_lhs_hint = false} : vector<800x128xf32>, vector<128x128xf32>, vector<800x128xf32> -> vector<800x128xf32>
    %add3A_51 = arith.addf %dot_general3A_45, %dot_general3A_50 : vector<800x128xf32>
    %get3A_52 = arith.constant 0 : index
    %get3A_53 = arith.constant 0 : index
    %get3A_54 = vector.load %arg4[%get3A_52, %get3A_53] : memref<1x128xf32, #tpu.memory_space<vmem>>, vector<1x128xf32>
    %add3A_55 = vector.broadcast %get3A_54 : vector<1x128xf32> to vector<800x128xf32>
    %add3A_56 = arith.addf %add3A_51, %add3A_55 : vector<800x128xf32>
    %max3A = arith.constant 0.000000e+00 : f32
    %max3A_57 = vector.broadcast %max3A : f32 to vector<800x128xf32>
    %max3A_58 = arith.maximumf %add3A_56, %max3A_57 : vector<800x128xf32>
    %get3A_59 = arith.constant 0 : index
    %get3A_60 = arith.constant 0 : index
    %get3A_61 = vector.load %arg5[%get3A_59, %get3A_60] : memref<128x128xf32, #tpu.memory_space<vmem>>, vector<128x128xf32>
    %dot_general3A_62 = arith.constant dense<0.000000e+00> : vector<800x128xf32>
    %dot_general3A_63 = tpu.matmul %max3A_58, %get3A_61, %dot_general3A_62 {dimension_numbers = #tpu.dot_dimension_numbers<[1], [0], [0], [1], [0, 0, 1, 1], [], []>, transpose_lhs_hint = false} : vector<800x128xf32>, vector<128x128xf32>, vector<800x128xf32> -> vector<800x128xf32>
    %get3A_64 = arith.constant 0 : index
    %get3A_65 = arith.constant 0 : index
    %get3A_66 = vector.load %arg6[%get3A_64, %get3A_65] : memref<1x128xf32, #tpu.memory_space<vmem>>, vector<1x128xf32>
    %add3A_67 = vector.broadcast %get3A_66 : vector<1x128xf32> to vector<800x128xf32>
    %add3A_68 = arith.addf %dot_general3A_63, %add3A_67 : vector<800x128xf32>
    %get3A_69 = arith.constant 0 : index
    %get3A_70 = arith.constant 0 : index
    %get3A_71 = vector.load %arg0[%get3A_69, %get3A_70] : memref<800x128xf32, #tpu.memory_space<vmem>>, vector<800x128xf32>
    %add3A_72 = arith.addf %get3A_71, %add3A_68 : vector<800x128xf32>
    %swap3A = arith.constant 0 : index
    %swap3A_73 = arith.constant 0 : index
    %swap3A_74 = vector.load %arg13[%swap3A, %swap3A_73] : memref<800x128xf32, #tpu.memory_space<vmem>>, vector<800x128xf32>
    tpu.vector_store %arg13[%swap3A, %swap3A_73], %add3A_72 {strides = array<i32>} : memref<800x128xf32, #tpu.memory_space<vmem>>, vector<800x128xf32>,
    %get3A_75 = arith.constant 0 : index
    %get3A_76 = arith.constant 0 : index
    %get3A_77 = vector.load %arg11[%get3A_75, %get3A_76] : memref<128x128xf32, #tpu.memory_space<vmem>>, vector<128x128xf32>
    %dot_general3A_78 = arith.constant dense<0.000000e+00> : vector<800x128xf32>
    %dot_general3A_79 = tpu.matmul %add3A_72, %get3A_77, %dot_general3A_78 {dimension_numbers = #tpu.dot_dimension_numbers<[1], [0], [0], [1], [0, 0, 1, 1], [], []>, transpose_lhs_hint = false} : vector<800x128xf32>, vector<128x128xf32>, vector<800x128xf32> -> vector<800x128xf32>
    %get3A_80 = arith.constant 0 : index
    %get3A_81 = arith.constant 0 : index
    %get3A_82 = vector.load %arg12[%get3A_80, %get3A_81] : memref<128x128xf32, #tpu.memory_space<vmem>>, vector<128x128xf32>
    %dot_general3A_83 = arith.constant dense<0.000000e+00> : vector<800x128xf32>
    %dot_general3A_84 = tpu.matmul %add3A_72, %get3A_82, %dot_general3A_83 {dimension_numbers = #tpu.dot_dimension_numbers<[1], [0], [0], [1], [0, 0, 1, 1], [], []>, transpose_lhs_hint = false} : vector<800x128xf32>, vector<128x128xf32>, vector<800x128xf32> -> vector<800x128xf32>
    %broadcast_in_dim3A_85 = arith.constant 0.000000e+00 : f32
    %broadcast_in_dim3A_86 = vector.broadcast %broadcast_in_dim3A_85 : f32 to vector<1x16xf32>
    %slice3A_87 = vector.extract_strided_slice %dot_general3A_79 {offsets = [0, 0], sizes = [800, 16], strides = [1, 1]} : vector<800x128xf32> to vector<800x16xf32>
    %slice3A_88 = vector.extract_strided_slice %dot_general3A_84 {offsets = [0, 0], sizes = [800, 16], strides = [1, 1]} : vector<800x128xf32> to vector<800x16xf32>
    %dot_general3A_89 = arith.constant dense<0.000000e+00> : vector<800x800xf32>
    %dot_general3A_90 = tpu.matmul %slice3A_88, %slice3A_87, %dot_general3A_89 {dimension_numbers = #tpu.dot_dimension_numbers<[1], [1], [0], [0], [0, 0, 1, 0], [], []>, transpose_lhs_hint = false} : vector<800x16xf32>, vector<800x16xf32>, vector<800x800xf32> -> vector<800x800xf32>
    %reduce_max3A = arith.constant dense<0xFF800000> : vector<800xf32>
    %reduce_max3A_91 = vector.multi_reduction <maximumf>, %dot_general3A_90, %reduce_max3A [1] : vector<800x800xf32> to vector<800xf32>
    %broadcast_in_dim3A_92 = vector.shape_cast %reduce_max3A_91 : vector<800xf32> to vector<800x1xf32>
    %reduce_max3A_93 = arith.constant dense<0xFF800000> : vector<1xf32>
    %reduce_max3A_94 = vector.multi_reduction <maximumf>, %broadcast_in_dim3A_92, %reduce_max3A_93 [0] : vector<800x1xf32> to vector<1xf32>
    %broadcast_in_dim3A_95 = vector.shape_cast %reduce_max3A_94 : vector<1xf32> to vector<1x1xf32>
    %mul3A = arith.constant 2.500000e-01 : f32
    %mul3A_96 = vector.broadcast %mul3A : f32 to vector<1x1xf32>
    %mul3A_97 = arith.mulf %broadcast_in_dim3A_95, %mul3A_96 : vector<1x1xf32>
    %iota3A_98 = tpu.iota {dimensions = array<i32: 1>} : vector<1x16xi32>
    %eq3A_99 = arith.constant 0 : i32
    %eq3A_100 = vector.broadcast %eq3A_99 : i32 to vector<1x16xi32>
    %eq3A_101 = arith.cmpi eq, %iota3A_98, %eq3A_100 : vector<1x16xi32>
    %jit3A_102 = arith.constant 1.000000e+00 : f32
    %jit3A_103 = arith.constant 0.000000e+00 : f32
    %broadcast_in_dim3A_104 = vector.broadcast %jit3A_102 : f32 to vector<1x16xf32>
    %broadcast_in_dim3A_105 = vector.broadcast %jit3A_103 : f32 to vector<1x16xf32>
    %select_n3A_106 = arith.select %eq3A_101, %broadcast_in_dim3A_104, %broadcast_in_dim3A_105 : vector<1x16xi1>, vector<1x16xf32>
    %mul3A_107 = vector.broadcast %mul3A_97 : vector<1x1xf32> to vector<1x16xf32>
    %mul3A_108 = arith.mulf %mul3A_107, %select_n3A_106 : vector<1x16xf32>
    %add3A_109 = arith.addf %broadcast_in_dim3A_86, %mul3A_108 : vector<1x16xf32>
    %slice3A_110 = vector.extract_strided_slice %dot_general3A_79 {offsets = [0, 16], sizes = [800, 16], strides = [1, 1]} : vector<800x128xf32> to vector<800x16xf32>
    %slice3A_111 = vector.extract_strided_slice %dot_general3A_84 {offsets = [0, 16], sizes = [800, 16], strides = [1, 1]} : vector<800x128xf32> to vector<800x16xf32>
    %dot_general3A_112 = arith.constant dense<0.000000e+00> : vector<800x800xf32>
    %dot_general3A_113 = tpu.matmul %slice3A_111, %slice3A_110, %dot_general3A_112 {dimension_numbers = #tpu.dot_dimension_numbers<[1], [1], [0], [0], [0, 0, 1, 0], [], []>, transpose_lhs_hint = false} : vector<800x16xf32>, vector<800x16xf32>, vector<800x800xf32> -> vector<800x800xf32>
    %reduce_max3A_114 = arith.constant dense<0xFF800000> : vector<800xf32>
    %reduce_max3A_115 = vector.multi_reduction <maximumf>, %dot_general3A_113, %reduce_max3A_114 [1] : vector<800x800xf32> to vector<800xf32>
    %broadcast_in_dim3A_116 = vector.shape_cast %reduce_max3A_115 : vector<800xf32> to vector<800x1xf32>
    %reduce_max3A_117 = arith.constant dense<0xFF800000> : vector<1xf32>
    %reduce_max3A_118 = vector.multi_reduction <maximumf>, %broadcast_in_dim3A_116, %reduce_max3A_117 [0] : vector<800x1xf32> to vector<1xf32>
    %broadcast_in_dim3A_119 = vector.shape_cast %reduce_max3A_118 : vector<1xf32> to vector<1x1xf32>
    %mul3A_120 = arith.constant 2.500000e-01 : f32
    %mul3A_121 = vector.broadcast %mul3A_120 : f32 to vector<1x1xf32>
    %mul3A_122 = arith.mulf %broadcast_in_dim3A_119, %mul3A_121 : vector<1x1xf32>
    %iota3A_123 = tpu.iota {dimensions = array<i32: 1>} : vector<1x16xi32>
    %eq3A_124 = arith.constant 1 : i32
    %eq3A_125 = vector.broadcast %eq3A_124 : i32 to vector<1x16xi32>
    %eq3A_126 = arith.cmpi eq, %iota3A_123, %eq3A_125 : vector<1x16xi32>
    %jit3A_127 = arith.constant 1.000000e+00 : f32
    %jit3A_128 = arith.constant 0.000000e+00 : f32
    %broadcast_in_dim3A_129 = vector.broadcast %jit3A_127 : f32 to vector<1x16xf32>
    %broadcast_in_dim3A_130 = vector.broadcast %jit3A_128 : f32 to vector<1x16xf32>
    %select_n3A_131 = arith.select %eq3A_126, %broadcast_in_dim3A_129, %broadcast_in_dim3A_130 : vector<1x16xi1>, vector<1x16xf32>
    %mul3A_132 = vector.broadcast %mul3A_122 : vector<1x1xf32> to vector<1x16xf32>
    %mul3A_133 = arith.mulf %mul3A_132, %select_n3A_131 : vector<1x16xf32>
    %add3A_134 = arith.addf %add3A_109, %mul3A_133 : vector<1x16xf32>
    %slice3A_135 = vector.extract_strided_slice %dot_general3A_79 {offsets = [0, 32], sizes = [800, 16], strides = [1, 1]} : vector<800x128xf32> to vector<800x16xf32>
    %slice3A_136 = vector.extract_strided_slice %dot_general3A_84 {offsets = [0, 32], sizes = [800, 16], strides = [1, 1]} : vector<800x128xf32> to vector<800x16xf32>
    %dot_general3A_137 = arith.constant dense<0.000000e+00> : vector<800x800xf32>
    %dot_general3A_138 = tpu.matmul %slice3A_136, %slice3A_135, %dot_general3A_137 {dimension_numbers = #tpu.dot_dimension_numbers<[1], [1], [0], [0], [0, 0, 1, 0], [], []>, transpose_lhs_hint = false} : vector<800x16xf32>, vector<800x16xf32>, vector<800x800xf32> -> vector<800x800xf32>
    %reduce_max3A_139 = arith.constant dense<0xFF800000> : vector<800xf32>
    %reduce_max3A_140 = vector.multi_reduction <maximumf>, %dot_general3A_138, %reduce_max3A_139 [1] : vector<800x800xf32> to vector<800xf32>
    %broadcast_in_dim3A_141 = vector.shape_cast %reduce_max3A_140 : vector<800xf32> to vector<800x1xf32>
    %reduce_max3A_142 = arith.constant dense<0xFF800000> : vector<1xf32>
    %reduce_max3A_143 = vector.multi_reduction <maximumf>, %broadcast_in_dim3A_141, %reduce_max3A_142 [0] : vector<800x1xf32> to vector<1xf32>
    %broadcast_in_dim3A_144 = vector.shape_cast %reduce_max3A_143 : vector<1xf32> to vector<1x1xf32>
    %mul3A_145 = arith.constant 2.500000e-01 : f32
    %mul3A_146 = vector.broadcast %mul3A_145 : f32 to vector<1x1xf32>
    %mul3A_147 = arith.mulf %broadcast_in_dim3A_144, %mul3A_146 : vector<1x1xf32>
    %iota3A_148 = tpu.iota {dimensions = array<i32: 1>} : vector<1x16xi32>
    %eq3A_149 = arith.constant 2 : i32
    %eq3A_150 = vector.broadcast %eq3A_149 : i32 to vector<1x16xi32>
    %eq3A_151 = arith.cmpi eq, %iota3A_148, %eq3A_150 : vector<1x16xi32>
    %jit3A_152 = arith.constant 1.000000e+00 : f32
    %jit3A_153 = arith.constant 0.000000e+00 : f32
    %broadcast_in_dim3A_154 = vector.broadcast %jit3A_152 : f32 to vector<1x16xf32>
    %broadcast_in_dim3A_155 = vector.broadcast %jit3A_153 : f32 to vector<1x16xf32>
    %select_n3A_156 = arith.select %eq3A_151, %broadcast_in_dim3A_154, %broadcast_in_dim3A_155 : vector<1x16xi1>, vector<1x16xf32>
    %mul3A_157 = vector.broadcast %mul3A_147 : vector<1x1xf32> to vector<1x16xf32>
    %mul3A_158 = arith.mulf %mul3A_157, %select_n3A_156 : vector<1x16xf32>
    %add3A_159 = arith.addf %add3A_134, %mul3A_158 : vector<1x16xf32>
    %slice3A_160 = vector.extract_strided_slice %dot_general3A_79 {offsets = [0, 48], sizes = [800, 16], strides = [1, 1]} : vector<800x128xf32> to vector<800x16xf32>
    %slice3A_161 = vector.extract_strided_slice %dot_general3A_84 {offsets = [0, 48], sizes = [800, 16], strides = [1, 1]} : vector<800x128xf32> to vector<800x16xf32>
    %dot_general3A_162 = arith.constant dense<0.000000e+00> : vector<800x800xf32>
    %dot_general3A_163 = tpu.matmul %slice3A_161, %slice3A_160, %dot_general3A_162 {dimension_numbers = #tpu.dot_dimension_numbers<[1], [1], [0], [0], [0, 0, 1, 0], [], []>, transpose_lhs_hint = false} : vector<800x16xf32>, vector<800x16xf32>, vector<800x800xf32> -> vector<800x800xf32>
    %reduce_max3A_164 = arith.constant dense<0xFF800000> : vector<800xf32>
    %reduce_max3A_165 = vector.multi_reduction <maximumf>, %dot_general3A_163, %reduce_max3A_164 [1] : vector<800x800xf32> to vector<800xf32>
    %broadcast_in_dim3A_166 = vector.shape_cast %reduce_max3A_165 : vector<800xf32> to vector<800x1xf32>
    %reduce_max3A_167 = arith.constant dense<0xFF800000> : vector<1xf32>
    %reduce_max3A_168 = vector.multi_reduction <maximumf>, %broadcast_in_dim3A_166, %reduce_max3A_167 [0] : vector<800x1xf32> to vector<1xf32>
    %broadcast_in_dim3A_169 = vector.shape_cast %reduce_max3A_168 : vector<1xf32> to vector<1x1xf32>
    %mul3A_170 = arith.constant 2.500000e-01 : f32
    %mul3A_171 = vector.broadcast %mul3A_170 : f32 to vector<1x1xf32>
    %mul3A_172 = arith.mulf %broadcast_in_dim3A_169, %mul3A_171 : vector<1x1xf32>
    %iota3A_173 = tpu.iota {dimensions = array<i32: 1>} : vector<1x16xi32>
    %eq3A_174 = arith.constant 3 : i32
    %eq3A_175 = vector.broadcast %eq3A_174 : i32 to vector<1x16xi32>
    %eq3A_176 = arith.cmpi eq, %iota3A_173, %eq3A_175 : vector<1x16xi32>
    %jit3A_177 = arith.constant 1.000000e+00 : f32
    %jit3A_178 = arith.constant 0.000000e+00 : f32
    %broadcast_in_dim3A_179 = vector.broadcast %jit3A_177 : f32 to vector<1x16xf32>
    %broadcast_in_dim3A_180 = vector.broadcast %jit3A_178 : f32 to vector<1x16xf32>
    %select_n3A_181 = arith.select %eq3A_176, %broadcast_in_dim3A_179, %broadcast_in_dim3A_180 : vector<1x16xi1>, vector<1x16xf32>
    %mul3A_182 = vector.broadcast %mul3A_172 : vector<1x1xf32> to vector<1x16xf32>
    %mul3A_183 = arith.mulf %mul3A_182, %select_n3A_181 : vector<1x16xf32>
    %add3A_184 = arith.addf %add3A_159, %mul3A_183 : vector<1x16xf32>
    %slice3A_185 = vector.extract_strided_slice %dot_general3A_79 {offsets = [0, 64], sizes = [800, 16], strides = [1, 1]} : vector<800x128xf32> to vector<800x16xf32>
    %slice3A_186 = vector.extract_strided_slice %dot_general3A_84 {offsets = [0, 64], sizes = [800, 16], strides = [1, 1]} : vector<800x128xf32> to vector<800x16xf32>
    %dot_general3A_187 = arith.constant dense<0.000000e+00> : vector<800x800xf32>
    %dot_general3A_188 = tpu.matmul %slice3A_186, %slice3A_185, %dot_general3A_187 {dimension_numbers = #tpu.dot_dimension_numbers<[1], [1], [0], [0], [0, 0, 1, 0], [], []>, transpose_lhs_hint = false} : vector<800x16xf32>, vector<800x16xf32>, vector<800x800xf32> -> vector<800x800xf32>
    %reduce_max3A_189 = arith.constant dense<0xFF800000> : vector<800xf32>
    %reduce_max3A_190 = vector.multi_reduction <maximumf>, %dot_general3A_188, %reduce_max3A_189 [1] : vector<800x800xf32> to vector<800xf32>
    %broadcast_in_dim3A_191 = vector.shape_cast %reduce_max3A_190 : vector<800xf32> to vector<800x1xf32>
    %reduce_max3A_192 = arith.constant dense<0xFF800000> : vector<1xf32>
    %reduce_max3A_193 = vector.multi_reduction <maximumf>, %broadcast_in_dim3A_191, %reduce_max3A_192 [0] : vector<800x1xf32> to vector<1xf32>
    %broadcast_in_dim3A_194 = vector.shape_cast %reduce_max3A_193 : vector<1xf32> to vector<1x1xf32>
    %mul3A_195 = arith.constant 2.500000e-01 : f32
    %mul3A_196 = vector.broadcast %mul3A_195 : f32 to vector<1x1xf32>
    %mul3A_197 = arith.mulf %broadcast_in_dim3A_194, %mul3A_196 : vector<1x1xf32>
    %iota3A_198 = tpu.iota {dimensions = array<i32: 1>} : vector<1x16xi32>
    %eq3A_199 = arith.constant 4 : i32
    %eq3A_200 = vector.broadcast %eq3A_199 : i32 to vector<1x16xi32>
    %eq3A_201 = arith.cmpi eq, %iota3A_198, %eq3A_200 : vector<1x16xi32>
    %jit3A_202 = arith.constant 1.000000e+00 : f32
    %jit3A_203 = arith.constant 0.000000e+00 : f32
    %broadcast_in_dim3A_204 = vector.broadcast %jit3A_202 : f32 to vector<1x16xf32>
    %broadcast_in_dim3A_205 = vector.broadcast %jit3A_203 : f32 to vector<1x16xf32>
    %select_n3A_206 = arith.select %eq3A_201, %broadcast_in_dim3A_204, %broadcast_in_dim3A_205 : vector<1x16xi1>, vector<1x16xf32>
    %mul3A_207 = vector.broadcast %mul3A_197 : vector<1x1xf32> to vector<1x16xf32>
    %mul3A_208 = arith.mulf %mul3A_207, %select_n3A_206 : vector<1x16xf32>
    %add3A_209 = arith.addf %add3A_184, %mul3A_208 : vector<1x16xf32>
    %slice3A_210 = vector.extract_strided_slice %dot_general3A_79 {offsets = [0, 80], sizes = [800, 16], strides = [1, 1]} : vector<800x128xf32> to vector<800x16xf32>
    %slice3A_211 = vector.extract_strided_slice %dot_general3A_84 {offsets = [0, 80], sizes = [800, 16], strides = [1, 1]} : vector<800x128xf32> to vector<800x16xf32>
    %dot_general3A_212 = arith.constant dense<0.000000e+00> : vector<800x800xf32>
    %dot_general3A_213 = tpu.matmul %slice3A_211, %slice3A_210, %dot_general3A_212 {dimension_numbers = #tpu.dot_dimension_numbers<[1], [1], [0], [0], [0, 0, 1, 0], [], []>, transpose_lhs_hint = false} : vector<800x16xf32>, vector<800x16xf32>, vector<800x800xf32> -> vector<800x800xf32>
    %reduce_max3A_214 = arith.constant dense<0xFF800000> : vector<800xf32>
    %reduce_max3A_215 = vector.multi_reduction <maximumf>, %dot_general3A_213, %reduce_max3A_214 [1] : vector<800x800xf32> to vector<800xf32>
    %broadcast_in_dim3A_216 = vector.shape_cast %reduce_max3A_215 : vector<800xf32> to vector<800x1xf32>
    %reduce_max3A_217 = arith.constant dense<0xFF800000> : vector<1xf32>
    %reduce_max3A_218 = vector.multi_reduction <maximumf>, %broadcast_in_dim3A_216, %reduce_max3A_217 [0] : vector<800x1xf32> to vector<1xf32>
    %broadcast_in_dim3A_219 = vector.shape_cast %reduce_max3A_218 : vector<1xf32> to vector<1x1xf32>
    %mul3A_220 = arith.constant 2.500000e-01 : f32
    %mul3A_221 = vector.broadcast %mul3A_220 : f32 to vector<1x1xf32>
    %mul3A_222 = arith.mulf %broadcast_in_dim3A_219, %mul3A_221 : vector<1x1xf32>
    %iota3A_223 = tpu.iota {dimensions = array<i32: 1>} : vector<1x16xi32>
    %eq3A_224 = arith.constant 5 : i32
    %eq3A_225 = vector.broadcast %eq3A_224 : i32 to vector<1x16xi32>
    %eq3A_226 = arith.cmpi eq, %iota3A_223, %eq3A_225 : vector<1x16xi32>
    %jit3A_227 = arith.constant 1.000000e+00 : f32
    %jit3A_228 = arith.constant 0.000000e+00 : f32
    %broadcast_in_dim3A_229 = vector.broadcast %jit3A_227 : f32 to vector<1x16xf32>
    %broadcast_in_dim3A_230 = vector.broadcast %jit3A_228 : f32 to vector<1x16xf32>
    %select_n3A_231 = arith.select %eq3A_226, %broadcast_in_dim3A_229, %broadcast_in_dim3A_230 : vector<1x16xi1>, vector<1x16xf32>
    %mul3A_232 = vector.broadcast %mul3A_222 : vector<1x1xf32> to vector<1x16xf32>
    %mul3A_233 = arith.mulf %mul3A_232, %select_n3A_231 : vector<1x16xf32>
    %add3A_234 = arith.addf %add3A_209, %mul3A_233 : vector<1x16xf32>
    %slice3A_235 = vector.extract_strided_slice %dot_general3A_79 {offsets = [0, 96], sizes = [800, 16], strides = [1, 1]} : vector<800x128xf32> to vector<800x16xf32>
    %slice3A_236 = vector.extract_strided_slice %dot_general3A_84 {offsets = [0, 96], sizes = [800, 16], strides = [1, 1]} : vector<800x128xf32> to vector<800x16xf32>
    %dot_general3A_237 = arith.constant dense<0.000000e+00> : vector<800x800xf32>
    %dot_general3A_238 = tpu.matmul %slice3A_236, %slice3A_235, %dot_general3A_237 {dimension_numbers = #tpu.dot_dimension_numbers<[1], [1], [0], [0], [0, 0, 1, 0], [], []>, transpose_lhs_hint = false} : vector<800x16xf32>, vector<800x16xf32>, vector<800x800xf32> -> vector<800x800xf32>
    %reduce_max3A_239 = arith.constant dense<0xFF800000> : vector<800xf32>
    %reduce_max3A_240 = vector.multi_reduction <maximumf>, %dot_general3A_238, %reduce_max3A_239 [1] : vector<800x800xf32> to vector<800xf32>
    %broadcast_in_dim3A_241 = vector.shape_cast %reduce_max3A_240 : vector<800xf32> to vector<800x1xf32>
    %reduce_max3A_242 = arith.constant dense<0xFF800000> : vector<1xf32>
    %reduce_max3A_243 = vector.multi_reduction <maximumf>, %broadcast_in_dim3A_241, %reduce_max3A_242 [0] : vector<800x1xf32> to vector<1xf32>
    %broadcast_in_dim3A_244 = vector.shape_cast %reduce_max3A_243 : vector<1xf32> to vector<1x1xf32>
    %mul3A_245 = arith.constant 2.500000e-01 : f32
    %mul3A_246 = vector.broadcast %mul3A_245 : f32 to vector<1x1xf32>
    %mul3A_247 = arith.mulf %broadcast_in_dim3A_244, %mul3A_246 : vector<1x1xf32>
    %iota3A_248 = tpu.iota {dimensions = array<i32: 1>} : vector<1x16xi32>
    %eq3A_249 = arith.constant 6 : i32
    %eq3A_250 = vector.broadcast %eq3A_249 : i32 to vector<1x16xi32>
    %eq3A_251 = arith.cmpi eq, %iota3A_248, %eq3A_250 : vector<1x16xi32>
    %jit3A_252 = arith.constant 1.000000e+00 : f32
    %jit3A_253 = arith.constant 0.000000e+00 : f32
    %broadcast_in_dim3A_254 = vector.broadcast %jit3A_252 : f32 to vector<1x16xf32>
    %broadcast_in_dim3A_255 = vector.broadcast %jit3A_253 : f32 to vector<1x16xf32>
    %select_n3A_256 = arith.select %eq3A_251, %broadcast_in_dim3A_254, %broadcast_in_dim3A_255 : vector<1x16xi1>, vector<1x16xf32>
    %mul3A_257 = vector.broadcast %mul3A_247 : vector<1x1xf32> to vector<1x16xf32>
    %mul3A_258 = arith.mulf %mul3A_257, %select_n3A_256 : vector<1x16xf32>
    %add3A_259 = arith.addf %add3A_234, %mul3A_258 : vector<1x16xf32>
    %slice3A_260 = vector.extract_strided_slice %dot_general3A_79 {offsets = [0, 112], sizes = [800, 16], strides = [1, 1]} : vector<800x128xf32> to vector<800x16xf32>
    %slice3A_261 = vector.extract_strided_slice %dot_general3A_84 {offsets = [0, 112], sizes = [800, 16], strides = [1, 1]} : vector<800x128xf32> to vector<800x16xf32>
    %dot_general3A_262 = arith.constant dense<0.000000e+00> : vector<800x800xf32>
    %dot_general3A_263 = tpu.matmul %slice3A_261, %slice3A_260, %dot_general3A_262 {dimension_numbers = #tpu.dot_dimension_numbers<[1], [1], [0], [0], [0, 0, 1, 0], [], []>, transpose_lhs_hint = false} : vector<800x16xf32>, vector<800x16xf32>, vector<800x800xf32> -> vector<800x800xf32>
    %reduce_max3A_264 = arith.constant dense<0xFF800000> : vector<800xf32>
    %reduce_max3A_265 = vector.multi_reduction <maximumf>, %dot_general3A_263, %reduce_max3A_264 [1] : vector<800x800xf32> to vector<800xf32>
    %broadcast_in_dim3A_266 = vector.shape_cast %reduce_max3A_265 : vector<800xf32> to vector<800x1xf32>
    %reduce_max3A_267 = arith.constant dense<0xFF800000> : vector<1xf32>
    %reduce_max3A_268 = vector.multi_reduction <maximumf>, %broadcast_in_dim3A_266, %reduce_max3A_267 [0] : vector<800x1xf32> to vector<1xf32>
    %broadcast_in_dim3A_269 = vector.shape_cast %reduce_max3A_268 : vector<1xf32> to vector<1x1xf32>
    %mul3A_270 = arith.constant 2.500000e-01 : f32
    %mul3A_271 = vector.broadcast %mul3A_270 : f32 to vector<1x1xf32>
    %mul3A_272 = arith.mulf %broadcast_in_dim3A_269, %mul3A_271 : vector<1x1xf32>
    %iota3A_273 = tpu.iota {dimensions = array<i32: 1>} : vector<1x16xi32>
    %eq3A_274 = arith.constant 7 : i32
    %eq3A_275 = vector.broadcast %eq3A_274 : i32 to vector<1x16xi32>
    %eq3A_276 = arith.cmpi eq, %iota3A_273, %eq3A_275 : vector<1x16xi32>
    %jit3A_277 = arith.constant 1.000000e+00 : f32
    %jit3A_278 = arith.constant 0.000000e+00 : f32
    %broadcast_in_dim3A_279 = vector.broadcast %jit3A_277 : f32 to vector<1x16xf32>
    %broadcast_in_dim3A_280 = vector.broadcast %jit3A_278 : f32 to vector<1x16xf32>
    %select_n3A_281 = arith.select %eq3A_276, %broadcast_in_dim3A_279, %broadcast_in_dim3A_280 : vector<1x16xi1>, vector<1x16xf32>
    %mul3A_282 = vector.broadcast %mul3A_272 : vector<1x1xf32> to vector<1x16xf32>
    %mul3A_283 = arith.mulf %mul3A_282, %select_n3A_281 : vector<1x16xf32>
    %add3A_284 = arith.addf %add3A_259, %mul3A_283 : vector<1x16xf32>
    %swap3A_285 = arith.constant 0 : index
    %swap3A_286 = arith.constant 0 : index
    %swap3A_287 = vector.load %arg14[%swap3A_285, %swap3A_286] : memref<1x16xf32, #tpu.memory_space<vmem>>, vector<1x16xf32>
    tpu.vector_store %arg14[%swap3A_285, %swap3A_286], %add3A_284 {strides = array<i32>} : memref<1x16xf32, #tpu.memory_space<vmem>>, vector<1x16xf32>,
    %reduce_sum3A = arith.constant dense<0.000000e+00> : vector<128xf32>
    %reduce_sum3A_288 = vector.multi_reduction <add>, %add3A_68, %reduce_sum3A [0] : vector<800x128xf32> to vector<128xf32>
    %broadcast_in_dim3A_289 = vector.shape_cast %reduce_sum3A_288 : vector<128xf32> to vector<1x128xf32>
    %div3A_290 = arith.constant 8.000000e+02 : f32
    %div3A_291 = vector.broadcast %div3A_290 : f32 to vector<1x128xf32>
    %div3A_292 = arith.divf %broadcast_in_dim3A_289, %div3A_291 : vector<1x128xf32>
    %get3A_293 = arith.constant 0 : index
    %get3A_294 = arith.constant 0 : index
    %get3A_295 = arith.constant 0 : index
    %get3A_296 = vector.load %arg7[%get3A_293, %get3A_294, %get3A_295] : memref<200x1x128xf32, #tpu.memory_space<vmem>>, vector<200x1x128xf32>
    %reduce_sum3A_297 = arith.constant dense<0.000000e+00> : vector<1x128xf32>
    %reduce_sum3A_298 = vector.multi_reduction <add>, %get3A_296, %reduce_sum3A_297 [0] : vector<200x1x128xf32> to vector<1x128xf32>
    %mul3A_299 = arith.constant 1.95312496E-5 : f32
    %mul3A_300 = vector.broadcast %mul3A_299 : f32 to vector<1x128xf32>
    %mul3A_301 = arith.mulf %reduce_sum3A_298, %mul3A_300 : vector<1x128xf32>
    %get3A_302 = arith.constant 0 : index
    %get3A_303 = arith.constant 0 : index
    %get3A_304 = vector.load %arg8[%get3A_302, %get3A_303] : memref<128x128xf32, #tpu.memory_space<vmem>>, vector<128x128xf32>
    %dot_general3A_305 = arith.constant dense<0.000000e+00> : vector<1x128xf32>
    %dot_general3A_306 = tpu.matmul %div3A_292, %get3A_304, %dot_general3A_305 {dimension_numbers = #tpu.dot_dimension_numbers<[1], [0], [0], [1], [0, 0, 1, 1], [], []>, transpose_lhs_hint = false} : vector<1x128xf32>, vector<128x128xf32>, vector<1x128xf32> -> vector<1x128xf32>
    %get3A_307 = arith.constant 0 : index
    %get3A_308 = arith.constant 0 : index
    %get3A_309 = vector.load %arg9[%get3A_307, %get3A_308] : memref<128x128xf32, #tpu.memory_space<vmem>>, vector<128x128xf32>
    %dot_general3A_310 = arith.constant dense<0.000000e+00> : vector<1x128xf32>
    %dot_general3A_311 = tpu.matmul %mul3A_301, %get3A_309, %dot_general3A_310 {dimension_numbers = #tpu.dot_dimension_numbers<[1], [0], [0], [1], [0, 0, 1, 1], [], []>, transpose_lhs_hint = false} : vector<1x128xf32>, vector<128x128xf32>, vector<1x128xf32> -> vector<1x128xf32>
    %add3A_312 = arith.addf %dot_general3A_306, %dot_general3A_311 : vector<1x128xf32>
    %get3A_313 = arith.constant 0 : index
    %get3A_314 = arith.constant 0 : index
    %get3A_315 = vector.load %arg10[%get3A_313, %get3A_314] : memref<1x128xf32, #tpu.memory_space<vmem>>, vector<1x128xf32>
    %add3A_316 = arith.addf %add3A_312, %get3A_315 : vector<1x128xf32>
    %swap3A_317 = arith.constant 0 : index
    %swap3A_318 = arith.constant 0 : index
    %swap3A_319 = vector.load %arg15[%swap3A_317, %swap3A_318] : memref<1x128xf32, #tpu.memory_space<vmem>>, vector<1x128xf32>
    tpu.vector_store %arg15[%swap3A_317, %swap3A_318], %add3A_316 {strides = array<i32>} : memref<1x128xf32, #tpu.memory_space<vmem>>, vector<1x128xf32>,
    return
  }
}

module attributes {stable_mosaic.version = 14 : i64} {
  func.func @body(%arg0: i32, %arg1: memref<256x128xbf16, #tpu.memory_space<vmem>>, %arg2: memref<256x128xf32, #tpu.memory_space<vmem>>, %arg3: memref<256x128xf32, #tpu.memory_space<vmem>>, %arg4: memref<256x1xi32, #tpu.memory_space<vmem>>, %arg5: memref<1x16xf32, #tpu.memory_space<vmem>>, %arg6: memref<128x128xbf16, #tpu.memory_space<vmem>>, %arg7: memref<1x128xf32, #tpu.memory_space<vmem>>, %arg8: memref<128x256xbf16, #tpu.memory_space<vmem>>, %arg9: memref<128x256xbf16, #tpu.memory_space<vmem>>, %arg10: memref<128x128xbf16, #tpu.memory_space<vmem>>, %arg11: memref<1x128xf32, #tpu.memory_space<vmem>>, %arg12: memref<800x144xf32, #tpu.memory_space<vmem>>, %arg13: memref<1x1x128xf32, #tpu.memory_space<vmem>>) attributes {dimension_semantics = [#tpu.dimension_semantics<arbitrary>], iteration_bounds = array<i64: 200>, scalar_prefetch = 0 : i64, scratch_operands = 0 : i64, tpu.core_type = #tpu.core_type<tc>, window_params = [{transform_indices = @transform_0, window_bounds = array<i64: 256, 128>}, {transform_indices = @transform_1, window_bounds = array<i64: 256, 128>}, {transform_indices = @transform_2, window_bounds = array<i64: 256, 128>}, {transform_indices = @transform_3, window_bounds = array<i64: 256, 1>}, {pipeline_mode = #tpu.pipeline_mode<synchronous>, transform_indices = @transform_4, window_bounds = array<i64: 1, 16>}, {pipeline_mode = #tpu.pipeline_mode<synchronous>, transform_indices = @transform_5, window_bounds = array<i64: 128, 128>}, {pipeline_mode = #tpu.pipeline_mode<synchronous>, transform_indices = @transform_6, window_bounds = array<i64: 1, 128>}, {pipeline_mode = #tpu.pipeline_mode<synchronous>, transform_indices = @transform_7, window_bounds = array<i64: 128, 256>}, {pipeline_mode = #tpu.pipeline_mode<synchronous>, transform_indices = @transform_8, window_bounds = array<i64: 128, 256>}, {pipeline_mode = #tpu.pipeline_mode<synchronous>, transform_indices = @transform_9, window_bounds = array<i64: 128, 128>}, {pipeline_mode = #tpu.pipeline_mode<synchronous>, transform_indices = @transform_10, window_bounds = array<i64: 1, 128>}, {pipeline_mode = #tpu.pipeline_mode<synchronous>, transform_indices = @transform_11, window_bounds = array<i64: 800, 144>}, {transform_indices = @transform_12, window_bounds = array<i64: 1, 1, 128>}]} {
    %get3A = arith.constant 0 : index
    %get3A_0 = arith.constant 0 : index
    %get3A_1 = vector.load %arg1[%get3A, %get3A_0] : memref<256x128xbf16, #tpu.memory_space<vmem>>, vector<256x128xbf16>
    %get3A_2 = arith.constant 0 : index
    %get3A_3 = arith.constant 0 : index
    %get3A_4 = vector.load %arg6[%get3A_2, %get3A_3] : memref<128x128xbf16, #tpu.memory_space<vmem>>, vector<128x128xbf16>
    %dot_general3A = arith.constant dense<0.000000e+00> : vector<256x128xf32>
    %dot_general3A_5 = tpu.matmul %get3A_1, %get3A_4, %dot_general3A {dimension_numbers = #tpu.dot_dimension_numbers<[1], [0], [0], [1], [0, 0, 1, 1], [], []>, transpose_lhs_hint = false} : vector<256x128xbf16>, vector<128x128xbf16>, vector<256x128xf32> -> vector<256x128xf32>
    %get3A_6 = arith.constant 0 : index
    %get3A_7 = arith.constant 0 : index
    %get3A_8 = vector.load %arg7[%get3A_6, %get3A_7] : memref<1x128xf32, #tpu.memory_space<vmem>>, vector<1x128xf32>
    %add3A = vector.broadcast %get3A_8 : vector<1x128xf32> to vector<256x128xf32>
    %add3A_9 = arith.addf %dot_general3A_5, %add3A : vector<256x128xf32>
    %get3A_10 = arith.constant 0 : index
    %get3A_11 = arith.constant 0 : index
    %get3A_12 = vector.load %arg2[%get3A_10, %get3A_11] : memref<256x128xf32, #tpu.memory_space<vmem>>, vector<256x128xf32>
    %convert_element_type3A = arith.truncf %get3A_12 : vector<256x128xf32> to vector<256x128xbf16>
    %get3A_13 = arith.constant 0 : index
    %get3A_14 = arith.constant 0 : index
    %get3A_15 = vector.load %arg3[%get3A_13, %get3A_14] : memref<256x128xf32, #tpu.memory_space<vmem>>, vector<256x128xf32>
    %convert_element_type3A_16 = arith.truncf %get3A_15 : vector<256x128xf32> to vector<256x128xbf16>
    %get3A_17 = arith.constant 0 : index
    %get3A_18 = arith.constant 0 : index
    %get3A_19 = vector.load %arg8[%get3A_17, %get3A_18] : memref<128x256xbf16, #tpu.memory_space<vmem>>, vector<128x256xbf16>
    %dot_general3A_20 = arith.constant dense<0.000000e+00> : vector<256x256xf32>
    %dot_general3A_21 = tpu.matmul %convert_element_type3A, %get3A_19, %dot_general3A_20 {dimension_numbers = #tpu.dot_dimension_numbers<[1], [0], [0], [1], [0, 0, 1, 1], [], []>, transpose_lhs_hint = false} : vector<256x128xbf16>, vector<128x256xbf16>, vector<256x256xf32> -> vector<256x256xf32>
    %get3A_22 = arith.constant 0 : index
    %get3A_23 = arith.constant 0 : index
    %get3A_24 = vector.load %arg9[%get3A_22, %get3A_23] : memref<128x256xbf16, #tpu.memory_space<vmem>>, vector<128x256xbf16>
    %dot_general3A_25 = arith.constant dense<0.000000e+00> : vector<256x256xf32>
    %dot_general3A_26 = tpu.matmul %convert_element_type3A_16, %get3A_24, %dot_general3A_25 {dimension_numbers = #tpu.dot_dimension_numbers<[1], [0], [0], [1], [0, 0, 1, 1], [], []>, transpose_lhs_hint = false} : vector<256x128xbf16>, vector<128x256xbf16>, vector<256x256xf32> -> vector<256x256xf32>
    %slice3A = vector.extract_strided_slice %dot_general3A_21 {offsets = [0, 0], sizes = [256, 128], strides = [1, 1]} : vector<256x256xf32> to vector<256x128xf32>
    %add3A_27 = arith.addf %add3A_9, %slice3A : vector<256x128xf32>
    %slice3A_28 = vector.extract_strided_slice %dot_general3A_26 {offsets = [0, 0], sizes = [256, 128], strides = [1, 1]} : vector<256x256xf32> to vector<256x128xf32>
    %add3A_29 = arith.addf %add3A_27, %slice3A_28 : vector<256x128xf32>
    %max3A = arith.constant 0.000000e+00 : f32
    %max3A_30 = vector.broadcast %max3A : f32 to vector<256x128xf32>
    %max3A_31 = arith.maximumf %add3A_29, %max3A_30 : vector<256x128xf32>
    %convert_element_type3A_32 = arith.truncf %max3A_31 : vector<256x128xf32> to vector<256x128xbf16>
    %get3A_33 = arith.constant 0 : index
    %get3A_34 = arith.constant 0 : index
    %get3A_35 = vector.load %arg10[%get3A_33, %get3A_34] : memref<128x128xbf16, #tpu.memory_space<vmem>>, vector<128x128xbf16>
    %dot_general3A_36 = arith.constant dense<0.000000e+00> : vector<256x128xf32>
    %dot_general3A_37 = tpu.matmul %convert_element_type3A_32, %get3A_35, %dot_general3A_36 {dimension_numbers = #tpu.dot_dimension_numbers<[1], [0], [0], [1], [0, 0, 1, 1], [], []>, transpose_lhs_hint = false} : vector<256x128xbf16>, vector<128x128xbf16>, vector<256x128xf32> -> vector<256x128xf32>
    %get3A_38 = arith.constant 0 : index
    %get3A_39 = arith.constant 0 : index
    %get3A_40 = vector.load %arg11[%get3A_38, %get3A_39] : memref<1x128xf32, #tpu.memory_space<vmem>>, vector<1x128xf32>
    %add3A_41 = vector.broadcast %get3A_40 : vector<1x128xf32> to vector<256x128xf32>
    %add3A_42 = arith.addf %dot_general3A_37, %add3A_41 : vector<256x128xf32>
    %slice3A_43 = vector.extract_strided_slice %dot_general3A_21 {offsets = [0, 128], sizes = [256, 128], strides = [1, 1]} : vector<256x256xf32> to vector<256x128xf32>
    %slice3A_44 = vector.extract_strided_slice %dot_general3A_26 {offsets = [0, 128], sizes = [256, 128], strides = [1, 1]} : vector<256x256xf32> to vector<256x128xf32>
    %mul3A = arith.mulf %slice3A_43, %slice3A_44 : vector<256x128xf32>
    %iota3A = tpu.iota {dimensions = array<i32: 0>} : vector<128x16xi32>
    %iota3A_45 = tpu.iota {dimensions = array<i32: 1>} : vector<128x16xi32>
    %jit3A = arith.constant 16 : i32
    %div3A = vector.broadcast %jit3A : i32 to vector<128x16xi32>
    %div3A_46 = arith.divsi %iota3A, %div3A : vector<128x16xi32>
    %sign3A = arith.constant 0 : i32
    %sign3A_47 = vector.broadcast %sign3A : i32 to vector<128x16xi32>
    %sign3A_48 = arith.cmpi sgt, %iota3A, %sign3A_47 : vector<128x16xi32>
    %sign3A_49 = arith.extui %sign3A_48 : vector<128x16xi1> to vector<128x16xi32>
    %sign3A_50 = arith.constant 0 : i32
    %sign3A_51 = vector.broadcast %sign3A_50 : i32 to vector<128x16xi32>
    %sign3A_52 = arith.cmpi slt, %iota3A, %sign3A_51 : vector<128x16xi32>
    %sign3A_53 = arith.extui %sign3A_52 : vector<128x16xi1> to vector<128x16xi32>
    %sign3A_54 = arith.subi %sign3A_49, %sign3A_53 : vector<128x16xi32>
    %sign3A_55 = arith.constant 0 : i32
    %sign3A_56 = arith.cmpi sgt, %jit3A, %sign3A_55 : i32
    %sign3A_57 = arith.extui %sign3A_56 : i1 to i32
    %sign3A_58 = arith.constant 0 : i32
    %sign3A_59 = arith.cmpi slt, %jit3A, %sign3A_58 : i32
    %sign3A_60 = arith.extui %sign3A_59 : i1 to i32
    %sign3A_61 = arith.subi %sign3A_57, %sign3A_60 : i32
    %ne3A = vector.broadcast %sign3A_61 : i32 to vector<128x16xi32>
    %ne3A_62 = arith.cmpi ne, %sign3A_54, %ne3A : vector<128x16xi32>
    %rem3A = vector.broadcast %jit3A : i32 to vector<128x16xi32>
    %rem3A_63 = arith.remsi %iota3A, %rem3A : vector<128x16xi32>
    %ne3A_64 = arith.constant 0 : i32
    %ne3A_65 = vector.broadcast %ne3A_64 : i32 to vector<128x16xi32>
    %ne3A_66 = arith.cmpi ne, %rem3A_63, %ne3A_65 : vector<128x16xi32>
    %and3A = arith.andi %ne3A_62, %ne3A_66 : vector<128x16xi1>
    %sub3A = arith.constant 1 : i32
    %sub3A_67 = vector.broadcast %sub3A : i32 to vector<128x16xi32>
    %sub3A_68 = arith.subi %div3A_46, %sub3A_67 : vector<128x16xi32>
    %select_n3A = arith.select %and3A, %sub3A_68, %div3A_46 : vector<128x16xi1>, vector<128x16xi32>
    %eq3A = arith.cmpi eq, %select_n3A, %iota3A_45 : vector<128x16xi32>
    %jit3A_69 = arith.constant 1.000000e+00 : f32
    %jit3A_70 = arith.constant 0.000000e+00 : f32
    %broadcast_in_dim3A = vector.broadcast %jit3A_69 : f32 to vector<128x16xf32>
    %broadcast_in_dim3A_71 = vector.broadcast %jit3A_70 : f32 to vector<128x16xf32>
    %select_n3A_72 = arith.select %eq3A, %broadcast_in_dim3A, %broadcast_in_dim3A_71 : vector<128x16xi1>, vector<128x16xf32>
    %dot_general3A_73 = arith.constant dense<0.000000e+00> : vector<256x16xf32>
    %dot_general3A_74 = tpu.matmul %mul3A, %select_n3A_72, %dot_general3A_73 {dimension_numbers = #tpu.dot_dimension_numbers<[1], [0], [0], [1], [0, 0, 1, 1], [], []>, transpose_lhs_hint = false} : vector<256x128xf32>, vector<128x16xf32>, vector<256x16xf32> -> vector<256x16xf32>
    %mul3A_75 = arith.constant 2.500000e-01 : f32
    %mul3A_76 = vector.broadcast %mul3A_75 : f32 to vector<256x16xf32>
    %mul3A_77 = arith.mulf %dot_general3A_74, %mul3A_76 : vector<256x16xf32>
    %get3A_78 = arith.constant 0 : index
    %get3A_79 = arith.constant 0 : index
    %get3A_80 = vector.load %arg5[%get3A_78, %get3A_79] : memref<1x16xf32, #tpu.memory_space<vmem>>, vector<1x16xf32>
    %sub3A_81 = vector.broadcast %get3A_80 : vector<1x16xf32> to vector<256x16xf32>
    %sub3A_82 = arith.subf %mul3A_77, %sub3A_81 : vector<256x16xf32>
    %exp3A = math.exp %sub3A_82 : vector<256x16xf32>
    %iota3A_83 = tpu.iota {dimensions = array<i32: 0>} : vector<16x128xi32>
    %iota3A_84 = tpu.iota {dimensions = array<i32: 1>} : vector<16x128xi32>
    %jit3A_85 = arith.constant 16 : i32
    %div3A_86 = vector.broadcast %jit3A_85 : i32 to vector<16x128xi32>
    %div3A_87 = arith.divsi %iota3A_84, %div3A_86 : vector<16x128xi32>
    %sign3A_88 = arith.constant 0 : i32
    %sign3A_89 = vector.broadcast %sign3A_88 : i32 to vector<16x128xi32>
    %sign3A_90 = arith.cmpi sgt, %iota3A_84, %sign3A_89 : vector<16x128xi32>
    %sign3A_91 = arith.extui %sign3A_90 : vector<16x128xi1> to vector<16x128xi32>
    %sign3A_92 = arith.constant 0 : i32
    %sign3A_93 = vector.broadcast %sign3A_92 : i32 to vector<16x128xi32>
    %sign3A_94 = arith.cmpi slt, %iota3A_84, %sign3A_93 : vector<16x128xi32>
    %sign3A_95 = arith.extui %sign3A_94 : vector<16x128xi1> to vector<16x128xi32>
    %sign3A_96 = arith.subi %sign3A_91, %sign3A_95 : vector<16x128xi32>
    %sign3A_97 = arith.constant 0 : i32
    %sign3A_98 = arith.cmpi sgt, %jit3A_85, %sign3A_97 : i32
    %sign3A_99 = arith.extui %sign3A_98 : i1 to i32
    %sign3A_100 = arith.constant 0 : i32
    %sign3A_101 = arith.cmpi slt, %jit3A_85, %sign3A_100 : i32
    %sign3A_102 = arith.extui %sign3A_101 : i1 to i32
    %sign3A_103 = arith.subi %sign3A_99, %sign3A_102 : i32
    %ne3A_104 = vector.broadcast %sign3A_103 : i32 to vector<16x128xi32>
    %ne3A_105 = arith.cmpi ne, %sign3A_96, %ne3A_104 : vector<16x128xi32>
    %rem3A_106 = vector.broadcast %jit3A_85 : i32 to vector<16x128xi32>
    %rem3A_107 = arith.remsi %iota3A_84, %rem3A_106 : vector<16x128xi32>
    %ne3A_108 = arith.constant 0 : i32
    %ne3A_109 = vector.broadcast %ne3A_108 : i32 to vector<16x128xi32>
    %ne3A_110 = arith.cmpi ne, %rem3A_107, %ne3A_109 : vector<16x128xi32>
    %and3A_111 = arith.andi %ne3A_105, %ne3A_110 : vector<16x128xi1>
    %sub3A_112 = arith.constant 1 : i32
    %sub3A_113 = vector.broadcast %sub3A_112 : i32 to vector<16x128xi32>
    %sub3A_114 = arith.subi %div3A_87, %sub3A_113 : vector<16x128xi32>
    %select_n3A_115 = arith.select %and3A_111, %sub3A_114, %div3A_87 : vector<16x128xi1>, vector<16x128xi32>
    %eq3A_116 = arith.cmpi eq, %select_n3A_115, %iota3A_83 : vector<16x128xi32>
    %lt3A = arith.constant 8 : i32
    %lt3A_117 = vector.broadcast %lt3A : i32 to vector<16x128xi32>
    %lt3A_118 = arith.cmpi slt, %iota3A_83, %lt3A_117 : vector<16x128xi32>
    %and3A_119 = arith.andi %eq3A_116, %lt3A_118 : vector<16x128xi1>
    %jit3A_120 = arith.constant 1.000000e+00 : f32
    %jit3A_121 = arith.constant 0.000000e+00 : f32
    %broadcast_in_dim3A_122 = vector.broadcast %jit3A_120 : f32 to vector<16x128xf32>
    %broadcast_in_dim3A_123 = vector.broadcast %jit3A_121 : f32 to vector<16x128xf32>
    %select_n3A_124 = arith.select %and3A_119, %broadcast_in_dim3A_122, %broadcast_in_dim3A_123 : vector<16x128xi1>, vector<16x128xf32>
    %dot_general3A_125 = arith.constant dense<0.000000e+00> : vector<256x128xf32>
    %dot_general3A_126 = tpu.matmul %exp3A, %select_n3A_124, %dot_general3A_125 {dimension_numbers = #tpu.dot_dimension_numbers<[1], [0], [0], [1], [0, 0, 1, 1], [], []>, transpose_lhs_hint = false} : vector<256x16xf32>, vector<16x128xf32>, vector<256x128xf32> -> vector<256x128xf32>
    %mul3A_127 = arith.mulf %add3A_42, %dot_general3A_126 : vector<256x128xf32>
    %iota3A_128 = tpu.iota {dimensions = array<i32: 1>} : vector<256x800xi32>
    %get3A_129 = arith.constant 0 : index
    %get3A_130 = arith.constant 0 : index
    %get3A_131 = vector.load %arg4[%get3A_129, %get3A_130] : memref<256x1xi32, #tpu.memory_space<vmem>>, vector<256x1xi32>
    %eq3A_132 = vector.broadcast %get3A_131 : vector<256x1xi32> to vector<256x800xi32>
    %eq3A_133 = arith.cmpi eq, %eq3A_132, %iota3A_128 : vector<256x800xi32>
    %jit3A_134 = arith.constant 1.000000e+00 : f32
    %jit3A_135 = arith.constant 0.000000e+00 : f32
    %broadcast_in_dim3A_136 = vector.broadcast %jit3A_134 : f32 to vector<256x800xf32>
    %broadcast_in_dim3A_137 = vector.broadcast %jit3A_135 : f32 to vector<256x800xf32>
    %select_n3A_138 = arith.select %eq3A_133, %broadcast_in_dim3A_136, %broadcast_in_dim3A_137 : vector<256x800xi1>, vector<256x800xf32>
    %convert_element_type3A_139 = arith.truncf %select_n3A_138 : vector<256x800xf32> to vector<256x800xbf16>
    %concatenate3A = tpu.concatenate %mul3A_127, %exp3A in 1 : vector<256x128xf32>, vector<256x16xf32> -> vector<256x144xf32>
    %convert_element_type3A_140 = arith.truncf %concatenate3A : vector<256x144xf32> to vector<256x144xbf16>
    %dot_general3A_141 = arith.constant dense<0.000000e+00> : vector<800x144xf32>
    %dot_general3A_142 = tpu.matmul %convert_element_type3A_139, %convert_element_type3A_140, %dot_general3A_141 {dimension_numbers = #tpu.dot_dimension_numbers<[0], [0], [1], [1], [0, 1, 1, 1], [], []>, transpose_lhs_hint = false} : vector<256x800xbf16>, vector<256x144xbf16>, vector<800x144xf32> -> vector<800x144xf32>
    %eq3A_143 = arith.constant 0 : i32
    %eq3A_144 = arith.cmpi eq, %arg0, %eq3A_143 : i32
    %convert_element_type3A_145 = arith.extui %eq3A_144 : i1 to i32
    %cond3A = arith.constant 0 : i32
    %cond3A_146 = arith.cmpi ne, %convert_element_type3A_145, %cond3A : i32
    scf.if %cond3A_146 {
      %broadcast_in_dim3A_160 = arith.constant 0.000000e+00 : f32
      %broadcast_in_dim3A_161 = vector.broadcast %broadcast_in_dim3A_160 : f32 to vector<800x144xf32>
      %swap3A_162 = arith.constant 0 : index
      %swap3A_163 = arith.constant 0 : index
      %swap3A_164 = vector.load %arg12[%swap3A_162, %swap3A_163] : memref<800x144xf32, #tpu.memory_space<vmem>>, vector<800x144xf32>
      tpu.vector_store %arg12[%swap3A_162, %swap3A_163], %broadcast_in_dim3A_161 {strides = array<i32>} : memref<800x144xf32, #tpu.memory_space<vmem>>, vector<800x144xf32>,
    } else {
    }
    %get3A_147 = arith.constant 0 : index
    %get3A_148 = arith.constant 0 : index
    %get3A_149 = vector.load %arg12[%get3A_147, %get3A_148] : memref<800x144xf32, #tpu.memory_space<vmem>>, vector<800x144xf32>
    %add3A_150 = arith.addf %get3A_149, %dot_general3A_142 : vector<800x144xf32>
    %swap3A = arith.constant 0 : index
    %swap3A_151 = arith.constant 0 : index
    %swap3A_152 = vector.load %arg12[%swap3A, %swap3A_151] : memref<800x144xf32, #tpu.memory_space<vmem>>, vector<800x144xf32>
    tpu.vector_store %arg12[%swap3A, %swap3A_151], %add3A_150 {strides = array<i32>} : memref<800x144xf32, #tpu.memory_space<vmem>>, vector<800x144xf32>,
    %reduce_sum3A = arith.constant dense<0.000000e+00> : vector<128xf32>
    %reduce_sum3A_153 = vector.multi_reduction <add>, %add3A_42, %reduce_sum3A [0] : vector<256x128xf32> to vector<128xf32>
    %broadcast_in_dim3A_154 = vector.shape_cast %reduce_sum3A_153 : vector<128xf32> to vector<1x128xf32>
    %broadcast_in_dim3A_155 = vector.shape_cast %broadcast_in_dim3A_154 : vector<1x128xf32> to vector<1x1x128xf32>
    %swap3A_156 = arith.constant 0 : index
    %swap3A_157 = arith.constant 0 : index
    %swap3A_158 = arith.constant 0 : index
    %swap3A_159 = vector.load %arg13[%swap3A_156, %swap3A_157, %swap3A_158] : memref<1x1x128xf32, #tpu.memory_space<vmem>>, vector<1x1x128xf32>
    tpu.vector_store %arg13[%swap3A_156, %swap3A_157, %swap3A_158], %broadcast_in_dim3A_155 {strides = array<i32>} : memref<1x1x128xf32, #tpu.memory_space<vmem>>, vector<1x1x128xf32>,
    return
  }
  func.func @transform_0(%arg0: i32) -> (i32, i32) {
    %c0_i32 = arith.constant 0 : i32
    %c0_i32_0 = arith.constant 0 : i32
    return %arg0, %c0_i32 : i32, i32
  }
  func.func @transform_1(%arg0: i32) -> (i32, i32) {
    %c0_i32 = arith.constant 0 : i32
    %c0_i32_0 = arith.constant 0 : i32
    return %arg0, %c0_i32 : i32, i32
  }
  func.func @transform_2(%arg0: i32) -> (i32, i32) {
    %c0_i32 = arith.constant 0 : i32
    %c0_i32_0 = arith.constant 0 : i32
    return %arg0, %c0_i32 : i32, i32
  }
  func.func @transform_3(%arg0: i32) -> (i32, i32) {
    %c0_i32 = arith.constant 0 : i32
    %c0_i32_0 = arith.constant 0 : i32
    return %arg0, %c0_i32 : i32, i32
  }
  func.func @transform_4(%arg0: i32) -> (i32, i32) {
    %c0_i32 = arith.constant 0 : i32
    %c0_i32_0 = arith.constant 0 : i32
    %c0_i32_1 = arith.constant 0 : i32
    return %c0_i32, %c0_i32_0 : i32, i32
  }
  func.func @transform_5(%arg0: i32) -> (i32, i32) {
    %c0_i32 = arith.constant 0 : i32
    %c0_i32_0 = arith.constant 0 : i32
    %c0_i32_1 = arith.constant 0 : i32
    return %c0_i32, %c0_i32_0 : i32, i32
  }
  func.func @transform_6(%arg0: i32) -> (i32, i32) {
    %c0_i32 = arith.constant 0 : i32
    %c0_i32_0 = arith.constant 0 : i32
    %c0_i32_1 = arith.constant 0 : i32
    return %c0_i32, %c0_i32_0 : i32, i32
  }
  func.func @transform_7(%arg0: i32) -> (i32, i32) {
    %c0_i32 = arith.constant 0 : i32
    %c0_i32_0 = arith.constant 0 : i32
    %c0_i32_1 = arith.constant 0 : i32
    return %c0_i32, %c0_i32_0 : i32, i32
  }
  func.func @transform_8(%arg0: i32) -> (i32, i32) {
    %c0_i32 = arith.constant 0 : i32
    %c0_i32_0 = arith.constant 0 : i32
    %c0_i32_1 = arith.constant 0 : i32
    return %c0_i32, %c0_i32_0 : i32, i32
  }
  func.func @transform_9(%arg0: i32) -> (i32, i32) {
    %c0_i32 = arith.constant 0 : i32
    %c0_i32_0 = arith.constant 0 : i32
    %c0_i32_1 = arith.constant 0 : i32
    return %c0_i32, %c0_i32_0 : i32, i32
  }
  func.func @transform_10(%arg0: i32) -> (i32, i32) {
    %c0_i32 = arith.constant 0 : i32
    %c0_i32_0 = arith.constant 0 : i32
    %c0_i32_1 = arith.constant 0 : i32
    return %c0_i32, %c0_i32_0 : i32, i32
  }
  func.func @transform_11(%arg0: i32) -> (i32, i32) {
    %c0_i32 = arith.constant 0 : i32
    %c0_i32_0 = arith.constant 0 : i32
    %c0_i32_1 = arith.constant 0 : i32
    return %c0_i32, %c0_i32_0 : i32, i32
  }
  func.func @transform_12(%arg0: i32) -> (i32, i32, i32) {
    %c0_i32 = arith.constant 0 : i32
    %c0_i32_0 = arith.constant 0 : i32
    %c0_i32_1 = arith.constant 0 : i32
    return %arg0, %c0_i32, %c0_i32_0 : i32, i32, i32
  }
}

module attributes {stable_mosaic.version = 14 : i64} {
  func.func @body(%arg0: i32, %arg1: memref<256x128xbf16, #tpu.memory_space<vmem>>, %arg2: memref<256x128xf32, #tpu.memory_space<vmem>>, %arg3: memref<256x128xf32, #tpu.memory_space<vmem>>, %arg4: memref<256x1xi32, #tpu.memory_space<vmem>>, %arg5: memref<1x16xf32, #tpu.memory_space<vmem>>, %arg6: memref<128x128xbf16, #tpu.memory_space<vmem>>, %arg7: memref<1x128xf32, #tpu.memory_space<vmem>>, %arg8: memref<128x256xbf16, #tpu.memory_space<vmem>>, %arg9: memref<128x256xbf16, #tpu.memory_space<vmem>>, %arg10: memref<128x128xbf16, #tpu.memory_space<vmem>>, %arg11: memref<1x128xf32, #tpu.memory_space<vmem>>, %arg12: memref<800x144xf32, #tpu.memory_space<vmem>>, %arg13: memref<1x1x128xf32, #tpu.memory_space<vmem>>) attributes {dimension_semantics = [#tpu.dimension_semantics<arbitrary>], iteration_bounds = array<i64: 400>, scalar_prefetch = 0 : i64, scratch_operands = 0 : i64, tpu.core_type = #tpu.core_type<tc>, window_params = [{transform_indices = @transform_0, window_bounds = array<i64: 256, 128>}, {transform_indices = @transform_1, window_bounds = array<i64: 256, 128>}, {transform_indices = @transform_2, window_bounds = array<i64: 256, 128>}, {transform_indices = @transform_3, window_bounds = array<i64: 256, 1>}, {pipeline_mode = #tpu.pipeline_mode<synchronous>, transform_indices = @transform_4, window_bounds = array<i64: 1, 16>}, {pipeline_mode = #tpu.pipeline_mode<synchronous>, transform_indices = @transform_5, window_bounds = array<i64: 128, 128>}, {pipeline_mode = #tpu.pipeline_mode<synchronous>, transform_indices = @transform_6, window_bounds = array<i64: 1, 128>}, {pipeline_mode = #tpu.pipeline_mode<synchronous>, transform_indices = @transform_7, window_bounds = array<i64: 128, 256>}, {pipeline_mode = #tpu.pipeline_mode<synchronous>, transform_indices = @transform_8, window_bounds = array<i64: 128, 256>}, {pipeline_mode = #tpu.pipeline_mode<synchronous>, transform_indices = @transform_9, window_bounds = array<i64: 128, 128>}, {pipeline_mode = #tpu.pipeline_mode<synchronous>, transform_indices = @transform_10, window_bounds = array<i64: 1, 128>}, {pipeline_mode = #tpu.pipeline_mode<synchronous>, transform_indices = @transform_11, window_bounds = array<i64: 800, 144>}, {transform_indices = @transform_12, window_bounds = array<i64: 1, 1, 128>}]} {
    %get3A = arith.constant 0 : index
    %get3A_0 = arith.constant 0 : index
    %get3A_1 = vector.load %arg1[%get3A, %get3A_0] : memref<256x128xbf16, #tpu.memory_space<vmem>>, vector<256x128xbf16>
    %get3A_2 = arith.constant 0 : index
    %get3A_3 = arith.constant 0 : index
    %get3A_4 = vector.load %arg6[%get3A_2, %get3A_3] : memref<128x128xbf16, #tpu.memory_space<vmem>>, vector<128x128xbf16>
    %dot_general3A = arith.constant dense<0.000000e+00> : vector<256x128xf32>
    %dot_general3A_5 = tpu.matmul %get3A_1, %get3A_4, %dot_general3A {dimension_numbers = #tpu.dot_dimension_numbers<[1], [0], [0], [1], [0, 0, 1, 1], [], []>, transpose_lhs_hint = false} : vector<256x128xbf16>, vector<128x128xbf16>, vector<256x128xf32> -> vector<256x128xf32>
    %get3A_6 = arith.constant 0 : index
    %get3A_7 = arith.constant 0 : index
    %get3A_8 = vector.load %arg7[%get3A_6, %get3A_7] : memref<1x128xf32, #tpu.memory_space<vmem>>, vector<1x128xf32>
    %add3A = vector.broadcast %get3A_8 : vector<1x128xf32> to vector<256x128xf32>
    %add3A_9 = arith.addf %dot_general3A_5, %add3A : vector<256x128xf32>
    %get3A_10 = arith.constant 0 : index
    %get3A_11 = arith.constant 0 : index
    %get3A_12 = vector.load %arg2[%get3A_10, %get3A_11] : memref<256x128xf32, #tpu.memory_space<vmem>>, vector<256x128xf32>
    %convert_element_type3A = arith.truncf %get3A_12 : vector<256x128xf32> to vector<256x128xbf16>
    %get3A_13 = arith.constant 0 : index
    %get3A_14 = arith.constant 0 : index
    %get3A_15 = vector.load %arg3[%get3A_13, %get3A_14] : memref<256x128xf32, #tpu.memory_space<vmem>>, vector<256x128xf32>
    %convert_element_type3A_16 = arith.truncf %get3A_15 : vector<256x128xf32> to vector<256x128xbf16>
    %get3A_17 = arith.constant 0 : index
    %get3A_18 = arith.constant 0 : index
    %get3A_19 = vector.load %arg8[%get3A_17, %get3A_18] : memref<128x256xbf16, #tpu.memory_space<vmem>>, vector<128x256xbf16>
    %dot_general3A_20 = arith.constant dense<0.000000e+00> : vector<256x256xf32>
    %dot_general3A_21 = tpu.matmul %convert_element_type3A, %get3A_19, %dot_general3A_20 {dimension_numbers = #tpu.dot_dimension_numbers<[1], [0], [0], [1], [0, 0, 1, 1], [], []>, transpose_lhs_hint = false} : vector<256x128xbf16>, vector<128x256xbf16>, vector<256x256xf32> -> vector<256x256xf32>
    %get3A_22 = arith.constant 0 : index
    %get3A_23 = arith.constant 0 : index
    %get3A_24 = vector.load %arg9[%get3A_22, %get3A_23] : memref<128x256xbf16, #tpu.memory_space<vmem>>, vector<128x256xbf16>
    %dot_general3A_25 = arith.constant dense<0.000000e+00> : vector<256x256xf32>
    %dot_general3A_26 = tpu.matmul %convert_element_type3A_16, %get3A_24, %dot_general3A_25 {dimension_numbers = #tpu.dot_dimension_numbers<[1], [0], [0], [1], [0, 0, 1, 1], [], []>, transpose_lhs_hint = false} : vector<256x128xbf16>, vector<128x256xbf16>, vector<256x256xf32> -> vector<256x256xf32>
    %slice3A = vector.extract_strided_slice %dot_general3A_21 {offsets = [0, 0], sizes = [256, 128], strides = [1, 1]} : vector<256x256xf32> to vector<256x128xf32>
    %add3A_27 = arith.addf %add3A_9, %slice3A : vector<256x128xf32>
    %slice3A_28 = vector.extract_strided_slice %dot_general3A_26 {offsets = [0, 0], sizes = [256, 128], strides = [1, 1]} : vector<256x256xf32> to vector<256x128xf32>
    %add3A_29 = arith.addf %add3A_27, %slice3A_28 : vector<256x128xf32>
    %max3A = arith.constant 0.000000e+00 : f32
    %max3A_30 = vector.broadcast %max3A : f32 to vector<256x128xf32>
    %max3A_31 = arith.maximumf %add3A_29, %max3A_30 : vector<256x128xf32>
    %convert_element_type3A_32 = arith.truncf %max3A_31 : vector<256x128xf32> to vector<256x128xbf16>
    %get3A_33 = arith.constant 0 : index
    %get3A_34 = arith.constant 0 : index
    %get3A_35 = vector.load %arg10[%get3A_33, %get3A_34] : memref<128x128xbf16, #tpu.memory_space<vmem>>, vector<128x128xbf16>
    %dot_general3A_36 = arith.constant dense<0.000000e+00> : vector<256x128xf32>
    %dot_general3A_37 = tpu.matmul %convert_element_type3A_32, %get3A_35, %dot_general3A_36 {dimension_numbers = #tpu.dot_dimension_numbers<[1], [0], [0], [1], [0, 0, 1, 1], [], []>, transpose_lhs_hint = false} : vector<256x128xbf16>, vector<128x128xbf16>, vector<256x128xf32> -> vector<256x128xf32>
    %get3A_38 = arith.constant 0 : index
    %get3A_39 = arith.constant 0 : index
    %get3A_40 = vector.load %arg11[%get3A_38, %get3A_39] : memref<1x128xf32, #tpu.memory_space<vmem>>, vector<1x128xf32>
    %add3A_41 = vector.broadcast %get3A_40 : vector<1x128xf32> to vector<256x128xf32>
    %add3A_42 = arith.addf %dot_general3A_37, %add3A_41 : vector<256x128xf32>
    %slice3A_43 = vector.extract_strided_slice %dot_general3A_21 {offsets = [0, 128], sizes = [256, 128], strides = [1, 1]} : vector<256x256xf32> to vector<256x128xf32>
    %slice3A_44 = vector.extract_strided_slice %dot_general3A_26 {offsets = [0, 128], sizes = [256, 128], strides = [1, 1]} : vector<256x256xf32> to vector<256x128xf32>
    %mul3A = arith.mulf %slice3A_43, %slice3A_44 : vector<256x128xf32>
    %iota3A = tpu.iota {dimensions = array<i32: 0>} : vector<128x16xi32>
    %iota3A_45 = tpu.iota {dimensions = array<i32: 1>} : vector<128x16xi32>
    %jit3A = arith.constant 16 : i32
    %div3A = vector.broadcast %jit3A : i32 to vector<128x16xi32>
    %div3A_46 = arith.divsi %iota3A, %div3A : vector<128x16xi32>
    %sign3A = arith.constant 0 : i32
    %sign3A_47 = vector.broadcast %sign3A : i32 to vector<128x16xi32>
    %sign3A_48 = arith.cmpi sgt, %iota3A, %sign3A_47 : vector<128x16xi32>
    %sign3A_49 = arith.extui %sign3A_48 : vector<128x16xi1> to vector<128x16xi32>
    %sign3A_50 = arith.constant 0 : i32
    %sign3A_51 = vector.broadcast %sign3A_50 : i32 to vector<128x16xi32>
    %sign3A_52 = arith.cmpi slt, %iota3A, %sign3A_51 : vector<128x16xi32>
    %sign3A_53 = arith.extui %sign3A_52 : vector<128x16xi1> to vector<128x16xi32>
    %sign3A_54 = arith.subi %sign3A_49, %sign3A_53 : vector<128x16xi32>
    %sign3A_55 = arith.constant 0 : i32
    %sign3A_56 = arith.cmpi sgt, %jit3A, %sign3A_55 : i32
    %sign3A_57 = arith.extui %sign3A_56 : i1 to i32
    %sign3A_58 = arith.constant 0 : i32
    %sign3A_59 = arith.cmpi slt, %jit3A, %sign3A_58 : i32
    %sign3A_60 = arith.extui %sign3A_59 : i1 to i32
    %sign3A_61 = arith.subi %sign3A_57, %sign3A_60 : i32
    %ne3A = vector.broadcast %sign3A_61 : i32 to vector<128x16xi32>
    %ne3A_62 = arith.cmpi ne, %sign3A_54, %ne3A : vector<128x16xi32>
    %rem3A = vector.broadcast %jit3A : i32 to vector<128x16xi32>
    %rem3A_63 = arith.remsi %iota3A, %rem3A : vector<128x16xi32>
    %ne3A_64 = arith.constant 0 : i32
    %ne3A_65 = vector.broadcast %ne3A_64 : i32 to vector<128x16xi32>
    %ne3A_66 = arith.cmpi ne, %rem3A_63, %ne3A_65 : vector<128x16xi32>
    %and3A = arith.andi %ne3A_62, %ne3A_66 : vector<128x16xi1>
    %sub3A = arith.constant 1 : i32
    %sub3A_67 = vector.broadcast %sub3A : i32 to vector<128x16xi32>
    %sub3A_68 = arith.subi %div3A_46, %sub3A_67 : vector<128x16xi32>
    %select_n3A = arith.select %and3A, %sub3A_68, %div3A_46 : vector<128x16xi1>, vector<128x16xi32>
    %eq3A = arith.cmpi eq, %select_n3A, %iota3A_45 : vector<128x16xi32>
    %jit3A_69 = arith.constant 1.000000e+00 : f32
    %jit3A_70 = arith.constant 0.000000e+00 : f32
    %broadcast_in_dim3A = vector.broadcast %jit3A_69 : f32 to vector<128x16xf32>
    %broadcast_in_dim3A_71 = vector.broadcast %jit3A_70 : f32 to vector<128x16xf32>
    %select_n3A_72 = arith.select %eq3A, %broadcast_in_dim3A, %broadcast_in_dim3A_71 : vector<128x16xi1>, vector<128x16xf32>
    %dot_general3A_73 = arith.constant dense<0.000000e+00> : vector<256x16xf32>
    %dot_general3A_74 = tpu.matmul %mul3A, %select_n3A_72, %dot_general3A_73 {dimension_numbers = #tpu.dot_dimension_numbers<[1], [0], [0], [1], [0, 0, 1, 1], [], []>, transpose_lhs_hint = false} : vector<256x128xf32>, vector<128x16xf32>, vector<256x16xf32> -> vector<256x16xf32>
    %mul3A_75 = arith.constant 2.500000e-01 : f32
    %mul3A_76 = vector.broadcast %mul3A_75 : f32 to vector<256x16xf32>
    %mul3A_77 = arith.mulf %dot_general3A_74, %mul3A_76 : vector<256x16xf32>
    %get3A_78 = arith.constant 0 : index
    %get3A_79 = arith.constant 0 : index
    %get3A_80 = vector.load %arg5[%get3A_78, %get3A_79] : memref<1x16xf32, #tpu.memory_space<vmem>>, vector<1x16xf32>
    %sub3A_81 = vector.broadcast %get3A_80 : vector<1x16xf32> to vector<256x16xf32>
    %sub3A_82 = arith.subf %mul3A_77, %sub3A_81 : vector<256x16xf32>
    %exp3A = math.exp %sub3A_82 : vector<256x16xf32>
    %iota3A_83 = tpu.iota {dimensions = array<i32: 0>} : vector<16x128xi32>
    %iota3A_84 = tpu.iota {dimensions = array<i32: 1>} : vector<16x128xi32>
    %jit3A_85 = arith.constant 16 : i32
    %div3A_86 = vector.broadcast %jit3A_85 : i32 to vector<16x128xi32>
    %div3A_87 = arith.divsi %iota3A_84, %div3A_86 : vector<16x128xi32>
    %sign3A_88 = arith.constant 0 : i32
    %sign3A_89 = vector.broadcast %sign3A_88 : i32 to vector<16x128xi32>
    %sign3A_90 = arith.cmpi sgt, %iota3A_84, %sign3A_89 : vector<16x128xi32>
    %sign3A_91 = arith.extui %sign3A_90 : vector<16x128xi1> to vector<16x128xi32>
    %sign3A_92 = arith.constant 0 : i32
    %sign3A_93 = vector.broadcast %sign3A_92 : i32 to vector<16x128xi32>
    %sign3A_94 = arith.cmpi slt, %iota3A_84, %sign3A_93 : vector<16x128xi32>
    %sign3A_95 = arith.extui %sign3A_94 : vector<16x128xi1> to vector<16x128xi32>
    %sign3A_96 = arith.subi %sign3A_91, %sign3A_95 : vector<16x128xi32>
    %sign3A_97 = arith.constant 0 : i32
    %sign3A_98 = arith.cmpi sgt, %jit3A_85, %sign3A_97 : i32
    %sign3A_99 = arith.extui %sign3A_98 : i1 to i32
    %sign3A_100 = arith.constant 0 : i32
    %sign3A_101 = arith.cmpi slt, %jit3A_85, %sign3A_100 : i32
    %sign3A_102 = arith.extui %sign3A_101 : i1 to i32
    %sign3A_103 = arith.subi %sign3A_99, %sign3A_102 : i32
    %ne3A_104 = vector.broadcast %sign3A_103 : i32 to vector<16x128xi32>
    %ne3A_105 = arith.cmpi ne, %sign3A_96, %ne3A_104 : vector<16x128xi32>
    %rem3A_106 = vector.broadcast %jit3A_85 : i32 to vector<16x128xi32>
    %rem3A_107 = arith.remsi %iota3A_84, %rem3A_106 : vector<16x128xi32>
    %ne3A_108 = arith.constant 0 : i32
    %ne3A_109 = vector.broadcast %ne3A_108 : i32 to vector<16x128xi32>
    %ne3A_110 = arith.cmpi ne, %rem3A_107, %ne3A_109 : vector<16x128xi32>
    %and3A_111 = arith.andi %ne3A_105, %ne3A_110 : vector<16x128xi1>
    %sub3A_112 = arith.constant 1 : i32
    %sub3A_113 = vector.broadcast %sub3A_112 : i32 to vector<16x128xi32>
    %sub3A_114 = arith.subi %div3A_87, %sub3A_113 : vector<16x128xi32>
    %select_n3A_115 = arith.select %and3A_111, %sub3A_114, %div3A_87 : vector<16x128xi1>, vector<16x128xi32>
    %eq3A_116 = arith.cmpi eq, %select_n3A_115, %iota3A_83 : vector<16x128xi32>
    %lt3A = arith.constant 8 : i32
    %lt3A_117 = vector.broadcast %lt3A : i32 to vector<16x128xi32>
    %lt3A_118 = arith.cmpi slt, %iota3A_83, %lt3A_117 : vector<16x128xi32>
    %and3A_119 = arith.andi %eq3A_116, %lt3A_118 : vector<16x128xi1>
    %jit3A_120 = arith.constant 1.000000e+00 : f32
    %jit3A_121 = arith.constant 0.000000e+00 : f32
    %broadcast_in_dim3A_122 = vector.broadcast %jit3A_120 : f32 to vector<16x128xf32>
    %broadcast_in_dim3A_123 = vector.broadcast %jit3A_121 : f32 to vector<16x128xf32>
    %select_n3A_124 = arith.select %and3A_119, %broadcast_in_dim3A_122, %broadcast_in_dim3A_123 : vector<16x128xi1>, vector<16x128xf32>
    %dot_general3A_125 = arith.constant dense<0.000000e+00> : vector<256x128xf32>
    %dot_general3A_126 = tpu.matmul %exp3A, %select_n3A_124, %dot_general3A_125 {dimension_numbers = #tpu.dot_dimension_numbers<[1], [0], [0], [1], [0, 0, 1, 1], [], []>, transpose_lhs_hint = false} : vector<256x16xf32>, vector<16x128xf32>, vector<256x128xf32> -> vector<256x128xf32>
    %mul3A_127 = arith.mulf %add3A_42, %dot_general3A_126 : vector<256x128xf32>
    %iota3A_128 = tpu.iota {dimensions = array<i32: 1>} : vector<256x800xi32>
    %get3A_129 = arith.constant 0 : index
    %get3A_130 = arith.constant 0 : index
    %get3A_131 = vector.load %arg4[%get3A_129, %get3A_130] : memref<256x1xi32, #tpu.memory_space<vmem>>, vector<256x1xi32>
    %eq3A_132 = vector.broadcast %get3A_131 : vector<256x1xi32> to vector<256x800xi32>
    %eq3A_133 = arith.cmpi eq, %eq3A_132, %iota3A_128 : vector<256x800xi32>
    %jit3A_134 = arith.constant 1.000000e+00 : f32
    %jit3A_135 = arith.constant 0.000000e+00 : f32
    %broadcast_in_dim3A_136 = vector.broadcast %jit3A_134 : f32 to vector<256x800xf32>
    %broadcast_in_dim3A_137 = vector.broadcast %jit3A_135 : f32 to vector<256x800xf32>
    %select_n3A_138 = arith.select %eq3A_133, %broadcast_in_dim3A_136, %broadcast_in_dim3A_137 : vector<256x800xi1>, vector<256x800xf32>
    %convert_element_type3A_139 = arith.truncf %select_n3A_138 : vector<256x800xf32> to vector<256x800xbf16>
    %concatenate3A = tpu.concatenate %mul3A_127, %exp3A in 1 : vector<256x128xf32>, vector<256x16xf32> -> vector<256x144xf32>
    %convert_element_type3A_140 = arith.truncf %concatenate3A : vector<256x144xf32> to vector<256x144xbf16>
    %dot_general3A_141 = arith.constant dense<0.000000e+00> : vector<800x144xf32>
    %dot_general3A_142 = tpu.matmul %convert_element_type3A_139, %convert_element_type3A_140, %dot_general3A_141 {dimension_numbers = #tpu.dot_dimension_numbers<[0], [0], [1], [1], [0, 1, 1, 1], [], []>, transpose_lhs_hint = false} : vector<256x800xbf16>, vector<256x144xbf16>, vector<800x144xf32> -> vector<800x144xf32>
    %eq3A_143 = arith.constant 0 : i32
    %eq3A_144 = arith.cmpi eq, %arg0, %eq3A_143 : i32
    %convert_element_type3A_145 = arith.extui %eq3A_144 : i1 to i32
    %cond3A = arith.constant 0 : i32
    %cond3A_146 = arith.cmpi ne, %convert_element_type3A_145, %cond3A : i32
    scf.if %cond3A_146 {
      %broadcast_in_dim3A_160 = arith.constant 0.000000e+00 : f32
      %broadcast_in_dim3A_161 = vector.broadcast %broadcast_in_dim3A_160 : f32 to vector<800x144xf32>
      %swap3A_162 = arith.constant 0 : index
      %swap3A_163 = arith.constant 0 : index
      %swap3A_164 = vector.load %arg12[%swap3A_162, %swap3A_163] : memref<800x144xf32, #tpu.memory_space<vmem>>, vector<800x144xf32>
      tpu.vector_store %arg12[%swap3A_162, %swap3A_163], %broadcast_in_dim3A_161 {strides = array<i32>} : memref<800x144xf32, #tpu.memory_space<vmem>>, vector<800x144xf32>,
    } else {
    }
    %get3A_147 = arith.constant 0 : index
    %get3A_148 = arith.constant 0 : index
    %get3A_149 = vector.load %arg12[%get3A_147, %get3A_148] : memref<800x144xf32, #tpu.memory_space<vmem>>, vector<800x144xf32>
    %add3A_150 = arith.addf %get3A_149, %dot_general3A_142 : vector<800x144xf32>
    %swap3A = arith.constant 0 : index
    %swap3A_151 = arith.constant 0 : index
    %swap3A_152 = vector.load %arg12[%swap3A, %swap3A_151] : memref<800x144xf32, #tpu.memory_space<vmem>>, vector<800x144xf32>
    tpu.vector_store %arg12[%swap3A, %swap3A_151], %add3A_150 {strides = array<i32>} : memref<800x144xf32, #tpu.memory_space<vmem>>, vector<800x144xf32>,
    %reduce_sum3A = arith.constant dense<0.000000e+00> : vector<128xf32>
    %reduce_sum3A_153 = vector.multi_reduction <add>, %add3A_42, %reduce_sum3A [0] : vector<256x128xf32> to vector<128xf32>
    %broadcast_in_dim3A_154 = vector.shape_cast %reduce_sum3A_153 : vector<128xf32> to vector<1x128xf32>
    %broadcast_in_dim3A_155 = vector.shape_cast %broadcast_in_dim3A_154 : vector<1x128xf32> to vector<1x1x128xf32>
    %swap3A_156 = arith.constant 0 : index
    %swap3A_157 = arith.constant 0 : index
    %swap3A_158 = arith.constant 0 : index
    %swap3A_159 = vector.load %arg13[%swap3A_156, %swap3A_157, %swap3A_158] : memref<1x1x128xf32, #tpu.memory_space<vmem>>, vector<1x1x128xf32>
    tpu.vector_store %arg13[%swap3A_156, %swap3A_157, %swap3A_158], %broadcast_in_dim3A_155 {strides = array<i32>} : memref<1x1x128xf32, #tpu.memory_space<vmem>>, vector<1x1x128xf32>,
    return
  }
  func.func @transform_0(%arg0: i32) -> (i32, i32) {
    %c0_i32 = arith.constant 0 : i32
    %c0_i32_0 = arith.constant 0 : i32
    return %arg0, %c0_i32 : i32, i32
  }
  func.func @transform_1(%arg0: i32) -> (i32, i32) {
    %c0_i32 = arith.constant 0 : i32
    %c0_i32_0 = arith.constant 0 : i32
    return %arg0, %c0_i32 : i32, i32
  }
  func.func @transform_2(%arg0: i32) -> (i32, i32) {
    %c0_i32 = arith.constant 0 : i32
    %c0_i32_0 = arith.constant 0 : i32
    return %arg0, %c0_i32 : i32, i32
  }
  func.func @transform_3(%arg0: i32) -> (i32, i32) {
    %c0_i32 = arith.constant 0 : i32
    %c0_i32_0 = arith.constant 0 : i32
    return %arg0, %c0_i32 : i32, i32
  }
  func.func @transform_4(%arg0: i32) -> (i32, i32) {
    %c0_i32 = arith.constant 0 : i32
    %c0_i32_0 = arith.constant 0 : i32
    %c0_i32_1 = arith.constant 0 : i32
    return %c0_i32, %c0_i32_0 : i32, i32
  }
  func.func @transform_5(%arg0: i32) -> (i32, i32) {
    %c0_i32 = arith.constant 0 : i32
    %c0_i32_0 = arith.constant 0 : i32
    %c0_i32_1 = arith.constant 0 : i32
    return %c0_i32, %c0_i32_0 : i32, i32
  }
  func.func @transform_6(%arg0: i32) -> (i32, i32) {
    %c0_i32 = arith.constant 0 : i32
    %c0_i32_0 = arith.constant 0 : i32
    %c0_i32_1 = arith.constant 0 : i32
    return %c0_i32, %c0_i32_0 : i32, i32
  }
  func.func @transform_7(%arg0: i32) -> (i32, i32) {
    %c0_i32 = arith.constant 0 : i32
    %c0_i32_0 = arith.constant 0 : i32
    %c0_i32_1 = arith.constant 0 : i32
    return %c0_i32, %c0_i32_0 : i32, i32
  }
  func.func @transform_8(%arg0: i32) -> (i32, i32) {
    %c0_i32 = arith.constant 0 : i32
    %c0_i32_0 = arith.constant 0 : i32
    %c0_i32_1 = arith.constant 0 : i32
    return %c0_i32, %c0_i32_0 : i32, i32
  }
  func.func @transform_9(%arg0: i32) -> (i32, i32) {
    %c0_i32 = arith.constant 0 : i32
    %c0_i32_0 = arith.constant 0 : i32
    %c0_i32_1 = arith.constant 0 : i32
    return %c0_i32, %c0_i32_0 : i32, i32
  }
  func.func @transform_10(%arg0: i32) -> (i32, i32) {
    %c0_i32 = arith.constant 0 : i32
    %c0_i32_0 = arith.constant 0 : i32
    %c0_i32_1 = arith.constant 0 : i32
    return %c0_i32, %c0_i32_0 : i32, i32
  }
  func.func @transform_11(%arg0: i32) -> (i32, i32) {
    %c0_i32 = arith.constant 0 : i32
    %c0_i32_0 = arith.constant 0 : i32
    %c0_i32_1 = arith.constant 0 : i32
    return %c0_i32, %c0_i32_0 : i32, i32
  }
  func.func @transform_12(%arg0: i32) -> (i32, i32, i32) {
    %c0_i32 = arith.constant 0 : i32
    %c0_i32_0 = arith.constant 0 : i32
    %c0_i32_1 = arith.constant 0 : i32
    return %arg0, %c0_i32, %c0_i32_0 : i32, i32, i32
  }
}

module attributes {stable_mosaic.version = 14 : i64} {
  func.func @_t4_body(%arg0: memref<800x128xf32, #tpu.memory_space<vmem>>, %arg1: memref<800x144xf32, #tpu.memory_space<vmem>>, %arg2: memref<800x144xf32, #tpu.memory_space<vmem>>, %arg3: memref<128x128xf32, #tpu.memory_space<vmem>>, %arg4: memref<128x128xf32, #tpu.memory_space<vmem>>, %arg5: memref<1x128xf32, #tpu.memory_space<vmem>>, %arg6: memref<128x128xf32, #tpu.memory_space<vmem>>, %arg7: memref<1x128xf32, #tpu.memory_space<vmem>>, %arg8: memref<400x1x128xf32, #tpu.memory_space<vmem>>, %arg9: memref<200x1x128xf32, #tpu.memory_space<vmem>>, %arg10: memref<128x128xf32, #tpu.memory_space<vmem>>, %arg11: memref<128x128xf32, #tpu.memory_space<vmem>>, %arg12: memref<1x128xf32, #tpu.memory_space<vmem>>, %arg13: memref<128x128xf32, #tpu.memory_space<vmem>>, %arg14: memref<1x128xf32, #tpu.memory_space<vmem>>, %arg15: memref<128x128xf32, #tpu.memory_space<vmem>>, %arg16: memref<1x128xf32, #tpu.memory_space<vmem>>, %arg17: memref<128x128xf32, #tpu.memory_space<vmem>>, %arg18: memref<1x128xf32, #tpu.memory_space<vmem>>, %arg19: memref<128x128xf32, #tpu.memory_space<vmem>>, %arg20: memref<1x128xf32, #tpu.memory_space<vmem>>, %arg21: memref<128x128xf32, #tpu.memory_space<vmem>>, %arg22: memref<1x128xf32, #tpu.memory_space<vmem>>, %arg23: memref<128x128xf32, #tpu.memory_space<vmem>>, %arg24: memref<1x128xf32, #tpu.memory_space<vmem>>, %arg25: memref<128x16xf32, #tpu.memory_space<vmem>>, %arg26: memref<1x16xf32, #tpu.memory_space<vmem>>, %arg27: memref<128x16xf32, #tpu.memory_space<vmem>>, %arg28: memref<1x16xf32, #tpu.memory_space<vmem>>, %arg29: memref<128x16xf32, #tpu.memory_space<vmem>>, %arg30: memref<1x16xf32, #tpu.memory_space<vmem>>, %arg31: memref<1x16xf32, #tpu.memory_space<vmem>>) attributes {dimension_semantics = [], scalar_prefetch = 0 : i64, scratch_operands = 0 : i64, tpu.core_type = #tpu.core_type<tc>} {
    %get3A = arith.constant 0 : index
    %get3A_0 = arith.constant 0 : index
    %get3A_1 = vector.load %arg1[%get3A, %get3A_0] : memref<800x144xf32, #tpu.memory_space<vmem>>, vector<800x144xf32>
    %get3A_2 = arith.constant 0 : index
    %get3A_3 = arith.constant 0 : index
    %get3A_4 = vector.load %arg2[%get3A_2, %get3A_3] : memref<800x144xf32, #tpu.memory_space<vmem>>, vector<800x144xf32>
    %add3A = arith.addf %get3A_1, %get3A_4 : vector<800x144xf32>
    %slice3A = vector.extract_strided_slice %add3A {offsets = [0, 0], sizes = [800, 128], strides = [1, 1]} : vector<800x144xf32> to vector<800x128xf32>
    %slice3A_5 = vector.extract_strided_slice %add3A {offsets = [0, 128], sizes = [800, 16], strides = [1, 1]} : vector<800x144xf32> to vector<800x16xf32>
    %iota3A = tpu.iota {dimensions = array<i32: 0>} : vector<16x128xi32>
    %iota3A_6 = tpu.iota {dimensions = array<i32: 1>} : vector<16x128xi32>
    %jit3A = arith.constant 16 : i32
    %div3A = vector.broadcast %jit3A : i32 to vector<16x128xi32>
    %div3A_7 = arith.divsi %iota3A_6, %div3A : vector<16x128xi32>
    %sign3A = arith.constant 0 : i32
    %sign3A_8 = vector.broadcast %sign3A : i32 to vector<16x128xi32>
    %sign3A_9 = arith.cmpi sgt, %iota3A_6, %sign3A_8 : vector<16x128xi32>
    %sign3A_10 = arith.extui %sign3A_9 : vector<16x128xi1> to vector<16x128xi32>
    %sign3A_11 = arith.constant 0 : i32
    %sign3A_12 = vector.broadcast %sign3A_11 : i32 to vector<16x128xi32>
    %sign3A_13 = arith.cmpi slt, %iota3A_6, %sign3A_12 : vector<16x128xi32>
    %sign3A_14 = arith.extui %sign3A_13 : vector<16x128xi1> to vector<16x128xi32>
    %sign3A_15 = arith.subi %sign3A_10, %sign3A_14 : vector<16x128xi32>
    %sign3A_16 = arith.constant 0 : i32
    %sign3A_17 = arith.cmpi sgt, %jit3A, %sign3A_16 : i32
    %sign3A_18 = arith.extui %sign3A_17 : i1 to i32
    %sign3A_19 = arith.constant 0 : i32
    %sign3A_20 = arith.cmpi slt, %jit3A, %sign3A_19 : i32
    %sign3A_21 = arith.extui %sign3A_20 : i1 to i32
    %sign3A_22 = arith.subi %sign3A_18, %sign3A_21 : i32
    %ne3A = vector.broadcast %sign3A_22 : i32 to vector<16x128xi32>
    %ne3A_23 = arith.cmpi ne, %sign3A_15, %ne3A : vector<16x128xi32>
    %rem3A = vector.broadcast %jit3A : i32 to vector<16x128xi32>
    %rem3A_24 = arith.remsi %iota3A_6, %rem3A : vector<16x128xi32>
    %ne3A_25 = arith.constant 0 : i32
    %ne3A_26 = vector.broadcast %ne3A_25 : i32 to vector<16x128xi32>
    %ne3A_27 = arith.cmpi ne, %rem3A_24, %ne3A_26 : vector<16x128xi32>
    %and3A = arith.andi %ne3A_23, %ne3A_27 : vector<16x128xi1>
    %sub3A = arith.constant 1 : i32
    %sub3A_28 = vector.broadcast %sub3A : i32 to vector<16x128xi32>
    %sub3A_29 = arith.subi %div3A_7, %sub3A_28 : vector<16x128xi32>
    %select_n3A = arith.select %and3A, %sub3A_29, %div3A_7 : vector<16x128xi1>, vector<16x128xi32>
    %eq3A = arith.cmpi eq, %select_n3A, %iota3A : vector<16x128xi32>
    %lt3A = arith.constant 8 : i32
    %lt3A_30 = vector.broadcast %lt3A : i32 to vector<16x128xi32>
    %lt3A_31 = arith.cmpi slt, %iota3A, %lt3A_30 : vector<16x128xi32>
    %and3A_32 = arith.andi %eq3A, %lt3A_31 : vector<16x128xi1>
    %jit3A_33 = arith.constant 1.000000e+00 : f32
    %jit3A_34 = arith.constant 0.000000e+00 : f32
    %broadcast_in_dim3A = vector.broadcast %jit3A_33 : f32 to vector<16x128xf32>
    %broadcast_in_dim3A_35 = vector.broadcast %jit3A_34 : f32 to vector<16x128xf32>
    %select_n3A_36 = arith.select %and3A_32, %broadcast_in_dim3A, %broadcast_in_dim3A_35 : vector<16x128xi1>, vector<16x128xf32>
    %dot_general3A = arith.constant dense<0.000000e+00> : vector<800x128xf32>
    %dot_general3A_37 = tpu.matmul %slice3A_5, %select_n3A_36, %dot_general3A {dimension_numbers = #tpu.dot_dimension_numbers<[1], [0], [0], [1], [0, 0, 1, 1], [], []>, transpose_lhs_hint = false} : vector<800x16xf32>, vector<16x128xf32>, vector<800x128xf32> -> vector<800x128xf32>
    %add3A_38 = arith.constant 9.99999971E-10 : f32
    %add3A_39 = vector.broadcast %add3A_38 : f32 to vector<800x128xf32>
    %add3A_40 = arith.addf %dot_general3A_37, %add3A_39 : vector<800x128xf32>
    %div3A_41 = arith.divf %slice3A, %add3A_40 : vector<800x128xf32>
    %get3A_42 = arith.constant 0 : index
    %get3A_43 = arith.constant 0 : index
    %get3A_44 = vector.load %arg0[%get3A_42, %get3A_43] : memref<800x128xf32, #tpu.memory_space<vmem>>, vector<800x128xf32>
    %get3A_45 = arith.constant 0 : index
    %get3A_46 = arith.constant 0 : index
    %get3A_47 = vector.load %arg3[%get3A_45, %get3A_46] : memref<128x128xf32, #tpu.memory_space<vmem>>, vector<128x128xf32>
    %dot_general3A_48 = arith.constant dense<0.000000e+00> : vector<800x128xf32>
    %dot_general3A_49 = tpu.matmul %get3A_44, %get3A_47, %dot_general3A_48 {dimension_numbers = #tpu.dot_dimension_numbers<[1], [0], [0], [1], [0, 0, 1, 1], [], []>, transpose_lhs_hint = false} : vector<800x128xf32>, vector<128x128xf32>, vector<800x128xf32> -> vector<800x128xf32>
    %get3A_50 = arith.constant 0 : index
    %get3A_51 = arith.constant 0 : index
    %get3A_52 = vector.load %arg4[%get3A_50, %get3A_51] : memref<128x128xf32, #tpu.memory_space<vmem>>, vector<128x128xf32>
    %dot_general3A_53 = arith.constant dense<0.000000e+00> : vector<800x128xf32>
    %dot_general3A_54 = tpu.matmul %div3A_41, %get3A_52, %dot_general3A_53 {dimension_numbers = #tpu.dot_dimension_numbers<[1], [0], [0], [1], [0, 0, 1, 1], [], []>, transpose_lhs_hint = false} : vector<800x128xf32>, vector<128x128xf32>, vector<800x128xf32> -> vector<800x128xf32>
    %add3A_55 = arith.addf %dot_general3A_49, %dot_general3A_54 : vector<800x128xf32>
    %get3A_56 = arith.constant 0 : index
    %get3A_57 = arith.constant 0 : index
    %get3A_58 = vector.load %arg5[%get3A_56, %get3A_57] : memref<1x128xf32, #tpu.memory_space<vmem>>, vector<1x128xf32>
    %add3A_59 = vector.broadcast %get3A_58 : vector<1x128xf32> to vector<800x128xf32>
    %add3A_60 = arith.addf %add3A_55, %add3A_59 : vector<800x128xf32>
    %max3A = arith.constant 0.000000e+00 : f32
    %max3A_61 = vector.broadcast %max3A : f32 to vector<800x128xf32>
    %max3A_62 = arith.maximumf %add3A_60, %max3A_61 : vector<800x128xf32>
    %get3A_63 = arith.constant 0 : index
    %get3A_64 = arith.constant 0 : index
    %get3A_65 = vector.load %arg6[%get3A_63, %get3A_64] : memref<128x128xf32, #tpu.memory_space<vmem>>, vector<128x128xf32>
    %dot_general3A_66 = arith.constant dense<0.000000e+00> : vector<800x128xf32>
    %dot_general3A_67 = tpu.matmul %max3A_62, %get3A_65, %dot_general3A_66 {dimension_numbers = #tpu.dot_dimension_numbers<[1], [0], [0], [1], [0, 0, 1, 1], [], []>, transpose_lhs_hint = false} : vector<800x128xf32>, vector<128x128xf32>, vector<800x128xf32> -> vector<800x128xf32>
    %get3A_68 = arith.constant 0 : index
    %get3A_69 = arith.constant 0 : index
    %get3A_70 = vector.load %arg7[%get3A_68, %get3A_69] : memref<1x128xf32, #tpu.memory_space<vmem>>, vector<1x128xf32>
    %add3A_71 = vector.broadcast %get3A_70 : vector<1x128xf32> to vector<800x128xf32>
    %add3A_72 = arith.addf %dot_general3A_67, %add3A_71 : vector<800x128xf32>
    %reduce_sum3A = arith.constant dense<0.000000e+00> : vector<128xf32>
    %reduce_sum3A_73 = vector.multi_reduction <add>, %add3A_72, %reduce_sum3A [0] : vector<800x128xf32> to vector<128xf32>
    %broadcast_in_dim3A_74 = vector.shape_cast %reduce_sum3A_73 : vector<128xf32> to vector<1x128xf32>
    %div3A_75 = arith.constant 8.000000e+02 : f32
    %div3A_76 = vector.broadcast %div3A_75 : f32 to vector<1x128xf32>
    %div3A_77 = arith.divf %broadcast_in_dim3A_74, %div3A_76 : vector<1x128xf32>
    %get3A_78 = arith.constant 0 : index
    %get3A_79 = arith.constant 0 : index
    %get3A_80 = arith.constant 0 : index
    %get3A_81 = vector.load %arg8[%get3A_78, %get3A_79, %get3A_80] : memref<400x1x128xf32, #tpu.memory_space<vmem>>, vector<400x1x128xf32>
    %reduce_sum3A_82 = arith.constant dense<0.000000e+00> : vector<1x128xf32>
    %reduce_sum3A_83 = vector.multi_reduction <add>, %get3A_81, %reduce_sum3A_82 [0] : vector<400x1x128xf32> to vector<1x128xf32>
    %get3A_84 = arith.constant 0 : index
    %get3A_85 = arith.constant 0 : index
    %get3A_86 = arith.constant 0 : index
    %get3A_87 = vector.load %arg9[%get3A_84, %get3A_85, %get3A_86] : memref<200x1x128xf32, #tpu.memory_space<vmem>>, vector<200x1x128xf32>
    %reduce_sum3A_88 = arith.constant dense<0.000000e+00> : vector<1x128xf32>
    %reduce_sum3A_89 = vector.multi_reduction <add>, %get3A_87, %reduce_sum3A_88 [0] : vector<200x1x128xf32> to vector<1x128xf32>
    %add3A_90 = arith.addf %reduce_sum3A_83, %reduce_sum3A_89 : vector<1x128xf32>
    %mul3A = arith.constant 6.51041682E-6 : f32
    %mul3A_91 = vector.broadcast %mul3A : f32 to vector<1x128xf32>
    %mul3A_92 = arith.mulf %add3A_90, %mul3A_91 : vector<1x128xf32>
    %get3A_93 = arith.constant 0 : index
    %get3A_94 = arith.constant 0 : index
    %get3A_95 = vector.load %arg10[%get3A_93, %get3A_94] : memref<128x128xf32, #tpu.memory_space<vmem>>, vector<128x128xf32>
    %dot_general3A_96 = arith.constant dense<0.000000e+00> : vector<1x128xf32>
    %dot_general3A_97 = tpu.matmul %div3A_77, %get3A_95, %dot_general3A_96 {dimension_numbers = #tpu.dot_dimension_numbers<[1], [0], [0], [1], [0, 0, 1, 1], [], []>, transpose_lhs_hint = false} : vector<1x128xf32>, vector<128x128xf32>, vector<1x128xf32> -> vector<1x128xf32>
    %get3A_98 = arith.constant 0 : index
    %get3A_99 = arith.constant 0 : index
    %get3A_100 = vector.load %arg11[%get3A_98, %get3A_99] : memref<128x128xf32, #tpu.memory_space<vmem>>, vector<128x128xf32>
    %dot_general3A_101 = arith.constant dense<0.000000e+00> : vector<1x128xf32>
    %dot_general3A_102 = tpu.matmul %mul3A_92, %get3A_100, %dot_general3A_101 {dimension_numbers = #tpu.dot_dimension_numbers<[1], [0], [0], [1], [0, 0, 1, 1], [], []>, transpose_lhs_hint = false} : vector<1x128xf32>, vector<128x128xf32>, vector<1x128xf32> -> vector<1x128xf32>
    %add3A_103 = arith.addf %dot_general3A_97, %dot_general3A_102 : vector<1x128xf32>
    %get3A_104 = arith.constant 0 : index
    %get3A_105 = arith.constant 0 : index
    %get3A_106 = vector.load %arg12[%get3A_104, %get3A_105] : memref<1x128xf32, #tpu.memory_space<vmem>>, vector<1x128xf32>
    %add3A_107 = arith.addf %add3A_103, %get3A_106 : vector<1x128xf32>
    %get3A_108 = arith.constant 0 : index
    %get3A_109 = arith.constant 0 : index
    %get3A_110 = vector.load %arg13[%get3A_108, %get3A_109] : memref<128x128xf32, #tpu.memory_space<vmem>>, vector<128x128xf32>
    %dot_general3A_111 = arith.constant dense<0.000000e+00> : vector<1x128xf32>
    %dot_general3A_112 = tpu.matmul %add3A_107, %get3A_110, %dot_general3A_111 {dimension_numbers = #tpu.dot_dimension_numbers<[1], [0], [0], [1], [0, 0, 1, 1], [], []>, transpose_lhs_hint = false} : vector<1x128xf32>, vector<128x128xf32>, vector<1x128xf32> -> vector<1x128xf32>
    %get3A_113 = arith.constant 0 : index
    %get3A_114 = arith.constant 0 : index
    %get3A_115 = vector.load %arg14[%get3A_113, %get3A_114] : memref<1x128xf32, #tpu.memory_space<vmem>>, vector<1x128xf32>
    %add3A_116 = arith.addf %dot_general3A_112, %get3A_115 : vector<1x128xf32>
    %max3A_117 = arith.constant 0.000000e+00 : f32
    %max3A_118 = vector.broadcast %max3A_117 : f32 to vector<1x128xf32>
    %max3A_119 = arith.maximumf %add3A_116, %max3A_118 : vector<1x128xf32>
    %get3A_120 = arith.constant 0 : index
    %get3A_121 = arith.constant 0 : index
    %get3A_122 = vector.load %arg15[%get3A_120, %get3A_121] : memref<128x128xf32, #tpu.memory_space<vmem>>, vector<128x128xf32>
    %dot_general3A_123 = arith.constant dense<0.000000e+00> : vector<1x128xf32>
    %dot_general3A_124 = tpu.matmul %max3A_119, %get3A_122, %dot_general3A_123 {dimension_numbers = #tpu.dot_dimension_numbers<[1], [0], [0], [1], [0, 0, 1, 1], [], []>, transpose_lhs_hint = false} : vector<1x128xf32>, vector<128x128xf32>, vector<1x128xf32> -> vector<1x128xf32>
    %get3A_125 = arith.constant 0 : index
    %get3A_126 = arith.constant 0 : index
    %get3A_127 = vector.load %arg16[%get3A_125, %get3A_126] : memref<1x128xf32, #tpu.memory_space<vmem>>, vector<1x128xf32>
    %add3A_128 = arith.addf %dot_general3A_124, %get3A_127 : vector<1x128xf32>
    %add3A_129 = arith.addf %add3A_107, %add3A_128 : vector<1x128xf32>
    %get3A_130 = arith.constant 0 : index
    %get3A_131 = arith.constant 0 : index
    %get3A_132 = vector.load %arg17[%get3A_130, %get3A_131] : memref<128x128xf32, #tpu.memory_space<vmem>>, vector<128x128xf32>
    %dot_general3A_133 = arith.constant dense<0.000000e+00> : vector<1x128xf32>
    %dot_general3A_134 = tpu.matmul %add3A_129, %get3A_132, %dot_general3A_133 {dimension_numbers = #tpu.dot_dimension_numbers<[1], [0], [0], [1], [0, 0, 1, 1], [], []>, transpose_lhs_hint = false} : vector<1x128xf32>, vector<128x128xf32>, vector<1x128xf32> -> vector<1x128xf32>
    %get3A_135 = arith.constant 0 : index
    %get3A_136 = arith.constant 0 : index
    %get3A_137 = vector.load %arg18[%get3A_135, %get3A_136] : memref<1x128xf32, #tpu.memory_space<vmem>>, vector<1x128xf32>
    %add3A_138 = arith.addf %dot_general3A_134, %get3A_137 : vector<1x128xf32>
    %max3A_139 = arith.constant 0.000000e+00 : f32
    %max3A_140 = vector.broadcast %max3A_139 : f32 to vector<1x128xf32>
    %max3A_141 = arith.maximumf %add3A_138, %max3A_140 : vector<1x128xf32>
    %get3A_142 = arith.constant 0 : index
    %get3A_143 = arith.constant 0 : index
    %get3A_144 = vector.load %arg19[%get3A_142, %get3A_143] : memref<128x128xf32, #tpu.memory_space<vmem>>, vector<128x128xf32>
    %dot_general3A_145 = arith.constant dense<0.000000e+00> : vector<1x128xf32>
    %dot_general3A_146 = tpu.matmul %max3A_141, %get3A_144, %dot_general3A_145 {dimension_numbers = #tpu.dot_dimension_numbers<[1], [0], [0], [1], [0, 0, 1, 1], [], []>, transpose_lhs_hint = false} : vector<1x128xf32>, vector<128x128xf32>, vector<1x128xf32> -> vector<1x128xf32>
    %get3A_147 = arith.constant 0 : index
    %get3A_148 = arith.constant 0 : index
    %get3A_149 = vector.load %arg20[%get3A_147, %get3A_148] : memref<1x128xf32, #tpu.memory_space<vmem>>, vector<1x128xf32>
    %add3A_150 = arith.addf %dot_general3A_146, %get3A_149 : vector<1x128xf32>
    %get3A_151 = arith.constant 0 : index
    %get3A_152 = arith.constant 0 : index
    %get3A_153 = vector.load %arg21[%get3A_151, %get3A_152] : memref<128x128xf32, #tpu.memory_space<vmem>>, vector<128x128xf32>
    %dot_general3A_154 = arith.constant dense<0.000000e+00> : vector<1x128xf32>
    %dot_general3A_155 = tpu.matmul %add3A_107, %get3A_153, %dot_general3A_154 {dimension_numbers = #tpu.dot_dimension_numbers<[1], [0], [0], [1], [0, 0, 1, 1], [], []>, transpose_lhs_hint = false} : vector<1x128xf32>, vector<128x128xf32>, vector<1x128xf32> -> vector<1x128xf32>
    %get3A_156 = arith.constant 0 : index
    %get3A_157 = arith.constant 0 : index
    %get3A_158 = vector.load %arg22[%get3A_156, %get3A_157] : memref<1x128xf32, #tpu.memory_space<vmem>>, vector<1x128xf32>
    %add3A_159 = arith.addf %dot_general3A_155, %get3A_158 : vector<1x128xf32>
    %max3A_160 = arith.constant 0.000000e+00 : f32
    %max3A_161 = vector.broadcast %max3A_160 : f32 to vector<1x128xf32>
    %max3A_162 = arith.maximumf %add3A_159, %max3A_161 : vector<1x128xf32>
    %get3A_163 = arith.constant 0 : index
    %get3A_164 = arith.constant 0 : index
    %get3A_165 = vector.load %arg23[%get3A_163, %get3A_164] : memref<128x128xf32, #tpu.memory_space<vmem>>, vector<128x128xf32>
    %dot_general3A_166 = arith.constant dense<0.000000e+00> : vector<1x128xf32>
    %dot_general3A_167 = tpu.matmul %max3A_162, %get3A_165, %dot_general3A_166 {dimension_numbers = #tpu.dot_dimension_numbers<[1], [0], [0], [1], [0, 0, 1, 1], [], []>, transpose_lhs_hint = false} : vector<1x128xf32>, vector<128x128xf32>, vector<1x128xf32> -> vector<1x128xf32>
    %get3A_168 = arith.constant 0 : index
    %get3A_169 = arith.constant 0 : index
    %get3A_170 = vector.load %arg24[%get3A_168, %get3A_169] : memref<1x128xf32, #tpu.memory_space<vmem>>, vector<1x128xf32>
    %add3A_171 = arith.addf %dot_general3A_167, %get3A_170 : vector<1x128xf32>
    %get3A_172 = arith.constant 0 : index
    %get3A_173 = arith.constant 0 : index
    %get3A_174 = vector.load %arg25[%get3A_172, %get3A_173] : memref<128x16xf32, #tpu.memory_space<vmem>>, vector<128x16xf32>
    %dot_general3A_175 = arith.constant dense<0.000000e+00> : vector<1x16xf32>
    %dot_general3A_176 = tpu.matmul %add3A_150, %get3A_174, %dot_general3A_175 {dimension_numbers = #tpu.dot_dimension_numbers<[1], [0], [0], [1], [0, 0, 1, 1], [], []>, transpose_lhs_hint = false} : vector<1x128xf32>, vector<128x16xf32>, vector<1x16xf32> -> vector<1x16xf32>
    %get3A_177 = arith.constant 0 : index
    %get3A_178 = arith.constant 0 : index
    %get3A_179 = vector.load %arg26[%get3A_177, %get3A_178] : memref<1x16xf32, #tpu.memory_space<vmem>>, vector<1x16xf32>
    %add3A_180 = arith.addf %dot_general3A_176, %get3A_179 : vector<1x16xf32>
    %neg3A = arith.constant 0.000000e+00 : f32
    %neg3A_181 = vector.broadcast %neg3A : f32 to vector<1x16xf32>
    %neg3A_182 = arith.subf %neg3A_181, %add3A_180 : vector<1x16xf32>
    %exp3A = math.exp %neg3A_182 : vector<1x16xf32>
    %add3A_183 = arith.constant 1.000000e+00 : f32
    %add3A_184 = vector.broadcast %add3A_183 : f32 to vector<1x16xf32>
    %add3A_185 = arith.addf %add3A_184, %exp3A : vector<1x16xf32>
    %div3A_186 = arith.constant 1.000000e+00 : f32
    %div3A_187 = vector.broadcast %div3A_186 : f32 to vector<1x16xf32>
    %div3A_188 = arith.divf %div3A_187, %add3A_185 : vector<1x16xf32>
    %mul3A_189 = arith.constant 2.000000e+00 : f32
    %mul3A_190 = vector.broadcast %mul3A_189 : f32 to vector<1x16xf32>
    %mul3A_191 = arith.mulf %div3A_188, %mul3A_190 : vector<1x16xf32>
    %sub3A_192 = arith.constant 1.000000e+00 : f32
    %sub3A_193 = vector.broadcast %sub3A_192 : f32 to vector<1x16xf32>
    %sub3A_194 = arith.subf %mul3A_191, %sub3A_193 : vector<1x16xf32>
    %get3A_195 = arith.constant 0 : index
    %get3A_196 = arith.constant 0 : index
    %get3A_197 = vector.load %arg27[%get3A_195, %get3A_196] : memref<128x16xf32, #tpu.memory_space<vmem>>, vector<128x16xf32>
    %dot_general3A_198 = arith.constant dense<0.000000e+00> : vector<1x16xf32>
    %dot_general3A_199 = tpu.matmul %add3A_128, %get3A_197, %dot_general3A_198 {dimension_numbers = #tpu.dot_dimension_numbers<[1], [0], [0], [1], [0, 0, 1, 1], [], []>, transpose_lhs_hint = false} : vector<1x128xf32>, vector<128x16xf32>, vector<1x16xf32> -> vector<1x16xf32>
    %get3A_200 = arith.constant 0 : index
    %get3A_201 = arith.constant 0 : index
    %get3A_202 = vector.load %arg28[%get3A_200, %get3A_201] : memref<1x16xf32, #tpu.memory_space<vmem>>, vector<1x16xf32>
    %add3A_203 = arith.addf %dot_general3A_199, %get3A_202 : vector<1x16xf32>
    %neg3A_204 = arith.constant 0.000000e+00 : f32
    %neg3A_205 = vector.broadcast %neg3A_204 : f32 to vector<1x16xf32>
    %neg3A_206 = arith.subf %neg3A_205, %add3A_203 : vector<1x16xf32>
    %exp3A_207 = math.exp %neg3A_206 : vector<1x16xf32>
    %add3A_208 = arith.constant 1.000000e+00 : f32
    %add3A_209 = vector.broadcast %add3A_208 : f32 to vector<1x16xf32>
    %add3A_210 = arith.addf %add3A_209, %exp3A_207 : vector<1x16xf32>
    %div3A_211 = arith.constant 1.000000e+00 : f32
    %div3A_212 = vector.broadcast %div3A_211 : f32 to vector<1x16xf32>
    %div3A_213 = arith.divf %div3A_212, %add3A_210 : vector<1x16xf32>
    %mul3A_214 = arith.constant 2.000000e-01 : f32
    %mul3A_215 = vector.broadcast %mul3A_214 : f32 to vector<1x16xf32>
    %mul3A_216 = arith.mulf %div3A_213, %mul3A_215 : vector<1x16xf32>
    %sub3A_217 = arith.constant 1.000000e-01 : f32
    %sub3A_218 = vector.broadcast %sub3A_217 : f32 to vector<1x16xf32>
    %sub3A_219 = arith.subf %mul3A_216, %sub3A_218 : vector<1x16xf32>
    %get3A_220 = arith.constant 0 : index
    %get3A_221 = arith.constant 0 : index
    %get3A_222 = vector.load %arg29[%get3A_220, %get3A_221] : memref<128x16xf32, #tpu.memory_space<vmem>>, vector<128x16xf32>
    %dot_general3A_223 = arith.constant dense<0.000000e+00> : vector<1x16xf32>
    %dot_general3A_224 = tpu.matmul %add3A_171, %get3A_222, %dot_general3A_223 {dimension_numbers = #tpu.dot_dimension_numbers<[1], [0], [0], [1], [0, 0, 1, 1], [], []>, transpose_lhs_hint = false} : vector<1x128xf32>, vector<128x16xf32>, vector<1x16xf32> -> vector<1x16xf32>
    %get3A_225 = arith.constant 0 : index
    %get3A_226 = arith.constant 0 : index
    %get3A_227 = vector.load %arg30[%get3A_225, %get3A_226] : memref<1x16xf32, #tpu.memory_space<vmem>>, vector<1x16xf32>
    %add3A_228 = arith.addf %dot_general3A_224, %get3A_227 : vector<1x16xf32>
    %neg3A_229 = arith.constant 0.000000e+00 : f32
    %neg3A_230 = vector.broadcast %neg3A_229 : f32 to vector<1x16xf32>
    %neg3A_231 = arith.subf %neg3A_230, %add3A_228 : vector<1x16xf32>
    %exp3A_232 = math.exp %neg3A_231 : vector<1x16xf32>
    %add3A_233 = arith.constant 1.000000e+00 : f32
    %add3A_234 = vector.broadcast %add3A_233 : f32 to vector<1x16xf32>
    %add3A_235 = arith.addf %add3A_234, %exp3A_232 : vector<1x16xf32>
    %div3A_236 = arith.constant 1.000000e+00 : f32
    %div3A_237 = vector.broadcast %div3A_236 : f32 to vector<1x16xf32>
    %div3A_238 = arith.divf %div3A_237, %add3A_235 : vector<1x16xf32>
    %iota3A_239 = tpu.iota {dimensions = array<i32: 0>} : vector<16x16xi32>
    %iota3A_240 = tpu.iota {dimensions = array<i32: 1>} : vector<16x16xi32>
    %eq3A_241 = arith.cmpi eq, %iota3A_239, %iota3A_240 : vector<16x16xi32>
    %lt3A_242 = arith.constant 3 : i32
    %lt3A_243 = vector.broadcast %lt3A_242 : i32 to vector<16x16xi32>
    %lt3A_244 = arith.cmpi slt, %iota3A_239, %lt3A_243 : vector<16x16xi32>
    %and3A_245 = arith.andi %eq3A_241, %lt3A_244 : vector<16x16xi1>
    %jit3A_246 = arith.constant 1.000000e+00 : f32
    %jit3A_247 = arith.constant 0.000000e+00 : f32
    %broadcast_in_dim3A_248 = vector.broadcast %jit3A_246 : f32 to vector<16x16xf32>
    %broadcast_in_dim3A_249 = vector.broadcast %jit3A_247 : f32 to vector<16x16xf32>
    %select_n3A_250 = arith.select %and3A_245, %broadcast_in_dim3A_248, %broadcast_in_dim3A_249 : vector<16x16xi1>, vector<16x16xf32>
    %add3A_251 = arith.constant 3 : i32
    %add3A_252 = vector.broadcast %add3A_251 : i32 to vector<16x16xi32>
    %add3A_253 = arith.addi %iota3A_239, %add3A_252 : vector<16x16xi32>
    %eq3A_254 = arith.cmpi eq, %iota3A_240, %add3A_253 : vector<16x16xi32>
    %lt3A_255 = arith.constant 3 : i32
    %lt3A_256 = vector.broadcast %lt3A_255 : i32 to vector<16x16xi32>
    %lt3A_257 = arith.cmpi slt, %iota3A_239, %lt3A_256 : vector<16x16xi32>
    %and3A_258 = arith.andi %eq3A_254, %lt3A_257 : vector<16x16xi1>
    %jit3A_259 = arith.constant 1.000000e+00 : f32
    %jit3A_260 = arith.constant 0.000000e+00 : f32
    %broadcast_in_dim3A_261 = vector.broadcast %jit3A_259 : f32 to vector<16x16xf32>
    %broadcast_in_dim3A_262 = vector.broadcast %jit3A_260 : f32 to vector<16x16xf32>
    %select_n3A_263 = arith.select %and3A_258, %broadcast_in_dim3A_261, %broadcast_in_dim3A_262 : vector<16x16xi1>, vector<16x16xf32>
    %eq3A_264 = arith.constant 0 : i32
    %eq3A_265 = vector.broadcast %eq3A_264 : i32 to vector<16x16xi32>
    %eq3A_266 = arith.cmpi eq, %iota3A_239, %eq3A_265 : vector<16x16xi32>
    %eq3A_267 = arith.constant 6 : i32
    %eq3A_268 = vector.broadcast %eq3A_267 : i32 to vector<16x16xi32>
    %eq3A_269 = arith.cmpi eq, %iota3A_240, %eq3A_268 : vector<16x16xi32>
    %and3A_270 = arith.andi %eq3A_266, %eq3A_269 : vector<16x16xi1>
    %jit3A_271 = arith.constant 1.000000e+00 : f32
    %jit3A_272 = arith.constant 0.000000e+00 : f32
    %broadcast_in_dim3A_273 = vector.broadcast %jit3A_271 : f32 to vector<16x16xf32>
    %broadcast_in_dim3A_274 = vector.broadcast %jit3A_272 : f32 to vector<16x16xf32>
    %select_n3A_275 = arith.select %and3A_270, %broadcast_in_dim3A_273, %broadcast_in_dim3A_274 : vector<16x16xi1>, vector<16x16xf32>
    %dot_general3A_276 = arith.constant dense<0.000000e+00> : vector<1x16xf32>
    %dot_general3A_277 = tpu.matmul %sub3A_219, %select_n3A_250, %dot_general3A_276 {dimension_numbers = #tpu.dot_dimension_numbers<[1], [0], [0], [1], [0, 0, 1, 1], [], []>, transpose_lhs_hint = false} : vector<1x16xf32>, vector<16x16xf32>, vector<1x16xf32> -> vector<1x16xf32>
    %dot_general3A_278 = arith.constant dense<0.000000e+00> : vector<1x16xf32>
    %dot_general3A_279 = tpu.matmul %sub3A_194, %select_n3A_263, %dot_general3A_278 {dimension_numbers = #tpu.dot_dimension_numbers<[1], [0], [0], [1], [0, 0, 1, 1], [], []>, transpose_lhs_hint = false} : vector<1x16xf32>, vector<16x16xf32>, vector<1x16xf32> -> vector<1x16xf32>
    %add3A_280 = arith.addf %dot_general3A_277, %dot_general3A_279 : vector<1x16xf32>
    %dot_general3A_281 = arith.constant dense<0.000000e+00> : vector<1x16xf32>
    %dot_general3A_282 = tpu.matmul %div3A_238, %select_n3A_275, %dot_general3A_281 {dimension_numbers = #tpu.dot_dimension_numbers<[1], [0], [0], [1], [0, 0, 1, 1], [], []>, transpose_lhs_hint = false} : vector<1x16xf32>, vector<16x16xf32>, vector<1x16xf32> -> vector<1x16xf32>
    %add3A_283 = arith.addf %add3A_280, %dot_general3A_282 : vector<1x16xf32>
    %swap3A = arith.constant 0 : index
    %swap3A_284 = arith.constant 0 : index
    %swap3A_285 = vector.load %arg31[%swap3A, %swap3A_284] : memref<1x16xf32, #tpu.memory_space<vmem>>, vector<1x16xf32>
    tpu.vector_store %arg31[%swap3A, %swap3A_284], %add3A_283 {strides = array<i32>} : memref<1x16xf32, #tpu.memory_space<vmem>>, vector<1x16xf32>,
    return
  }
}

</mosaic_0001>

<sc_bundles>
// kernel: kernel.14.cloned.1.call-start
scs
__scs_entry_jumppad:
0x0: {  	(pc) =	sbr.rel $0x88, $3  }
0x1: {  	(tag) =	ssettag $0x0;
	lr =	simm.s32 $0x1  }
0x2: {  	[smem:$0x3F5C] =	sst lr;
	_ =	strace $0xD0000000  }
0x3: {  	_ = 	snop  }
0x4: {  	_ = 	snop  }
0x5: {  	_ = 	snop  }
0x6: {  	_ = 	snop  }
0x7: {  	_ = 	snop  }
__scs_overlays_trampoline_lowered:
0x8: {  	[smem:$0x3F6B] =	sst s0  }
0x9: {  	[smem:$0x3F6C] =	sst s1  }
0xa: {  	[smem:$0x3F6D] =	sst s2  }
0xb: {  	[smem:$0x3F6E] =	sst s3  }
0xc: {  	[smem:$0x3F6F] =	sst s4  }
0xd: {  	[smem:$0x3F70] =	sst s5  }
0xe: {  	[smem:$0x3F71] =	sst s6  }
0xf: {  	[smem:$0x3F72] =	sst s7  }
0x10: {  	[smem:$0x3F73] =	sst s8  }
0x11: {  	[smem:$0x3F74] =	sst s9;
	s0 =	simm.s32 @!p0 $0x0  }
0x12: {  	s1 =	sld [smem:$0x3F5A];
	s0 =	simm.s32 @p0 $0x1  }
0x13: {  	[smem:$0x3F75] =	sst s0;
	s0 =	simm.s32 @!p1 $0x0  }
0x14: {  	s2 =	sld [smem:$0x3F59];
	s0 =	simm.s32 @p1 $0x1  }
0x15: {  	[smem:$0x3F76] =	sst s0;
	s0 =	simm.s32 @!p2 $0x0  }
0x16: {  	s3 =	sld [smem:$0x3FDB];
	s0 =	simm.s32 @p2 $0x1  }
0x17: {  	s4 =	simm.s32 $0x1BF5;
	[smem:$0x3F78] =	sst s0  }
0x18: {  	s0 =	sld [smem:$0x3F5B];
	_ =	swait.ge [sflag:s4], $0x0  }
0x19: {  	s7 =	sld [smem:$0x3F5C]  }
0x1a: {  	s8 =	sadd.s32 $0xFFFFE003, lr  }
0x1b: {  	s9 =	sadd.s32 $0xFFFFFEF7, lr;
	s5 =	simm.s32 $0xFFFFFFFF;
	p2 =	slt.u32 s8, $0xFFFFF086  }
0x1c: {  	p1 =	slt.u32 s9, $0xF7A;
	s5 =	simm.s32 @!p2 $0x0  }
0x1d: {  	s5 =	simm.s32 @p1 $0x1;
	p0 =	seq.s32 s7, s2  }
0x1e: {  	s7 =	smul.u32 @!p0 $0xF7A, s2;
	p2 =	seq.s32 @!p0 s5, $0x0  }
0x1f: {  	s9 =	smul.u32 $0xF7A, s1;
	s8 =	simm.s32 @!p0 $0x1BF5;
	p2 =	por !p2, p0  }
0x20: {  	[sflag:s8] =	ssyncset.s32 @!p0 $0xFFFFF086;
	s6 =	sadd.s32 @!p0 s3, s7;
	s7 =	simm.s32 @!p0 $0x108  }
0x21: {  	s3 =	sadd.s32 s3, s9;
	s6 =	sadd.s32 @!p0 $0x88, s6;
	s7 =	simm.s32 @p2 $0x1082  }
0x22: {  	[simem:s7], [sflag:s8] =	dma.local @!p0 [hbm:s6], $0xF7A  }
0x23: {  	s9 =	sor.u32 $0xD0000000, s2;
	s6 =	simm.s32 $0x108;
	_ =	swait.ge @!p0 [sflag:s8], $0x0  }
0x24: {  	s3 =	sadd.s32 $0x88, s3;
	s6 =	simm.s32 @!p1 $0x1082;
	[sflag:s4] =	ssyncset.s32 $0xFFFFF086  }
0x25: {  	[simem:s6], [sflag:s4] =	dma.local [hbm:s3], $0xF7A  }
0x26: {  	[smem:$0x3F5C] =	sst s1;
	(tag) =	ssettag s2;
	_ =	strace s9  }
0x27: {  	s1 =	sld [smem:$0x3F6C]  }
0x28: {  	s2 =	sld [smem:$0x3F6D]  }
0x29: {  	s4 =	sld [smem:$0x3F6F]  }
0x2a: {  	p0 =	seq.s32 s5, $0x0;
	s5 =	sld [smem:$0x3F70]  }
0x2b: {  	s6 =	sld [smem:$0x3F71]  }
0x2c: {  	s7 =	sld [smem:$0x3F72]  }
0x2d: {  	s3 =	simm.s32 $0x108;
	s8 =	sld [smem:$0x3F73]  }
0x2e: {  	s3 =	simm.s32 @!p0 $0x1082;
	s9 =	sld [smem:$0x3F74]  }
0x2f: {  	lr =	sadd.s32 s0, s3;
	s0 =	sld [smem:$0x3F6B]  }
0x30: {  	s3 =	sld [smem:$0x3F6E]  }
0x31: {  	[smem:$0x3F77] =	sst s10  }
0x32: {  	s10 =	sld [smem:$0x3F75];
	_ =	sdelay $0x3  }
0x33: {  	p0 =	seq.s32 s10, $0x1;
	s10 =	sld [smem:$0x3F77];
	_ =	sdelay $0x3  }
0x34: {  	[smem:$0x3F77] =	sst s10  }
0x35: {  	s10 =	sld [smem:$0x3F76];
	_ =	sdelay $0x3  }
0x36: {  	p1 =	seq.s32 s10, $0x1;
	s10 =	sld [smem:$0x3F77];
	_ =	sdelay $0x3  }
0x37: {  	[smem:$0x3F77] =	sst s10  }
0x38: {  	s10 =	sld [smem:$0x3F78]  }
0x39: {  	_ = 	snop;
	(pc) =	sbr.ind lr, $3  }
0x3a: {  	_ = 	snop  }
0x3b: {  	_ = 	snop  }
0x3c: {  	p2 =	seq.s32 s10, $0x1;
	s10 =	sld [smem:$0x3F77]  }
0x3d: {  	_ =	shalt  }
0x3e: {  	_ =	shalt  }
0x3f: {  	_ =	shalt  }
0x40: {  	_ =	shalt  }
0x41: {  	_ =	shalt  }
0x42: {  	_ =	shalt  }
0x43: {  	_ =	shalt  }
0x44: {  	_ =	shalt  }
0x45: {  	_ =	shalt  }
0x46: {  	_ =	shalt  }
0x47: {  	_ =	shalt  }
0x48: {  	_ =	shalt  }
0x49: {  	_ =	shalt  }
0x4a: {  	_ =	shalt  }
0x4b: {  	_ =	shalt  }
0x4c: {  	_ =	shalt  }
0x4d: {  	_ =	shalt  }
0x4e: {  	_ =	shalt  }
0x4f: {  	_ =	shalt  }
0x50: {  	_ =	shalt  }
0x51: {  	_ =	shalt  }
0x52: {  	_ =	shalt  }
0x53: {  	_ =	shalt  }
0x54: {  	_ =	shalt  }
0x55: {  	_ =	shalt  }
0x56: {  	_ =	shalt  }
0x57: {  	_ =	shalt  }
0x58: {  	_ =	shalt  }
0x59: {  	_ =	shalt  }
0x5a: {  	_ =	shalt  }
0x5b: {  	_ =	shalt  }
0x5c: {  	_ =	shalt  }
0x5d: {  	_ =	shalt  }
0x5e: {  	_ =	shalt  }
0x5f: {  	_ =	shalt  }
0x60: {  	_ =	shalt  }
0x61: {  	_ =	shalt  }
0x62: {  	_ =	shalt  }
0x63: {  	_ =	shalt  }
0x64: {  	_ =	shalt  }
0x65: {  	_ =	shalt  }
0x66: {  	_ =	shalt  }
0x67: {  	_ =	shalt  }
0x68: {  	_ =	shalt  }
0x69: {  	_ =	shalt  }
0x6a: {  	_ =	shalt  }
0x6b: {  	_ =	shalt  }
0x6c: {  	_ =	shalt  }
0x6d: {  	_ =	shalt  }
0x6e: {  	_ =	shalt  }
0x6f: {  	_ =	shalt  }
0x70: {  	_ =	shalt  }
0x71: {  	_ =	shalt  }
0x72: {  	_ =	shalt  }
0x73: {  	_ =	shalt  }
0x74: {  	_ =	shalt  }
0x75: {  	_ =	shalt  }
0x76: {  	_ =	shalt  }
0x77: {  	_ =	shalt  }
0x78: {  	_ =	shalt  }
0x79: {  	_ =	shalt  }
0x7a: {  	_ =	shalt  }
0x7b: {  	_ =	shalt  }
0x7c: {  	_ =	shalt  }
0x7d: {  	_ =	shalt  }
0x7e: {  	_ =	shalt  }
0x7f: {  	_ =	shalt  }
0x80: {  	_ =	shalt  }
0x81: {  	_ =	shalt  }
0x82: {  	_ =	shalt  }
0x83: {  	_ =	shalt  }
0x84: {  	_ =	shalt  }
0x85: {  	_ =	shalt  }
0x86: {  	_ =	shalt  }
0x87: {  	_ =	shalt  }
.Lfunc_end0:
.L_simem_size_0:
called_computation_lowered:
.L_overlay_start_0:
0x88: {  	s2 =	sld [smem:$0x3FD9]  }
0x89: {  	s3 =	sld [smem:$0x3FFE];
	_ =	sdelay $0x1  }
0x8a: {  	s1 =	srdreg.scid  }
0x8b: {  	s0 =	sand.u32 $0x1, s1  }
0x8c: {  	s16 =	sshll.u32 s0, $0xA;
	s2 =	sadd.s32 s3, s2  }
0x8d: {  	s2 =	sadd.s32 s2, s16  }
0x8e: {  	[smem:$0x3F83] =	sst s2  }
0x8f: {  	_ = 	snop  }
0x90: {  	(tm) =	ssettm $0x1  }
0x91: {  	s17 =	sld [smem:$0x3FFB];
	_ =	sdelay $0x3  }
0x92: {  	_ =	strace s17  }
0x93: {  	s2 =	sld [smem:$0x3FFC];
	_ =	sdelay $0x3  }
0x94: {  	_ =	strace s2  }
0x95: {  	s2 =	sld [smem:$0x3FFD];
	_ =	sdelay $0x3  }
0x96: {  	_ =	strace s2  }
0x97: {  	_ =	strace $0x8FFFFFFF  }
0x98: {  	s18 =	sld [smem:$0x3FDB];
	_ =	sdelay $0x1  }
0x99: {  	s19 =	simm.s32 $_scs_section_size  }
0x9a: {  	s4 =	simm.s32 $_size__tile_overlayer_lowered;
	s5 =	simm.s32 $_tile_overlayer_lowered  }
0x9b: {  	s22 =	simm.s32 $0x1BFF;
	s21 =	sshll.u32 s5, $0x1;
	s2 =	sadd.s32 s19, s18  }
0x9c: {  	s6 =	simm.s32 $0x0;
	s20 =	sshll.u32 s4, $0x1;
	s4 =	sadd.s32 s21, s2  }
0x9d: {  	[timem:s6], [sflag:s22] =	dma.local [hbm:s4], s20  }
0x9e: {  	_ =	swait.ge [sflag:s22], s20  }
0x9f: {  	s3 =	ssub.s32 $0x0, s20;
	[sflag:s22] =	ssyncset.done $0x0  }
0xa0: {  	[sflag:s22] =	ssyncadd.s32 s3;
	_ =	sdelay $0x1  }
0xa1: {  	s23 =	simm.s32 $0x1B8B  }
0xa2: {  	_ =	swait.ge [sflag:s23], $0x1  }
0xa3: {  	[sflag:s23] =	ssyncset.done $0x0  }
0xa4: {  	s25 =	simm.s32 $0x1B8E;
	s24 =	sld [smem:$0x3FFE];
	[sflag:s23] =	ssyncadd.s32 $0xFFFFFFFF  }
0xa5: {  	s26 =	simm.s32 $execute0_lowered;
	[smem:$0x3FD2] =	sst s25  }
0xa6: {  	s4 =	sshll.u32 s26, $0x1;
	_ =	strace $0x80000046;
	[dreg:$0x1] =	wrdreg $0xFFFFFFFF  }
0xa7: {  	s28 =	simm.s32 $_size_execute0_lowered;
	s2 =	sadd.s32 s2, s4;
	[dreg:$0x0] =	wrdreg $0x0  }
0xa8: {  	s4 =	sshll.u32 s28, $0x1;
	[dreg:$0x2] =	wrdreg s2  }
0xa9: {  	[dreg:$0x3] =	wrdreg s4  }
0xaa: {  	[dreg:$0x4] =	wrdreg $0xC0  }
0xab: {  	_ =	task [dreg:s6], $0x5FFFF  }
0xac: {  	[dreg:$0x1] =	wrdreg $0xFFFFFFFF  }
0xad: {  	[dreg:$0x0] =	wrdreg $0x60  }
0xae: {  	[dreg:$0x2] =	wrdreg s24  }
0xaf: {  	[dreg:$0x3] =	wrdreg $0x9  }
0xb0: {  	_ =	task.clear_ibuf [dreg:s6], $0x4FFFF;
	_ =	strace $0x90000046  }
0xb1: {  	s29 =	simm.s32 $0x9;
	_ =	strace $0x80000048  }
0xb2: {  	_ =	swait.ge [sflag:s29], $0x1  }
0xb3: {  	[sflag:s29] =	ssyncadd.s32 $0xFFFFFFFF  }
0xb4: {  	_ =	strace $0x90000048  }
0xb5: {  	_ =	sfence  }
0xb6: {  	s30 =	sld [smem:$0x0];
	_ =	sdelay $0x2  }
0xb7: {  	s31 =	sshll.u32 s1, $0xD;
	s1 =	sshrl.u32 s1, $0x2  }
0xb8: {  	s3 =	sand.u32 $0x4000, s31;
	s1 =	sadd.s32 s1, s30  }
0xb9: {  	s0 =	sor.u32 s3, s0;
	s1 =	sshll.u32 s1, $0x11  }
0xba: {  	s0 =	sor.u32 s1, s0  }
0xbb: {  	s0 =	sadd.s32 $0x8F2B, s0  }
0xbc: {  	[sflag:s0] =	ssyncadd.remote.s32 $0x1  }
0xbd: {  	_ =	sfence.sel $0xFFFF  }
0xbe: {  	[dreg:$0x0] =	wrdreg $0xFFFFFFFF;
	(pc) =	sbr.abs _section_cstart, $3  }
0xbf: {  	[dreg:$0x1] =	wrdreg $0xFFFFFFFF  }
0xc0: {  	_ =	task.clear_ibuf [dreg:s6], $0x2FFFF;
	_ =	strace $0x9FFFFFFF  }
0xc1: {  	(tm) =	ssettm $0x7FFFFFFF  }
tec
execute0_lowered:
.L_overlay_start_1:
0x0: {  	(tag) =	ssettag $0x1  }
0x1: {  	s1 =	srdreg.scid  }
0x2: {  	s0 =	stileid.u32;
	s4 =	rddreg [dreg:$0x0]  }
0x3: {  	s2 =	simm.s32 $0x0;
	s16 =	simm.s32 $0x1C00;
	s17 =	simm.s32 $0x40  }
0x4: {  	s18 =	simm.s32 $0x3800;
	s19 =	simm.s32 $0x5800;
	s20 =	simm.s32 $0x7800  }
0x5: {  	s21 =	simm.s32 $0x9800;
	s22 =	simm.s32 $0x1;
	s23 =	simm.s32 $0x2  }
0x6: {  	s24 =	simm.s32 $0x3;
	s25 =	simm.s32 $0x4;
	s28 =	simm.s32 $0x3480  }
0x7: {  	s29 =	simm.s32 $0x0;
	s1 =	sand.u32 $0x1, s1;
	s3 =	sshll.u32 s0, $0x1  }
0x8: {  	[smem:$0x7FF] =	sst s2;
	s13 =	sadd.s32 $0x1ADE00, s4;
	s31 =	smul.u32 $0xC8000, s0  }
0x9: {  	s5 =	sor.u32 s1, s3;
	s7 =	ssub.s32 $0x2, s1;
	s1 =	smul.u32 $0x64000, s1  }
0xa: {  	s14 =	sadd.s32 $0x1DE00, s4;
	_ =	strace $0x80000047;
	s6 =	smul.u32 $0x380, s5  }
0xb: {  	s3 =	sadd.s32 $0x1AC00, s4;
	s8 =	sshrl.u32 s7, $0x1;
	s5 =	smul.u32 $0x64000, s5  }
0xc: {  	s7 =	ssub.s32 s7, s8;
	s1 =	sadd.s32 s1, s31;
	s6 =	sadd.s32 s6, s4  }
0xd: {  	s9 =	sshrl.u32 s5, $0x3;
	s12 =	sor.u32 $0x2000, s1;
	s1 =	sshrl.u32 s1, $0x3  }
0xe: {  	s4 =	sadd.s32 $0xCC00, s6;
	s5 =	sadd.s32 $0x13C00, s6;
	s6 =	smax.u32 s7, $0x1  }
0xf: {  	s10 =	sadd.s32 $0xC000, s9;
	s11 =	sadd.s32 $0xC400, s9;
	s15 =	sshrl.u32 s12, $0x3  }
0x10: {  	s12 =	sadd.s32 s1, s14;
	s7 =	sadd.s32 s14, s10;
	s8 =	sadd.s32 s13, s10  }
0x11: {  	s9 =	sadd.s32 s14, s11;
	s10 =	sadd.s32 s13, s11;
	s11 =	sadd.s32 s1, s13  }
0x12: {  	s13 =	sadd.s32 s15, s13;
	s14 =	sadd.s32 s15, s14;
	s15 =	simm.s32 $0x5  }
.LBB2_1:
0x13: {  	[tilespmem:s2], [sflag:$0x5] =	stream.linear.gather [hbm4b:s4+s2], $0x1900, $0x38;
	[tilespmem:$0xB800] =	vst v63  }
0x14: {  	_ =	swait.ge [sflag:s15], $0x1900  }
0x15: {  	[sflag:s15] =	ssyncset.done $0x0  }
0x16: {  	[sflag:s15] =	ssyncadd.s32 $0xFFFFE700  }
0x17: {  	[tilespmem:s16], [sflag:$0x5] =	stream.linear.gather [hbm4b:s5+s2], $0x1900, $0x38;
	[tilespmem:$0xB800] =	vst v63  }
0x18: {  	_ =	swait.ge [sflag:s15], $0x1900  }
0x19: {  	[sflag:s15] =	ssyncset.done $0x0  }
0x1a: {  	[sflag:s15] =	ssyncadd.s32 $0xFFFFE700  }
0x1b: {  	[tilespmem:s18], [sflag:$0x1] =	stream.indirect.gather [hbm4b:s3+s17], $0x80, s2, s17, $0xb8;
	[tilespmem:$0xB800] =	vst v63  }
0x1c: {  	_ = 	snop  }
0x1d: {  	[tilespmem:s19], [sflag:$0x2] =	stream.indirect.gather [hbm4b:s3+s17], $0x80, s16, s17, $0xb8;
	[tilespmem:$0xB800] =	vst v63  }
0x1e: {  	s30 =	simm.s32 $0x80  }
0x1f: {  	[tilespmem:s20], [sflag:$0x3] =	stream.indirect.gather [hbm4b:s3+s17], $0x80, s30, s17, $0xb8;
	[tilespmem:$0xB800] =	vst v63  }
0x20: {  	s31 =	simm.s32 $0x1C80  }
0x21: {  	[tilespmem:s21], [sflag:$0x4] =	stream.indirect.gather [hbm4b:s3+s17], $0x80, s31, s17, $0xb8;
	[tilespmem:$0xB800] =	vst v63  }
0x22: {  	_ =	swait.ge [sflag:s22], $0x2000  }
0x23: {  	[sflag:s22] =	ssyncset.done $0x0  }
0x24: {  	[sflag:s22] =	ssyncadd.s32 $0xFFFFE000  }
0x25: {  	_ =	swait.ge [sflag:s23], $0x2000  }
0x26: {  	[sflag:s23] =	ssyncset.done $0x0  }
0x27: {  	s1 =	sadd.s32 $0x0, s12;
	[sflag:s23] =	ssyncadd.s32 $0xFFFFE000  }
0x28: {  	[hbm4b:s1+s2] =	stream.linear.scatter [tilespmem:s18], [sflag:$0x5], $0x2000, $0x38;
	[tilespmem:$0xB800] =	vst v63  }
0x29: {  	_ =	swait.ge [sflag:s15], $0x2000  }
0x2a: {  	[sflag:s15] =	ssyncset.done $0x0  }
0x2b: {  	s26 =	sadd.s32 $0x0, s11;
	[sflag:s15] =	ssyncadd.s32 $0xFFFFE000  }
0x2c: {  	[hbm4b:s26+s2] =	stream.linear.scatter [tilespmem:s19], [sflag:$0x5], $0x2000, $0x38;
	[tilespmem:$0xB800] =	vst v63  }
0x2d: {  	_ =	swait.ge [sflag:s15], $0x2000  }
0x2e: {  	[sflag:s15] =	ssyncset.done $0x0  }
0x2f: {  	s0 =	simm.s32 $0x100;
	[sflag:s15] =	ssyncadd.s32 $0xFFFFE000  }
0x30: {  	[tilespmem:s18], [sflag:$0x1] =	stream.indirect.gather [hbm4b:s3+s17], $0x80, s0, s17, $0xb8;
	[tilespmem:$0xB800] =	vst v63  }
0x31: {  	s26 =	simm.s32 $0x1D00  }
0x32: {  	[tilespmem:s19], [sflag:$0x2] =	stream.indirect.gather [hbm4b:s3+s17], $0x80, s26, s17, $0xb8;
	[tilespmem:$0xB800] =	vst v63  }
0x33: {  	_ =	swait.ge [sflag:s24], $0x2000  }
0x34: {  	[sflag:s24] =	ssyncset.done $0x0  }
0x35: {  	[sflag:s24] =	ssyncadd.s32 $0xFFFFE000  }
0x36: {  	_ =	swait.ge [sflag:s25], $0x2000  }
0x37: {  	[sflag:s25] =	ssyncset.done $0x0  }
0x38: {  	s0 =	sadd.s32 $0x0, s14;
	[sflag:s25] =	ssyncadd.s32 $0xFFFFE000  }
0x39: {  	[hbm4b:s0+s2] =	stream.linear.scatter [tilespmem:s20], [sflag:$0x5], $0x2000, $0x38;
	[tilespmem:$0xB800] =	vst v63  }
0x3a: {  	_ =	swait.ge [sflag:s15], $0x2000  }
0x3b: {  	[sflag:s15] =	ssyncset.done $0x0  }
0x3c: {  	s26 =	sadd.s32 $0x0, s13;
	[sflag:s15] =	ssyncadd.s32 $0xFFFFE000  }
0x3d: {  	[hbm4b:s26+s2] =	stream.linear.scatter [tilespmem:s21], [sflag:$0x5], $0x2000, $0x38;
	[tilespmem:$0xB800] =	vst v63  }
0x3e: {  	_ =	swait.ge [sflag:s15], $0x2000  }
0x3f: {  	s1 =	simm.s32 $0x800;
	[sflag:s15] =	ssyncset.done $0x0  }
.LBB2_2:
0x40: {  	[sflag:s15] =	ssyncadd.s32 $0xFFFFE000;
	s30 =	sadd.s32 $0x100, s30;
	s31 =	sadd.s32 $0x100, s31  }
0x41: {  	[tilespmem:s20], [sflag:$0x3] =	stream.indirect.gather [hbm4b:s3+s17], $0x80, s30, s17, $0xb8;
	[tilespmem:$0xB800] =	vst v63  }
0x42: {  	p0 =	sne.s32 s1, $0xB800;
	s0 =	smov.u32 s1;
	s1 =	sadd.s32 $0x800, s1  }
0x43: {  	[tilespmem:s21], [sflag:$0x4] =	stream.indirect.gather [hbm4b:s3+s17], $0x80, s31, s17, $0xb8;
	[tilespmem:$0xB800] =	vst v63  }
0x44: {  	_ =	swait.ge [sflag:s22], $0x2000  }
0x45: {  	[sflag:s22] =	ssyncset.done $0x0  }
0x46: {  	[sflag:s22] =	ssyncadd.s32 $0xFFFFE000  }
0x47: {  	_ =	swait.ge [sflag:s23], $0x2000  }
0x48: {  	[sflag:s23] =	ssyncset.done $0x0  }
0x49: {  	s26 =	sadd.s32 s0, s12;
	[sflag:s23] =	ssyncadd.s32 $0xFFFFE000  }
0x4a: {  	[hbm4b:s26+s2] =	stream.linear.scatter [tilespmem:s18], [sflag:$0x5], $0x2000, $0x38;
	[tilespmem:$0xB800] =	vst v63  }
0x4b: {  	_ =	swait.ge [sflag:s15], $0x2000  }
0x4c: {  	[sflag:s15] =	ssyncset.done $0x0  }
0x4d: {  	s26 =	sadd.s32 s0, s11;
	[sflag:s15] =	ssyncadd.s32 $0xFFFFE000  }
0x4e: {  	[hbm4b:s26+s2] =	stream.linear.scatter [tilespmem:s19], [sflag:$0x5], $0x2000, $0x38;
	[tilespmem:$0xB800] =	vst v63  }
0x4f: {  	_ =	swait.ge [sflag:s15], $0x2000  }
0x50: {  	[sflag:s15] =	ssyncset.done $0x0  }
0x51: {  	s26 =	sadd.s32 $0x80, s30;
	[sflag:s15] =	ssyncadd.s32 $0xFFFFE000  }
0x52: {  	[tilespmem:s18], [sflag:$0x1] =	stream.indirect.gather [hbm4b:s3+s17], $0x80, s26, s17, $0xb8;
	[tilespmem:$0xB800] =	vst v63  }
0x53: {  	s26 =	sadd.s32 $0x80, s31  }
0x54: {  	[tilespmem:s19], [sflag:$0x2] =	stream.indirect.gather [hbm4b:s3+s17], $0x80, s26, s17, $0xb8;
	[tilespmem:$0xB800] =	vst v63  }
0x55: {  	_ =	swait.ge [sflag:s24], $0x2000  }
0x56: {  	[sflag:s24] =	ssyncset.done $0x0  }
0x57: {  	[sflag:s24] =	ssyncadd.s32 $0xFFFFE000  }
0x58: {  	_ =	swait.ge [sflag:s25], $0x2000  }
0x59: {  	[sflag:s25] =	ssyncset.done $0x0  }
0x5a: {  	s26 =	sadd.s32 s0, s14;
	[sflag:s25] =	ssyncadd.s32 $0xFFFFE000  }
0x5b: {  	[hbm4b:s26+s2] =	stream.linear.scatter [tilespmem:s20], [sflag:$0x5], $0x2000, $0x38;
	[tilespmem:$0xB800] =	vst v63  }
0x5c: {  	_ =	swait.ge [sflag:s15], $0x2000  }
.Ltmp0:
0x5d: {  	[sflag:s15] =	ssyncset.done $0x0;
	(pc) =	sbr.rel @p0 .LBB2_2-.Ltmp0, $4  }
0x5e: {  	s0 =	sadd.s32 s0, s13;
	[sflag:s15] =	ssyncadd.s32 $0xFFFFE000  }
0x5f: {  	[hbm4b:s0+s2] =	stream.linear.scatter [tilespmem:s21], [sflag:$0x5], $0x2000, $0x38;
	[tilespmem:$0xB800] =	vst v63  }
0x60: {  	_ =	swait.ge [sflag:s15], $0x2000  }
0x61: {  	[sflag:s15] =	ssyncset.done $0x0  }
0x62: {  	[sflag:s15] =	ssyncadd.s32 $0xFFFFE000;
	s0 =	simm.s32 $0x1880  }
0x63: {  	[tilespmem:s20], [sflag:$0x3] =	stream.indirect.gather [hbm4b:s3+s17], $0x80, s0, s17, $0xb8;
	[tilespmem:$0xB800] =	vst v63  }
0x64: {  	_ = 	snop  }
0x65: {  	[tilespmem:s21], [sflag:$0x4] =	stream.indirect.gather [hbm4b:s3+s17], $0x80, s28, s17, $0xb8;
	[tilespmem:$0xB800] =	vst v63  }
0x66: {  	_ =	swait.ge [sflag:s22], $0x2000  }
0x67: {  	[sflag:s22] =	ssyncset.done $0x0  }
0x68: {  	[sflag:s22] =	ssyncadd.s32 $0xFFFFE000  }
0x69: {  	_ =	swait.ge [sflag:s23], $0x2000  }
0x6a: {  	[sflag:s23] =	ssyncset.done $0x0  }
0x6b: {  	[sflag:s23] =	ssyncadd.s32 $0xFFFFE000  }
0x6c: {  	[hbm4b:s7+s2] =	stream.linear.scatter [tilespmem:s18], [sflag:$0x5], $0x2000, $0x38;
	[tilespmem:$0xB800] =	vst v63  }
0x6d: {  	_ =	swait.ge [sflag:s15], $0x2000  }
0x6e: {  	[sflag:s15] =	ssyncset.done $0x0  }
0x6f: {  	[sflag:s15] =	ssyncadd.s32 $0xFFFFE000  }
0x70: {  	[hbm4b:s8+s2] =	stream.linear.scatter [tilespmem:s19], [sflag:$0x5], $0x2000, $0x38;
	[tilespmem:$0xB800] =	vst v63  }
0x71: {  	_ =	swait.ge [sflag:s15], $0x2000  }
0x72: {  	[sflag:s15] =	ssyncset.done $0x0  }
0x73: {  	[sflag:s15] =	ssyncadd.s32 $0xFFFFE000  }
0x74: {  	_ =	swait.ge [sflag:s24], $0x2000  }
0x75: {  	[sflag:s24] =	ssyncset.done $0x0  }
0x76: {  	[sflag:s24] =	ssyncadd.s32 $0xFFFFE000  }
0x77: {  	_ =	swait.ge [sflag:s25], $0x2000  }
0x78: {  	[sflag:s25] =	ssyncset.done $0x0  }
0x79: {  	[sflag:s25] =	ssyncadd.s32 $0xFFFFE000  }
0x7a: {  	[hbm4b:s9+s2] =	stream.linear.scatter [tilespmem:s20], [sflag:$0x5], $0x2000, $0x38;
	[tilespmem:$0xB800] =	vst v63  }
0x7b: {  	s29 =	sadd.s32 $0x1, s29;
	_ =	swait.ge [sflag:s15], $0x2000  }
0x7c: {  	p0 =	sne.s32 s29, s6;
	[sflag:s15] =	ssyncset.done $0x0  }
.Ltmp1:
0x7d: {  	[sflag:s15] =	ssyncadd.s32 $0xFFFFE000;
	(pc) =	sbr.rel @p0 .LBB2_1-.Ltmp1, $4  }
0x7e: {  	[hbm4b:s10+s2] =	stream.linear.scatter [tilespmem:s21], [sflag:$0x5], $0x2000, $0x38;
	[tilespmem:$0xB800] =	vst v63  }
0x7f: {  	_ =	swait.ge [sflag:s15], $0x2000  }
0x80: {  	[sflag:s15] =	ssyncset.done $0x0  }
0x81: {  	[sflag:s15] =	ssyncadd.s32 $0xFFFFE000  }
0x82: {  	_ =	sfence.sel $0x180000  }
0x83: {  	[bflag:$0x0] =	sbarrier.arrive $0xFFFF  }
0x84: {  	_ =	strace $0x90000047  }
0x85: {  	s0 =	stileid.u32;
	[bflag:$0x2] =	sbarrier.arrive $0xFFFF  }
0x86: {  	p0 =	sne.s32 s0, $0x0;
	s0 =	rddreg [dreg:$0x1]  }
0x87: {  	s0 =	sadd.s32 @!p0 $0x100000, s0  }
0x88: {  	[sflag:s0] =	ssyncadd.tile.s32 @!p0 $0x1;
	_ =	shalt  }
.Lfunc_end2:
_tile_overlayer_lowered:
.L_overlay_start_2:
0x89: {  	(tag) =	ssettag $0x2  }
0x8a: {  	s0 =	rddreg [dreg:$0x0];
	s2 =	stileid.u32  }
0x8b: {  	s1 =	rddreg [dreg:$0x1];
	p0 =	sne.s32 s2, $0x0  }
0x8c: {  	s3 =	rddreg [dreg:$0x2];
	[bflag:$0x3] =	sbarrier.arrive $0xFFFF;
	s2 =	simm.s32 @!p0 $0x1C05  }
0x8d: {  	[timem:s3], [sflag:s2] =	dma.local @!p0 [hbm:s0], s1  }
0x8e: {  	s0 =	simm.s32 @!p0 $0x5  }
0x8f: {  	_ =	swait.ge @!p0 [sflag:s0], s1  }
0x90: {  	s1 =	ssub.s32 @!p0 $0x0, s1;
	[sflag:s0] =	ssyncset.done @!p0 $0x0  }
0x91: {  	[sflag:s0] =	ssyncadd.s32 @!p0 s1  }
0x92: {  	[bflag:$0x3] =	sbarrier.arrive $0xFFFF  }
0x93: {  	_ =	shalt  }

// kernel: kernel.17.cloned.1.call-start
scs
__scs_entry_jumppad:
0x0: {  	(pc) =	sbr.rel $0x88, $3  }
0x1: {  	(tag) =	ssettag $0x0;
	lr =	simm.s32 $0x1  }
0x2: {  	[smem:$0x3F5C] =	sst lr;
	_ =	strace $0xD0000000  }
0x3: {  	_ = 	snop  }
0x4: {  	_ = 	snop  }
0x5: {  	_ = 	snop  }
0x6: {  	_ = 	snop  }
0x7: {  	_ = 	snop  }
__scs_overlays_trampoline_lowered:
0x8: {  	[smem:$0x3F6B] =	sst s0  }
0x9: {  	[smem:$0x3F6C] =	sst s1  }
0xa: {  	[smem:$0x3F6D] =	sst s2  }
0xb: {  	[smem:$0x3F6E] =	sst s3  }
0xc: {  	[smem:$0x3F6F] =	sst s4  }
0xd: {  	[smem:$0x3F70] =	sst s5  }
0xe: {  	[smem:$0x3F71] =	sst s6  }
0xf: {  	[smem:$0x3F72] =	sst s7  }
0x10: {  	[smem:$0x3F73] =	sst s8  }
0x11: {  	[smem:$0x3F74] =	sst s9;
	s0 =	simm.s32 @!p0 $0x0  }
0x12: {  	s1 =	sld [smem:$0x3F5A];
	s0 =	simm.s32 @p0 $0x1  }
0x13: {  	[smem:$0x3F75] =	sst s0;
	s0 =	simm.s32 @!p1 $0x0  }
0x14: {  	s2 =	sld [smem:$0x3F59];
	s0 =	simm.s32 @p1 $0x1  }
0x15: {  	[smem:$0x3F76] =	sst s0;
	s0 =	simm.s32 @!p2 $0x0  }
0x16: {  	s3 =	sld [smem:$0x3FDB];
	s0 =	simm.s32 @p2 $0x1  }
0x17: {  	s4 =	simm.s32 $0x1BF5;
	[smem:$0x3F78] =	sst s0  }
0x18: {  	s0 =	sld [smem:$0x3F5B];
	_ =	swait.ge [sflag:s4], $0x0  }
0x19: {  	s7 =	sld [smem:$0x3F5C]  }
0x1a: {  	s8 =	sadd.s32 $0xFFFFE003, lr  }
0x1b: {  	s9 =	sadd.s32 $0xFFFFFEF7, lr;
	s5 =	simm.s32 $0xFFFFFFFF;
	p2 =	slt.u32 s8, $0xFFFFF086  }
0x1c: {  	p1 =	slt.u32 s9, $0xF7A;
	s5 =	simm.s32 @!p2 $0x0  }
0x1d: {  	s5 =	simm.s32 @p1 $0x1;
	p0 =	seq.s32 s7, s2  }
0x1e: {  	s7 =	smul.u32 @!p0 $0xF7A, s2;
	p2 =	seq.s32 @!p0 s5, $0x0  }
0x1f: {  	s9 =	smul.u32 $0xF7A, s1;
	s8 =	simm.s32 @!p0 $0x1BF5;
	p2 =	por !p2, p0  }
0x20: {  	[sflag:s8] =	ssyncset.s32 @!p0 $0xFFFFF086;
	s6 =	sadd.s32 @!p0 s3, s7;
	s7 =	simm.s32 @!p0 $0x108  }
0x21: {  	s3 =	sadd.s32 s3, s9;
	s6 =	sadd.s32 @!p0 $0x88, s6;
	s7 =	simm.s32 @p2 $0x1082  }
0x22: {  	[simem:s7], [sflag:s8] =	dma.local @!p0 [hbm:s6], $0xF7A  }
0x23: {  	s9 =	sor.u32 $0xD0000000, s2;
	s6 =	simm.s32 $0x108;
	_ =	swait.ge @!p0 [sflag:s8], $0x0  }
0x24: {  	s3 =	sadd.s32 $0x88, s3;
	s6 =	simm.s32 @!p1 $0x1082;
	[sflag:s4] =	ssyncset.s32 $0xFFFFF086  }
0x25: {  	[simem:s6], [sflag:s4] =	dma.local [hbm:s3], $0xF7A  }
0x26: {  	[smem:$0x3F5C] =	sst s1;
	(tag) =	ssettag s2;
	_ =	strace s9  }
0x27: {  	s1 =	sld [smem:$0x3F6C]  }
0x28: {  	s2 =	sld [smem:$0x3F6D]  }
0x29: {  	s4 =	sld [smem:$0x3F6F]  }
0x2a: {  	p0 =	seq.s32 s5, $0x0;
	s5 =	sld [smem:$0x3F70]  }
0x2b: {  	s6 =	sld [smem:$0x3F71]  }
0x2c: {  	s7 =	sld [smem:$0x3F72]  }
0x2d: {  	s3 =	simm.s32 $0x108;
	s8 =	sld [smem:$0x3F73]  }
0x2e: {  	s3 =	simm.s32 @!p0 $0x1082;
	s9 =	sld [smem:$0x3F74]  }
0x2f: {  	lr =	sadd.s32 s0, s3;
	s0 =	sld [smem:$0x3F6B]  }
0x30: {  	s3 =	sld [smem:$0x3F6E]  }
0x31: {  	[smem:$0x3F77] =	sst s10  }
0x32: {  	s10 =	sld [smem:$0x3F75];
	_ =	sdelay $0x3  }
0x33: {  	p0 =	seq.s32 s10, $0x1;
	s10 =	sld [smem:$0x3F77];
	_ =	sdelay $0x3  }
0x34: {  	[smem:$0x3F77] =	sst s10  }
0x35: {  	s10 =	sld [smem:$0x3F76];
	_ =	sdelay $0x3  }
0x36: {  	p1 =	seq.s32 s10, $0x1;
	s10 =	sld [smem:$0x3F77];
	_ =	sdelay $0x3  }
0x37: {  	[smem:$0x3F77] =	sst s10  }
0x38: {  	s10 =	sld [smem:$0x3F78]  }
0x39: {  	_ = 	snop;
	(pc) =	sbr.ind lr, $3  }
0x3a: {  	_ = 	snop  }
0x3b: {  	_ = 	snop  }
0x3c: {  	p2 =	seq.s32 s10, $0x1;
	s10 =	sld [smem:$0x3F77]  }
0x3d: {  	_ =	shalt  }
0x3e: {  	_ =	shalt  }
0x3f: {  	_ =	shalt  }
0x40: {  	_ =	shalt  }
0x41: {  	_ =	shalt  }
0x42: {  	_ =	shalt  }
0x43: {  	_ =	shalt  }
0x44: {  	_ =	shalt  }
0x45: {  	_ =	shalt  }
0x46: {  	_ =	shalt  }
0x47: {  	_ =	shalt  }
0x48: {  	_ =	shalt  }
0x49: {  	_ =	shalt  }
0x4a: {  	_ =	shalt  }
0x4b: {  	_ =	shalt  }
0x4c: {  	_ =	shalt  }
0x4d: {  	_ =	shalt  }
0x4e: {  	_ =	shalt  }
0x4f: {  	_ =	shalt  }
0x50: {  	_ =	shalt  }
0x51: {  	_ =	shalt  }
0x52: {  	_ =	shalt  }
0x53: {  	_ =	shalt  }
0x54: {  	_ =	shalt  }
0x55: {  	_ =	shalt  }
0x56: {  	_ =	shalt  }
0x57: {  	_ =	shalt  }
0x58: {  	_ =	shalt  }
0x59: {  	_ =	shalt  }
0x5a: {  	_ =	shalt  }
0x5b: {  	_ =	shalt  }
0x5c: {  	_ =	shalt  }
0x5d: {  	_ =	shalt  }
0x5e: {  	_ =	shalt  }
0x5f: {  	_ =	shalt  }
0x60: {  	_ =	shalt  }
0x61: {  	_ =	shalt  }
0x62: {  	_ =	shalt  }
0x63: {  	_ =	shalt  }
0x64: {  	_ =	shalt  }
0x65: {  	_ =	shalt  }
0x66: {  	_ =	shalt  }
0x67: {  	_ =	shalt  }
0x68: {  	_ =	shalt  }
0x69: {  	_ =	shalt  }
0x6a: {  	_ =	shalt  }
0x6b: {  	_ =	shalt  }
0x6c: {  	_ =	shalt  }
0x6d: {  	_ =	shalt  }
0x6e: {  	_ =	shalt  }
0x6f: {  	_ =	shalt  }
0x70: {  	_ =	shalt  }
0x71: {  	_ =	shalt  }
0x72: {  	_ =	shalt  }
0x73: {  	_ =	shalt  }
0x74: {  	_ =	shalt  }
0x75: {  	_ =	shalt  }
0x76: {  	_ =	shalt  }
0x77: {  	_ =	shalt  }
0x78: {  	_ =	shalt  }
0x79: {  	_ =	shalt  }
0x7a: {  	_ =	shalt  }
0x7b: {  	_ =	shalt  }
0x7c: {  	_ =	shalt  }
0x7d: {  	_ =	shalt  }
0x7e: {  	_ =	shalt  }
0x7f: {  	_ =	shalt  }
0x80: {  	_ =	shalt  }
0x81: {  	_ =	shalt  }
0x82: {  	_ =	shalt  }
0x83: {  	_ =	shalt  }
0x84: {  	_ =	shalt  }
0x85: {  	_ =	shalt  }
0x86: {  	_ =	shalt  }
0x87: {  	_ =	shalt  }
.Lfunc_end0:
.L_simem_size_0:
called_computation.1_lowered:
.L_overlay_start_0:
0x88: {  	s2 =	sld [smem:$0x3FD9]  }
0x89: {  	s3 =	sld [smem:$0x3FFE];
	_ =	sdelay $0x1  }
0x8a: {  	s1 =	srdreg.scid  }
0x8b: {  	s0 =	sand.u32 $0x1, s1  }
0x8c: {  	s16 =	sshll.u32 s0, $0xA;
	s2 =	sadd.s32 s3, s2  }
0x8d: {  	s2 =	sadd.s32 s2, s16  }
0x8e: {  	[smem:$0x3F83] =	sst s2  }
0x8f: {  	_ = 	snop  }
0x90: {  	(tm) =	ssettm $0x1  }
0x91: {  	s17 =	sld [smem:$0x3FFB];
	_ =	sdelay $0x3  }
0x92: {  	_ =	strace s17  }
0x93: {  	s2 =	sld [smem:$0x3FFC];
	_ =	sdelay $0x3  }
0x94: {  	_ =	strace s2  }
0x95: {  	s2 =	sld [smem:$0x3FFD];
	_ =	sdelay $0x3  }
0x96: {  	_ =	strace s2  }
0x97: {  	_ =	strace $0x8FFFFFFF  }
0x98: {  	s18 =	sld [smem:$0x3FDB];
	_ =	sdelay $0x1  }
0x99: {  	s19 =	simm.s32 $_scs_section_size  }
0x9a: {  	s4 =	simm.s32 $_size__tile_overlayer_lowered;
	s5 =	simm.s32 $_tile_overlayer_lowered  }
0x9b: {  	s22 =	simm.s32 $0x1BFF;
	s21 =	sshll.u32 s5, $0x1;
	s2 =	sadd.s32 s19, s18  }
0x9c: {  	s6 =	simm.s32 $0x0;
	s20 =	sshll.u32 s4, $0x1;
	s4 =	sadd.s32 s21, s2  }
0x9d: {  	[timem:s6], [sflag:s22] =	dma.local [hbm:s4], s20  }
0x9e: {  	_ =	swait.ge [sflag:s22], s20  }
0x9f: {  	s3 =	ssub.s32 $0x0, s20;
	[sflag:s22] =	ssyncset.done $0x0  }
0xa0: {  	[sflag:s22] =	ssyncadd.s32 s3;
	_ =	sdelay $0x1  }
0xa1: {  	s23 =	simm.s32 $0x1B8B  }
0xa2: {  	_ =	swait.ge [sflag:s23], $0x1  }
0xa3: {  	[sflag:s23] =	ssyncset.done $0x0  }
0xa4: {  	s25 =	simm.s32 $0x1B8E;
	s24 =	sld [smem:$0x3FFE];
	[sflag:s23] =	ssyncadd.s32 $0xFFFFFFFF  }
0xa5: {  	s26 =	simm.s32 $execute0_lowered;
	[smem:$0x3FD2] =	sst s25  }
0xa6: {  	s4 =	sshll.u32 s26, $0x1;
	_ =	strace $0x80000049;
	[dreg:$0x1] =	wrdreg $0xFFFFFFFF  }
0xa7: {  	s28 =	simm.s32 $_size_execute0_lowered;
	s2 =	sadd.s32 s2, s4;
	[dreg:$0x0] =	wrdreg $0x0  }
0xa8: {  	s4 =	sshll.u32 s28, $0x1;
	[dreg:$0x2] =	wrdreg s2  }
0xa9: {  	[dreg:$0x3] =	wrdreg s4  }
0xaa: {  	[dreg:$0x4] =	wrdreg $0xC0  }
0xab: {  	_ =	task [dreg:s6], $0x5FFFF  }
0xac: {  	[dreg:$0x1] =	wrdreg $0xFFFFFFFF  }
0xad: {  	[dreg:$0x0] =	wrdreg $0x60  }
0xae: {  	[dreg:$0x2] =	wrdreg s24  }
0xaf: {  	[dreg:$0x3] =	wrdreg $0x9  }
0xb0: {  	_ =	task.clear_ibuf [dreg:s6], $0x4FFFF;
	_ =	strace $0x90000049  }
0xb1: {  	s29 =	simm.s32 $0x9;
	_ =	strace $0x8000004B  }
0xb2: {  	_ =	swait.ge [sflag:s29], $0x1  }
0xb3: {  	[sflag:s29] =	ssyncadd.s32 $0xFFFFFFFF  }
0xb4: {  	_ =	strace $0x9000004B  }
0xb5: {  	_ =	sfence  }
0xb6: {  	s30 =	sld [smem:$0x0];
	_ =	sdelay $0x2  }
0xb7: {  	s31 =	sshll.u32 s1, $0xD;
	s1 =	sshrl.u32 s1, $0x2  }
0xb8: {  	s3 =	sand.u32 $0x4000, s31;
	s1 =	sadd.s32 s1, s30  }
0xb9: {  	s0 =	sor.u32 s3, s0;
	s1 =	sshll.u32 s1, $0x11  }
0xba: {  	s0 =	sor.u32 s1, s0  }
0xbb: {  	s0 =	sadd.s32 $0x8F2B, s0  }
0xbc: {  	[sflag:s0] =	ssyncadd.remote.s32 $0x1  }
0xbd: {  	_ =	sfence.sel $0xFFFF  }
0xbe: {  	[dreg:$0x0] =	wrdreg $0xFFFFFFFF;
	(pc) =	sbr.abs _section_cstart, $3  }
0xbf: {  	[dreg:$0x1] =	wrdreg $0xFFFFFFFF  }
0xc0: {  	_ =	task.clear_ibuf [dreg:s6], $0x2FFFF;
	_ =	strace $0x9FFFFFFF  }
0xc1: {  	(tm) =	ssettm $0x7FFFFFFF  }
tec
execute0_lowered:
.L_overlay_start_1:
0x0: {  	(tag) =	ssettag $0x1  }
0x1: {  	s0 =	srdreg.scid;
	s9 =	stileid.u32  }
0x2: {  	s1 =	rddreg [dreg:$0x0];
	s2 =	simm.s32 $0x0;
	s16 =	simm.s32 $0x1C00  }
0x3: {  	s17 =	simm.s32 $0x20;
	s18 =	simm.s32 $0x3800;
	s19 =	simm.s32 $0x4800  }
0x4: {  	s20 =	simm.s32 $0x5800;
	s21 =	simm.s32 $0x6800;
	s22 =	simm.s32 $0x1  }
0x5: {  	s23 =	simm.s32 $0x2;
	s24 =	simm.s32 $0x3;
	s25 =	simm.s32 $0x4  }
0x6: {  	s29 =	simm.s32 $0x0;
	s0 =	sand.u32 $0x1, s0;
	s3 =	sshll.u32 s9, $0x1  }
0x7: {  	[smem:$0x7FF] =	sst s2;
	s14 =	sadd.s32 $0x4D1000, s1;
	s9 =	smul.u32 $0x64000, s9  }
0x8: {  	s4 =	sor.u32 s0, s3;
	s6 =	ssub.s32 $0x2, s0;
	s0 =	smul.u32 $0x32000, s0  }
0x9: {  	_ =	strace $0x8000004A;
	s5 =	smul.u32 $0x380, s4;
	s7 =	sshrl.u32 s6, $0x1  }
0xa: {  	s3 =	sadd.s32 $0x4CDE00, s1;
	s8 =	smul.u32 $0x32000, s4;
	s6 =	ssub.s32 s6, s7  }
0xb: {  	s0 =	sadd.s32 s0, s9;
	s5 =	sadd.s32 s5, s1;
	s1 =	sadd.s32 $0x1AC00, s1  }
0xc: {  	s8 =	sshrl.u32 s8, $0x3;
	s6 =	smax.u32 s6, $0x1;
	s12 =	sor.u32 $0x1000, s0  }
0xd: {  	s0 =	sshrl.u32 s0, $0x3;
	s4 =	sadd.s32 $0x65DE00, s5;
	s5 =	sadd.s32 $0x664E00, s5  }
0xe: {  	s10 =	sadd.s32 $0x6000, s8;
	s11 =	sadd.s32 $0x6200, s8;
	s15 =	sshrl.u32 s12, $0x3  }
0xf: {  	s12 =	sadd.s32 s0, s14;
	s7 =	sadd.s32 s14, s10;
	s8 =	sadd.s32 s1, s10  }
0x10: {  	s9 =	sadd.s32 s14, s11;
	s10 =	sadd.s32 s1, s11;
	s11 =	sadd.s32 s0, s1  }
0x11: {  	s13 =	sadd.s32 s15, s1;
	s14 =	sadd.s32 s15, s14;
	s15 =	simm.s32 $0x5  }
.LBB2_1:
0x12: {  	[tilespmem:s2], [sflag:$0x5] =	stream.linear.gather [hbm4b:s4+s2], $0x1900, $0x38;
	[tilespmem:$0x7800] =	vst v63  }
0x13: {  	_ =	swait.ge [sflag:s15], $0x1900  }
0x14: {  	[sflag:s15] =	ssyncset.done $0x0  }
0x15: {  	[sflag:s15] =	ssyncadd.s32 $0xFFFFE700  }
0x16: {  	[tilespmem:s16], [sflag:$0x5] =	stream.linear.gather [hbm4b:s5+s2], $0x1900, $0x38;
	[tilespmem:$0x7800] =	vst v63  }
0x17: {  	_ =	swait.ge [sflag:s15], $0x1900  }
0x18: {  	[sflag:s15] =	ssyncset.done $0x0  }
0x19: {  	[sflag:s15] =	ssyncadd.s32 $0xFFFFE700  }
0x1a: {  	[tilespmem:s18], [sflag:$0x1] =	stream.indirect.gather [hbm4b:s3+s17], $0x80, s2, s17, $0xb8;
	[tilespmem:$0x7800] =	vst v63  }
0x1b: {  	_ = 	snop  }
0x1c: {  	[tilespmem:s19], [sflag:$0x2] =	stream.indirect.gather [hbm4b:s3+s17], $0x80, s16, s17, $0xb8;
	[tilespmem:$0x7800] =	vst v63  }
0x1d: {  	s0 =	simm.s32 $0x80  }
0x1e: {  	[tilespmem:s20], [sflag:$0x3] =	stream.indirect.gather [hbm4b:s3+s17], $0x80, s0, s17, $0xb8;
	[tilespmem:$0x7800] =	vst v63  }
0x1f: {  	s28 =	simm.s32 $0x1C80  }
0x20: {  	[tilespmem:s21], [sflag:$0x4] =	stream.indirect.gather [hbm4b:s3+s17], $0x80, s28, s17, $0xb8;
	[tilespmem:$0x7800] =	vst v63  }
0x21: {  	_ =	swait.ge [sflag:s22], $0x1000  }
0x22: {  	[sflag:s22] =	ssyncset.done $0x0  }
0x23: {  	[sflag:s22] =	ssyncadd.s32 $0xFFFFF000  }
0x24: {  	_ =	swait.ge [sflag:s23], $0x1000  }
0x25: {  	[sflag:s23] =	ssyncset.done $0x0  }
0x26: {  	s1 =	sadd.s32 $0x0, s12;
	[sflag:s23] =	ssyncadd.s32 $0xFFFFF000  }
0x27: {  	[hbm4b:s1+s2] =	stream.linear.scatter [tilespmem:s18], [sflag:$0x5], $0x1000, $0x38;
	[tilespmem:$0x7800] =	vst v63  }
0x28: {  	_ =	swait.ge [sflag:s15], $0x1000  }
0x29: {  	[sflag:s15] =	ssyncset.done $0x0  }
0x2a: {  	s26 =	sadd.s32 $0x0, s11;
	[sflag:s15] =	ssyncadd.s32 $0xFFFFF000  }
0x2b: {  	[hbm4b:s26+s2] =	stream.linear.scatter [tilespmem:s19], [sflag:$0x5], $0x1000, $0x38;
	[tilespmem:$0x7800] =	vst v63  }
0x2c: {  	_ =	swait.ge [sflag:s15], $0x1000  }
0x2d: {  	[sflag:s15] =	ssyncset.done $0x0  }
0x2e: {  	s28 =	simm.s32 $0x100;
	[sflag:s15] =	ssyncadd.s32 $0xFFFFF000  }
0x2f: {  	[tilespmem:s18], [sflag:$0x1] =	stream.indirect.gather [hbm4b:s3+s17], $0x80, s28, s17, $0xb8;
	[tilespmem:$0x7800] =	vst v63  }
0x30: {  	s1 =	simm.s32 $0x1D00  }
0x31: {  	[tilespmem:s19], [sflag:$0x2] =	stream.indirect.gather [hbm4b:s3+s17], $0x80, s1, s17, $0xb8;
	[tilespmem:$0x7800] =	vst v63  }
0x32: {  	_ =	swait.ge [sflag:s24], $0x1000  }
0x33: {  	[sflag:s24] =	ssyncset.done $0x0  }
0x34: {  	[sflag:s24] =	ssyncadd.s32 $0xFFFFF000  }
0x35: {  	_ =	swait.ge [sflag:s25], $0x1000  }
0x36: {  	[sflag:s25] =	ssyncset.done $0x0  }
0x37: {  	s26 =	sadd.s32 $0x0, s14;
	[sflag:s25] =	ssyncadd.s32 $0xFFFFF000  }
0x38: {  	[hbm4b:s26+s2] =	stream.linear.scatter [tilespmem:s20], [sflag:$0x5], $0x1000, $0x38;
	[tilespmem:$0x7800] =	vst v63  }
0x39: {  	_ =	swait.ge [sflag:s15], $0x1000  }
0x3a: {  	[sflag:s15] =	ssyncset.done $0x0  }
0x3b: {  	s28 =	sadd.s32 $0x0, s13;
	[sflag:s15] =	ssyncadd.s32 $0xFFFFF000  }
0x3c: {  	[hbm4b:s28+s2] =	stream.linear.scatter [tilespmem:s21], [sflag:$0x5], $0x1000, $0x38;
	[tilespmem:$0x7800] =	vst v63  }
0x3d: {  	s30 =	simm.s32 $0x400;
	_ =	swait.ge [sflag:s15], $0x1000  }
0x3e: {  	s31 =	simm.s32 $0x100;
	s1 =	simm.s32 $0x800;
	[sflag:s15] =	ssyncset.done $0x0  }
.LBB2_2:
0x3f: {  	s28 =	sadd.s32 $0x80, s31  }
0x40: {  	[sflag:s15] =	ssyncadd.s32 $0xFFFFF000;
	s0 =	smov.u32 s1;
	s26 =	sadd.s32 $0x400, s1  }
0x41: {  	[tilespmem:s20], [sflag:$0x3] =	stream.indirect.gather [hbm4b:s3+s17], $0x80, s28, s17, $0xb8;
	[tilespmem:$0x7800] =	vst v63  }
0x42: {  	p0 =	sne.s32 s1, $0x5C00;
	s1 =	sadd.s32 $0x1C80, s31  }
0x43: {  	[tilespmem:s21], [sflag:$0x4] =	stream.indirect.gather [hbm4b:s3+s17], $0x80, s1, s17, $0xb8;
	[tilespmem:$0x7800] =	vst v63  }
0x44: {  	_ =	swait.ge [sflag:s22], $0x1000  }
0x45: {  	[sflag:s22] =	ssyncset.done $0x0  }
0x46: {  	[sflag:s22] =	ssyncadd.s32 $0xFFFFF000  }
0x47: {  	_ =	swait.ge [sflag:s23], $0x1000  }
0x48: {  	[sflag:s23] =	ssyncset.done $0x0  }
0x49: {  	s1 =	sadd.s32 s30, s12;
	[sflag:s23] =	ssyncadd.s32 $0xFFFFF000  }
0x4a: {  	[hbm4b:s1+s2] =	stream.linear.scatter [tilespmem:s18], [sflag:$0x5], $0x1000, $0x38;
	[tilespmem:$0x7800] =	vst v63  }
0x4b: {  	_ =	swait.ge [sflag:s15], $0x1000  }
0x4c: {  	[sflag:s15] =	ssyncset.done $0x0  }
0x4d: {  	s1 =	sadd.s32 s30, s11;
	[sflag:s15] =	ssyncadd.s32 $0xFFFFF000  }
0x4e: {  	[hbm4b:s1+s2] =	stream.linear.scatter [tilespmem:s19], [sflag:$0x5], $0x1000, $0x38;
	[tilespmem:$0x7800] =	vst v63  }
0x4f: {  	_ =	swait.ge [sflag:s15], $0x1000  }
0x50: {  	[sflag:s15] =	ssyncset.done $0x0  }
0x51: {  	s1 =	sadd.s32 $0x100, s31;
	[sflag:s15] =	ssyncadd.s32 $0xFFFFF000  }
0x52: {  	[tilespmem:s18], [sflag:$0x1] =	stream.indirect.gather [hbm4b:s3+s17], $0x80, s1, s17, $0xb8;
	[tilespmem:$0x7800] =	vst v63  }
0x53: {  	s1 =	sadd.s32 $0x1D00, s31  }
0x54: {  	[tilespmem:s19], [sflag:$0x2] =	stream.indirect.gather [hbm4b:s3+s17], $0x80, s1, s17, $0xb8;
	[tilespmem:$0x7800] =	vst v63  }
0x55: {  	_ =	swait.ge [sflag:s24], $0x1000  }
0x56: {  	[sflag:s24] =	ssyncset.done $0x0  }
0x57: {  	[sflag:s24] =	ssyncadd.s32 $0xFFFFF000  }
0x58: {  	_ =	swait.ge [sflag:s25], $0x1000  }
0x59: {  	[sflag:s25] =	ssyncset.done $0x0  }
0x5a: {  	s1 =	sadd.s32 s30, s14;
	[sflag:s25] =	ssyncadd.s32 $0xFFFFF000  }
0x5b: {  	[hbm4b:s1+s2] =	stream.linear.scatter [tilespmem:s20], [sflag:$0x5], $0x1000, $0x38;
	[tilespmem:$0x7800] =	vst v63  }
0x5c: {  	_ =	swait.ge [sflag:s15], $0x1000  }
.Ltmp0:
0x5d: {  	[sflag:s15] =	ssyncset.done $0x0;
	(pc) =	sbr.rel @p0 .LBB2_2-.Ltmp0, $4  }
0x5e: {  	s1 =	sadd.s32 s30, s13;
	s30 =	smov.u32 s0;
	[sflag:s15] =	ssyncadd.s32 $0xFFFFF000  }
0x5f: {  	[hbm4b:s1+s2] =	stream.linear.scatter [tilespmem:s21], [sflag:$0x5], $0x1000, $0x38;
	[tilespmem:$0x7800] =	vst v63  }
0x60: {  	_ =	swait.ge [sflag:s15], $0x1000  }
0x61: {  	s31 =	sshra.s32 s30, $0x2;
	s1 =	smov.u32 s26;
	[sflag:s15] =	ssyncset.done $0x0  }
0x62: {  	s0 =	sadd.s32 $0x80, s31;
	[sflag:s15] =	ssyncadd.s32 $0xFFFFF000  }
0x63: {  	[tilespmem:s20], [sflag:$0x3] =	stream.indirect.gather [hbm4b:s3+s17], $0x80, s0, s17, $0xb8;
	[tilespmem:$0x7800] =	vst v63  }
0x64: {  	s28 =	sadd.s32 $0x1C80, s31  }
0x65: {  	[tilespmem:s21], [sflag:$0x4] =	stream.indirect.gather [hbm4b:s3+s17], $0x80, s28, s17, $0xb8;
	[tilespmem:$0x7800] =	vst v63  }
0x66: {  	_ =	swait.ge [sflag:s22], $0x1000  }
0x67: {  	[sflag:s22] =	ssyncset.done $0x0  }
0x68: {  	[sflag:s22] =	ssyncadd.s32 $0xFFFFF000  }
0x69: {  	_ =	swait.ge [sflag:s23], $0x1000  }
0x6a: {  	[sflag:s23] =	ssyncset.done $0x0  }
0x6b: {  	s1 =	sadd.s32 s30, s12;
	[sflag:s23] =	ssyncadd.s32 $0xFFFFF000  }
0x6c: {  	[hbm4b:s1+s2] =	stream.linear.scatter [tilespmem:s18], [sflag:$0x5], $0x1000, $0x38;
	[tilespmem:$0x7800] =	vst v63  }
0x6d: {  	_ =	swait.ge [sflag:s15], $0x1000  }
0x6e: {  	[sflag:s15] =	ssyncset.done $0x0  }
0x6f: {  	s26 =	sadd.s32 s30, s11;
	[sflag:s15] =	ssyncadd.s32 $0xFFFFF000  }
0x70: {  	[hbm4b:s26+s2] =	stream.linear.scatter [tilespmem:s19], [sflag:$0x5], $0x1000, $0x38;
	[tilespmem:$0x7800] =	vst v63  }
0x71: {  	_ =	swait.ge [sflag:s15], $0x1000  }
0x72: {  	[sflag:s15] =	ssyncset.done $0x0  }
0x73: {  	s28 =	sadd.s32 $0x100, s31;
	[sflag:s15] =	ssyncadd.s32 $0xFFFFF000  }
0x74: {  	[tilespmem:s18], [sflag:$0x1] =	stream.indirect.gather [hbm4b:s3+s17], $0x80, s28, s17, $0xb8;
	[tilespmem:$0x7800] =	vst v63  }
0x75: {  	s1 =	sadd.s32 $0x1D00, s31  }
0x76: {  	[tilespmem:s19], [sflag:$0x2] =	stream.indirect.gather [hbm4b:s3+s17], $0x80, s1, s17, $0xb8;
	[tilespmem:$0x7800] =	vst v63  }
0x77: {  	_ =	swait.ge [sflag:s24], $0x1000  }
0x78: {  	[sflag:s24] =	ssyncset.done $0x0  }
0x79: {  	[sflag:s24] =	ssyncadd.s32 $0xFFFFF000  }
0x7a: {  	_ =	swait.ge [sflag:s25], $0x1000  }
0x7b: {  	[sflag:s25] =	ssyncset.done $0x0  }
0x7c: {  	s26 =	sadd.s32 s30, s14;
	[sflag:s25] =	ssyncadd.s32 $0xFFFFF000  }
0x7d: {  	[hbm4b:s26+s2] =	stream.linear.scatter [tilespmem:s20], [sflag:$0x5], $0x1000, $0x38;
	[tilespmem:$0x7800] =	vst v63  }
0x7e: {  	_ =	swait.ge [sflag:s15], $0x1000  }
0x7f: {  	[sflag:s15] =	ssyncset.done $0x0  }
0x80: {  	s28 =	sadd.s32 s30, s13;
	[sflag:s15] =	ssyncadd.s32 $0xFFFFF000  }
0x81: {  	[hbm4b:s28+s2] =	stream.linear.scatter [tilespmem:s21], [sflag:$0x5], $0x1000, $0x38;
	[tilespmem:$0x7800] =	vst v63  }
0x82: {  	_ =	swait.ge [sflag:s15], $0x1000  }
0x83: {  	[sflag:s15] =	ssyncset.done $0x0  }
0x84: {  	s30 =	simm.s32 $0x1880;
	[sflag:s15] =	ssyncadd.s32 $0xFFFFF000  }
0x85: {  	[tilespmem:s20], [sflag:$0x3] =	stream.indirect.gather [hbm4b:s3+s17], $0x80, s30, s17, $0xb8;
	[tilespmem:$0x7800] =	vst v63  }
0x86: {  	s31 =	simm.s32 $0x3480  }
0x87: {  	[tilespmem:s21], [sflag:$0x4] =	stream.indirect.gather [hbm4b:s3+s17], $0x80, s31, s17, $0xb8;
	[tilespmem:$0x7800] =	vst v63  }
0x88: {  	_ =	swait.ge [sflag:s22], $0x1000  }
0x89: {  	[sflag:s22] =	ssyncset.done $0x0  }
0x8a: {  	[sflag:s22] =	ssyncadd.s32 $0xFFFFF000  }
0x8b: {  	_ =	swait.ge [sflag:s23], $0x1000  }
0x8c: {  	[sflag:s23] =	ssyncset.done $0x0  }
0x8d: {  	[sflag:s23] =	ssyncadd.s32 $0xFFFFF000  }
0x8e: {  	[hbm4b:s7+s2] =	stream.linear.scatter [tilespmem:s18], [sflag:$0x5], $0x1000, $0x38;
	[tilespmem:$0x7800] =	vst v63  }
0x8f: {  	_ =	swait.ge [sflag:s15], $0x1000  }
0x90: {  	[sflag:s15] =	ssyncset.done $0x0  }
0x91: {  	[sflag:s15] =	ssyncadd.s32 $0xFFFFF000  }
0x92: {  	[hbm4b:s8+s2] =	stream.linear.scatter [tilespmem:s19], [sflag:$0x5], $0x1000, $0x38;
	[tilespmem:$0x7800] =	vst v63  }
0x93: {  	_ =	swait.ge [sflag:s15], $0x1000  }
0x94: {  	[sflag:s15] =	ssyncset.done $0x0  }
0x95: {  	[sflag:s15] =	ssyncadd.s32 $0xFFFFF000  }
0x96: {  	_ =	swait.ge [sflag:s24], $0x1000  }
0x97: {  	[sflag:s24] =	ssyncset.done $0x0  }
0x98: {  	[sflag:s24] =	ssyncadd.s32 $0xFFFFF000  }
0x99: {  	_ =	swait.ge [sflag:s25], $0x1000  }
0x9a: {  	[sflag:s25] =	ssyncset.done $0x0  }
0x9b: {  	[sflag:s25] =	ssyncadd.s32 $0xFFFFF000  }
0x9c: {  	[hbm4b:s9+s2] =	stream.linear.scatter [tilespmem:s20], [sflag:$0x5], $0x1000, $0x38;
	[tilespmem:$0x7800] =	vst v63  }
0x9d: {  	s29 =	sadd.s32 $0x1, s29;
	_ =	swait.ge [sflag:s15], $0x1000  }
0x9e: {  	p0 =	sne.s32 s29, s6;
	[sflag:s15] =	ssyncset.done $0x0  }
.Ltmp1:
0x9f: {  	[sflag:s15] =	ssyncadd.s32 $0xFFFFF000;
	(pc) =	sbr.rel @p0 .LBB2_1-.Ltmp1, $4  }
0xa0: {  	[hbm4b:s10+s2] =	stream.linear.scatter [tilespmem:s21], [sflag:$0x5], $0x1000, $0x38;
	[tilespmem:$0x7800] =	vst v63  }
0xa1: {  	_ =	swait.ge [sflag:s15], $0x1000  }
0xa2: {  	[sflag:s15] =	ssyncset.done $0x0  }
0xa3: {  	[sflag:s15] =	ssyncadd.s32 $0xFFFFF000  }
0xa4: {  	_ =	sfence.sel $0x180000  }
0xa5: {  	[bflag:$0x0] =	sbarrier.arrive $0xFFFF  }
0xa6: {  	_ =	strace $0x9000004A  }
0xa7: {  	s0 =	stileid.u32;
	[bflag:$0x2] =	sbarrier.arrive $0xFFFF  }
0xa8: {  	p0 =	sne.s32 s0, $0x0;
	s0 =	rddreg [dreg:$0x1]  }
0xa9: {  	s0 =	sadd.s32 @!p0 $0x100000, s0  }
0xaa: {  	[sflag:s0] =	ssyncadd.tile.s32 @!p0 $0x1;
	_ =	shalt  }
.Lfunc_end2:
_tile_overlayer_lowered:
.L_overlay_start_2:
0xab: {  	(tag) =	ssettag $0x2  }
0xac: {  	s0 =	rddreg [dreg:$0x0];
	s2 =	stileid.u32  }
0xad: {  	s1 =	rddreg [dreg:$0x1];
	p0 =	sne.s32 s2, $0x0  }
0xae: {  	s3 =	rddreg [dreg:$0x2];
	[bflag:$0x3] =	sbarrier.arrive $0xFFFF;
	s2 =	simm.s32 @!p0 $0x1C05  }
0xaf: {  	[timem:s3], [sflag:s2] =	dma.local @!p0 [hbm:s0], s1  }
0xb0: {  	s0 =	simm.s32 @!p0 $0x5  }
0xb1: {  	_ =	swait.ge @!p0 [sflag:s0], s1  }
0xb2: {  	s1 =	ssub.s32 @!p0 $0x0, s1;
	[sflag:s0] =	ssyncset.done @!p0 $0x0  }
0xb3: {  	[sflag:s0] =	ssyncadd.s32 @!p0 s1  }
0xb4: {  	[bflag:$0x3] =	sbarrier.arrive $0xFFFF  }
0xb5: {  	_ =	shalt  }

// kernel: kernel.20.cloned.1.call-start
scs
__scs_entry_jumppad:
0x0: {  	(pc) =	sbr.rel $0x88, $3  }
0x1: {  	(tag) =	ssettag $0x0;
	lr =	simm.s32 $0x1  }
0x2: {  	[smem:$0x3F5C] =	sst lr;
	_ =	strace $0xD0000000  }
0x3: {  	_ = 	snop  }
0x4: {  	_ = 	snop  }
0x5: {  	_ = 	snop  }
0x6: {  	_ = 	snop  }
0x7: {  	_ = 	snop  }
__scs_overlays_trampoline_lowered:
0x8: {  	[smem:$0x3F6B] =	sst s0  }
0x9: {  	[smem:$0x3F6C] =	sst s1  }
0xa: {  	[smem:$0x3F6D] =	sst s2  }
0xb: {  	[smem:$0x3F6E] =	sst s3  }
0xc: {  	[smem:$0x3F6F] =	sst s4  }
0xd: {  	[smem:$0x3F70] =	sst s5  }
0xe: {  	[smem:$0x3F71] =	sst s6  }
0xf: {  	[smem:$0x3F72] =	sst s7  }
0x10: {  	[smem:$0x3F73] =	sst s8  }
0x11: {  	[smem:$0x3F74] =	sst s9;
	s0 =	simm.s32 @!p0 $0x0  }
0x12: {  	s1 =	sld [smem:$0x3F5A];
	s0 =	simm.s32 @p0 $0x1  }
0x13: {  	[smem:$0x3F75] =	sst s0;
	s0 =	simm.s32 @!p1 $0x0  }
0x14: {  	s2 =	sld [smem:$0x3F59];
	s0 =	simm.s32 @p1 $0x1  }
0x15: {  	[smem:$0x3F76] =	sst s0;
	s0 =	simm.s32 @!p2 $0x0  }
0x16: {  	s3 =	sld [smem:$0x3FDB];
	s0 =	simm.s32 @p2 $0x1  }
0x17: {  	s4 =	simm.s32 $0x1BF5;
	[smem:$0x3F78] =	sst s0  }
0x18: {  	s0 =	sld [smem:$0x3F5B];
	_ =	swait.ge [sflag:s4], $0x0  }
0x19: {  	s7 =	sld [smem:$0x3F5C]  }
0x1a: {  	s8 =	sadd.s32 $0xFFFFE003, lr  }
0x1b: {  	s9 =	sadd.s32 $0xFFFFFEF7, lr;
	s5 =	simm.s32 $0xFFFFFFFF;
	p2 =	slt.u32 s8, $0xFFFFF086  }
0x1c: {  	p1 =	slt.u32 s9, $0xF7A;
	s5 =	simm.s32 @!p2 $0x0  }
0x1d: {  	s5 =	simm.s32 @p1 $0x1;
	p0 =	seq.s32 s7, s2  }
0x1e: {  	s7 =	smul.u32 @!p0 $0xF7A, s2;
	p2 =	seq.s32 @!p0 s5, $0x0  }
0x1f: {  	s9 =	smul.u32 $0xF7A, s1;
	s8 =	simm.s32 @!p0 $0x1BF5;
	p2 =	por !p2, p0  }
0x20: {  	[sflag:s8] =	ssyncset.s32 @!p0 $0xFFFFF086;
	s6 =	sadd.s32 @!p0 s3, s7;
	s7 =	simm.s32 @!p0 $0x108  }
0x21: {  	s3 =	sadd.s32 s3, s9;
	s6 =	sadd.s32 @!p0 $0x88, s6;
	s7 =	simm.s32 @p2 $0x1082  }
0x22: {  	[simem:s7], [sflag:s8] =	dma.local @!p0 [hbm:s6], $0xF7A  }
0x23: {  	s9 =	sor.u32 $0xD0000000, s2;
	s6 =	simm.s32 $0x108;
	_ =	swait.ge @!p0 [sflag:s8], $0x0  }
0x24: {  	s3 =	sadd.s32 $0x88, s3;
	s6 =	simm.s32 @!p1 $0x1082;
	[sflag:s4] =	ssyncset.s32 $0xFFFFF086  }
0x25: {  	[simem:s6], [sflag:s4] =	dma.local [hbm:s3], $0xF7A  }
0x26: {  	[smem:$0x3F5C] =	sst s1;
	(tag) =	ssettag s2;
	_ =	strace s9  }
0x27: {  	s1 =	sld [smem:$0x3F6C]  }
0x28: {  	s2 =	sld [smem:$0x3F6D]  }
0x29: {  	s4 =	sld [smem:$0x3F6F]  }
0x2a: {  	p0 =	seq.s32 s5, $0x0;
	s5 =	sld [smem:$0x3F70]  }
0x2b: {  	s6 =	sld [smem:$0x3F71]  }
0x2c: {  	s7 =	sld [smem:$0x3F72]  }
0x2d: {  	s3 =	simm.s32 $0x108;
	s8 =	sld [smem:$0x3F73]  }
0x2e: {  	s3 =	simm.s32 @!p0 $0x1082;
	s9 =	sld [smem:$0x3F74]  }
0x2f: {  	lr =	sadd.s32 s0, s3;
	s0 =	sld [smem:$0x3F6B]  }
0x30: {  	s3 =	sld [smem:$0x3F6E]  }
0x31: {  	[smem:$0x3F77] =	sst s10  }
0x32: {  	s10 =	sld [smem:$0x3F75];
	_ =	sdelay $0x3  }
0x33: {  	p0 =	seq.s32 s10, $0x1;
	s10 =	sld [smem:$0x3F77];
	_ =	sdelay $0x3  }
0x34: {  	[smem:$0x3F77] =	sst s10  }
0x35: {  	s10 =	sld [smem:$0x3F76];
	_ =	sdelay $0x3  }
0x36: {  	p1 =	seq.s32 s10, $0x1;
	s10 =	sld [smem:$0x3F77];
	_ =	sdelay $0x3  }
0x37: {  	[smem:$0x3F77] =	sst s10  }
0x38: {  	s10 =	sld [smem:$0x3F78]  }
0x39: {  	_ = 	snop;
	(pc) =	sbr.ind lr, $3  }
0x3a: {  	_ = 	snop  }
0x3b: {  	_ = 	snop  }
0x3c: {  	p2 =	seq.s32 s10, $0x1;
	s10 =	sld [smem:$0x3F77]  }
0x3d: {  	_ =	shalt  }
0x3e: {  	_ =	shalt  }
0x3f: {  	_ =	shalt  }
0x40: {  	_ =	shalt  }
0x41: {  	_ =	shalt  }
0x42: {  	_ =	shalt  }
0x43: {  	_ =	shalt  }
0x44: {  	_ =	shalt  }
0x45: {  	_ =	shalt  }
0x46: {  	_ =	shalt  }
0x47: {  	_ =	shalt  }
0x48: {  	_ =	shalt  }
0x49: {  	_ =	shalt  }
0x4a: {  	_ =	shalt  }
0x4b: {  	_ =	shalt  }
0x4c: {  	_ =	shalt  }
0x4d: {  	_ =	shalt  }
0x4e: {  	_ =	shalt  }
0x4f: {  	_ =	shalt  }
0x50: {  	_ =	shalt  }
0x51: {  	_ =	shalt  }
0x52: {  	_ =	shalt  }
0x53: {  	_ =	shalt  }
0x54: {  	_ =	shalt  }
0x55: {  	_ =	shalt  }
0x56: {  	_ =	shalt  }
0x57: {  	_ =	shalt  }
0x58: {  	_ =	shalt  }
0x59: {  	_ =	shalt  }
0x5a: {  	_ =	shalt  }
0x5b: {  	_ =	shalt  }
0x5c: {  	_ =	shalt  }
0x5d: {  	_ =	shalt  }
0x5e: {  	_ =	shalt  }
0x5f: {  	_ =	shalt  }
0x60: {  	_ =	shalt  }
0x61: {  	_ =	shalt  }
0x62: {  	_ =	shalt  }
0x63: {  	_ =	shalt  }
0x64: {  	_ =	shalt  }
0x65: {  	_ =	shalt  }
0x66: {  	_ =	shalt  }
0x67: {  	_ =	shalt  }
0x68: {  	_ =	shalt  }
0x69: {  	_ =	shalt  }
0x6a: {  	_ =	shalt  }
0x6b: {  	_ =	shalt  }
0x6c: {  	_ =	shalt  }
0x6d: {  	_ =	shalt  }
0x6e: {  	_ =	shalt  }
0x6f: {  	_ =	shalt  }
0x70: {  	_ =	shalt  }
0x71: {  	_ =	shalt  }
0x72: {  	_ =	shalt  }
0x73: {  	_ =	shalt  }
0x74: {  	_ =	shalt  }
0x75: {  	_ =	shalt  }
0x76: {  	_ =	shalt  }
0x77: {  	_ =	shalt  }
0x78: {  	_ =	shalt  }
0x79: {  	_ =	shalt  }
0x7a: {  	_ =	shalt  }
0x7b: {  	_ =	shalt  }
0x7c: {  	_ =	shalt  }
0x7d: {  	_ =	shalt  }
0x7e: {  	_ =	shalt  }
0x7f: {  	_ =	shalt  }
0x80: {  	_ =	shalt  }
0x81: {  	_ =	shalt  }
0x82: {  	_ =	shalt  }
0x83: {  	_ =	shalt  }
0x84: {  	_ =	shalt  }
0x85: {  	_ =	shalt  }
0x86: {  	_ =	shalt  }
0x87: {  	_ =	shalt  }
.Lfunc_end0:
.L_simem_size_0:
called_computation.2_lowered:
.L_overlay_start_0:
0x88: {  	s2 =	sld [smem:$0x3FD9]  }
0x89: {  	s3 =	sld [smem:$0x3FFE];
	_ =	sdelay $0x1  }
0x8a: {  	s1 =	srdreg.scid  }
0x8b: {  	s0 =	sand.u32 $0x1, s1  }
0x8c: {  	s17 =	sshll.u32 s0, $0xA;
	s2 =	sadd.s32 s3, s2  }
0x8d: {  	s2 =	sadd.s32 s2, s17  }
0x8e: {  	[smem:$0x3F83] =	sst s2  }
0x8f: {  	_ = 	snop  }
0x90: {  	(tm) =	ssettm $0x1  }
0x91: {  	s18 =	sld [smem:$0x3FFB];
	_ =	sdelay $0x3  }
0x92: {  	_ =	strace s18  }
0x93: {  	s2 =	sld [smem:$0x3FFC];
	_ =	sdelay $0x3  }
0x94: {  	_ =	strace s2  }
0x95: {  	s2 =	sld [smem:$0x3FFD];
	_ =	sdelay $0x3  }
0x96: {  	_ =	strace s2  }
0x97: {  	_ =	strace $0x8FFFFFFF  }
0x98: {  	s19 =	sld [smem:$0x3FDB];
	_ =	sdelay $0x1  }
0x99: {  	s20 =	simm.s32 $_scs_section_size  }
0x9a: {  	s4 =	simm.s32 $_size__tile_overlayer_lowered;
	s5 =	simm.s32 $_tile_overlayer_lowered  }
0x9b: {  	s6 =	simm.s32 $0x1BFF;
	s21 =	sshll.u32 s5, $0x1;
	s3 =	sadd.s32 s20, s19  }
0x9c: {  	s22 =	simm.s32 $0x0;
	s4 =	sshll.u32 s4, $0x1;
	s5 =	sadd.s32 s21, s3  }
0x9d: {  	[timem:s22], [sflag:s6] =	dma.local [hbm:s5], s4  }
0x9e: {  	_ =	swait.ge [sflag:s6], s4  }
0x9f: {  	s4 =	ssub.s32 $0x0, s4;
	[sflag:s6] =	ssyncset.done $0x0  }
0xa0: {  	[sflag:s6] =	ssyncadd.s32 s4;
	_ =	sdelay $0x1  }
0xa1: {  	s23 =	simm.s32 $0x1B8B  }
0xa2: {  	_ =	swait.ge [sflag:s23], $0x1  }
0xa3: {  	[sflag:s23] =	ssyncset.done $0x0  }
0xa4: {  	[sflag:s23] =	ssyncadd.s32 $0xFFFFFFFF  }
0xa5: {  	s4 =	sld [smem:$0x0]  }
0xa6: {  	s5 =	sand.u32 $0xFFFFFFFE, s1  }
0xa7: {  	p0 =	sne.s32 s1, s5  }
0xa8: {  	s5 =	sshll.u32 @p0 s5, $0xE  }
0xa9: {  	s5 =	sadd.s32 @p0 $0x11B8D, s5;
	s6 =	sshll.u32 @p0 s4, $0x11  }
0xaa: {  	s5 =	sor.u32 @p0 s6, s5  }
0xab: {  	[sflag:s5] =	ssyncadd.remote.s32 @p0 $0x1;
	_ =	sdelay $0x1  }
0xac: {  	s5 =	simm.s32 @p0 $0x1B8D  }
0xad: {  	_ =	swait.eq @p0 [sflag:s5], $0x1  }
0xae: {  	[sflag:s5] =	ssyncadd.s32 @p0 $0xFFFFFFFF  }
0xaf: {  	s6 =	sshll.u32 @!p0 s1, $0xE  }
0xb0: {  	s6 =	sor.u32 @!p0 $0x4000, s6;
	s5 =	simm.s32 @!p0 $0x1B8D  }
0xb1: {  	s4 =	sshll.u32 @!p0 s4, $0x11;
	s6 =	sadd.s32 @!p0 $0x11B8D, s6;
	_ =	swait.eq @!p0 [sflag:s5], $0x1  }
0xb2: {  	s4 =	sor.u32 @!p0 s4, s6;
	[sflag:s5] =	ssyncadd.s32 @!p0 $0xFFFFFFFF  }
0xb3: {  	s25 =	simm.s32 $0x1B8E;
	s24 =	sld [smem:$0x3FFE];
	[sflag:s4] =	ssyncadd.remote.s32 @!p0 $0x1  }
0xb4: {  	s26 =	simm.s32 $execute0_lowered;
	[smem:$0x3FD2] =	sst s25  }
0xb5: {  	s5 =	sshll.u32 s26, $0x1;
	_ =	strace $0x8000004F;
	[dreg:$0x1] =	wrdreg $0xFFFFFFFF  }
0xb6: {  	s28 =	simm.s32 $_size_execute0_lowered;
	s3 =	sadd.s32 s3, s5;
	[dreg:$0x0] =	wrdreg $0x0  }
0xb7: {  	s5 =	sshll.u32 s28, $0x1;
	[dreg:$0x2] =	wrdreg s3  }
0xb8: {  	[dreg:$0x3] =	wrdreg s5  }
0xb9: {  	[dreg:$0x4] =	wrdreg $0xC0  }
0xba: {  	_ =	task [dreg:s22], $0x5FFFF  }
0xbb: {  	[dreg:$0x1] =	wrdreg $0xFFFFFFFF  }
0xbc: {  	[dreg:$0x0] =	wrdreg $0x60  }
0xbd: {  	[dreg:$0x2] =	wrdreg s24  }
0xbe: {  	[dreg:$0x3] =	wrdreg $0x9  }
0xbf: {  	_ =	task.clear_ibuf [dreg:s22], $0x4FFFF;
	_ =	strace $0x9000004F  }
0xc0: {  	s29 =	simm.s32 $0x9;
	_ =	strace $0x80000051  }
0xc1: {  	_ =	swait.ge [sflag:s29], $0x1  }
0xc2: {  	[sflag:s29] =	ssyncadd.s32 $0xFFFFFFFF  }
0xc3: {  	_ =	strace $0x90000051  }
0xc4: {  	_ =	sfence  }
0xc5: {  	s30 =	sld [smem:$0x0];
	_ =	sdelay $0x2  }
0xc6: {  	s31 =	sshll.u32 s1, $0xD;
	s1 =	sshrl.u32 s1, $0x2  }
0xc7: {  	s4 =	sand.u32 $0x4000, s31;
	s1 =	sadd.s32 s1, s30  }
0xc8: {  	s0 =	sor.u32 s4, s0;
	s1 =	sshll.u32 s1, $0x11  }
0xc9: {  	s0 =	sor.u32 s1, s0  }
0xca: {  	s0 =	sadd.s32 $0x8F2B, s0  }
0xcb: {  	[sflag:s0] =	ssyncadd.remote.s32 $0x1  }
0xcc: {  	_ =	sfence.sel $0xFFFF  }
0xcd: {  	[dreg:$0x0] =	wrdreg $0xFFFFFFFF;
	(pc) =	sbr.abs _section_cstart, $3  }
0xce: {  	[dreg:$0x1] =	wrdreg $0xFFFFFFFF  }
0xcf: {  	_ =	task.clear_ibuf [dreg:s22], $0x2FFFF;
	_ =	strace $0x9FFFFFFF  }
0xd0: {  	(tm) =	ssettm $0x7FFFFFFF  }
0xd1: {  	_ =	shalt  }
tec
execute0_lowered:
.L_overlay_start_1:
0x0: {  	(tag) =	ssettag $0x1  }
0x1: {  	s1 =	srdreg.scid  }
0x2: {  	s0 =	stileid.u32;
	s4 =	rddreg [dreg:$0x0]  }
0x3: {  	s2 =	simm.s32 $0x0;
	s16 =	simm.s32 $0x1C00;
	s17 =	simm.s32 $0x40  }
0x4: {  	s18 =	simm.s32 $0x3800;
	s19 =	simm.s32 $0x5800;
	s20 =	simm.s32 $0x7800  }
0x5: {  	s21 =	simm.s32 $0x9800;
	s22 =	simm.s32 $0x1;
	s23 =	simm.s32 $0x2  }
0x6: {  	s24 =	simm.s32 $0x3;
	s25 =	simm.s32 $0x4;
	s28 =	simm.s32 $0x3480  }
0x7: {  	s1 =	sand.u32 $0x1, s1;
	s3 =	sshll.u32 s0, $0x1;
	s14 =	sadd.s32 $0x1AAC00, s4  }
0x8: {  	[smem:$0x7FF] =	sst s2;
	s13 =	sadd.s32 $0x733E00, s4;
	s31 =	smul.u32 $0xC8000, s0  }
0x9: {  	s5 =	sor.u32 s1, s3;
	s7 =	ssub.s32 $0x2, s1;
	s1 =	smul.u32 $0x64000, s1  }
0xa: {  	s29 =	simm.s32 $0x0;
	_ =	strace $0x80000050;
	s6 =	smul.u32 $0x380, s5  }
0xb: {  	s3 =	sadd.s32 $0x1AC00, s4;
	s8 =	sshrl.u32 s7, $0x1;
	s5 =	smul.u32 $0x64000, s5  }
0xc: {  	s7 =	ssub.s32 s7, s8;
	s1 =	sadd.s32 s1, s31;
	s6 =	sadd.s32 s6, s4  }
0xd: {  	s9 =	sshrl.u32 s5, $0x3;
	s12 =	sor.u32 $0x2000, s1;
	s1 =	sshrl.u32 s1, $0x3  }
0xe: {  	s4 =	sadd.s32 $0xCC00, s6;
	s5 =	sadd.s32 $0x13C00, s6;
	s6 =	smax.u32 s7, $0x1  }
0xf: {  	s10 =	sadd.s32 $0xC000, s9;
	s11 =	sadd.s32 $0xC400, s9;
	s15 =	sshrl.u32 s12, $0x3  }
0x10: {  	s12 =	sadd.s32 s1, s14;
	s7 =	sadd.s32 s14, s10;
	s8 =	sadd.s32 s13, s10  }
0x11: {  	s9 =	sadd.s32 s14, s11;
	s10 =	sadd.s32 s13, s11;
	s11 =	sadd.s32 s1, s13  }
0x12: {  	s13 =	sadd.s32 s15, s13;
	s14 =	sadd.s32 s15, s14;
	s15 =	simm.s32 $0x5  }
.LBB2_1:
0x13: {  	[tilespmem:s2], [sflag:$0x5] =	stream.linear.gather [hbm4b:s4+s2], $0x1900, $0x38;
	[tilespmem:$0xB800] =	vst v63  }
0x14: {  	_ =	swait.ge [sflag:s15], $0x1900  }
0x15: {  	[sflag:s15] =	ssyncset.done $0x0  }
0x16: {  	[sflag:s15] =	ssyncadd.s32 $0xFFFFE700  }
0x17: {  	[tilespmem:s16], [sflag:$0x5] =	stream.linear.gather [hbm4b:s5+s2], $0x1900, $0x38;
	[tilespmem:$0xB800] =	vst v63  }
0x18: {  	_ =	swait.ge [sflag:s15], $0x1900  }
0x19: {  	[sflag:s15] =	ssyncset.done $0x0  }
0x1a: {  	[sflag:s15] =	ssyncadd.s32 $0xFFFFE700  }
0x1b: {  	[tilespmem:s18], [sflag:$0x1] =	stream.indirect.gather [hbm4b:s3+s17], $0x80, s2, s17, $0xb8;
	[tilespmem:$0xB800] =	vst v63  }
0x1c: {  	_ = 	snop  }
0x1d: {  	[tilespmem:s19], [sflag:$0x2] =	stream.indirect.gather [hbm4b:s3+s17], $0x80, s16, s17, $0xb8;
	[tilespmem:$0xB800] =	vst v63  }
0x1e: {  	s30 =	simm.s32 $0x80  }
0x1f: {  	[tilespmem:s20], [sflag:$0x3] =	stream.indirect.gather [hbm4b:s3+s17], $0x80, s30, s17, $0xb8;
	[tilespmem:$0xB800] =	vst v63  }
0x20: {  	s31 =	simm.s32 $0x1C80  }
0x21: {  	[tilespmem:s21], [sflag:$0x4] =	stream.indirect.gather [hbm4b:s3+s17], $0x80, s31, s17, $0xb8;
	[tilespmem:$0xB800] =	vst v63  }
0x22: {  	_ =	swait.ge [sflag:s22], $0x2000  }
0x23: {  	[sflag:s22] =	ssyncset.done $0x0  }
0x24: {  	[sflag:s22] =	ssyncadd.s32 $0xFFFFE000  }
0x25: {  	_ =	swait.ge [sflag:s23], $0x2000  }
0x26: {  	[sflag:s23] =	ssyncset.done $0x0  }
0x27: {  	s1 =	sadd.s32 $0x0, s12;
	[sflag:s23] =	ssyncadd.s32 $0xFFFFE000  }
0x28: {  	[hbm4b:s1+s2] =	stream.linear.scatter [tilespmem:s18], [sflag:$0x5], $0x2000, $0x38;
	[tilespmem:$0xB800] =	vst v63  }
0x29: {  	_ =	swait.ge [sflag:s15], $0x2000  }
0x2a: {  	[sflag:s15] =	ssyncset.done $0x0  }
0x2b: {  	s26 =	sadd.s32 $0x0, s11;
	[sflag:s15] =	ssyncadd.s32 $0xFFFFE000  }
0x2c: {  	[hbm4b:s26+s2] =	stream.linear.scatter [tilespmem:s19], [sflag:$0x5], $0x2000, $0x38;
	[tilespmem:$0xB800] =	vst v63  }
0x2d: {  	_ =	swait.ge [sflag:s15], $0x2000  }
0x2e: {  	[sflag:s15] =	ssyncset.done $0x0  }
0x2f: {  	s0 =	simm.s32 $0x100;
	[sflag:s15] =	ssyncadd.s32 $0xFFFFE000  }
0x30: {  	[tilespmem:s18], [sflag:$0x1] =	stream.indirect.gather [hbm4b:s3+s17], $0x80, s0, s17, $0xb8;
	[tilespmem:$0xB800] =	vst v63  }
0x31: {  	s26 =	simm.s32 $0x1D00  }
0x32: {  	[tilespmem:s19], [sflag:$0x2] =	stream.indirect.gather [hbm4b:s3+s17], $0x80, s26, s17, $0xb8;
	[tilespmem:$0xB800] =	vst v63  }
0x33: {  	_ =	swait.ge [sflag:s24], $0x2000  }
0x34: {  	[sflag:s24] =	ssyncset.done $0x0  }
0x35: {  	[sflag:s24] =	ssyncadd.s32 $0xFFFFE000  }
0x36: {  	_ =	swait.ge [sflag:s25], $0x2000  }
0x37: {  	[sflag:s25] =	ssyncset.done $0x0  }
0x38: {  	s0 =	sadd.s32 $0x0, s14;
	[sflag:s25] =	ssyncadd.s32 $0xFFFFE000  }
0x39: {  	[hbm4b:s0+s2] =	stream.linear.scatter [tilespmem:s20], [sflag:$0x5], $0x2000, $0x38;
	[tilespmem:$0xB800] =	vst v63  }
0x3a: {  	_ =	swait.ge [sflag:s15], $0x2000  }
0x3b: {  	[sflag:s15] =	ssyncset.done $0x0  }
0x3c: {  	s26 =	sadd.s32 $0x0, s13;
	[sflag:s15] =	ssyncadd.s32 $0xFFFFE000  }
0x3d: {  	[hbm4b:s26+s2] =	stream.linear.scatter [tilespmem:s21], [sflag:$0x5], $0x2000, $0x38;
	[tilespmem:$0xB800] =	vst v63  }
0x3e: {  	_ =	swait.ge [sflag:s15], $0x2000  }
0x3f: {  	s1 =	simm.s32 $0x800;
	[sflag:s15] =	ssyncset.done $0x0  }
.LBB2_2:
0x40: {  	[sflag:s15] =	ssyncadd.s32 $0xFFFFE000;
	s30 =	sadd.s32 $0x100, s30;
	s31 =	sadd.s32 $0x100, s31  }
0x41: {  	[tilespmem:s20], [sflag:$0x3] =	stream.indirect.gather [hbm4b:s3+s17], $0x80, s30, s17, $0xb8;
	[tilespmem:$0xB800] =	vst v63  }
0x42: {  	p0 =	sne.s32 s1, $0xB800;
	s0 =	smov.u32 s1;
	s1 =	sadd.s32 $0x800, s1  }
0x43: {  	[tilespmem:s21], [sflag:$0x4] =	stream.indirect.gather [hbm4b:s3+s17], $0x80, s31, s17, $0xb8;
	[tilespmem:$0xB800] =	vst v63  }
0x44: {  	_ =	swait.ge [sflag:s22], $0x2000  }
0x45: {  	[sflag:s22] =	ssyncset.done $0x0  }
0x46: {  	[sflag:s22] =	ssyncadd.s32 $0xFFFFE000  }
0x47: {  	_ =	swait.ge [sflag:s23], $0x2000  }
0x48: {  	[sflag:s23] =	ssyncset.done $0x0  }
0x49: {  	s26 =	sadd.s32 s0, s12;
	[sflag:s23] =	ssyncadd.s32 $0xFFFFE000  }
0x4a: {  	[hbm4b:s26+s2] =	stream.linear.scatter [tilespmem:s18], [sflag:$0x5], $0x2000, $0x38;
	[tilespmem:$0xB800] =	vst v63  }
0x4b: {  	_ =	swait.ge [sflag:s15], $0x2000  }
0x4c: {  	[sflag:s15] =	ssyncset.done $0x0  }
0x4d: {  	s26 =	sadd.s32 s0, s11;
	[sflag:s15] =	ssyncadd.s32 $0xFFFFE000  }
0x4e: {  	[hbm4b:s26+s2] =	stream.linear.scatter [tilespmem:s19], [sflag:$0x5], $0x2000, $0x38;
	[tilespmem:$0xB800] =	vst v63  }
0x4f: {  	_ =	swait.ge [sflag:s15], $0x2000  }
0x50: {  	[sflag:s15] =	ssyncset.done $0x0  }
0x51: {  	s26 =	sadd.s32 $0x80, s30;
	[sflag:s15] =	ssyncadd.s32 $0xFFFFE000  }
0x52: {  	[tilespmem:s18], [sflag:$0x1] =	stream.indirect.gather [hbm4b:s3+s17], $0x80, s26, s17, $0xb8;
	[tilespmem:$0xB800] =	vst v63  }
0x53: {  	s26 =	sadd.s32 $0x80, s31  }
0x54: {  	[tilespmem:s19], [sflag:$0x2] =	stream.indirect.gather [hbm4b:s3+s17], $0x80, s26, s17, $0xb8;
	[tilespmem:$0xB800] =	vst v63  }
0x55: {  	_ =	swait.ge [sflag:s24], $0x2000  }
0x56: {  	[sflag:s24] =	ssyncset.done $0x0  }
0x57: {  	[sflag:s24] =	ssyncadd.s32 $0xFFFFE000  }
0x58: {  	_ =	swait.ge [sflag:s25], $0x2000  }
0x59: {  	[sflag:s25] =	ssyncset.done $0x0  }
0x5a: {  	s26 =	sadd.s32 s0, s14;
	[sflag:s25] =	ssyncadd.s32 $0xFFFFE000  }
0x5b: {  	[hbm4b:s26+s2] =	stream.linear.scatter [tilespmem:s20], [sflag:$0x5], $0x2000, $0x38;
	[tilespmem:$0xB800] =	vst v63  }
0x5c: {  	_ =	swait.ge [sflag:s15], $0x2000  }
.Ltmp0:
0x5d: {  	[sflag:s15] =	ssyncset.done $0x0;
	(pc) =	sbr.rel @p0 .LBB2_2-.Ltmp0, $4  }
0x5e: {  	s0 =	sadd.s32 s0, s13;
	[sflag:s15] =	ssyncadd.s32 $0xFFFFE000  }
0x5f: {  	[hbm4b:s0+s2] =	stream.linear.scatter [tilespmem:s21], [sflag:$0x5], $0x2000, $0x38;
	[tilespmem:$0xB800] =	vst v63  }
0x60: {  	_ =	swait.ge [sflag:s15], $0x2000  }
0x61: {  	[sflag:s15] =	ssyncset.done $0x0  }
0x62: {  	[sflag:s15] =	ssyncadd.s32 $0xFFFFE000;
	s0 =	simm.s32 $0x1880  }
0x63: {  	[tilespmem:s20], [sflag:$0x3] =	stream.indirect.gather [hbm4b:s3+s17], $0x80, s0, s17, $0xb8;
	[tilespmem:$0xB800] =	vst v63  }
0x64: {  	_ = 	snop  }
0x65: {  	[tilespmem:s21], [sflag:$0x4] =	stream.indirect.gather [hbm4b:s3+s17], $0x80, s28, s17, $0xb8;
	[tilespmem:$0xB800] =	vst v63  }
0x66: {  	_ =	swait.ge [sflag:s22], $0x2000  }
0x67: {  	[sflag:s22] =	ssyncset.done $0x0  }
0x68: {  	[sflag:s22] =	ssyncadd.s32 $0xFFFFE000  }
0x69: {  	_ =	swait.ge [sflag:s23], $0x2000  }
0x6a: {  	[sflag:s23] =	ssyncset.done $0x0  }
0x6b: {  	[sflag:s23] =	ssyncadd.s32 $0xFFFFE000  }
0x6c: {  	[hbm4b:s7+s2] =	stream.linear.scatter [tilespmem:s18], [sflag:$0x5], $0x2000, $0x38;
	[tilespmem:$0xB800] =	vst v63  }
0x6d: {  	_ =	swait.ge [sflag:s15], $0x2000  }
0x6e: {  	[sflag:s15] =	ssyncset.done $0x0  }
0x6f: {  	[sflag:s15] =	ssyncadd.s32 $0xFFFFE000  }
0x70: {  	[hbm4b:s8+s2] =	stream.linear.scatter [tilespmem:s19], [sflag:$0x5], $0x2000, $0x38;
	[tilespmem:$0xB800] =	vst v63  }
0x71: {  	_ =	swait.ge [sflag:s15], $0x2000  }
0x72: {  	[sflag:s15] =	ssyncset.done $0x0  }
0x73: {  	[sflag:s15] =	ssyncadd.s32 $0xFFFFE000  }
0x74: {  	_ =	swait.ge [sflag:s24], $0x2000  }
0x75: {  	[sflag:s24] =	ssyncset.done $0x0  }
0x76: {  	[sflag:s24] =	ssyncadd.s32 $0xFFFFE000  }
0x77: {  	_ =	swait.ge [sflag:s25], $0x2000  }
0x78: {  	[sflag:s25] =	ssyncset.done $0x0  }
0x79: {  	[sflag:s25] =	ssyncadd.s32 $0xFFFFE000  }
0x7a: {  	[hbm4b:s9+s2] =	stream.linear.scatter [tilespmem:s20], [sflag:$0x5], $0x2000, $0x38;
	[tilespmem:$0xB800] =	vst v63  }
0x7b: {  	s29 =	sadd.s32 $0x1, s29;
	_ =	swait.ge [sflag:s15], $0x2000  }
0x7c: {  	p0 =	sne.s32 s29, s6;
	[sflag:s15] =	ssyncset.done $0x0  }
.Ltmp1:
0x7d: {  	[sflag:s15] =	ssyncadd.s32 $0xFFFFE000;
	(pc) =	sbr.rel @p0 .LBB2_1-.Ltmp1, $4  }
0x7e: {  	[hbm4b:s10+s2] =	stream.linear.scatter [tilespmem:s21], [sflag:$0x5], $0x2000, $0x38;
	[tilespmem:$0xB800] =	vst v63  }
0x7f: {  	_ =	swait.ge [sflag:s15], $0x2000  }
0x80: {  	[sflag:s15] =	ssyncset.done $0x0  }
0x81: {  	[sflag:s15] =	ssyncadd.s32 $0xFFFFE000  }
0x82: {  	_ =	sfence.sel $0x180000  }
0x83: {  	[bflag:$0x0] =	sbarrier.arrive $0xFFFF  }
0x84: {  	_ =	strace $0x90000050  }
0x85: {  	s0 =	stileid.u32;
	[bflag:$0x2] =	sbarrier.arrive $0xFFFF  }
0x86: {  	p0 =	sne.s32 s0, $0x0;
	s0 =	rddreg [dreg:$0x1]  }
0x87: {  	s0 =	sadd.s32 @!p0 $0x100000, s0  }
0x88: {  	[sflag:s0] =	ssyncadd.tile.s32 @!p0 $0x1;
	_ =	shalt  }
.Lfunc_end2:
_tile_overlayer_lowered:
.L_overlay_start_2:
0x89: {  	(tag) =	ssettag $0x2  }
0x8a: {  	s0 =	rddreg [dreg:$0x0];
	s2 =	stileid.u32  }
0x8b: {  	s1 =	rddreg [dreg:$0x1];
	p0 =	sne.s32 s2, $0x0  }
0x8c: {  	s3 =	rddreg [dreg:$0x2];
	[bflag:$0x3] =	sbarrier.arrive $0xFFFF;
	s2 =	simm.s32 @!p0 $0x1C05  }
0x8d: {  	[timem:s3], [sflag:s2] =	dma.local @!p0 [hbm:s0], s1  }
0x8e: {  	s0 =	simm.s32 @!p0 $0x5  }
0x8f: {  	_ =	swait.ge @!p0 [sflag:s0], s1  }
0x90: {  	s1 =	ssub.s32 @!p0 $0x0, s1;
	[sflag:s0] =	ssyncset.done @!p0 $0x0  }
0x91: {  	[sflag:s0] =	ssyncadd.s32 @!p0 s1  }
0x92: {  	[bflag:$0x3] =	sbarrier.arrive $0xFFFF  }
0x93: {  	_ =	shalt  }

// kernel: kernel.23.cloned.1.call-start
scs
__scs_entry_jumppad:
0x0: {  	(pc) =	sbr.rel $0x88, $3  }
0x1: {  	(tag) =	ssettag $0x0;
	lr =	simm.s32 $0x1  }
0x2: {  	[smem:$0x3F5C] =	sst lr;
	_ =	strace $0xD0000000  }
0x3: {  	_ = 	snop  }
0x4: {  	_ = 	snop  }
0x5: {  	_ = 	snop  }
0x6: {  	_ = 	snop  }
0x7: {  	_ = 	snop  }
__scs_overlays_trampoline_lowered:
0x8: {  	[smem:$0x3F6B] =	sst s0  }
0x9: {  	[smem:$0x3F6C] =	sst s1  }
0xa: {  	[smem:$0x3F6D] =	sst s2  }
0xb: {  	[smem:$0x3F6E] =	sst s3  }
0xc: {  	[smem:$0x3F6F] =	sst s4  }
0xd: {  	[smem:$0x3F70] =	sst s5  }
0xe: {  	[smem:$0x3F71] =	sst s6  }
0xf: {  	[smem:$0x3F72] =	sst s7  }
0x10: {  	[smem:$0x3F73] =	sst s8  }
0x11: {  	[smem:$0x3F74] =	sst s9;
	s0 =	simm.s32 @!p0 $0x0  }
0x12: {  	s1 =	sld [smem:$0x3F5A];
	s0 =	simm.s32 @p0 $0x1  }
0x13: {  	[smem:$0x3F75] =	sst s0;
	s0 =	simm.s32 @!p1 $0x0  }
0x14: {  	s2 =	sld [smem:$0x3F59];
	s0 =	simm.s32 @p1 $0x1  }
0x15: {  	[smem:$0x3F76] =	sst s0;
	s0 =	simm.s32 @!p2 $0x0  }
0x16: {  	s3 =	sld [smem:$0x3FDB];
	s0 =	simm.s32 @p2 $0x1  }
0x17: {  	s4 =	simm.s32 $0x1BF5;
	[smem:$0x3F78] =	sst s0  }
0x18: {  	s0 =	sld [smem:$0x3F5B];
	_ =	swait.ge [sflag:s4], $0x0  }
0x19: {  	s7 =	sld [smem:$0x3F5C]  }
0x1a: {  	s8 =	sadd.s32 $0xFFFFE003, lr  }
0x1b: {  	s9 =	sadd.s32 $0xFFFFFEF7, lr;
	s5 =	simm.s32 $0xFFFFFFFF;
	p2 =	slt.u32 s8, $0xFFFFF086  }
0x1c: {  	p1 =	slt.u32 s9, $0xF7A;
	s5 =	simm.s32 @!p2 $0x0  }
0x1d: {  	s5 =	simm.s32 @p1 $0x1;
	p0 =	seq.s32 s7, s2  }
0x1e: {  	s7 =	smul.u32 @!p0 $0xF7A, s2;
	p2 =	seq.s32 @!p0 s5, $0x0  }
0x1f: {  	s9 =	smul.u32 $0xF7A, s1;
	s8 =	simm.s32 @!p0 $0x1BF5;
	p2 =	por !p2, p0  }
0x20: {  	[sflag:s8] =	ssyncset.s32 @!p0 $0xFFFFF086;
	s6 =	sadd.s32 @!p0 s3, s7;
	s7 =	simm.s32 @!p0 $0x108  }
0x21: {  	s3 =	sadd.s32 s3, s9;
	s6 =	sadd.s32 @!p0 $0x88, s6;
	s7 =	simm.s32 @p2 $0x1082  }
0x22: {  	[simem:s7], [sflag:s8] =	dma.local @!p0 [hbm:s6], $0xF7A  }
0x23: {  	s9 =	sor.u32 $0xD0000000, s2;
	s6 =	simm.s32 $0x108;
	_ =	swait.ge @!p0 [sflag:s8], $0x0  }
0x24: {  	s3 =	sadd.s32 $0x88, s3;
	s6 =	simm.s32 @!p1 $0x1082;
	[sflag:s4] =	ssyncset.s32 $0xFFFFF086  }
0x25: {  	[simem:s6], [sflag:s4] =	dma.local [hbm:s3], $0xF7A  }
0x26: {  	[smem:$0x3F5C] =	sst s1;
	(tag) =	ssettag s2;
	_ =	strace s9  }
0x27: {  	s1 =	sld [smem:$0x3F6C]  }
0x28: {  	s2 =	sld [smem:$0x3F6D]  }
0x29: {  	s4 =	sld [smem:$0x3F6F]  }
0x2a: {  	p0 =	seq.s32 s5, $0x0;
	s5 =	sld [smem:$0x3F70]  }
0x2b: {  	s6 =	sld [smem:$0x3F71]  }
0x2c: {  	s7 =	sld [smem:$0x3F72]  }
0x2d: {  	s3 =	simm.s32 $0x108;
	s8 =	sld [smem:$0x3F73]  }
0x2e: {  	s3 =	simm.s32 @!p0 $0x1082;
	s9 =	sld [smem:$0x3F74]  }
0x2f: {  	lr =	sadd.s32 s0, s3;
	s0 =	sld [smem:$0x3F6B]  }
0x30: {  	s3 =	sld [smem:$0x3F6E]  }
0x31: {  	[smem:$0x3F77] =	sst s10  }
0x32: {  	s10 =	sld [smem:$0x3F75];
	_ =	sdelay $0x3  }
0x33: {  	p0 =	seq.s32 s10, $0x1;
	s10 =	sld [smem:$0x3F77];
	_ =	sdelay $0x3  }
0x34: {  	[smem:$0x3F77] =	sst s10  }
0x35: {  	s10 =	sld [smem:$0x3F76];
	_ =	sdelay $0x3  }
0x36: {  	p1 =	seq.s32 s10, $0x1;
	s10 =	sld [smem:$0x3F77];
	_ =	sdelay $0x3  }
0x37: {  	[smem:$0x3F77] =	sst s10  }
0x38: {  	s10 =	sld [smem:$0x3F78]  }
0x39: {  	_ = 	snop;
	(pc) =	sbr.ind lr, $3  }
0x3a: {  	_ = 	snop  }
0x3b: {  	_ = 	snop  }
0x3c: {  	p2 =	seq.s32 s10, $0x1;
	s10 =	sld [smem:$0x3F77]  }
0x3d: {  	_ =	shalt  }
0x3e: {  	_ =	shalt  }
0x3f: {  	_ =	shalt  }
0x40: {  	_ =	shalt  }
0x41: {  	_ =	shalt  }
0x42: {  	_ =	shalt  }
0x43: {  	_ =	shalt  }
0x44: {  	_ =	shalt  }
0x45: {  	_ =	shalt  }
0x46: {  	_ =	shalt  }
0x47: {  	_ =	shalt  }
0x48: {  	_ =	shalt  }
0x49: {  	_ =	shalt  }
0x4a: {  	_ =	shalt  }
0x4b: {  	_ =	shalt  }
0x4c: {  	_ =	shalt  }
0x4d: {  	_ =	shalt  }
0x4e: {  	_ =	shalt  }
0x4f: {  	_ =	shalt  }
0x50: {  	_ =	shalt  }
0x51: {  	_ =	shalt  }
0x52: {  	_ =	shalt  }
0x53: {  	_ =	shalt  }
0x54: {  	_ =	shalt  }
0x55: {  	_ =	shalt  }
0x56: {  	_ =	shalt  }
0x57: {  	_ =	shalt  }
0x58: {  	_ =	shalt  }
0x59: {  	_ =	shalt  }
0x5a: {  	_ =	shalt  }
0x5b: {  	_ =	shalt  }
0x5c: {  	_ =	shalt  }
0x5d: {  	_ =	shalt  }
0x5e: {  	_ =	shalt  }
0x5f: {  	_ =	shalt  }
0x60: {  	_ =	shalt  }
0x61: {  	_ =	shalt  }
0x62: {  	_ =	shalt  }
0x63: {  	_ =	shalt  }
0x64: {  	_ =	shalt  }
0x65: {  	_ =	shalt  }
0x66: {  	_ =	shalt  }
0x67: {  	_ =	shalt  }
0x68: {  	_ =	shalt  }
0x69: {  	_ =	shalt  }
0x6a: {  	_ =	shalt  }
0x6b: {  	_ =	shalt  }
0x6c: {  	_ =	shalt  }
0x6d: {  	_ =	shalt  }
0x6e: {  	_ =	shalt  }
0x6f: {  	_ =	shalt  }
0x70: {  	_ =	shalt  }
0x71: {  	_ =	shalt  }
0x72: {  	_ =	shalt  }
0x73: {  	_ =	shalt  }
0x74: {  	_ =	shalt  }
0x75: {  	_ =	shalt  }
0x76: {  	_ =	shalt  }
0x77: {  	_ =	shalt  }
0x78: {  	_ =	shalt  }
0x79: {  	_ =	shalt  }
0x7a: {  	_ =	shalt  }
0x7b: {  	_ =	shalt  }
0x7c: {  	_ =	shalt  }
0x7d: {  	_ =	shalt  }
0x7e: {  	_ =	shalt  }
0x7f: {  	_ =	shalt  }
0x80: {  	_ =	shalt  }
0x81: {  	_ =	shalt  }
0x82: {  	_ =	shalt  }
0x83: {  	_ =	shalt  }
0x84: {  	_ =	shalt  }
0x85: {  	_ =	shalt  }
0x86: {  	_ =	shalt  }
0x87: {  	_ =	shalt  }
.Lfunc_end0:
.L_simem_size_0:
called_computation.3_lowered:
.L_overlay_start_0:
0x88: {  	s2 =	sld [smem:$0x3FD9]  }
0x89: {  	s3 =	sld [smem:$0x3FFE];
	_ =	sdelay $0x1  }
0x8a: {  	s1 =	srdreg.scid  }
0x8b: {  	s0 =	sand.u32 $0x1, s1  }
0x8c: {  	s16 =	sshll.u32 s0, $0xA;
	s2 =	sadd.s32 s3, s2  }
0x8d: {  	s2 =	sadd.s32 s2, s16  }
0x8e: {  	[smem:$0x3F83] =	sst s2  }
0x8f: {  	_ = 	snop  }
0x90: {  	(tm) =	ssettm $0x1  }
0x91: {  	s17 =	sld [smem:$0x3FFB];
	_ =	sdelay $0x3  }
0x92: {  	_ =	strace s17  }
0x93: {  	s2 =	sld [smem:$0x3FFC];
	_ =	sdelay $0x3  }
0x94: {  	_ =	strace s2  }
0x95: {  	s2 =	sld [smem:$0x3FFD];
	_ =	sdelay $0x3  }
0x96: {  	_ =	strace s2  }
0x97: {  	_ =	strace $0x8FFFFFFF  }
0x98: {  	s18 =	sld [smem:$0x3FDB];
	_ =	sdelay $0x1  }
0x99: {  	s19 =	simm.s32 $_scs_section_size  }
0x9a: {  	s4 =	simm.s32 $_size__tile_overlayer_lowered;
	s5 =	simm.s32 $_tile_overlayer_lowered  }
0x9b: {  	s22 =	simm.s32 $0x1BFF;
	s21 =	sshll.u32 s5, $0x1;
	s2 =	sadd.s32 s19, s18  }
0x9c: {  	s6 =	simm.s32 $0x0;
	s20 =	sshll.u32 s4, $0x1;
	s4 =	sadd.s32 s21, s2  }
0x9d: {  	[timem:s6], [sflag:s22] =	dma.local [hbm:s4], s20  }
0x9e: {  	_ =	swait.ge [sflag:s22], s20  }
0x9f: {  	s3 =	ssub.s32 $0x0, s20;
	[sflag:s22] =	ssyncset.done $0x0  }
0xa0: {  	[sflag:s22] =	ssyncadd.s32 s3;
	_ =	sdelay $0x1  }
0xa1: {  	s23 =	simm.s32 $0x1B8B  }
0xa2: {  	_ =	swait.ge [sflag:s23], $0x1  }
0xa3: {  	[sflag:s23] =	ssyncset.done $0x0  }
0xa4: {  	s25 =	simm.s32 $0x1B8E;
	s24 =	sld [smem:$0x3FFE];
	[sflag:s23] =	ssyncadd.s32 $0xFFFFFFFF  }
0xa5: {  	s26 =	simm.s32 $execute0_lowered;
	[smem:$0x3FD2] =	sst s25  }
0xa6: {  	s4 =	sshll.u32 s26, $0x1;
	_ =	strace $0x8000004C;
	[dreg:$0x1] =	wrdreg $0xFFFFFFFF  }
0xa7: {  	s28 =	simm.s32 $_size_execute0_lowered;
	s2 =	sadd.s32 s2, s4;
	[dreg:$0x0] =	wrdreg $0x0  }
0xa8: {  	s4 =	sshll.u32 s28, $0x1;
	[dreg:$0x2] =	wrdreg s2  }
0xa9: {  	[dreg:$0x3] =	wrdreg s4  }
0xaa: {  	[dreg:$0x4] =	wrdreg $0xC0  }
0xab: {  	_ =	task [dreg:s6], $0x5FFFF  }
0xac: {  	[dreg:$0x1] =	wrdreg $0xFFFFFFFF  }
0xad: {  	[dreg:$0x0] =	wrdreg $0x60  }
0xae: {  	[dreg:$0x2] =	wrdreg s24  }
0xaf: {  	[dreg:$0x3] =	wrdreg $0xA  }
0xb0: {  	_ =	task.clear_ibuf [dreg:s6], $0x4FFFF;
	_ =	strace $0x9000004C  }
0xb1: {  	s29 =	simm.s32 $0xA;
	_ =	strace $0x8000004E  }
0xb2: {  	_ =	swait.ge [sflag:s29], $0x1  }
0xb3: {  	[sflag:s29] =	ssyncadd.s32 $0xFFFFFFFF  }
0xb4: {  	_ =	strace $0x9000004E  }
0xb5: {  	_ =	sfence  }
0xb6: {  	s30 =	sld [smem:$0x0];
	_ =	sdelay $0x2  }
0xb7: {  	s31 =	sshll.u32 s1, $0xD;
	s1 =	sshrl.u32 s1, $0x2  }
0xb8: {  	s3 =	sand.u32 $0x4000, s31;
	s1 =	sadd.s32 s1, s30  }
0xb9: {  	s0 =	sor.u32 s3, s0;
	s1 =	sshll.u32 s1, $0x11  }
0xba: {  	s0 =	sor.u32 s1, s0  }
0xbb: {  	s0 =	sadd.s32 $0x8F2B, s0  }
0xbc: {  	[sflag:s0] =	ssyncadd.remote.s32 $0x1  }
0xbd: {  	_ =	sfence.sel $0xFFFF  }
0xbe: {  	[dreg:$0x0] =	wrdreg $0xFFFFFFFF;
	(pc) =	sbr.abs _section_cstart, $3  }
0xbf: {  	[dreg:$0x1] =	wrdreg $0xFFFFFFFF  }
0xc0: {  	_ =	task.clear_ibuf [dreg:s6], $0x2FFFF;
	_ =	strace $0x9FFFFFFF  }
0xc1: {  	(tm) =	ssettm $0x7FFFFFFF  }
tec
execute0_lowered:
.L_overlay_start_1:
0x0: {  	(tag) =	ssettag $0x1  }
0x1: {  	s0 =	srdreg.scid;
	s9 =	stileid.u32  }
0x2: {  	s1 =	rddreg [dreg:$0x0];
	s2 =	simm.s32 $0x0;
	s16 =	simm.s32 $0x1C00  }
0x3: {  	s17 =	simm.s32 $0x20;
	s18 =	simm.s32 $0x3800;
	s19 =	simm.s32 $0x4800  }
0x4: {  	s20 =	simm.s32 $0x5800;
	s21 =	simm.s32 $0x6800;
	s22 =	simm.s32 $0x1  }
0x5: {  	s23 =	simm.s32 $0x2;
	s24 =	simm.s32 $0x3;
	s25 =	simm.s32 $0x4  }
0x6: {  	s29 =	simm.s32 $0x0;
	s0 =	sand.u32 $0x1, s0;
	s3 =	sshll.u32 s9, $0x1  }
0x7: {  	[smem:$0x7FF] =	sst s2;
	s14 =	sadd.s32 $0x4CDE00, s1;
	s9 =	smul.u32 $0x64000, s9  }
0x8: {  	s4 =	sor.u32 s0, s3;
	s6 =	ssub.s32 $0x2, s0;
	s0 =	smul.u32 $0x32000, s0  }
0x9: {  	_ =	strace $0x8000004D;
	s5 =	smul.u32 $0x380, s4;
	s7 =	sshrl.u32 s6, $0x1  }
0xa: {  	s3 =	sadd.s32 $0x1AC00, s1;
	s8 =	smul.u32 $0x32000, s4;
	s6 =	ssub.s32 s6, s7  }
0xb: {  	s0 =	sadd.s32 s0, s9;
	s5 =	sadd.s32 s5, s1;
	s1 =	sadd.s32 $0x595E00, s1  }
0xc: {  	s8 =	sshrl.u32 s8, $0x3;
	s6 =	smax.u32 s6, $0x1;
	s12 =	sor.u32 $0x1000, s0  }
0xd: {  	s0 =	sshrl.u32 s0, $0x3;
	s4 =	sadd.s32 $0x65DE00, s5;
	s5 =	sadd.s32 $0x664E00, s5  }
0xe: {  	s10 =	sadd.s32 $0x6000, s8;
	s11 =	sadd.s32 $0x6200, s8;
	s15 =	sshrl.u32 s12, $0x3  }
0xf: {  	s12 =	sadd.s32 s0, s14;
	s7 =	sadd.s32 s14, s10;
	s8 =	sadd.s32 s1, s10  }
0x10: {  	s9 =	sadd.s32 s14, s11;
	s10 =	sadd.s32 s1, s11;
	s11 =	sadd.s32 s0, s1  }
0x11: {  	s13 =	sadd.s32 s15, s1;
	s14 =	sadd.s32 s15, s14;
	s15 =	simm.s32 $0x5  }
.LBB2_1:
0x12: {  	[tilespmem:s2], [sflag:$0x5] =	stream.linear.gather [hbm4b:s4+s2], $0x1900, $0x38;
	[tilespmem:$0x7800] =	vst v63  }
0x13: {  	_ =	swait.ge [sflag:s15], $0x1900  }
0x14: {  	[sflag:s15] =	ssyncset.done $0x0  }
0x15: {  	[sflag:s15] =	ssyncadd.s32 $0xFFFFE700  }
0x16: {  	[tilespmem:s16], [sflag:$0x5] =	stream.linear.gather [hbm4b:s5+s2], $0x1900, $0x38;
	[tilespmem:$0x7800] =	vst v63  }
0x17: {  	_ =	swait.ge [sflag:s15], $0x1900  }
0x18: {  	[sflag:s15] =	ssyncset.done $0x0  }
0x19: {  	[sflag:s15] =	ssyncadd.s32 $0xFFFFE700  }
0x1a: {  	[tilespmem:s18], [sflag:$0x1] =	stream.indirect.gather [hbm4b:s3+s17], $0x80, s2, s17, $0xb8;
	[tilespmem:$0x7800] =	vst v63  }
0x1b: {  	_ = 	snop  }
0x1c: {  	[tilespmem:s19], [sflag:$0x2] =	stream.indirect.gather [hbm4b:s3+s17], $0x80, s16, s17, $0xb8;
	[tilespmem:$0x7800] =	vst v63  }
0x1d: {  	s0 =	simm.s32 $0x80  }
0x1e: {  	[tilespmem:s20], [sflag:$0x3] =	stream.indirect.gather [hbm4b:s3+s17], $0x80, s0, s17, $0xb8;
	[tilespmem:$0x7800] =	vst v63  }
0x1f: {  	s28 =	simm.s32 $0x1C80  }
0x20: {  	[tilespmem:s21], [sflag:$0x4] =	stream.indirect.gather [hbm4b:s3+s17], $0x80, s28, s17, $0xb8;
	[tilespmem:$0x7800] =	vst v63  }
0x21: {  	_ =	swait.ge [sflag:s22], $0x1000  }
0x22: {  	[sflag:s22] =	ssyncset.done $0x0  }
0x23: {  	[sflag:s22] =	ssyncadd.s32 $0xFFFFF000  }
0x24: {  	_ =	swait.ge [sflag:s23], $0x1000  }
0x25: {  	[sflag:s23] =	ssyncset.done $0x0  }
0x26: {  	s1 =	sadd.s32 $0x0, s12;
	[sflag:s23] =	ssyncadd.s32 $0xFFFFF000  }
0x27: {  	[hbm4b:s1+s2] =	stream.linear.scatter [tilespmem:s18], [sflag:$0x5], $0x1000, $0x38;
	[tilespmem:$0x7800] =	vst v63  }
0x28: {  	_ =	swait.ge [sflag:s15], $0x1000  }
0x29: {  	[sflag:s15] =	ssyncset.done $0x0  }
0x2a: {  	s26 =	sadd.s32 $0x0, s11;
	[sflag:s15] =	ssyncadd.s32 $0xFFFFF000  }
0x2b: {  	[hbm4b:s26+s2] =	stream.linear.scatter [tilespmem:s19], [sflag:$0x5], $0x1000, $0x38;
	[tilespmem:$0x7800] =	vst v63  }
0x2c: {  	_ =	swait.ge [sflag:s15], $0x1000  }
0x2d: {  	[sflag:s15] =	ssyncset.done $0x0  }
0x2e: {  	s28 =	simm.s32 $0x100;
	[sflag:s15] =	ssyncadd.s32 $0xFFFFF000  }
0x2f: {  	[tilespmem:s18], [sflag:$0x1] =	stream.indirect.gather [hbm4b:s3+s17], $0x80, s28, s17, $0xb8;
	[tilespmem:$0x7800] =	vst v63  }
0x30: {  	s1 =	simm.s32 $0x1D00  }
0x31: {  	[tilespmem:s19], [sflag:$0x2] =	stream.indirect.gather [hbm4b:s3+s17], $0x80, s1, s17, $0xb8;
	[tilespmem:$0x7800] =	vst v63  }
0x32: {  	_ =	swait.ge [sflag:s24], $0x1000  }
0x33: {  	[sflag:s24] =	ssyncset.done $0x0  }
0x34: {  	[sflag:s24] =	ssyncadd.s32 $0xFFFFF000  }
0x35: {  	_ =	swait.ge [sflag:s25], $0x1000  }
0x36: {  	[sflag:s25] =	ssyncset.done $0x0  }
0x37: {  	s26 =	sadd.s32 $0x0, s14;
	[sflag:s25] =	ssyncadd.s32 $0xFFFFF000  }
0x38: {  	[hbm4b:s26+s2] =	stream.linear.scatter [tilespmem:s20], [sflag:$0x5], $0x1000, $0x38;
	[tilespmem:$0x7800] =	vst v63  }
0x39: {  	_ =	swait.ge [sflag:s15], $0x1000  }
0x3a: {  	[sflag:s15] =	ssyncset.done $0x0  }
0x3b: {  	s28 =	sadd.s32 $0x0, s13;
	[sflag:s15] =	ssyncadd.s32 $0xFFFFF000  }
0x3c: {  	[hbm4b:s28+s2] =	stream.linear.scatter [tilespmem:s21], [sflag:$0x5], $0x1000, $0x38;
	[tilespmem:$0x7800] =	vst v63  }
0x3d: {  	s30 =	simm.s32 $0x400;
	_ =	swait.ge [sflag:s15], $0x1000  }
0x3e: {  	s31 =	simm.s32 $0x100;
	s1 =	simm.s32 $0x800;
	[sflag:s15] =	ssyncset.done $0x0  }
.LBB2_2:
0x3f: {  	s28 =	sadd.s32 $0x80, s31  }
0x40: {  	[sflag:s15] =	ssyncadd.s32 $0xFFFFF000;
	s0 =	smov.u32 s1;
	s26 =	sadd.s32 $0x400, s1  }
0x41: {  	[tilespmem:s20], [sflag:$0x3] =	stream.indirect.gather [hbm4b:s3+s17], $0x80, s28, s17, $0xb8;
	[tilespmem:$0x7800] =	vst v63  }
0x42: {  	p0 =	sne.s32 s1, $0x5C00;
	s1 =	sadd.s32 $0x1C80, s31  }
0x43: {  	[tilespmem:s21], [sflag:$0x4] =	stream.indirect.gather [hbm4b:s3+s17], $0x80, s1, s17, $0xb8;
	[tilespmem:$0x7800] =	vst v63  }
0x44: {  	_ =	swait.ge [sflag:s22], $0x1000  }
0x45: {  	[sflag:s22] =	ssyncset.done $0x0  }
0x46: {  	[sflag:s22] =	ssyncadd.s32 $0xFFFFF000  }
0x47: {  	_ =	swait.ge [sflag:s23], $0x1000  }
0x48: {  	[sflag:s23] =	ssyncset.done $0x0  }
0x49: {  	s1 =	sadd.s32 s30, s12;
	[sflag:s23] =	ssyncadd.s32 $0xFFFFF000  }
0x4a: {  	[hbm4b:s1+s2] =	stream.linear.scatter [tilespmem:s18], [sflag:$0x5], $0x1000, $0x38;
	[tilespmem:$0x7800] =	vst v63  }
0x4b: {  	_ =	swait.ge [sflag:s15], $0x1000  }
0x4c: {  	[sflag:s15] =	ssyncset.done $0x0  }
0x4d: {  	s1 =	sadd.s32 s30, s11;
	[sflag:s15] =	ssyncadd.s32 $0xFFFFF000  }
0x4e: {  	[hbm4b:s1+s2] =	stream.linear.scatter [tilespmem:s19], [sflag:$0x5], $0x1000, $0x38;
	[tilespmem:$0x7800] =	vst v63  }
0x4f: {  	_ =	swait.ge [sflag:s15], $0x1000  }
0x50: {  	[sflag:s15] =	ssyncset.done $0x0  }
0x51: {  	s1 =	sadd.s32 $0x100, s31;
	[sflag:s15] =	ssyncadd.s32 $0xFFFFF000  }
0x52: {  	[tilespmem:s18], [sflag:$0x1] =	stream.indirect.gather [hbm4b:s3+s17], $0x80, s1, s17, $0xb8;
	[tilespmem:$0x7800] =	vst v63  }
0x53: {  	s1 =	sadd.s32 $0x1D00, s31  }
0x54: {  	[tilespmem:s19], [sflag:$0x2] =	stream.indirect.gather [hbm4b:s3+s17], $0x80, s1, s17, $0xb8;
	[tilespmem:$0x7800] =	vst v63  }
0x55: {  	_ =	swait.ge [sflag:s24], $0x1000  }
0x56: {  	[sflag:s24] =	ssyncset.done $0x0  }
0x57: {  	[sflag:s24] =	ssyncadd.s32 $0xFFFFF000  }
0x58: {  	_ =	swait.ge [sflag:s25], $0x1000  }
0x59: {  	[sflag:s25] =	ssyncset.done $0x0  }
0x5a: {  	s1 =	sadd.s32 s30, s14;
	[sflag:s25] =	ssyncadd.s32 $0xFFFFF000  }
0x5b: {  	[hbm4b:s1+s2] =	stream.linear.scatter [tilespmem:s20], [sflag:$0x5], $0x1000, $0x38;
	[tilespmem:$0x7800] =	vst v63  }
0x5c: {  	_ =	swait.ge [sflag:s15], $0x1000  }
.Ltmp0:
0x5d: {  	[sflag:s15] =	ssyncset.done $0x0;
	(pc) =	sbr.rel @p0 .LBB2_2-.Ltmp0, $4  }
0x5e: {  	s1 =	sadd.s32 s30, s13;
	s30 =	smov.u32 s0;
	[sflag:s15] =	ssyncadd.s32 $0xFFFFF000  }
0x5f: {  	[hbm4b:s1+s2] =	stream.linear.scatter [tilespmem:s21], [sflag:$0x5], $0x1000, $0x38;
	[tilespmem:$0x7800] =	vst v63  }
0x60: {  	_ =	swait.ge [sflag:s15], $0x1000  }
0x61: {  	s31 =	sshra.s32 s30, $0x2;
	s1 =	smov.u32 s26;
	[sflag:s15] =	ssyncset.done $0x0  }
0x62: {  	s0 =	sadd.s32 $0x80, s31;
	[sflag:s15] =	ssyncadd.s32 $0xFFFFF000  }
0x63: {  	[tilespmem:s20], [sflag:$0x3] =	stream.indirect.gather [hbm4b:s3+s17], $0x80, s0, s17, $0xb8;
	[tilespmem:$0x7800] =	vst v63  }
0x64: {  	s28 =	sadd.s32 $0x1C80, s31  }
0x65: {  	[tilespmem:s21], [sflag:$0x4] =	stream.indirect.gather [hbm4b:s3+s17], $0x80, s28, s17, $0xb8;
	[tilespmem:$0x7800] =	vst v63  }
0x66: {  	_ =	swait.ge [sflag:s22], $0x1000  }
0x67: {  	[sflag:s22] =	ssyncset.done $0x0  }
0x68: {  	[sflag:s22] =	ssyncadd.s32 $0xFFFFF000  }
0x69: {  	_ =	swait.ge [sflag:s23], $0x1000  }
0x6a: {  	[sflag:s23] =	ssyncset.done $0x0  }
0x6b: {  	s1 =	sadd.s32 s30, s12;
	[sflag:s23] =	ssyncadd.s32 $0xFFFFF000  }
0x6c: {  	[hbm4b:s1+s2] =	stream.linear.scatter [tilespmem:s18], [sflag:$0x5], $0x1000, $0x38;
	[tilespmem:$0x7800] =	vst v63  }
0x6d: {  	_ =	swait.ge [sflag:s15], $0x1000  }
0x6e: {  	[sflag:s15] =	ssyncset.done $0x0  }
0x6f: {  	s26 =	sadd.s32 s30, s11;
	[sflag:s15] =	ssyncadd.s32 $0xFFFFF000  }
0x70: {  	[hbm4b:s26+s2] =	stream.linear.scatter [tilespmem:s19], [sflag:$0x5], $0x1000, $0x38;
	[tilespmem:$0x7800] =	vst v63  }
0x71: {  	_ =	swait.ge [sflag:s15], $0x1000  }
0x72: {  	[sflag:s15] =	ssyncset.done $0x0  }
0x73: {  	s28 =	sadd.s32 $0x100, s31;
	[sflag:s15] =	ssyncadd.s32 $0xFFFFF000  }
0x74: {  	[tilespmem:s18], [sflag:$0x1] =	stream.indirect.gather [hbm4b:s3+s17], $0x80, s28, s17, $0xb8;
	[tilespmem:$0x7800] =	vst v63  }
0x75: {  	s1 =	sadd.s32 $0x1D00, s31  }
0x76: {  	[tilespmem:s19], [sflag:$0x2] =	stream.indirect.gather [hbm4b:s3+s17], $0x80, s1, s17, $0xb8;
	[tilespmem:$0x7800] =	vst v63  }
0x77: {  	_ =	swait.ge [sflag:s24], $0x1000  }
0x78: {  	[sflag:s24] =	ssyncset.done $0x0  }
0x79: {  	[sflag:s24] =	ssyncadd.s32 $0xFFFFF000  }
0x7a: {  	_ =	swait.ge [sflag:s25], $0x1000  }
0x7b: {  	[sflag:s25] =	ssyncset.done $0x0  }
0x7c: {  	s26 =	sadd.s32 s30, s14;
	[sflag:s25] =	ssyncadd.s32 $0xFFFFF000  }
0x7d: {  	[hbm4b:s26+s2] =	stream.linear.scatter [tilespmem:s20], [sflag:$0x5], $0x1000, $0x38;
	[tilespmem:$0x7800] =	vst v63  }
0x7e: {  	_ =	swait.ge [sflag:s15], $0x1000  }
0x7f: {  	[sflag:s15] =	ssyncset.done $0x0  }
0x80: {  	s28 =	sadd.s32 s30, s13;
	[sflag:s15] =	ssyncadd.s32 $0xFFFFF000  }
0x81: {  	[hbm4b:s28+s2] =	stream.linear.scatter [tilespmem:s21], [sflag:$0x5], $0x1000, $0x38;
	[tilespmem:$0x7800] =	vst v63  }
0x82: {  	_ =	swait.ge [sflag:s15], $0x1000  }
0x83: {  	[sflag:s15] =	ssyncset.done $0x0  }
0x84: {  	s30 =	simm.s32 $0x1880;
	[sflag:s15] =	ssyncadd.s32 $0xFFFFF000  }
0x85: {  	[tilespmem:s20], [sflag:$0x3] =	stream.indirect.gather [hbm4b:s3+s17], $0x80, s30, s17, $0xb8;
	[tilespmem:$0x7800] =	vst v63  }
0x86: {  	s31 =	simm.s32 $0x3480  }
0x87: {  	[tilespmem:s21], [sflag:$0x4] =	stream.indirect.gather [hbm4b:s3+s17], $0x80, s31, s17, $0xb8;
	[tilespmem:$0x7800] =	vst v63  }
0x88: {  	_ =	swait.ge [sflag:s22], $0x1000  }
0x89: {  	[sflag:s22] =	ssyncset.done $0x0  }
0x8a: {  	[sflag:s22] =	ssyncadd.s32 $0xFFFFF000  }
0x8b: {  	_ =	swait.ge [sflag:s23], $0x1000  }
0x8c: {  	[sflag:s23] =	ssyncset.done $0x0  }
0x8d: {  	[sflag:s23] =	ssyncadd.s32 $0xFFFFF000  }
0x8e: {  	[hbm4b:s7+s2] =	stream.linear.scatter [tilespmem:s18], [sflag:$0x5], $0x1000, $0x38;
	[tilespmem:$0x7800] =	vst v63  }
0x8f: {  	_ =	swait.ge [sflag:s15], $0x1000  }
0x90: {  	[sflag:s15] =	ssyncset.done $0x0  }
0x91: {  	[sflag:s15] =	ssyncadd.s32 $0xFFFFF000  }
0x92: {  	[hbm4b:s8+s2] =	stream.linear.scatter [tilespmem:s19], [sflag:$0x5], $0x1000, $0x38;
	[tilespmem:$0x7800] =	vst v63  }
0x93: {  	_ =	swait.ge [sflag:s15], $0x1000  }
0x94: {  	[sflag:s15] =	ssyncset.done $0x0  }
0x95: {  	[sflag:s15] =	ssyncadd.s32 $0xFFFFF000  }
0x96: {  	_ =	swait.ge [sflag:s24], $0x1000  }
0x97: {  	[sflag:s24] =	ssyncset.done $0x0  }
0x98: {  	[sflag:s24] =	ssyncadd.s32 $0xFFFFF000  }
0x99: {  	_ =	swait.ge [sflag:s25], $0x1000  }
0x9a: {  	[sflag:s25] =	ssyncset.done $0x0  }
0x9b: {  	[sflag:s25] =	ssyncadd.s32 $0xFFFFF000  }
0x9c: {  	[hbm4b:s9+s2] =	stream.linear.scatter [tilespmem:s20], [sflag:$0x5], $0x1000, $0x38;
	[tilespmem:$0x7800] =	vst v63  }
0x9d: {  	s29 =	sadd.s32 $0x1, s29;
	_ =	swait.ge [sflag:s15], $0x1000  }
0x9e: {  	p0 =	sne.s32 s29, s6;
	[sflag:s15] =	ssyncset.done $0x0  }
.Ltmp1:
0x9f: {  	[sflag:s15] =	ssyncadd.s32 $0xFFFFF000;
	(pc) =	sbr.rel @p0 .LBB2_1-.Ltmp1, $4  }
0xa0: {  	[hbm4b:s10+s2] =	stream.linear.scatter [tilespmem:s21], [sflag:$0x5], $0x1000, $0x38;
	[tilespmem:$0x7800] =	vst v63  }
0xa1: {  	_ =	swait.ge [sflag:s15], $0x1000  }
0xa2: {  	[sflag:s15] =	ssyncset.done $0x0  }
0xa3: {  	[sflag:s15] =	ssyncadd.s32 $0xFFFFF000  }
0xa4: {  	_ =	sfence.sel $0x180000  }
0xa5: {  	[bflag:$0x0] =	sbarrier.arrive $0xFFFF  }
0xa6: {  	_ =	strace $0x9000004D  }
0xa7: {  	s0 =	stileid.u32;
	[bflag:$0x2] =	sbarrier.arrive $0xFFFF  }
0xa8: {  	p0 =	sne.s32 s0, $0x0;
	s0 =	rddreg [dreg:$0x1]  }
0xa9: {  	s0 =	sadd.s32 @!p0 $0x100000, s0  }
0xaa: {  	[sflag:s0] =	ssyncadd.tile.s32 @!p0 $0x1;
	_ =	shalt  }
.Lfunc_end2:
_tile_overlayer_lowered:
.L_overlay_start_2:
0xab: {  	(tag) =	ssettag $0x2  }
0xac: {  	s0 =	rddreg [dreg:$0x0];
	s2 =	stileid.u32  }
0xad: {  	s1 =	rddreg [dreg:$0x1];
	p0 =	sne.s32 s2, $0x0  }
0xae: {  	s3 =	rddreg [dreg:$0x2];
	[bflag:$0x3] =	sbarrier.arrive $0xFFFF;
	s2 =	simm.s32 @!p0 $0x1C05  }
0xaf: {  	[timem:s3], [sflag:s2] =	dma.local @!p0 [hbm:s0], s1  }
0xb0: {  	s0 =	simm.s32 @!p0 $0x5  }
0xb1: {  	_ =	swait.ge @!p0 [sflag:s0], s1  }
0xb2: {  	s1 =	ssub.s32 @!p0 $0x0, s1;
	[sflag:s0] =	ssyncset.done @!p0 $0x0  }
0xb3: {  	[sflag:s0] =	ssyncadd.s32 @!p0 s1  }
0xb4: {  	[bflag:$0x3] =	sbarrier.arrive $0xFFFF  }
0xb5: {  	_ =	shalt  }

</sc_bundles>
